<compile_context>
chip_gen: v7x
topology: tpu7x:2x2x1
jax: 0.10.2.dev20260603
libtpu: 0.0.44.dev20260713+nightly
codegen_flags: <defaults>
</compile_context>

<pallas_src>
import functools

import jax
import jax.numpy as jnp
from jax import lax
from jax.experimental import pallas as pl
from jax.experimental.pallas import tpu as pltpu
from jax.experimental.pallas import tpu_sc as plsc

_D = 32
_B = 16384
_CHUNK = 128
_L = 16

_info = plsc.get_sparse_core_info()
_NC, _NS = _info.num_cores, _info.num_subcores
_NW = _NC * _NS
_B_PER_W = _B // _NW
_N_CHUNK = _B_PER_W // _CHUNK
_N_GROUP = _B_PER_W // _L

_mesh = plsc.VectorSubcoreMesh(core_axis_name="c", subcore_axis_name="s")


def _perm(v, p):
    dnums = lax.GatherDimensionNumbers(
        offset_dims=(), collapsed_slice_dims=(0,), start_index_map=(0,)
    )
    return lax.gather(
        v, p[:, None], dnums, (1,),
        mode=lax.GatherScatterMode.PROMISE_IN_BOUNDS,
    )


def _transpose16(vs):
    iota = lax.iota(jnp.int32, _L)
    for s in (1, 2, 4, 8):
        keep = (iota & s) == 0
        shl_p = (iota - s) % _L
        shr_p = (iota + s) % _L
        nxt = list(vs)
        for r in range(_L):
            if r & s == 0:
                p = r | s
                a, b = vs[r], vs[p]
                nxt[r] = jnp.where(keep, a, _perm(b, shl_p))
                nxt[p] = jnp.where(keep, _perm(a, shr_p), b)
        vs = nxt
    return vs


@functools.partial(
    pl.kernel,
    mesh=_mesh,
    compiler_params=pltpu.CompilerParams(use_tc_tiling_on_sc=False),
    out_type=jax.ShapeDtypeStruct((_D // 8, _B // _CHUNK, 8, _CHUNK), jnp.float32),
    scratch_types=[
        pltpu.VMEM((_N_CHUNK, _CHUNK), jnp.int32),
        pltpu.VMEM((_N_CHUNK, _CHUNK), jnp.int32),
        pltpu.VMEM((_B_PER_W,), jnp.int32),
        pltpu.VMEM((_B_PER_W, 4 * _D), jnp.float32),
        pltpu.VMEM((_D, _B_PER_W), jnp.float32),
        pltpu.SemaphoreType.DMA,
    ],
)
def _embed(idx_hbm, table_hbm, out_hbm, idx_v, idx4_v, cb_v, buf_v, out_v, sem):
    wid = lax.axis_index("s") * _NC + lax.axis_index("c")
    base = wid * _N_CHUNK
    pltpu.sync_copy(idx_hbm.at[pl.ds(base, _N_CHUNK)], idx_v)

    for k in range(_B_PER_W // _L):
        r, c = k // (_CHUNK // _L), (k % (_CHUNK // _L)) * _L
        t = idx_v[r, pl.ds(c, _L)]
        idx4_v[r, pl.ds(c, _L)] = lax.shift_right_logical(t, 2)
        cb_v[pl.ds(k * _L, _L)] = lax.shift_left(t & 3, 5)

    copies = [
        pltpu.async_copy(
            table_hbm.at[idx4_v.at[j]], buf_v.at[pl.ds(j * _CHUNK, _CHUNK)], sem
        )
        for j in range(_N_CHUNK)
    ]
    for cp in copies:
        cp.wait()

    def select(g, _):
        g16 = g * _L
        cbv = cb_v[pl.ds(g16, _L)]
        for cg in range(_D // _L):
            vs = []
            for k in range(_L):
                cb = cbv[k]
                vs.append(buf_v[g16 + k, pl.ds(cb + cg * _L, _L)])
            ws = _transpose16(vs)
            for c in range(_L):
                out_v[cg * _L + c, pl.ds(g16, _L)] = ws[c]
        return 0

    lax.fori_loop(0, _N_GROUP, select, 0)
    for b in range(_D // 8):
        for cc in range(_N_CHUNK):
            pltpu.sync_copy(
                out_v.at[pl.ds(8 * b, 8), pl.ds(cc * _CHUNK, _CHUNK)],
                out_hbm.at[b, wid * _N_CHUNK + cc],
            )


def kernel(x, weight):
    idx = x.astype(jnp.int32).reshape(_B // _CHUNK, _CHUNK)
    table = weight.reshape(250000, 4 * _D)
    o = _embed(idx, table)
    return o.transpose(0, 2, 1, 3).reshape(_D, _B).T

# --- scband reference (transcript-rebuilt; emitter-appended) ---
"""Pipeline reference for scband-embedding-12429635354729 (READ-ONLY COPY).

The authoritative reference and input builder live on the scoring server;
editing this copy changes nothing except your own understanding.
"""

import jax, jax.numpy as jnp
import numpy as np

NUM_EMBEDDINGS = 1000000
EMBEDDING_SIZE = 32
BATCH = 16384

def setup_inputs(seed: int = 0) -> dict:
    key = jax.random.key(seed)
    k_idx, k_w = jax.random.split(key)
    x = jax.random.randint(k_idx, (BATCH,), 0, NUM_EMBEDDINGS, dtype=jnp.int64 if jax.config.jax_enable_x64 else jnp.int32)
    weight = jax.random.normal(k_w, (NUM_EMBEDDINGS, EMBEDDING_SIZE), dtype=jnp.float32)
    return {"x": x, "weight": weight}

def reference(x, weight):
    # Faithful to eqx.nn.Embedding.__call__: scalar lookup weight[x],
    # vectorized over the batch via vmap (as the docstring instructs).
    def single(idx):
        return weight[idx]
    return jax.vmap(single)(x)

if __name__ == "__main__":
    import jax
    _d = setup_inputs()
    print(jax.jit(kernel)(*tuple(_d.values())))

</pallas_src>

<mosaic_0001>
#map = affine_map<(d0, d1) -> (0, 0)>
#map1 = affine_map<(d0, d1) -> (0, 0, 0, 0)>
module attributes {stable_mosaic.version = 14 : i64} {
  func.func @_embed(%arg0: i32, %arg1: i32, %arg2: memref<128x128xi32, #tpu.memory_space<hbm>>, %arg3: memref<250000x128xf32, #tpu.memory_space<hbm>>, %arg4: memref<4x128x8x128xf32, #tpu.memory_space<hbm>>, %arg5: memref<4x128xi32, #tpu.memory_space<vmem>>, %arg6: memref<4x128xi32, #tpu.memory_space<vmem>>, %arg7: memref<512xi32, #tpu.memory_space<vmem>>, %arg8: memref<512x128xf32, #tpu.memory_space<vmem>>, %arg9: memref<32x512xf32, #tpu.memory_space<vmem>>, %arg10: memref<!tpu.dma_semaphore, #tpu.memory_space<semaphore_mem>>) attributes {dimension_semantics = [#tpu.dimension_semantics<core_parallel>, #tpu.dimension_semantics<subcore_parallel>], iteration_bounds = array<i64: 2, 16>, scalar_prefetch = 0 : i64, scratch_operands = 6 : i64, tpu.core_type = #tpu.core_type<sc_vector_subcore>, window_params = [{transform_indices = #map}, {transform_indices = #map}, {transform_indices = #map1}]} {
    %mul3A = arith.constant 2 : i32
    %mul3A_0 = arith.muli %arg1, %mul3A : i32
    %add3A = arith.addi %mul3A_0, %arg0 : i32
    %mul3A_1 = arith.constant 4 : i32
    %mul3A_2 = arith.muli %add3A, %mul3A_1 : i32
    "tpu.region"() ({
      %run_scoped3A_929 = tpu.sem_alloc : memref<!tpu.dma_semaphore, #tpu.memory_space<semaphore_mem>>
      %dma_start3A_930 = arith.constant 0 : i32
      %dma_start3A_931 = tpu.memref_slice %arg2[%mul3A_2, %dma_start3A_930] : memref<128x128xi32, #tpu.memory_space<hbm>> -> memref<4x128xi32, #tpu.memory_space<hbm>>
      %dma_start3A_932 = arith.constant 0 : i32
      %dma_start3A_933 = tpu.memref_slice %arg2[%mul3A_2, %dma_start3A_932] : memref<128x128xi32, #tpu.memory_space<hbm>> -> memref<4x128xi32, #tpu.memory_space<hbm>>
      tpu.enqueue_dma source(%dma_start3A_933 : memref<4x128xi32, #tpu.memory_space<hbm>>) target(%arg5 : memref<4x128xi32, #tpu.memory_space<vmem>>) target_semaphore(%run_scoped3A_929 : memref<!tpu.dma_semaphore, #tpu.memory_space<semaphore_mem>>)
      %dma_wait3A_934 = arith.constant 0 : i32
      %dma_wait3A_935 = tpu.memref_slice %arg2[%mul3A_2, %dma_wait3A_934] : memref<128x128xi32, #tpu.memory_space<hbm>> -> memref<4x128xi32, #tpu.memory_space<hbm>>
      %dma_wait3A_936 = arith.constant 0 : i32
      %dma_wait3A_937 = tpu.memref_slice %arg2[%mul3A_2, %dma_wait3A_936] : memref<128x128xi32, #tpu.memory_space<hbm>> -> memref<4x128xi32, #tpu.memory_space<hbm>>
      tpu.wait_dma2 semaphore(%run_scoped3A_929 : memref<!tpu.dma_semaphore, #tpu.memory_space<semaphore_mem>>) src(%dma_wait3A_937 : memref<4x128xi32, #tpu.memory_space<hbm>>) dst(%arg5 : memref<4x128xi32, #tpu.memory_space<vmem>>)
      tpu.yield
    }) : () -> ()
    %get3A = arith.constant 0 : i32
    %get3A_3 = arith.index_cast %get3A : i32 to index
    %get3A_4 = arith.constant 0 : index
    %get3A_5 = tpu.vector_load %arg5[%get3A_3, %get3A_4] {strides = array<i32>} : memref<4x128xi32, #tpu.memory_space<vmem>>, vector<1x16xi32>,
    %get3A_6 = vector.shape_cast %get3A_5 : vector<1x16xi32> to vector<16xi32>
    %shift_right_logical3A = arith.constant 2 : i32
    %shift_right_logical3A_7 = vector.broadcast %shift_right_logical3A : i32 to vector<16xi32>
    %shift_right_logical3A_8 = arith.shrui %get3A_6, %shift_right_logical3A_7 : vector<16xi32>
    %swap3A = arith.constant 0 : i32
    %swap3A_9 = arith.index_cast %swap3A : i32 to index
    %swap3A_10 = arith.constant 0 : index
    %swap3A_11 = tpu.vector_load %arg6[%swap3A_9, %swap3A_10] {strides = array<i32>} : memref<4x128xi32, #tpu.memory_space<vmem>>, vector<1x16xi32>,
    %swap3A_12 = vector.shape_cast %swap3A_11 : vector<1x16xi32> to vector<16xi32>
    %swap3A_13 = vector.shape_cast %shift_right_logical3A_8 : vector<16xi32> to vector<1x16xi32>
    tpu.vector_store %arg6[%swap3A_9, %swap3A_10], %swap3A_13 {strides = array<i32>} : memref<4x128xi32, #tpu.memory_space<vmem>>, vector<1x16xi32>,
    %and3A = arith.constant 3 : i32
    %and3A_14 = vector.broadcast %and3A : i32 to vector<16xi32>
    %and3A_15 = arith.andi %get3A_6, %and3A_14 : vector<16xi32>
    %shift_left3A = arith.constant 5 : i32
    %shift_left3A_16 = vector.broadcast %shift_left3A : i32 to vector<16xi32>
    %shift_left3A_17 = arith.shli %and3A_15, %shift_left3A_16 : vector<16xi32>
    %swap3A_18 = arith.constant 0 : index
    %swap3A_19 = tpu.vector_load %arg7[%swap3A_18] {strides = array<i32>} : memref<512xi32, #tpu.memory_space<vmem>>, vector<16xi32>,
    %swap3A_20 = vector.shape_cast %swap3A_19 : vector<16xi32> to vector<16xi32>
    %swap3A_21 = vector.shape_cast %shift_left3A_17 : vector<16xi32> to vector<16xi32>
    tpu.vector_store %arg7[%swap3A_18], %swap3A_21 {strides = array<i32>} : memref<512xi32, #tpu.memory_space<vmem>>, vector<16xi32>,
    %get3A_22 = arith.constant 0 : i32
    %get3A_23 = arith.index_cast %get3A_22 : i32 to index
    %get3A_24 = arith.constant 16 : index
    %get3A_25 = tpu.vector_load %arg5[%get3A_23, %get3A_24] {strides = array<i32>} : memref<4x128xi32, #tpu.memory_space<vmem>>, vector<1x16xi32>,
    %get3A_26 = vector.shape_cast %get3A_25 : vector<1x16xi32> to vector<16xi32>
    %shift_right_logical3A_27 = arith.constant 2 : i32
    %shift_right_logical3A_28 = vector.broadcast %shift_right_logical3A_27 : i32 to vector<16xi32>
    %shift_right_logical3A_29 = arith.shrui %get3A_26, %shift_right_logical3A_28 : vector<16xi32>
    %swap3A_30 = arith.constant 0 : i32
    %swap3A_31 = arith.index_cast %swap3A_30 : i32 to index
    %swap3A_32 = arith.constant 16 : index
    %swap3A_33 = tpu.vector_load %arg6[%swap3A_31, %swap3A_32] {strides = array<i32>} : memref<4x128xi32, #tpu.memory_space<vmem>>, vector<1x16xi32>,
    %swap3A_34 = vector.shape_cast %swap3A_33 : vector<1x16xi32> to vector<16xi32>
    %swap3A_35 = vector.shape_cast %shift_right_logical3A_29 : vector<16xi32> to vector<1x16xi32>
    tpu.vector_store %arg6[%swap3A_31, %swap3A_32], %swap3A_35 {strides = array<i32>} : memref<4x128xi32, #tpu.memory_space<vmem>>, vector<1x16xi32>,
    %and3A_36 = arith.constant 3 : i32
    %and3A_37 = vector.broadcast %and3A_36 : i32 to vector<16xi32>
    %and3A_38 = arith.andi %get3A_26, %and3A_37 : vector<16xi32>
    %shift_left3A_39 = arith.constant 5 : i32
    %shift_left3A_40 = vector.broadcast %shift_left3A_39 : i32 to vector<16xi32>
    %shift_left3A_41 = arith.shli %and3A_38, %shift_left3A_40 : vector<16xi32>
    %swap3A_42 = arith.constant 16 : index
    %swap3A_43 = tpu.vector_load %arg7[%swap3A_42] {strides = array<i32>} : memref<512xi32, #tpu.memory_space<vmem>>, vector<16xi32>,
    %swap3A_44 = vector.shape_cast %swap3A_43 : vector<16xi32> to vector<16xi32>
    %swap3A_45 = vector.shape_cast %shift_left3A_41 : vector<16xi32> to vector<16xi32>
    tpu.vector_store %arg7[%swap3A_42], %swap3A_45 {strides = array<i32>} : memref<512xi32, #tpu.memory_space<vmem>>, vector<16xi32>,
    %get3A_46 = arith.constant 0 : i32
    %get3A_47 = arith.index_cast %get3A_46 : i32 to index
    %get3A_48 = arith.constant 32 : index
    %get3A_49 = tpu.vector_load %arg5[%get3A_47, %get3A_48] {strides = array<i32>} : memref<4x128xi32, #tpu.memory_space<vmem>>, vector<1x16xi32>,
    %get3A_50 = vector.shape_cast %get3A_49 : vector<1x16xi32> to vector<16xi32>
    %shift_right_logical3A_51 = arith.constant 2 : i32
    %shift_right_logical3A_52 = vector.broadcast %shift_right_logical3A_51 : i32 to vector<16xi32>
    %shift_right_logical3A_53 = arith.shrui %get3A_50, %shift_right_logical3A_52 : vector<16xi32>
    %swap3A_54 = arith.constant 0 : i32
    %swap3A_55 = arith.index_cast %swap3A_54 : i32 to index
    %swap3A_56 = arith.constant 32 : index
    %swap3A_57 = tpu.vector_load %arg6[%swap3A_55, %swap3A_56] {strides = array<i32>} : memref<4x128xi32, #tpu.memory_space<vmem>>, vector<1x16xi32>,
    %swap3A_58 = vector.shape_cast %swap3A_57 : vector<1x16xi32> to vector<16xi32>
    %swap3A_59 = vector.shape_cast %shift_right_logical3A_53 : vector<16xi32> to vector<1x16xi32>
    tpu.vector_store %arg6[%swap3A_55, %swap3A_56], %swap3A_59 {strides = array<i32>} : memref<4x128xi32, #tpu.memory_space<vmem>>, vector<1x16xi32>,
    %and3A_60 = arith.constant 3 : i32
    %and3A_61 = vector.broadcast %and3A_60 : i32 to vector<16xi32>
    %and3A_62 = arith.andi %get3A_50, %and3A_61 : vector<16xi32>
    %shift_left3A_63 = arith.constant 5 : i32
    %shift_left3A_64 = vector.broadcast %shift_left3A_63 : i32 to vector<16xi32>
    %shift_left3A_65 = arith.shli %and3A_62, %shift_left3A_64 : vector<16xi32>
    %swap3A_66 = arith.constant 32 : index
    %swap3A_67 = tpu.vector_load %arg7[%swap3A_66] {strides = array<i32>} : memref<512xi32, #tpu.memory_space<vmem>>, vector<16xi32>,
    %swap3A_68 = vector.shape_cast %swap3A_67 : vector<16xi32> to vector<16xi32>
    %swap3A_69 = vector.shape_cast %shift_left3A_65 : vector<16xi32> to vector<16xi32>
    tpu.vector_store %arg7[%swap3A_66], %swap3A_69 {strides = array<i32>} : memref<512xi32, #tpu.memory_space<vmem>>, vector<16xi32>,
    %get3A_70 = arith.constant 0 : i32
    %get3A_71 = arith.index_cast %get3A_70 : i32 to index
    %get3A_72 = arith.constant 48 : index
    %get3A_73 = tpu.vector_load %arg5[%get3A_71, %get3A_72] {strides = array<i32>} : memref<4x128xi32, #tpu.memory_space<vmem>>, vector<1x16xi32>,
    %get3A_74 = vector.shape_cast %get3A_73 : vector<1x16xi32> to vector<16xi32>
    %shift_right_logical3A_75 = arith.constant 2 : i32
    %shift_right_logical3A_76 = vector.broadcast %shift_right_logical3A_75 : i32 to vector<16xi32>
    %shift_right_logical3A_77 = arith.shrui %get3A_74, %shift_right_logical3A_76 : vector<16xi32>
    %swap3A_78 = arith.constant 0 : i32
    %swap3A_79 = arith.index_cast %swap3A_78 : i32 to index
    %swap3A_80 = arith.constant 48 : index
    %swap3A_81 = tpu.vector_load %arg6[%swap3A_79, %swap3A_80] {strides = array<i32>} : memref<4x128xi32, #tpu.memory_space<vmem>>, vector<1x16xi32>,
    %swap3A_82 = vector.shape_cast %swap3A_81 : vector<1x16xi32> to vector<16xi32>
    %swap3A_83 = vector.shape_cast %shift_right_logical3A_77 : vector<16xi32> to vector<1x16xi32>
    tpu.vector_store %arg6[%swap3A_79, %swap3A_80], %swap3A_83 {strides = array<i32>} : memref<4x128xi32, #tpu.memory_space<vmem>>, vector<1x16xi32>,
    %and3A_84 = arith.constant 3 : i32
    %and3A_85 = vector.broadcast %and3A_84 : i32 to vector<16xi32>
    %and3A_86 = arith.andi %get3A_74, %and3A_85 : vector<16xi32>
    %shift_left3A_87 = arith.constant 5 : i32
    %shift_left3A_88 = vector.broadcast %shift_left3A_87 : i32 to vector<16xi32>
    %shift_left3A_89 = arith.shli %and3A_86, %shift_left3A_88 : vector<16xi32>
    %swap3A_90 = arith.constant 48 : index
    %swap3A_91 = tpu.vector_load %arg7[%swap3A_90] {strides = array<i32>} : memref<512xi32, #tpu.memory_space<vmem>>, vector<16xi32>,
    %swap3A_92 = vector.shape_cast %swap3A_91 : vector<16xi32> to vector<16xi32>
    %swap3A_93 = vector.shape_cast %shift_left3A_89 : vector<16xi32> to vector<16xi32>
    tpu.vector_store %arg7[%swap3A_90], %swap3A_93 {strides = array<i32>} : memref<512xi32, #tpu.memory_space<vmem>>, vector<16xi32>,
    %get3A_94 = arith.constant 0 : i32
    %get3A_95 = arith.index_cast %get3A_94 : i32 to index
    %get3A_96 = arith.constant 64 : index
    %get3A_97 = tpu.vector_load %arg5[%get3A_95, %get3A_96] {strides = array<i32>} : memref<4x128xi32, #tpu.memory_space<vmem>>, vector<1x16xi32>,
    %get3A_98 = vector.shape_cast %get3A_97 : vector<1x16xi32> to vector<16xi32>
    %shift_right_logical3A_99 = arith.constant 2 : i32
    %shift_right_logical3A_100 = vector.broadcast %shift_right_logical3A_99 : i32 to vector<16xi32>
    %shift_right_logical3A_101 = arith.shrui %get3A_98, %shift_right_logical3A_100 : vector<16xi32>
    %swap3A_102 = arith.constant 0 : i32
    %swap3A_103 = arith.index_cast %swap3A_102 : i32 to index
    %swap3A_104 = arith.constant 64 : index
    %swap3A_105 = tpu.vector_load %arg6[%swap3A_103, %swap3A_104] {strides = array<i32>} : memref<4x128xi32, #tpu.memory_space<vmem>>, vector<1x16xi32>,
    %swap3A_106 = vector.shape_cast %swap3A_105 : vector<1x16xi32> to vector<16xi32>
    %swap3A_107 = vector.shape_cast %shift_right_logical3A_101 : vector<16xi32> to vector<1x16xi32>
    tpu.vector_store %arg6[%swap3A_103, %swap3A_104], %swap3A_107 {strides = array<i32>} : memref<4x128xi32, #tpu.memory_space<vmem>>, vector<1x16xi32>,
    %and3A_108 = arith.constant 3 : i32
    %and3A_109 = vector.broadcast %and3A_108 : i32 to vector<16xi32>
    %and3A_110 = arith.andi %get3A_98, %and3A_109 : vector<16xi32>
    %shift_left3A_111 = arith.constant 5 : i32
    %shift_left3A_112 = vector.broadcast %shift_left3A_111 : i32 to vector<16xi32>
    %shift_left3A_113 = arith.shli %and3A_110, %shift_left3A_112 : vector<16xi32>
    %swap3A_114 = arith.constant 64 : index
    %swap3A_115 = tpu.vector_load %arg7[%swap3A_114] {strides = array<i32>} : memref<512xi32, #tpu.memory_space<vmem>>, vector<16xi32>,
    %swap3A_116 = vector.shape_cast %swap3A_115 : vector<16xi32> to vector<16xi32>
    %swap3A_117 = vector.shape_cast %shift_left3A_113 : vector<16xi32> to vector<16xi32>
    tpu.vector_store %arg7[%swap3A_114], %swap3A_117 {strides = array<i32>} : memref<512xi32, #tpu.memory_space<vmem>>, vector<16xi32>,
    %get3A_118 = arith.constant 0 : i32
    %get3A_119 = arith.index_cast %get3A_118 : i32 to index
    %get3A_120 = arith.constant 80 : index
    %get3A_121 = tpu.vector_load %arg5[%get3A_119, %get3A_120] {strides = array<i32>} : memref<4x128xi32, #tpu.memory_space<vmem>>, vector<1x16xi32>,
    %get3A_122 = vector.shape_cast %get3A_121 : vector<1x16xi32> to vector<16xi32>
    %shift_right_logical3A_123 = arith.constant 2 : i32
    %shift_right_logical3A_124 = vector.broadcast %shift_right_logical3A_123 : i32 to vector<16xi32>
    %shift_right_logical3A_125 = arith.shrui %get3A_122, %shift_right_logical3A_124 : vector<16xi32>
    %swap3A_126 = arith.constant 0 : i32
    %swap3A_127 = arith.index_cast %swap3A_126 : i32 to index
    %swap3A_128 = arith.constant 80 : index
    %swap3A_129 = tpu.vector_load %arg6[%swap3A_127, %swap3A_128] {strides = array<i32>} : memref<4x128xi32, #tpu.memory_space<vmem>>, vector<1x16xi32>,
    %swap3A_130 = vector.shape_cast %swap3A_129 : vector<1x16xi32> to vector<16xi32>
    %swap3A_131 = vector.shape_cast %shift_right_logical3A_125 : vector<16xi32> to vector<1x16xi32>
    tpu.vector_store %arg6[%swap3A_127, %swap3A_128], %swap3A_131 {strides = array<i32>} : memref<4x128xi32, #tpu.memory_space<vmem>>, vector<1x16xi32>,
    %and3A_132 = arith.constant 3 : i32
    %and3A_133 = vector.broadcast %and3A_132 : i32 to vector<16xi32>
    %and3A_134 = arith.andi %get3A_122, %and3A_133 : vector<16xi32>
    %shift_left3A_135 = arith.constant 5 : i32
    %shift_left3A_136 = vector.broadcast %shift_left3A_135 : i32 to vector<16xi32>
    %shift_left3A_137 = arith.shli %and3A_134, %shift_left3A_136 : vector<16xi32>
    %swap3A_138 = arith.constant 80 : index
    %swap3A_139 = tpu.vector_load %arg7[%swap3A_138] {strides = array<i32>} : memref<512xi32, #tpu.memory_space<vmem>>, vector<16xi32>,
    %swap3A_140 = vector.shape_cast %swap3A_139 : vector<16xi32> to vector<16xi32>
    %swap3A_141 = vector.shape_cast %shift_left3A_137 : vector<16xi32> to vector<16xi32>
    tpu.vector_store %arg7[%swap3A_138], %swap3A_141 {strides = array<i32>} : memref<512xi32, #tpu.memory_space<vmem>>, vector<16xi32>,
    %get3A_142 = arith.constant 0 : i32
    %get3A_143 = arith.index_cast %get3A_142 : i32 to index
    %get3A_144 = arith.constant 96 : index
    %get3A_145 = tpu.vector_load %arg5[%get3A_143, %get3A_144] {strides = array<i32>} : memref<4x128xi32, #tpu.memory_space<vmem>>, vector<1x16xi32>,
    %get3A_146 = vector.shape_cast %get3A_145 : vector<1x16xi32> to vector<16xi32>
    %shift_right_logical3A_147 = arith.constant 2 : i32
    %shift_right_logical3A_148 = vector.broadcast %shift_right_logical3A_147 : i32 to vector<16xi32>
    %shift_right_logical3A_149 = arith.shrui %get3A_146, %shift_right_logical3A_148 : vector<16xi32>
    %swap3A_150 = arith.constant 0 : i32
    %swap3A_151 = arith.index_cast %swap3A_150 : i32 to index
    %swap3A_152 = arith.constant 96 : index
    %swap3A_153 = tpu.vector_load %arg6[%swap3A_151, %swap3A_152] {strides = array<i32>} : memref<4x128xi32, #tpu.memory_space<vmem>>, vector<1x16xi32>,
    %swap3A_154 = vector.shape_cast %swap3A_153 : vector<1x16xi32> to vector<16xi32>
    %swap3A_155 = vector.shape_cast %shift_right_logical3A_149 : vector<16xi32> to vector<1x16xi32>
    tpu.vector_store %arg6[%swap3A_151, %swap3A_152], %swap3A_155 {strides = array<i32>} : memref<4x128xi32, #tpu.memory_space<vmem>>, vector<1x16xi32>,
    %and3A_156 = arith.constant 3 : i32
    %and3A_157 = vector.broadcast %and3A_156 : i32 to vector<16xi32>
    %and3A_158 = arith.andi %get3A_146, %and3A_157 : vector<16xi32>
    %shift_left3A_159 = arith.constant 5 : i32
    %shift_left3A_160 = vector.broadcast %shift_left3A_159 : i32 to vector<16xi32>
    %shift_left3A_161 = arith.shli %and3A_158, %shift_left3A_160 : vector<16xi32>
    %swap3A_162 = arith.constant 96 : index
    %swap3A_163 = tpu.vector_load %arg7[%swap3A_162] {strides = array<i32>} : memref<512xi32, #tpu.memory_space<vmem>>, vector<16xi32>,
    %swap3A_164 = vector.shape_cast %swap3A_163 : vector<16xi32> to vector<16xi32>
    %swap3A_165 = vector.shape_cast %shift_left3A_161 : vector<16xi32> to vector<16xi32>
    tpu.vector_store %arg7[%swap3A_162], %swap3A_165 {strides = array<i32>} : memref<512xi32, #tpu.memory_space<vmem>>, vector<16xi32>,
    %get3A_166 = arith.constant 0 : i32
    %get3A_167 = arith.index_cast %get3A_166 : i32 to index
    %get3A_168 = arith.constant 112 : index
    %get3A_169 = tpu.vector_load %arg5[%get3A_167, %get3A_168] {strides = array<i32>} : memref<4x128xi32, #tpu.memory_space<vmem>>, vector<1x16xi32>,
    %get3A_170 = vector.shape_cast %get3A_169 : vector<1x16xi32> to vector<16xi32>
    %shift_right_logical3A_171 = arith.constant 2 : i32
    %shift_right_logical3A_172 = vector.broadcast %shift_right_logical3A_171 : i32 to vector<16xi32>
    %shift_right_logical3A_173 = arith.shrui %get3A_170, %shift_right_logical3A_172 : vector<16xi32>
    %swap3A_174 = arith.constant 0 : i32
    %swap3A_175 = arith.index_cast %swap3A_174 : i32 to index
    %swap3A_176 = arith.constant 112 : index
    %swap3A_177 = tpu.vector_load %arg6[%swap3A_175, %swap3A_176] {strides = array<i32>} : memref<4x128xi32, #tpu.memory_space<vmem>>, vector<1x16xi32>,
    %swap3A_178 = vector.shape_cast %swap3A_177 : vector<1x16xi32> to vector<16xi32>
    %swap3A_179 = vector.shape_cast %shift_right_logical3A_173 : vector<16xi32> to vector<1x16xi32>
    tpu.vector_store %arg6[%swap3A_175, %swap3A_176], %swap3A_179 {strides = array<i32>} : memref<4x128xi32, #tpu.memory_space<vmem>>, vector<1x16xi32>,
    %and3A_180 = arith.constant 3 : i32
    %and3A_181 = vector.broadcast %and3A_180 : i32 to vector<16xi32>
    %and3A_182 = arith.andi %get3A_170, %and3A_181 : vector<16xi32>
    %shift_left3A_183 = arith.constant 5 : i32
    %shift_left3A_184 = vector.broadcast %shift_left3A_183 : i32 to vector<16xi32>
    %shift_left3A_185 = arith.shli %and3A_182, %shift_left3A_184 : vector<16xi32>
    %swap3A_186 = arith.constant 112 : index
    %swap3A_187 = tpu.vector_load %arg7[%swap3A_186] {strides = array<i32>} : memref<512xi32, #tpu.memory_space<vmem>>, vector<16xi32>,
    %swap3A_188 = vector.shape_cast %swap3A_187 : vector<16xi32> to vector<16xi32>
    %swap3A_189 = vector.shape_cast %shift_left3A_185 : vector<16xi32> to vector<16xi32>
    tpu.vector_store %arg7[%swap3A_186], %swap3A_189 {strides = array<i32>} : memref<512xi32, #tpu.memory_space<vmem>>, vector<16xi32>,
    %get3A_190 = arith.constant 1 : i32
    %get3A_191 = arith.index_cast %get3A_190 : i32 to index
    %get3A_192 = arith.constant 0 : index
    %get3A_193 = tpu.vector_load %arg5[%get3A_191, %get3A_192] {strides = array<i32>} : memref<4x128xi32, #tpu.memory_space<vmem>>, vector<1x16xi32>,
    %get3A_194 = vector.shape_cast %get3A_193 : vector<1x16xi32> to vector<16xi32>
    %shift_right_logical3A_195 = arith.constant 2 : i32
    %shift_right_logical3A_196 = vector.broadcast %shift_right_logical3A_195 : i32 to vector<16xi32>
    %shift_right_logical3A_197 = arith.shrui %get3A_194, %shift_right_logical3A_196 : vector<16xi32>
    %swap3A_198 = arith.constant 1 : i32
    %swap3A_199 = arith.index_cast %swap3A_198 : i32 to index
    %swap3A_200 = arith.constant 0 : index
    %swap3A_201 = tpu.vector_load %arg6[%swap3A_199, %swap3A_200] {strides = array<i32>} : memref<4x128xi32, #tpu.memory_space<vmem>>, vector<1x16xi32>,
    %swap3A_202 = vector.shape_cast %swap3A_201 : vector<1x16xi32> to vector<16xi32>
    %swap3A_203 = vector.shape_cast %shift_right_logical3A_197 : vector<16xi32> to vector<1x16xi32>
    tpu.vector_store %arg6[%swap3A_199, %swap3A_200], %swap3A_203 {strides = array<i32>} : memref<4x128xi32, #tpu.memory_space<vmem>>, vector<1x16xi32>,
    %and3A_204 = arith.constant 3 : i32
    %and3A_205 = vector.broadcast %and3A_204 : i32 to vector<16xi32>
    %and3A_206 = arith.andi %get3A_194, %and3A_205 : vector<16xi32>
    %shift_left3A_207 = arith.constant 5 : i32
    %shift_left3A_208 = vector.broadcast %shift_left3A_207 : i32 to vector<16xi32>
    %shift_left3A_209 = arith.shli %and3A_206, %shift_left3A_208 : vector<16xi32>
    %swap3A_210 = arith.constant 128 : index
    %swap3A_211 = tpu.vector_load %arg7[%swap3A_210] {strides = array<i32>} : memref<512xi32, #tpu.memory_space<vmem>>, vector<16xi32>,
    %swap3A_212 = vector.shape_cast %swap3A_211 : vector<16xi32> to vector<16xi32>
    %swap3A_213 = vector.shape_cast %shift_left3A_209 : vector<16xi32> to vector<16xi32>
    tpu.vector_store %arg7[%swap3A_210], %swap3A_213 {strides = array<i32>} : memref<512xi32, #tpu.memory_space<vmem>>, vector<16xi32>,
    %get3A_214 = arith.constant 1 : i32
    %get3A_215 = arith.index_cast %get3A_214 : i32 to index
    %get3A_216 = arith.constant 16 : index
    %get3A_217 = tpu.vector_load %arg5[%get3A_215, %get3A_216] {strides = array<i32>} : memref<4x128xi32, #tpu.memory_space<vmem>>, vector<1x16xi32>,
    %get3A_218 = vector.shape_cast %get3A_217 : vector<1x16xi32> to vector<16xi32>
    %shift_right_logical3A_219 = arith.constant 2 : i32
    %shift_right_logical3A_220 = vector.broadcast %shift_right_logical3A_219 : i32 to vector<16xi32>
    %shift_right_logical3A_221 = arith.shrui %get3A_218, %shift_right_logical3A_220 : vector<16xi32>
    %swap3A_222 = arith.constant 1 : i32
    %swap3A_223 = arith.index_cast %swap3A_222 : i32 to index
    %swap3A_224 = arith.constant 16 : index
    %swap3A_225 = tpu.vector_load %arg6[%swap3A_223, %swap3A_224] {strides = array<i32>} : memref<4x128xi32, #tpu.memory_space<vmem>>, vector<1x16xi32>,
    %swap3A_226 = vector.shape_cast %swap3A_225 : vector<1x16xi32> to vector<16xi32>
    %swap3A_227 = vector.shape_cast %shift_right_logical3A_221 : vector<16xi32> to vector<1x16xi32>
    tpu.vector_store %arg6[%swap3A_223, %swap3A_224], %swap3A_227 {strides = array<i32>} : memref<4x128xi32, #tpu.memory_space<vmem>>, vector<1x16xi32>,
    %and3A_228 = arith.constant 3 : i32
    %and3A_229 = vector.broadcast %and3A_228 : i32 to vector<16xi32>
    %and3A_230 = arith.andi %get3A_218, %and3A_229 : vector<16xi32>
    %shift_left3A_231 = arith.constant 5 : i32
    %shift_left3A_232 = vector.broadcast %shift_left3A_231 : i32 to vector<16xi32>
    %shift_left3A_233 = arith.shli %and3A_230, %shift_left3A_232 : vector<16xi32>
    %swap3A_234 = arith.constant 144 : index
    %swap3A_235 = tpu.vector_load %arg7[%swap3A_234] {strides = array<i32>} : memref<512xi32, #tpu.memory_space<vmem>>, vector<16xi32>,
    %swap3A_236 = vector.shape_cast %swap3A_235 : vector<16xi32> to vector<16xi32>
    %swap3A_237 = vector.shape_cast %shift_left3A_233 : vector<16xi32> to vector<16xi32>
    tpu.vector_store %arg7[%swap3A_234], %swap3A_237 {strides = array<i32>} : memref<512xi32, #tpu.memory_space<vmem>>, vector<16xi32>,
    %get3A_238 = arith.constant 1 : i32
    %get3A_239 = arith.index_cast %get3A_238 : i32 to index
    %get3A_240 = arith.constant 32 : index
    %get3A_241 = tpu.vector_load %arg5[%get3A_239, %get3A_240] {strides = array<i32>} : memref<4x128xi32, #tpu.memory_space<vmem>>, vector<1x16xi32>,
    %get3A_242 = vector.shape_cast %get3A_241 : vector<1x16xi32> to vector<16xi32>
    %shift_right_logical3A_243 = arith.constant 2 : i32
    %shift_right_logical3A_244 = vector.broadcast %shift_right_logical3A_243 : i32 to vector<16xi32>
    %shift_right_logical3A_245 = arith.shrui %get3A_242, %shift_right_logical3A_244 : vector<16xi32>
    %swap3A_246 = arith.constant 1 : i32
    %swap3A_247 = arith.index_cast %swap3A_246 : i32 to index
    %swap3A_248 = arith.constant 32 : index
    %swap3A_249 = tpu.vector_load %arg6[%swap3A_247, %swap3A_248] {strides = array<i32>} : memref<4x128xi32, #tpu.memory_space<vmem>>, vector<1x16xi32>,
    %swap3A_250 = vector.shape_cast %swap3A_249 : vector<1x16xi32> to vector<16xi32>
    %swap3A_251 = vector.shape_cast %shift_right_logical3A_245 : vector<16xi32> to vector<1x16xi32>
    tpu.vector_store %arg6[%swap3A_247, %swap3A_248], %swap3A_251 {strides = array<i32>} : memref<4x128xi32, #tpu.memory_space<vmem>>, vector<1x16xi32>,
    %and3A_252 = arith.constant 3 : i32
    %and3A_253 = vector.broadcast %and3A_252 : i32 to vector<16xi32>
    %and3A_254 = arith.andi %get3A_242, %and3A_253 : vector<16xi32>
    %shift_left3A_255 = arith.constant 5 : i32
    %shift_left3A_256 = vector.broadcast %shift_left3A_255 : i32 to vector<16xi32>
    %shift_left3A_257 = arith.shli %and3A_254, %shift_left3A_256 : vector<16xi32>
    %swap3A_258 = arith.constant 160 : index
    %swap3A_259 = tpu.vector_load %arg7[%swap3A_258] {strides = array<i32>} : memref<512xi32, #tpu.memory_space<vmem>>, vector<16xi32>,
    %swap3A_260 = vector.shape_cast %swap3A_259 : vector<16xi32> to vector<16xi32>
    %swap3A_261 = vector.shape_cast %shift_left3A_257 : vector<16xi32> to vector<16xi32>
    tpu.vector_store %arg7[%swap3A_258], %swap3A_261 {strides = array<i32>} : memref<512xi32, #tpu.memory_space<vmem>>, vector<16xi32>,
    %get3A_262 = arith.constant 1 : i32
    %get3A_263 = arith.index_cast %get3A_262 : i32 to index
    %get3A_264 = arith.constant 48 : index
    %get3A_265 = tpu.vector_load %arg5[%get3A_263, %get3A_264] {strides = array<i32>} : memref<4x128xi32, #tpu.memory_space<vmem>>, vector<1x16xi32>,
    %get3A_266 = vector.shape_cast %get3A_265 : vector<1x16xi32> to vector<16xi32>
    %shift_right_logical3A_267 = arith.constant 2 : i32
    %shift_right_logical3A_268 = vector.broadcast %shift_right_logical3A_267 : i32 to vector<16xi32>
    %shift_right_logical3A_269 = arith.shrui %get3A_266, %shift_right_logical3A_268 : vector<16xi32>
    %swap3A_270 = arith.constant 1 : i32
    %swap3A_271 = arith.index_cast %swap3A_270 : i32 to index
    %swap3A_272 = arith.constant 48 : index
    %swap3A_273 = tpu.vector_load %arg6[%swap3A_271, %swap3A_272] {strides = array<i32>} : memref<4x128xi32, #tpu.memory_space<vmem>>, vector<1x16xi32>,
    %swap3A_274 = vector.shape_cast %swap3A_273 : vector<1x16xi32> to vector<16xi32>
    %swap3A_275 = vector.shape_cast %shift_right_logical3A_269 : vector<16xi32> to vector<1x16xi32>
    tpu.vector_store %arg6[%swap3A_271, %swap3A_272], %swap3A_275 {strides = array<i32>} : memref<4x128xi32, #tpu.memory_space<vmem>>, vector<1x16xi32>,
    %and3A_276 = arith.constant 3 : i32
    %and3A_277 = vector.broadcast %and3A_276 : i32 to vector<16xi32>
    %and3A_278 = arith.andi %get3A_266, %and3A_277 : vector<16xi32>
    %shift_left3A_279 = arith.constant 5 : i32
    %shift_left3A_280 = vector.broadcast %shift_left3A_279 : i32 to vector<16xi32>
    %shift_left3A_281 = arith.shli %and3A_278, %shift_left3A_280 : vector<16xi32>
    %swap3A_282 = arith.constant 176 : index
    %swap3A_283 = tpu.vector_load %arg7[%swap3A_282] {strides = array<i32>} : memref<512xi32, #tpu.memory_space<vmem>>, vector<16xi32>,
    %swap3A_284 = vector.shape_cast %swap3A_283 : vector<16xi32> to vector<16xi32>
    %swap3A_285 = vector.shape_cast %shift_left3A_281 : vector<16xi32> to vector<16xi32>
    tpu.vector_store %arg7[%swap3A_282], %swap3A_285 {strides = array<i32>} : memref<512xi32, #tpu.memory_space<vmem>>, vector<16xi32>,
    %get3A_286 = arith.constant 1 : i32
    %get3A_287 = arith.index_cast %get3A_286 : i32 to index
    %get3A_288 = arith.constant 64 : index
    %get3A_289 = tpu.vector_load %arg5[%get3A_287, %get3A_288] {strides = array<i32>} : memref<4x128xi32, #tpu.memory_space<vmem>>, vector<1x16xi32>,
    %get3A_290 = vector.shape_cast %get3A_289 : vector<1x16xi32> to vector<16xi32>
    %shift_right_logical3A_291 = arith.constant 2 : i32
    %shift_right_logical3A_292 = vector.broadcast %shift_right_logical3A_291 : i32 to vector<16xi32>
    %shift_right_logical3A_293 = arith.shrui %get3A_290, %shift_right_logical3A_292 : vector<16xi32>
    %swap3A_294 = arith.constant 1 : i32
    %swap3A_295 = arith.index_cast %swap3A_294 : i32 to index
    %swap3A_296 = arith.constant 64 : index
    %swap3A_297 = tpu.vector_load %arg6[%swap3A_295, %swap3A_296] {strides = array<i32>} : memref<4x128xi32, #tpu.memory_space<vmem>>, vector<1x16xi32>,
    %swap3A_298 = vector.shape_cast %swap3A_297 : vector<1x16xi32> to vector<16xi32>
    %swap3A_299 = vector.shape_cast %shift_right_logical3A_293 : vector<16xi32> to vector<1x16xi32>
    tpu.vector_store %arg6[%swap3A_295, %swap3A_296], %swap3A_299 {strides = array<i32>} : memref<4x128xi32, #tpu.memory_space<vmem>>, vector<1x16xi32>,
    %and3A_300 = arith.constant 3 : i32
    %and3A_301 = vector.broadcast %and3A_300 : i32 to vector<16xi32>
    %and3A_302 = arith.andi %get3A_290, %and3A_301 : vector<16xi32>
    %shift_left3A_303 = arith.constant 5 : i32
    %shift_left3A_304 = vector.broadcast %shift_left3A_303 : i32 to vector<16xi32>
    %shift_left3A_305 = arith.shli %and3A_302, %shift_left3A_304 : vector<16xi32>
    %swap3A_306 = arith.constant 192 : index
    %swap3A_307 = tpu.vector_load %arg7[%swap3A_306] {strides = array<i32>} : memref<512xi32, #tpu.memory_space<vmem>>, vector<16xi32>,
    %swap3A_308 = vector.shape_cast %swap3A_307 : vector<16xi32> to vector<16xi32>
    %swap3A_309 = vector.shape_cast %shift_left3A_305 : vector<16xi32> to vector<16xi32>
    tpu.vector_store %arg7[%swap3A_306], %swap3A_309 {strides = array<i32>} : memref<512xi32, #tpu.memory_space<vmem>>, vector<16xi32>,
    %get3A_310 = arith.constant 1 : i32
    %get3A_311 = arith.index_cast %get3A_310 : i32 to index
    %get3A_312 = arith.constant 80 : index
    %get3A_313 = tpu.vector_load %arg5[%get3A_311, %get3A_312] {strides = array<i32>} : memref<4x128xi32, #tpu.memory_space<vmem>>, vector<1x16xi32>,
    %get3A_314 = vector.shape_cast %get3A_313 : vector<1x16xi32> to vector<16xi32>
    %shift_right_logical3A_315 = arith.constant 2 : i32
    %shift_right_logical3A_316 = vector.broadcast %shift_right_logical3A_315 : i32 to vector<16xi32>
    %shift_right_logical3A_317 = arith.shrui %get3A_314, %shift_right_logical3A_316 : vector<16xi32>
    %swap3A_318 = arith.constant 1 : i32
    %swap3A_319 = arith.index_cast %swap3A_318 : i32 to index
    %swap3A_320 = arith.constant 80 : index
    %swap3A_321 = tpu.vector_load %arg6[%swap3A_319, %swap3A_320] {strides = array<i32>} : memref<4x128xi32, #tpu.memory_space<vmem>>, vector<1x16xi32>,
    %swap3A_322 = vector.shape_cast %swap3A_321 : vector<1x16xi32> to vector<16xi32>
    %swap3A_323 = vector.shape_cast %shift_right_logical3A_317 : vector<16xi32> to vector<1x16xi32>
    tpu.vector_store %arg6[%swap3A_319, %swap3A_320], %swap3A_323 {strides = array<i32>} : memref<4x128xi32, #tpu.memory_space<vmem>>, vector<1x16xi32>,
    %and3A_324 = arith.constant 3 : i32
    %and3A_325 = vector.broadcast %and3A_324 : i32 to vector<16xi32>
    %and3A_326 = arith.andi %get3A_314, %and3A_325 : vector<16xi32>
    %shift_left3A_327 = arith.constant 5 : i32
    %shift_left3A_328 = vector.broadcast %shift_left3A_327 : i32 to vector<16xi32>
    %shift_left3A_329 = arith.shli %and3A_326, %shift_left3A_328 : vector<16xi32>
    %swap3A_330 = arith.constant 208 : index
    %swap3A_331 = tpu.vector_load %arg7[%swap3A_330] {strides = array<i32>} : memref<512xi32, #tpu.memory_space<vmem>>, vector<16xi32>,
    %swap3A_332 = vector.shape_cast %swap3A_331 : vector<16xi32> to vector<16xi32>
    %swap3A_333 = vector.shape_cast %shift_left3A_329 : vector<16xi32> to vector<16xi32>
    tpu.vector_store %arg7[%swap3A_330], %swap3A_333 {strides = array<i32>} : memref<512xi32, #tpu.memory_space<vmem>>, vector<16xi32>,
    %get3A_334 = arith.constant 1 : i32
    %get3A_335 = arith.index_cast %get3A_334 : i32 to index
    %get3A_336 = arith.constant 96 : index
    %get3A_337 = tpu.vector_load %arg5[%get3A_335, %get3A_336] {strides = array<i32>} : memref<4x128xi32, #tpu.memory_space<vmem>>, vector<1x16xi32>,
    %get3A_338 = vector.shape_cast %get3A_337 : vector<1x16xi32> to vector<16xi32>
    %shift_right_logical3A_339 = arith.constant 2 : i32
    %shift_right_logical3A_340 = vector.broadcast %shift_right_logical3A_339 : i32 to vector<16xi32>
    %shift_right_logical3A_341 = arith.shrui %get3A_338, %shift_right_logical3A_340 : vector<16xi32>
    %swap3A_342 = arith.constant 1 : i32
    %swap3A_343 = arith.index_cast %swap3A_342 : i32 to index
    %swap3A_344 = arith.constant 96 : index
    %swap3A_345 = tpu.vector_load %arg6[%swap3A_343, %swap3A_344] {strides = array<i32>} : memref<4x128xi32, #tpu.memory_space<vmem>>, vector<1x16xi32>,
    %swap3A_346 = vector.shape_cast %swap3A_345 : vector<1x16xi32> to vector<16xi32>
    %swap3A_347 = vector.shape_cast %shift_right_logical3A_341 : vector<16xi32> to vector<1x16xi32>
    tpu.vector_store %arg6[%swap3A_343, %swap3A_344], %swap3A_347 {strides = array<i32>} : memref<4x128xi32, #tpu.memory_space<vmem>>, vector<1x16xi32>,
    %and3A_348 = arith.constant 3 : i32
    %and3A_349 = vector.broadcast %and3A_348 : i32 to vector<16xi32>
    %and3A_350 = arith.andi %get3A_338, %and3A_349 : vector<16xi32>
    %shift_left3A_351 = arith.constant 5 : i32
    %shift_left3A_352 = vector.broadcast %shift_left3A_351 : i32 to vector<16xi32>
    %shift_left3A_353 = arith.shli %and3A_350, %shift_left3A_352 : vector<16xi32>
    %swap3A_354 = arith.constant 224 : index
    %swap3A_355 = tpu.vector_load %arg7[%swap3A_354] {strides = array<i32>} : memref<512xi32, #tpu.memory_space<vmem>>, vector<16xi32>,
    %swap3A_356 = vector.shape_cast %swap3A_355 : vector<16xi32> to vector<16xi32>
    %swap3A_357 = vector.shape_cast %shift_left3A_353 : vector<16xi32> to vector<16xi32>
    tpu.vector_store %arg7[%swap3A_354], %swap3A_357 {strides = array<i32>} : memref<512xi32, #tpu.memory_space<vmem>>, vector<16xi32>,
    %get3A_358 = arith.constant 1 : i32
    %get3A_359 = arith.index_cast %get3A_358 : i32 to index
    %get3A_360 = arith.constant 112 : index
    %get3A_361 = tpu.vector_load %arg5[%get3A_359, %get3A_360] {strides = array<i32>} : memref<4x128xi32, #tpu.memory_space<vmem>>, vector<1x16xi32>,
    %get3A_362 = vector.shape_cast %get3A_361 : vector<1x16xi32> to vector<16xi32>
    %shift_right_logical3A_363 = arith.constant 2 : i32
    %shift_right_logical3A_364 = vector.broadcast %shift_right_logical3A_363 : i32 to vector<16xi32>
    %shift_right_logical3A_365 = arith.shrui %get3A_362, %shift_right_logical3A_364 : vector<16xi32>
    %swap3A_366 = arith.constant 1 : i32
    %swap3A_367 = arith.index_cast %swap3A_366 : i32 to index
    %swap3A_368 = arith.constant 112 : index
    %swap3A_369 = tpu.vector_load %arg6[%swap3A_367, %swap3A_368] {strides = array<i32>} : memref<4x128xi32, #tpu.memory_space<vmem>>, vector<1x16xi32>,
    %swap3A_370 = vector.shape_cast %swap3A_369 : vector<1x16xi32> to vector<16xi32>
    %swap3A_371 = vector.shape_cast %shift_right_logical3A_365 : vector<16xi32> to vector<1x16xi32>
    tpu.vector_store %arg6[%swap3A_367, %swap3A_368], %swap3A_371 {strides = array<i32>} : memref<4x128xi32, #tpu.memory_space<vmem>>, vector<1x16xi32>,
    %and3A_372 = arith.constant 3 : i32
    %and3A_373 = vector.broadcast %and3A_372 : i32 to vector<16xi32>
    %and3A_374 = arith.andi %get3A_362, %and3A_373 : vector<16xi32>
    %shift_left3A_375 = arith.constant 5 : i32
    %shift_left3A_376 = vector.broadcast %shift_left3A_375 : i32 to vector<16xi32>
    %shift_left3A_377 = arith.shli %and3A_374, %shift_left3A_376 : vector<16xi32>
    %swap3A_378 = arith.constant 240 : index
    %swap3A_379 = tpu.vector_load %arg7[%swap3A_378] {strides = array<i32>} : memref<512xi32, #tpu.memory_space<vmem>>, vector<16xi32>,
    %swap3A_380 = vector.shape_cast %swap3A_379 : vector<16xi32> to vector<16xi32>
    %swap3A_381 = vector.shape_cast %shift_left3A_377 : vector<16xi32> to vector<16xi32>
    tpu.vector_store %arg7[%swap3A_378], %swap3A_381 {strides = array<i32>} : memref<512xi32, #tpu.memory_space<vmem>>, vector<16xi32>,
    %get3A_382 = arith.constant 2 : i32
    %get3A_383 = arith.index_cast %get3A_382 : i32 to index
    %get3A_384 = arith.constant 0 : index
    %get3A_385 = tpu.vector_load %arg5[%get3A_383, %get3A_384] {strides = array<i32>} : memref<4x128xi32, #tpu.memory_space<vmem>>, vector<1x16xi32>,
    %get3A_386 = vector.shape_cast %get3A_385 : vector<1x16xi32> to vector<16xi32>
    %shift_right_logical3A_387 = arith.constant 2 : i32
    %shift_right_logical3A_388 = vector.broadcast %shift_right_logical3A_387 : i32 to vector<16xi32>
    %shift_right_logical3A_389 = arith.shrui %get3A_386, %shift_right_logical3A_388 : vector<16xi32>
    %swap3A_390 = arith.constant 2 : i32
    %swap3A_391 = arith.index_cast %swap3A_390 : i32 to index
    %swap3A_392 = arith.constant 0 : index
    %swap3A_393 = tpu.vector_load %arg6[%swap3A_391, %swap3A_392] {strides = array<i32>} : memref<4x128xi32, #tpu.memory_space<vmem>>, vector<1x16xi32>,
    %swap3A_394 = vector.shape_cast %swap3A_393 : vector<1x16xi32> to vector<16xi32>
    %swap3A_395 = vector.shape_cast %shift_right_logical3A_389 : vector<16xi32> to vector<1x16xi32>
    tpu.vector_store %arg6[%swap3A_391, %swap3A_392], %swap3A_395 {strides = array<i32>} : memref<4x128xi32, #tpu.memory_space<vmem>>, vector<1x16xi32>,
    %and3A_396 = arith.constant 3 : i32
    %and3A_397 = vector.broadcast %and3A_396 : i32 to vector<16xi32>
    %and3A_398 = arith.andi %get3A_386, %and3A_397 : vector<16xi32>
    %shift_left3A_399 = arith.constant 5 : i32
    %shift_left3A_400 = vector.broadcast %shift_left3A_399 : i32 to vector<16xi32>
    %shift_left3A_401 = arith.shli %and3A_398, %shift_left3A_400 : vector<16xi32>
    %swap3A_402 = arith.constant 256 : index
    %swap3A_403 = tpu.vector_load %arg7[%swap3A_402] {strides = array<i32>} : memref<512xi32, #tpu.memory_space<vmem>>, vector<16xi32>,
    %swap3A_404 = vector.shape_cast %swap3A_403 : vector<16xi32> to vector<16xi32>
    %swap3A_405 = vector.shape_cast %shift_left3A_401 : vector<16xi32> to vector<16xi32>
    tpu.vector_store %arg7[%swap3A_402], %swap3A_405 {strides = array<i32>} : memref<512xi32, #tpu.memory_space<vmem>>, vector<16xi32>,
    %get3A_406 = arith.constant 2 : i32
    %get3A_407 = arith.index_cast %get3A_406 : i32 to index
    %get3A_408 = arith.constant 16 : index
    %get3A_409 = tpu.vector_load %arg5[%get3A_407, %get3A_408] {strides = array<i32>} : memref<4x128xi32, #tpu.memory_space<vmem>>, vector<1x16xi32>,
    %get3A_410 = vector.shape_cast %get3A_409 : vector<1x16xi32> to vector<16xi32>
    %shift_right_logical3A_411 = arith.constant 2 : i32
    %shift_right_logical3A_412 = vector.broadcast %shift_right_logical3A_411 : i32 to vector<16xi32>
    %shift_right_logical3A_413 = arith.shrui %get3A_410, %shift_right_logical3A_412 : vector<16xi32>
    %swap3A_414 = arith.constant 2 : i32
    %swap3A_415 = arith.index_cast %swap3A_414 : i32 to index
    %swap3A_416 = arith.constant 16 : index
    %swap3A_417 = tpu.vector_load %arg6[%swap3A_415, %swap3A_416] {strides = array<i32>} : memref<4x128xi32, #tpu.memory_space<vmem>>, vector<1x16xi32>,
    %swap3A_418 = vector.shape_cast %swap3A_417 : vector<1x16xi32> to vector<16xi32>
    %swap3A_419 = vector.shape_cast %shift_right_logical3A_413 : vector<16xi32> to vector<1x16xi32>
    tpu.vector_store %arg6[%swap3A_415, %swap3A_416], %swap3A_419 {strides = array<i32>} : memref<4x128xi32, #tpu.memory_space<vmem>>, vector<1x16xi32>,
    %and3A_420 = arith.constant 3 : i32
    %and3A_421 = vector.broadcast %and3A_420 : i32 to vector<16xi32>
    %and3A_422 = arith.andi %get3A_410, %and3A_421 : vector<16xi32>
    %shift_left3A_423 = arith.constant 5 : i32
    %shift_left3A_424 = vector.broadcast %shift_left3A_423 : i32 to vector<16xi32>
    %shift_left3A_425 = arith.shli %and3A_422, %shift_left3A_424 : vector<16xi32>
    %swap3A_426 = arith.constant 272 : index
    %swap3A_427 = tpu.vector_load %arg7[%swap3A_426] {strides = array<i32>} : memref<512xi32, #tpu.memory_space<vmem>>, vector<16xi32>,
    %swap3A_428 = vector.shape_cast %swap3A_427 : vector<16xi32> to vector<16xi32>
    %swap3A_429 = vector.shape_cast %shift_left3A_425 : vector<16xi32> to vector<16xi32>
    tpu.vector_store %arg7[%swap3A_426], %swap3A_429 {strides = array<i32>} : memref<512xi32, #tpu.memory_space<vmem>>, vector<16xi32>,
    %get3A_430 = arith.constant 2 : i32
    %get3A_431 = arith.index_cast %get3A_430 : i32 to index
    %get3A_432 = arith.constant 32 : index
    %get3A_433 = tpu.vector_load %arg5[%get3A_431, %get3A_432] {strides = array<i32>} : memref<4x128xi32, #tpu.memory_space<vmem>>, vector<1x16xi32>,
    %get3A_434 = vector.shape_cast %get3A_433 : vector<1x16xi32> to vector<16xi32>
    %shift_right_logical3A_435 = arith.constant 2 : i32
    %shift_right_logical3A_436 = vector.broadcast %shift_right_logical3A_435 : i32 to vector<16xi32>
    %shift_right_logical3A_437 = arith.shrui %get3A_434, %shift_right_logical3A_436 : vector<16xi32>
    %swap3A_438 = arith.constant 2 : i32
    %swap3A_439 = arith.index_cast %swap3A_438 : i32 to index
    %swap3A_440 = arith.constant 32 : index
    %swap3A_441 = tpu.vector_load %arg6[%swap3A_439, %swap3A_440] {strides = array<i32>} : memref<4x128xi32, #tpu.memory_space<vmem>>, vector<1x16xi32>,
    %swap3A_442 = vector.shape_cast %swap3A_441 : vector<1x16xi32> to vector<16xi32>
    %swap3A_443 = vector.shape_cast %shift_right_logical3A_437 : vector<16xi32> to vector<1x16xi32>
    tpu.vector_store %arg6[%swap3A_439, %swap3A_440], %swap3A_443 {strides = array<i32>} : memref<4x128xi32, #tpu.memory_space<vmem>>, vector<1x16xi32>,
    %and3A_444 = arith.constant 3 : i32
    %and3A_445 = vector.broadcast %and3A_444 : i32 to vector<16xi32>
    %and3A_446 = arith.andi %get3A_434, %and3A_445 : vector<16xi32>
    %shift_left3A_447 = arith.constant 5 : i32
    %shift_left3A_448 = vector.broadcast %shift_left3A_447 : i32 to vector<16xi32>
    %shift_left3A_449 = arith.shli %and3A_446, %shift_left3A_448 : vector<16xi32>
    %swap3A_450 = arith.constant 288 : index
    %swap3A_451 = tpu.vector_load %arg7[%swap3A_450] {strides = array<i32>} : memref<512xi32, #tpu.memory_space<vmem>>, vector<16xi32>,
    %swap3A_452 = vector.shape_cast %swap3A_451 : vector<16xi32> to vector<16xi32>
    %swap3A_453 = vector.shape_cast %shift_left3A_449 : vector<16xi32> to vector<16xi32>
    tpu.vector_store %arg7[%swap3A_450], %swap3A_453 {strides = array<i32>} : memref<512xi32, #tpu.memory_space<vmem>>, vector<16xi32>,
    %get3A_454 = arith.constant 2 : i32
    %get3A_455 = arith.index_cast %get3A_454 : i32 to index
    %get3A_456 = arith.constant 48 : index
    %get3A_457 = tpu.vector_load %arg5[%get3A_455, %get3A_456] {strides = array<i32>} : memref<4x128xi32, #tpu.memory_space<vmem>>, vector<1x16xi32>,
    %get3A_458 = vector.shape_cast %get3A_457 : vector<1x16xi32> to vector<16xi32>
    %shift_right_logical3A_459 = arith.constant 2 : i32
    %shift_right_logical3A_460 = vector.broadcast %shift_right_logical3A_459 : i32 to vector<16xi32>
    %shift_right_logical3A_461 = arith.shrui %get3A_458, %shift_right_logical3A_460 : vector<16xi32>
    %swap3A_462 = arith.constant 2 : i32
    %swap3A_463 = arith.index_cast %swap3A_462 : i32 to index
    %swap3A_464 = arith.constant 48 : index
    %swap3A_465 = tpu.vector_load %arg6[%swap3A_463, %swap3A_464] {strides = array<i32>} : memref<4x128xi32, #tpu.memory_space<vmem>>, vector<1x16xi32>,
    %swap3A_466 = vector.shape_cast %swap3A_465 : vector<1x16xi32> to vector<16xi32>
    %swap3A_467 = vector.shape_cast %shift_right_logical3A_461 : vector<16xi32> to vector<1x16xi32>
    tpu.vector_store %arg6[%swap3A_463, %swap3A_464], %swap3A_467 {strides = array<i32>} : memref<4x128xi32, #tpu.memory_space<vmem>>, vector<1x16xi32>,
    %and3A_468 = arith.constant 3 : i32
    %and3A_469 = vector.broadcast %and3A_468 : i32 to vector<16xi32>
    %and3A_470 = arith.andi %get3A_458, %and3A_469 : vector<16xi32>
    %shift_left3A_471 = arith.constant 5 : i32
    %shift_left3A_472 = vector.broadcast %shift_left3A_471 : i32 to vector<16xi32>
    %shift_left3A_473 = arith.shli %and3A_470, %shift_left3A_472 : vector<16xi32>
    %swap3A_474 = arith.constant 304 : index
    %swap3A_475 = tpu.vector_load %arg7[%swap3A_474] {strides = array<i32>} : memref<512xi32, #tpu.memory_space<vmem>>, vector<16xi32>,
    %swap3A_476 = vector.shape_cast %swap3A_475 : vector<16xi32> to vector<16xi32>
    %swap3A_477 = vector.shape_cast %shift_left3A_473 : vector<16xi32> to vector<16xi32>
    tpu.vector_store %arg7[%swap3A_474], %swap3A_477 {strides = array<i32>} : memref<512xi32, #tpu.memory_space<vmem>>, vector<16xi32>,
    %get3A_478 = arith.constant 2 : i32
    %get3A_479 = arith.index_cast %get3A_478 : i32 to index
    %get3A_480 = arith.constant 64 : index
    %get3A_481 = tpu.vector_load %arg5[%get3A_479, %get3A_480] {strides = array<i32>} : memref<4x128xi32, #tpu.memory_space<vmem>>, vector<1x16xi32>,
    %get3A_482 = vector.shape_cast %get3A_481 : vector<1x16xi32> to vector<16xi32>
    %shift_right_logical3A_483 = arith.constant 2 : i32
    %shift_right_logical3A_484 = vector.broadcast %shift_right_logical3A_483 : i32 to vector<16xi32>
    %shift_right_logical3A_485 = arith.shrui %get3A_482, %shift_right_logical3A_484 : vector<16xi32>
    %swap3A_486 = arith.constant 2 : i32
    %swap3A_487 = arith.index_cast %swap3A_486 : i32 to index
    %swap3A_488 = arith.constant 64 : index
    %swap3A_489 = tpu.vector_load %arg6[%swap3A_487, %swap3A_488] {strides = array<i32>} : memref<4x128xi32, #tpu.memory_space<vmem>>, vector<1x16xi32>,
    %swap3A_490 = vector.shape_cast %swap3A_489 : vector<1x16xi32> to vector<16xi32>
    %swap3A_491 = vector.shape_cast %shift_right_logical3A_485 : vector<16xi32> to vector<1x16xi32>
    tpu.vector_store %arg6[%swap3A_487, %swap3A_488], %swap3A_491 {strides = array<i32>} : memref<4x128xi32, #tpu.memory_space<vmem>>, vector<1x16xi32>,
    %and3A_492 = arith.constant 3 : i32
    %and3A_493 = vector.broadcast %and3A_492 : i32 to vector<16xi32>
    %and3A_494 = arith.andi %get3A_482, %and3A_493 : vector<16xi32>
    %shift_left3A_495 = arith.constant 5 : i32
    %shift_left3A_496 = vector.broadcast %shift_left3A_495 : i32 to vector<16xi32>
    %shift_left3A_497 = arith.shli %and3A_494, %shift_left3A_496 : vector<16xi32>
    %swap3A_498 = arith.constant 320 : index
    %swap3A_499 = tpu.vector_load %arg7[%swap3A_498] {strides = array<i32>} : memref<512xi32, #tpu.memory_space<vmem>>, vector<16xi32>,
    %swap3A_500 = vector.shape_cast %swap3A_499 : vector<16xi32> to vector<16xi32>
    %swap3A_501 = vector.shape_cast %shift_left3A_497 : vector<16xi32> to vector<16xi32>
    tpu.vector_store %arg7[%swap3A_498], %swap3A_501 {strides = array<i32>} : memref<512xi32, #tpu.memory_space<vmem>>, vector<16xi32>,
    %get3A_502 = arith.constant 2 : i32
    %get3A_503 = arith.index_cast %get3A_502 : i32 to index
    %get3A_504 = arith.constant 80 : index
    %get3A_505 = tpu.vector_load %arg5[%get3A_503, %get3A_504] {strides = array<i32>} : memref<4x128xi32, #tpu.memory_space<vmem>>, vector<1x16xi32>,
    %get3A_506 = vector.shape_cast %get3A_505 : vector<1x16xi32> to vector<16xi32>
    %shift_right_logical3A_507 = arith.constant 2 : i32
    %shift_right_logical3A_508 = vector.broadcast %shift_right_logical3A_507 : i32 to vector<16xi32>
    %shift_right_logical3A_509 = arith.shrui %get3A_506, %shift_right_logical3A_508 : vector<16xi32>
    %swap3A_510 = arith.constant 2 : i32
    %swap3A_511 = arith.index_cast %swap3A_510 : i32 to index
    %swap3A_512 = arith.constant 80 : index
    %swap3A_513 = tpu.vector_load %arg6[%swap3A_511, %swap3A_512] {strides = array<i32>} : memref<4x128xi32, #tpu.memory_space<vmem>>, vector<1x16xi32>,
    %swap3A_514 = vector.shape_cast %swap3A_513 : vector<1x16xi32> to vector<16xi32>
    %swap3A_515 = vector.shape_cast %shift_right_logical3A_509 : vector<16xi32> to vector<1x16xi32>
    tpu.vector_store %arg6[%swap3A_511, %swap3A_512], %swap3A_515 {strides = array<i32>} : memref<4x128xi32, #tpu.memory_space<vmem>>, vector<1x16xi32>,
    %and3A_516 = arith.constant 3 : i32
    %and3A_517 = vector.broadcast %and3A_516 : i32 to vector<16xi32>
    %and3A_518 = arith.andi %get3A_506, %and3A_517 : vector<16xi32>
    %shift_left3A_519 = arith.constant 5 : i32
    %shift_left3A_520 = vector.broadcast %shift_left3A_519 : i32 to vector<16xi32>
    %shift_left3A_521 = arith.shli %and3A_518, %shift_left3A_520 : vector<16xi32>
    %swap3A_522 = arith.constant 336 : index
    %swap3A_523 = tpu.vector_load %arg7[%swap3A_522] {strides = array<i32>} : memref<512xi32, #tpu.memory_space<vmem>>, vector<16xi32>,
    %swap3A_524 = vector.shape_cast %swap3A_523 : vector<16xi32> to vector<16xi32>
    %swap3A_525 = vector.shape_cast %shift_left3A_521 : vector<16xi32> to vector<16xi32>
    tpu.vector_store %arg7[%swap3A_522], %swap3A_525 {strides = array<i32>} : memref<512xi32, #tpu.memory_space<vmem>>, vector<16xi32>,
    %get3A_526 = arith.constant 2 : i32
    %get3A_527 = arith.index_cast %get3A_526 : i32 to index
    %get3A_528 = arith.constant 96 : index
    %get3A_529 = tpu.vector_load %arg5[%get3A_527, %get3A_528] {strides = array<i32>} : memref<4x128xi32, #tpu.memory_space<vmem>>, vector<1x16xi32>,
    %get3A_530 = vector.shape_cast %get3A_529 : vector<1x16xi32> to vector<16xi32>
    %shift_right_logical3A_531 = arith.constant 2 : i32
    %shift_right_logical3A_532 = vector.broadcast %shift_right_logical3A_531 : i32 to vector<16xi32>
    %shift_right_logical3A_533 = arith.shrui %get3A_530, %shift_right_logical3A_532 : vector<16xi32>
    %swap3A_534 = arith.constant 2 : i32
    %swap3A_535 = arith.index_cast %swap3A_534 : i32 to index
    %swap3A_536 = arith.constant 96 : index
    %swap3A_537 = tpu.vector_load %arg6[%swap3A_535, %swap3A_536] {strides = array<i32>} : memref<4x128xi32, #tpu.memory_space<vmem>>, vector<1x16xi32>,
    %swap3A_538 = vector.shape_cast %swap3A_537 : vector<1x16xi32> to vector<16xi32>
    %swap3A_539 = vector.shape_cast %shift_right_logical3A_533 : vector<16xi32> to vector<1x16xi32>
    tpu.vector_store %arg6[%swap3A_535, %swap3A_536], %swap3A_539 {strides = array<i32>} : memref<4x128xi32, #tpu.memory_space<vmem>>, vector<1x16xi32>,
    %and3A_540 = arith.constant 3 : i32
    %and3A_541 = vector.broadcast %and3A_540 : i32 to vector<16xi32>
    %and3A_542 = arith.andi %get3A_530, %and3A_541 : vector<16xi32>
    %shift_left3A_543 = arith.constant 5 : i32
    %shift_left3A_544 = vector.broadcast %shift_left3A_543 : i32 to vector<16xi32>
    %shift_left3A_545 = arith.shli %and3A_542, %shift_left3A_544 : vector<16xi32>
    %swap3A_546 = arith.constant 352 : index
    %swap3A_547 = tpu.vector_load %arg7[%swap3A_546] {strides = array<i32>} : memref<512xi32, #tpu.memory_space<vmem>>, vector<16xi32>,
    %swap3A_548 = vector.shape_cast %swap3A_547 : vector<16xi32> to vector<16xi32>
    %swap3A_549 = vector.shape_cast %shift_left3A_545 : vector<16xi32> to vector<16xi32>
    tpu.vector_store %arg7[%swap3A_546], %swap3A_549 {strides = array<i32>} : memref<512xi32, #tpu.memory_space<vmem>>, vector<16xi32>,
    %get3A_550 = arith.constant 2 : i32
    %get3A_551 = arith.index_cast %get3A_550 : i32 to index
    %get3A_552 = arith.constant 112 : index
    %get3A_553 = tpu.vector_load %arg5[%get3A_551, %get3A_552] {strides = array<i32>} : memref<4x128xi32, #tpu.memory_space<vmem>>, vector<1x16xi32>,
    %get3A_554 = vector.shape_cast %get3A_553 : vector<1x16xi32> to vector<16xi32>
    %shift_right_logical3A_555 = arith.constant 2 : i32
    %shift_right_logical3A_556 = vector.broadcast %shift_right_logical3A_555 : i32 to vector<16xi32>
    %shift_right_logical3A_557 = arith.shrui %get3A_554, %shift_right_logical3A_556 : vector<16xi32>
    %swap3A_558 = arith.constant 2 : i32
    %swap3A_559 = arith.index_cast %swap3A_558 : i32 to index
    %swap3A_560 = arith.constant 112 : index
    %swap3A_561 = tpu.vector_load %arg6[%swap3A_559, %swap3A_560] {strides = array<i32>} : memref<4x128xi32, #tpu.memory_space<vmem>>, vector<1x16xi32>,
    %swap3A_562 = vector.shape_cast %swap3A_561 : vector<1x16xi32> to vector<16xi32>
    %swap3A_563 = vector.shape_cast %shift_right_logical3A_557 : vector<16xi32> to vector<1x16xi32>
    tpu.vector_store %arg6[%swap3A_559, %swap3A_560], %swap3A_563 {strides = array<i32>} : memref<4x128xi32, #tpu.memory_space<vmem>>, vector<1x16xi32>,
    %and3A_564 = arith.constant 3 : i32
    %and3A_565 = vector.broadcast %and3A_564 : i32 to vector<16xi32>
    %and3A_566 = arith.andi %get3A_554, %and3A_565 : vector<16xi32>
    %shift_left3A_567 = arith.constant 5 : i32
    %shift_left3A_568 = vector.broadcast %shift_left3A_567 : i32 to vector<16xi32>
    %shift_left3A_569 = arith.shli %and3A_566, %shift_left3A_568 : vector<16xi32>
    %swap3A_570 = arith.constant 368 : index
    %swap3A_571 = tpu.vector_load %arg7[%swap3A_570] {strides = array<i32>} : memref<512xi32, #tpu.memory_space<vmem>>, vector<16xi32>,
    %swap3A_572 = vector.shape_cast %swap3A_571 : vector<16xi32> to vector<16xi32>
    %swap3A_573 = vector.shape_cast %shift_left3A_569 : vector<16xi32> to vector<16xi32>
    tpu.vector_store %arg7[%swap3A_570], %swap3A_573 {strides = array<i32>} : memref<512xi32, #tpu.memory_space<vmem>>, vector<16xi32>,
    %get3A_574 = arith.constant 3 : i32
    %get3A_575 = arith.index_cast %get3A_574 : i32 to index
    %get3A_576 = arith.constant 0 : index
    %get3A_577 = tpu.vector_load %arg5[%get3A_575, %get3A_576] {strides = array<i32>} : memref<4x128xi32, #tpu.memory_space<vmem>>, vector<1x16xi32>,
    %get3A_578 = vector.shape_cast %get3A_577 : vector<1x16xi32> to vector<16xi32>
    %shift_right_logical3A_579 = arith.constant 2 : i32
    %shift_right_logical3A_580 = vector.broadcast %shift_right_logical3A_579 : i32 to vector<16xi32>
    %shift_right_logical3A_581 = arith.shrui %get3A_578, %shift_right_logical3A_580 : vector<16xi32>
    %swap3A_582 = arith.constant 3 : i32
    %swap3A_583 = arith.index_cast %swap3A_582 : i32 to index
    %swap3A_584 = arith.constant 0 : index
    %swap3A_585 = tpu.vector_load %arg6[%swap3A_583, %swap3A_584] {strides = array<i32>} : memref<4x128xi32, #tpu.memory_space<vmem>>, vector<1x16xi32>,
    %swap3A_586 = vector.shape_cast %swap3A_585 : vector<1x16xi32> to vector<16xi32>
    %swap3A_587 = vector.shape_cast %shift_right_logical3A_581 : vector<16xi32> to vector<1x16xi32>
    tpu.vector_store %arg6[%swap3A_583, %swap3A_584], %swap3A_587 {strides = array<i32>} : memref<4x128xi32, #tpu.memory_space<vmem>>, vector<1x16xi32>,
    %and3A_588 = arith.constant 3 : i32
    %and3A_589 = vector.broadcast %and3A_588 : i32 to vector<16xi32>
    %and3A_590 = arith.andi %get3A_578, %and3A_589 : vector<16xi32>
    %shift_left3A_591 = arith.constant 5 : i32
    %shift_left3A_592 = vector.broadcast %shift_left3A_591 : i32 to vector<16xi32>
    %shift_left3A_593 = arith.shli %and3A_590, %shift_left3A_592 : vector<16xi32>
    %swap3A_594 = arith.constant 384 : index
    %swap3A_595 = tpu.vector_load %arg7[%swap3A_594] {strides = array<i32>} : memref<512xi32, #tpu.memory_space<vmem>>, vector<16xi32>,
    %swap3A_596 = vector.shape_cast %swap3A_595 : vector<16xi32> to vector<16xi32>
    %swap3A_597 = vector.shape_cast %shift_left3A_593 : vector<16xi32> to vector<16xi32>
    tpu.vector_store %arg7[%swap3A_594], %swap3A_597 {strides = array<i32>} : memref<512xi32, #tpu.memory_space<vmem>>, vector<16xi32>,
    %get3A_598 = arith.constant 3 : i32
    %get3A_599 = arith.index_cast %get3A_598 : i32 to index
    %get3A_600 = arith.constant 16 : index
    %get3A_601 = tpu.vector_load %arg5[%get3A_599, %get3A_600] {strides = array<i32>} : memref<4x128xi32, #tpu.memory_space<vmem>>, vector<1x16xi32>,
    %get3A_602 = vector.shape_cast %get3A_601 : vector<1x16xi32> to vector<16xi32>
    %shift_right_logical3A_603 = arith.constant 2 : i32
    %shift_right_logical3A_604 = vector.broadcast %shift_right_logical3A_603 : i32 to vector<16xi32>
    %shift_right_logical3A_605 = arith.shrui %get3A_602, %shift_right_logical3A_604 : vector<16xi32>
    %swap3A_606 = arith.constant 3 : i32
    %swap3A_607 = arith.index_cast %swap3A_606 : i32 to index
    %swap3A_608 = arith.constant 16 : index
    %swap3A_609 = tpu.vector_load %arg6[%swap3A_607, %swap3A_608] {strides = array<i32>} : memref<4x128xi32, #tpu.memory_space<vmem>>, vector<1x16xi32>,
    %swap3A_610 = vector.shape_cast %swap3A_609 : vector<1x16xi32> to vector<16xi32>
    %swap3A_611 = vector.shape_cast %shift_right_logical3A_605 : vector<16xi32> to vector<1x16xi32>
    tpu.vector_store %arg6[%swap3A_607, %swap3A_608], %swap3A_611 {strides = array<i32>} : memref<4x128xi32, #tpu.memory_space<vmem>>, vector<1x16xi32>,
    %and3A_612 = arith.constant 3 : i32
    %and3A_613 = vector.broadcast %and3A_612 : i32 to vector<16xi32>
    %and3A_614 = arith.andi %get3A_602, %and3A_613 : vector<16xi32>
    %shift_left3A_615 = arith.constant 5 : i32
    %shift_left3A_616 = vector.broadcast %shift_left3A_615 : i32 to vector<16xi32>
    %shift_left3A_617 = arith.shli %and3A_614, %shift_left3A_616 : vector<16xi32>
    %swap3A_618 = arith.constant 400 : index
    %swap3A_619 = tpu.vector_load %arg7[%swap3A_618] {strides = array<i32>} : memref<512xi32, #tpu.memory_space<vmem>>, vector<16xi32>,
    %swap3A_620 = vector.shape_cast %swap3A_619 : vector<16xi32> to vector<16xi32>
    %swap3A_621 = vector.shape_cast %shift_left3A_617 : vector<16xi32> to vector<16xi32>
    tpu.vector_store %arg7[%swap3A_618], %swap3A_621 {strides = array<i32>} : memref<512xi32, #tpu.memory_space<vmem>>, vector<16xi32>,
    %get3A_622 = arith.constant 3 : i32
    %get3A_623 = arith.index_cast %get3A_622 : i32 to index
    %get3A_624 = arith.constant 32 : index
    %get3A_625 = tpu.vector_load %arg5[%get3A_623, %get3A_624] {strides = array<i32>} : memref<4x128xi32, #tpu.memory_space<vmem>>, vector<1x16xi32>,
    %get3A_626 = vector.shape_cast %get3A_625 : vector<1x16xi32> to vector<16xi32>
    %shift_right_logical3A_627 = arith.constant 2 : i32
    %shift_right_logical3A_628 = vector.broadcast %shift_right_logical3A_627 : i32 to vector<16xi32>
    %shift_right_logical3A_629 = arith.shrui %get3A_626, %shift_right_logical3A_628 : vector<16xi32>
    %swap3A_630 = arith.constant 3 : i32
    %swap3A_631 = arith.index_cast %swap3A_630 : i32 to index
    %swap3A_632 = arith.constant 32 : index
    %swap3A_633 = tpu.vector_load %arg6[%swap3A_631, %swap3A_632] {strides = array<i32>} : memref<4x128xi32, #tpu.memory_space<vmem>>, vector<1x16xi32>,
    %swap3A_634 = vector.shape_cast %swap3A_633 : vector<1x16xi32> to vector<16xi32>
    %swap3A_635 = vector.shape_cast %shift_right_logical3A_629 : vector<16xi32> to vector<1x16xi32>
    tpu.vector_store %arg6[%swap3A_631, %swap3A_632], %swap3A_635 {strides = array<i32>} : memref<4x128xi32, #tpu.memory_space<vmem>>, vector<1x16xi32>,
    %and3A_636 = arith.constant 3 : i32
    %and3A_637 = vector.broadcast %and3A_636 : i32 to vector<16xi32>
    %and3A_638 = arith.andi %get3A_626, %and3A_637 : vector<16xi32>
    %shift_left3A_639 = arith.constant 5 : i32
    %shift_left3A_640 = vector.broadcast %shift_left3A_639 : i32 to vector<16xi32>
    %shift_left3A_641 = arith.shli %and3A_638, %shift_left3A_640 : vector<16xi32>
    %swap3A_642 = arith.constant 416 : index
    %swap3A_643 = tpu.vector_load %arg7[%swap3A_642] {strides = array<i32>} : memref<512xi32, #tpu.memory_space<vmem>>, vector<16xi32>,
    %swap3A_644 = vector.shape_cast %swap3A_643 : vector<16xi32> to vector<16xi32>
    %swap3A_645 = vector.shape_cast %shift_left3A_641 : vector<16xi32> to vector<16xi32>
    tpu.vector_store %arg7[%swap3A_642], %swap3A_645 {strides = array<i32>} : memref<512xi32, #tpu.memory_space<vmem>>, vector<16xi32>,
    %get3A_646 = arith.constant 3 : i32
    %get3A_647 = arith.index_cast %get3A_646 : i32 to index
    %get3A_648 = arith.constant 48 : index
    %get3A_649 = tpu.vector_load %arg5[%get3A_647, %get3A_648] {strides = array<i32>} : memref<4x128xi32, #tpu.memory_space<vmem>>, vector<1x16xi32>,
    %get3A_650 = vector.shape_cast %get3A_649 : vector<1x16xi32> to vector<16xi32>
    %shift_right_logical3A_651 = arith.constant 2 : i32
    %shift_right_logical3A_652 = vector.broadcast %shift_right_logical3A_651 : i32 to vector<16xi32>
    %shift_right_logical3A_653 = arith.shrui %get3A_650, %shift_right_logical3A_652 : vector<16xi32>
    %swap3A_654 = arith.constant 3 : i32
    %swap3A_655 = arith.index_cast %swap3A_654 : i32 to index
    %swap3A_656 = arith.constant 48 : index
    %swap3A_657 = tpu.vector_load %arg6[%swap3A_655, %swap3A_656] {strides = array<i32>} : memref<4x128xi32, #tpu.memory_space<vmem>>, vector<1x16xi32>,
    %swap3A_658 = vector.shape_cast %swap3A_657 : vector<1x16xi32> to vector<16xi32>
    %swap3A_659 = vector.shape_cast %shift_right_logical3A_653 : vector<16xi32> to vector<1x16xi32>
    tpu.vector_store %arg6[%swap3A_655, %swap3A_656], %swap3A_659 {strides = array<i32>} : memref<4x128xi32, #tpu.memory_space<vmem>>, vector<1x16xi32>,
    %and3A_660 = arith.constant 3 : i32
    %and3A_661 = vector.broadcast %and3A_660 : i32 to vector<16xi32>
    %and3A_662 = arith.andi %get3A_650, %and3A_661 : vector<16xi32>
    %shift_left3A_663 = arith.constant 5 : i32
    %shift_left3A_664 = vector.broadcast %shift_left3A_663 : i32 to vector<16xi32>
    %shift_left3A_665 = arith.shli %and3A_662, %shift_left3A_664 : vector<16xi32>
    %swap3A_666 = arith.constant 432 : index
    %swap3A_667 = tpu.vector_load %arg7[%swap3A_666] {strides = array<i32>} : memref<512xi32, #tpu.memory_space<vmem>>, vector<16xi32>,
    %swap3A_668 = vector.shape_cast %swap3A_667 : vector<16xi32> to vector<16xi32>
    %swap3A_669 = vector.shape_cast %shift_left3A_665 : vector<16xi32> to vector<16xi32>
    tpu.vector_store %arg7[%swap3A_666], %swap3A_669 {strides = array<i32>} : memref<512xi32, #tpu.memory_space<vmem>>, vector<16xi32>,
    %get3A_670 = arith.constant 3 : i32
    %get3A_671 = arith.index_cast %get3A_670 : i32 to index
    %get3A_672 = arith.constant 64 : index
    %get3A_673 = tpu.vector_load %arg5[%get3A_671, %get3A_672] {strides = array<i32>} : memref<4x128xi32, #tpu.memory_space<vmem>>, vector<1x16xi32>,
    %get3A_674 = vector.shape_cast %get3A_673 : vector<1x16xi32> to vector<16xi32>
    %shift_right_logical3A_675 = arith.constant 2 : i32
    %shift_right_logical3A_676 = vector.broadcast %shift_right_logical3A_675 : i32 to vector<16xi32>
    %shift_right_logical3A_677 = arith.shrui %get3A_674, %shift_right_logical3A_676 : vector<16xi32>
    %swap3A_678 = arith.constant 3 : i32
    %swap3A_679 = arith.index_cast %swap3A_678 : i32 to index
    %swap3A_680 = arith.constant 64 : index
    %swap3A_681 = tpu.vector_load %arg6[%swap3A_679, %swap3A_680] {strides = array<i32>} : memref<4x128xi32, #tpu.memory_space<vmem>>, vector<1x16xi32>,
    %swap3A_682 = vector.shape_cast %swap3A_681 : vector<1x16xi32> to vector<16xi32>
    %swap3A_683 = vector.shape_cast %shift_right_logical3A_677 : vector<16xi32> to vector<1x16xi32>
    tpu.vector_store %arg6[%swap3A_679, %swap3A_680], %swap3A_683 {strides = array<i32>} : memref<4x128xi32, #tpu.memory_space<vmem>>, vector<1x16xi32>,
    %and3A_684 = arith.constant 3 : i32
    %and3A_685 = vector.broadcast %and3A_684 : i32 to vector<16xi32>
    %and3A_686 = arith.andi %get3A_674, %and3A_685 : vector<16xi32>
    %shift_left3A_687 = arith.constant 5 : i32
    %shift_left3A_688 = vector.broadcast %shift_left3A_687 : i32 to vector<16xi32>
    %shift_left3A_689 = arith.shli %and3A_686, %shift_left3A_688 : vector<16xi32>
    %swap3A_690 = arith.constant 448 : index
    %swap3A_691 = tpu.vector_load %arg7[%swap3A_690] {strides = array<i32>} : memref<512xi32, #tpu.memory_space<vmem>>, vector<16xi32>,
    %swap3A_692 = vector.shape_cast %swap3A_691 : vector<16xi32> to vector<16xi32>
    %swap3A_693 = vector.shape_cast %shift_left3A_689 : vector<16xi32> to vector<16xi32>
    tpu.vector_store %arg7[%swap3A_690], %swap3A_693 {strides = array<i32>} : memref<512xi32, #tpu.memory_space<vmem>>, vector<16xi32>,
    %get3A_694 = arith.constant 3 : i32
    %get3A_695 = arith.index_cast %get3A_694 : i32 to index
    %get3A_696 = arith.constant 80 : index
    %get3A_697 = tpu.vector_load %arg5[%get3A_695, %get3A_696] {strides = array<i32>} : memref<4x128xi32, #tpu.memory_space<vmem>>, vector<1x16xi32>,
    %get3A_698 = vector.shape_cast %get3A_697 : vector<1x16xi32> to vector<16xi32>
    %shift_right_logical3A_699 = arith.constant 2 : i32
    %shift_right_logical3A_700 = vector.broadcast %shift_right_logical3A_699 : i32 to vector<16xi32>
    %shift_right_logical3A_701 = arith.shrui %get3A_698, %shift_right_logical3A_700 : vector<16xi32>
    %swap3A_702 = arith.constant 3 : i32
    %swap3A_703 = arith.index_cast %swap3A_702 : i32 to index
    %swap3A_704 = arith.constant 80 : index
    %swap3A_705 = tpu.vector_load %arg6[%swap3A_703, %swap3A_704] {strides = array<i32>} : memref<4x128xi32, #tpu.memory_space<vmem>>, vector<1x16xi32>,
    %swap3A_706 = vector.shape_cast %swap3A_705 : vector<1x16xi32> to vector<16xi32>
    %swap3A_707 = vector.shape_cast %shift_right_logical3A_701 : vector<16xi32> to vector<1x16xi32>
    tpu.vector_store %arg6[%swap3A_703, %swap3A_704], %swap3A_707 {strides = array<i32>} : memref<4x128xi32, #tpu.memory_space<vmem>>, vector<1x16xi32>,
    %and3A_708 = arith.constant 3 : i32
    %and3A_709 = vector.broadcast %and3A_708 : i32 to vector<16xi32>
    %and3A_710 = arith.andi %get3A_698, %and3A_709 : vector<16xi32>
    %shift_left3A_711 = arith.constant 5 : i32
    %shift_left3A_712 = vector.broadcast %shift_left3A_711 : i32 to vector<16xi32>
    %shift_left3A_713 = arith.shli %and3A_710, %shift_left3A_712 : vector<16xi32>
    %swap3A_714 = arith.constant 464 : index
    %swap3A_715 = tpu.vector_load %arg7[%swap3A_714] {strides = array<i32>} : memref<512xi32, #tpu.memory_space<vmem>>, vector<16xi32>,
    %swap3A_716 = vector.shape_cast %swap3A_715 : vector<16xi32> to vector<16xi32>
    %swap3A_717 = vector.shape_cast %shift_left3A_713 : vector<16xi32> to vector<16xi32>
    tpu.vector_store %arg7[%swap3A_714], %swap3A_717 {strides = array<i32>} : memref<512xi32, #tpu.memory_space<vmem>>, vector<16xi32>,
    %get3A_718 = arith.constant 3 : i32
    %get3A_719 = arith.index_cast %get3A_718 : i32 to index
    %get3A_720 = arith.constant 96 : index
    %get3A_721 = tpu.vector_load %arg5[%get3A_719, %get3A_720] {strides = array<i32>} : memref<4x128xi32, #tpu.memory_space<vmem>>, vector<1x16xi32>,
    %get3A_722 = vector.shape_cast %get3A_721 : vector<1x16xi32> to vector<16xi32>
    %shift_right_logical3A_723 = arith.constant 2 : i32
    %shift_right_logical3A_724 = vector.broadcast %shift_right_logical3A_723 : i32 to vector<16xi32>
    %shift_right_logical3A_725 = arith.shrui %get3A_722, %shift_right_logical3A_724 : vector<16xi32>
    %swap3A_726 = arith.constant 3 : i32
    %swap3A_727 = arith.index_cast %swap3A_726 : i32 to index
    %swap3A_728 = arith.constant 96 : index
    %swap3A_729 = tpu.vector_load %arg6[%swap3A_727, %swap3A_728] {strides = array<i32>} : memref<4x128xi32, #tpu.memory_space<vmem>>, vector<1x16xi32>,
    %swap3A_730 = vector.shape_cast %swap3A_729 : vector<1x16xi32> to vector<16xi32>
    %swap3A_731 = vector.shape_cast %shift_right_logical3A_725 : vector<16xi32> to vector<1x16xi32>
    tpu.vector_store %arg6[%swap3A_727, %swap3A_728], %swap3A_731 {strides = array<i32>} : memref<4x128xi32, #tpu.memory_space<vmem>>, vector<1x16xi32>,
    %and3A_732 = arith.constant 3 : i32
    %and3A_733 = vector.broadcast %and3A_732 : i32 to vector<16xi32>
    %and3A_734 = arith.andi %get3A_722, %and3A_733 : vector<16xi32>
    %shift_left3A_735 = arith.constant 5 : i32
    %shift_left3A_736 = vector.broadcast %shift_left3A_735 : i32 to vector<16xi32>
    %shift_left3A_737 = arith.shli %and3A_734, %shift_left3A_736 : vector<16xi32>
    %swap3A_738 = arith.constant 480 : index
    %swap3A_739 = tpu.vector_load %arg7[%swap3A_738] {strides = array<i32>} : memref<512xi32, #tpu.memory_space<vmem>>, vector<16xi32>,
    %swap3A_740 = vector.shape_cast %swap3A_739 : vector<16xi32> to vector<16xi32>
    %swap3A_741 = vector.shape_cast %shift_left3A_737 : vector<16xi32> to vector<16xi32>
    tpu.vector_store %arg7[%swap3A_738], %swap3A_741 {strides = array<i32>} : memref<512xi32, #tpu.memory_space<vmem>>, vector<16xi32>,
    %get3A_742 = arith.constant 3 : i32
    %get3A_743 = arith.index_cast %get3A_742 : i32 to index
    %get3A_744 = arith.constant 112 : index
    %get3A_745 = tpu.vector_load %arg5[%get3A_743, %get3A_744] {strides = array<i32>} : memref<4x128xi32, #tpu.memory_space<vmem>>, vector<1x16xi32>,
    %get3A_746 = vector.shape_cast %get3A_745 : vector<1x16xi32> to vector<16xi32>
    %shift_right_logical3A_747 = arith.constant 2 : i32
    %shift_right_logical3A_748 = vector.broadcast %shift_right_logical3A_747 : i32 to vector<16xi32>
    %shift_right_logical3A_749 = arith.shrui %get3A_746, %shift_right_logical3A_748 : vector<16xi32>
    %swap3A_750 = arith.constant 3 : i32
    %swap3A_751 = arith.index_cast %swap3A_750 : i32 to index
    %swap3A_752 = arith.constant 112 : index
    %swap3A_753 = tpu.vector_load %arg6[%swap3A_751, %swap3A_752] {strides = array<i32>} : memref<4x128xi32, #tpu.memory_space<vmem>>, vector<1x16xi32>,
    %swap3A_754 = vector.shape_cast %swap3A_753 : vector<1x16xi32> to vector<16xi32>
    %swap3A_755 = vector.shape_cast %shift_right_logical3A_749 : vector<16xi32> to vector<1x16xi32>
    tpu.vector_store %arg6[%swap3A_751, %swap3A_752], %swap3A_755 {strides = array<i32>} : memref<4x128xi32, #tpu.memory_space<vmem>>, vector<1x16xi32>,
    %and3A_756 = arith.constant 3 : i32
    %and3A_757 = vector.broadcast %and3A_756 : i32 to vector<16xi32>
    %and3A_758 = arith.andi %get3A_746, %and3A_757 : vector<16xi32>
    %shift_left3A_759 = arith.constant 5 : i32
    %shift_left3A_760 = vector.broadcast %shift_left3A_759 : i32 to vector<16xi32>
    %shift_left3A_761 = arith.shli %and3A_758, %shift_left3A_760 : vector<16xi32>
    %swap3A_762 = arith.constant 496 : index
    %swap3A_763 = tpu.vector_load %arg7[%swap3A_762] {strides = array<i32>} : memref<512xi32, #tpu.memory_space<vmem>>, vector<16xi32>,
    %swap3A_764 = vector.shape_cast %swap3A_763 : vector<16xi32> to vector<16xi32>
    %swap3A_765 = vector.shape_cast %shift_left3A_761 : vector<16xi32> to vector<16xi32>
    tpu.vector_store %arg7[%swap3A_762], %swap3A_765 {strides = array<i32>} : memref<512xi32, #tpu.memory_space<vmem>>, vector<16xi32>,
    %dma_start3A = arith.constant 0 : i32
    %dma_start3A_766 = arith.constant 0 : i32
    %dma_start3A_767 = arith.constant 0 : i32
    %dma_start3A_768 = tpu.memref_slice %arg8[%dma_start3A_766, %dma_start3A_767] : memref<512x128xf32, #tpu.memory_space<vmem>> -> memref<128x128xf32, #tpu.memory_space<vmem>>
    %dma_start3A_769 = arith.constant 0 : i32
    %dma_start3A_770 = tpu.memref_slice %arg6[%dma_start3A, %dma_start3A_769] : memref<4x128xi32, #tpu.memory_space<vmem>> -> memref<1x128xi32, #tpu.memory_space<vmem>>
    %dma_start3A_771 = tpu.memref_squeeze %dma_start3A_770 : memref<1x128xi32, #tpu.memory_space<vmem>> -> memref<128xi32, #tpu.memory_space<vmem>>
    %dma_start3A_772 = arith.constant 0 : i32
    %dma_start3A_773 = arith.constant 0 : i32
    %dma_start3A_774 = tpu.memref_slice %arg3[%dma_start3A_772, %dma_start3A_773] : memref<250000x128xf32, #tpu.memory_space<hbm>> -> memref<250000x128xf32, #tpu.memory_space<hbm>>
    tpu.enqueue_indirect_dma source(%dma_start3A_774 : memref<250000x128xf32, #tpu.memory_space<hbm>>) target(%dma_start3A_768 : memref<128x128xf32, #tpu.memory_space<vmem>>) offsets(%dma_start3A_771 : memref<128xi32, #tpu.memory_space<vmem>>) semaphore(%arg10 : memref<!tpu.dma_semaphore, #tpu.memory_space<semaphore_mem>>)
    %dma_start3A_775 = arith.constant 1 : i32
    %dma_start3A_776 = arith.constant 128 : i32
    %dma_start3A_777 = arith.constant 0 : i32
    %dma_start3A_778 = tpu.memref_slice %arg8[%dma_start3A_776, %dma_start3A_777] : memref<512x128xf32, #tpu.memory_space<vmem>> -> memref<128x128xf32, #tpu.memory_space<vmem>>
    %dma_start3A_779 = arith.constant 0 : i32
    %dma_start3A_780 = tpu.memref_slice %arg6[%dma_start3A_775, %dma_start3A_779] : memref<4x128xi32, #tpu.memory_space<vmem>> -> memref<1x128xi32, #tpu.memory_space<vmem>>
    %dma_start3A_781 = tpu.memref_squeeze %dma_start3A_780 : memref<1x128xi32, #tpu.memory_space<vmem>> -> memref<128xi32, #tpu.memory_space<vmem>>
    %dma_start3A_782 = arith.constant 0 : i32
    %dma_start3A_783 = arith.constant 0 : i32
    %dma_start3A_784 = tpu.memref_slice %arg3[%dma_start3A_782, %dma_start3A_783] : memref<250000x128xf32, #tpu.memory_space<hbm>> -> memref<250000x128xf32, #tpu.memory_space<hbm>>
    tpu.enqueue_indirect_dma source(%dma_start3A_784 : memref<250000x128xf32, #tpu.memory_space<hbm>>) target(%dma_start3A_778 : memref<128x128xf32, #tpu.memory_space<vmem>>) offsets(%dma_start3A_781 : memref<128xi32, #tpu.memory_space<vmem>>) semaphore(%arg10 : memref<!tpu.dma_semaphore, #tpu.memory_space<semaphore_mem>>)
    %dma_start3A_785 = arith.constant 2 : i32
    %dma_start3A_786 = arith.constant 256 : i32
    %dma_start3A_787 = arith.constant 0 : i32
    %dma_start3A_788 = tpu.memref_slice %arg8[%dma_start3A_786, %dma_start3A_787] : memref<512x128xf32, #tpu.memory_space<vmem>> -> memref<128x128xf32, #tpu.memory_space<vmem>>
    %dma_start3A_789 = arith.constant 0 : i32
    %dma_start3A_790 = tpu.memref_slice %arg6[%dma_start3A_785, %dma_start3A_789] : memref<4x128xi32, #tpu.memory_space<vmem>> -> memref<1x128xi32, #tpu.memory_space<vmem>>
    %dma_start3A_791 = tpu.memref_squeeze %dma_start3A_790 : memref<1x128xi32, #tpu.memory_space<vmem>> -> memref<128xi32, #tpu.memory_space<vmem>>
    %dma_start3A_792 = arith.constant 0 : i32
    %dma_start3A_793 = arith.constant 0 : i32
    %dma_start3A_794 = tpu.memref_slice %arg3[%dma_start3A_792, %dma_start3A_793] : memref<250000x128xf32, #tpu.memory_space<hbm>> -> memref<250000x128xf32, #tpu.memory_space<hbm>>
    tpu.enqueue_indirect_dma source(%dma_start3A_794 : memref<250000x128xf32, #tpu.memory_space<hbm>>) target(%dma_start3A_788 : memref<128x128xf32, #tpu.memory_space<vmem>>) offsets(%dma_start3A_791 : memref<128xi32, #tpu.memory_space<vmem>>) semaphore(%arg10 : memref<!tpu.dma_semaphore, #tpu.memory_space<semaphore_mem>>)
    %dma_start3A_795 = arith.constant 3 : i32
    %dma_start3A_796 = arith.constant 384 : i32
    %dma_start3A_797 = arith.constant 0 : i32
    %dma_start3A_798 = tpu.memref_slice %arg8[%dma_start3A_796, %dma_start3A_797] : memref<512x128xf32, #tpu.memory_space<vmem>> -> memref<128x128xf32, #tpu.memory_space<vmem>>
    %dma_start3A_799 = arith.constant 0 : i32
    %dma_start3A_800 = tpu.memref_slice %arg6[%dma_start3A_795, %dma_start3A_799] : memref<4x128xi32, #tpu.memory_space<vmem>> -> memref<1x128xi32, #tpu.memory_space<vmem>>
    %dma_start3A_801 = tpu.memref_squeeze %dma_start3A_800 : memref<1x128xi32, #tpu.memory_space<vmem>> -> memref<128xi32, #tpu.memory_space<vmem>>
    %dma_start3A_802 = arith.constant 0 : i32
    %dma_start3A_803 = arith.constant 0 : i32
    %dma_start3A_804 = tpu.memref_slice %arg3[%dma_start3A_802, %dma_start3A_803] : memref<250000x128xf32, #tpu.memory_space<hbm>> -> memref<250000x128xf32, #tpu.memory_space<hbm>>
    tpu.enqueue_indirect_dma source(%dma_start3A_804 : memref<250000x128xf32, #tpu.memory_space<hbm>>) target(%dma_start3A_798 : memref<128x128xf32, #tpu.memory_space<vmem>>) offsets(%dma_start3A_801 : memref<128xi32, #tpu.memory_space<vmem>>) semaphore(%arg10 : memref<!tpu.dma_semaphore, #tpu.memory_space<semaphore_mem>>)
    %dma_wait3A = arith.constant 0 : i32
    %dma_wait3A_805 = arith.constant 0 : i32
    %dma_wait3A_806 = arith.constant 0 : i32
    %dma_wait3A_807 = tpu.memref_slice %arg8[%dma_wait3A_805, %dma_wait3A_806] : memref<512x128xf32, #tpu.memory_space<vmem>> -> memref<128x128xf32, #tpu.memory_space<vmem>>
    %dma_wait3A_808 = arith.constant 0 : i32
    %dma_wait3A_809 = tpu.memref_slice %arg6[%dma_wait3A, %dma_wait3A_808] : memref<4x128xi32, #tpu.memory_space<vmem>> -> memref<1x128xi32, #tpu.memory_space<vmem>>
    %dma_wait3A_810 = tpu.memref_squeeze %dma_wait3A_809 : memref<1x128xi32, #tpu.memory_space<vmem>> -> memref<128xi32, #tpu.memory_space<vmem>>
    %dma_wait3A_811 = arith.constant 0 : i32
    %dma_wait3A_812 = arith.constant 0 : i32
    %dma_wait3A_813 = tpu.memref_slice %arg3[%dma_wait3A_811, %dma_wait3A_812] : memref<250000x128xf32, #tpu.memory_space<hbm>> -> memref<250000x128xf32, #tpu.memory_space<hbm>>
    tpu.wait_indirect_dma semaphore(%arg10 : memref<!tpu.dma_semaphore, #tpu.memory_space<semaphore_mem>>) src(%dma_wait3A_813 : memref<250000x128xf32, #tpu.memory_space<hbm>>) dst(%dma_wait3A_807 : memref<128x128xf32, #tpu.memory_space<vmem>>)
    %dma_wait3A_814 = arith.constant 1 : i32
    %dma_wait3A_815 = arith.constant 128 : i32
    %dma_wait3A_816 = arith.constant 0 : i32
    %dma_wait3A_817 = tpu.memref_slice %arg8[%dma_wait3A_815, %dma_wait3A_816] : memref<512x128xf32, #tpu.memory_space<vmem>> -> memref<128x128xf32, #tpu.memory_space<vmem>>
    %dma_wait3A_818 = arith.constant 0 : i32
    %dma_wait3A_819 = tpu.memref_slice %arg6[%dma_wait3A_814, %dma_wait3A_818] : memref<4x128xi32, #tpu.memory_space<vmem>> -> memref<1x128xi32, #tpu.memory_space<vmem>>
    %dma_wait3A_820 = tpu.memref_squeeze %dma_wait3A_819 : memref<1x128xi32, #tpu.memory_space<vmem>> -> memref<128xi32, #tpu.memory_space<vmem>>
    %dma_wait3A_821 = arith.constant 0 : i32
    %dma_wait3A_822 = arith.constant 0 : i32
    %dma_wait3A_823 = tpu.memref_slice %arg3[%dma_wait3A_821, %dma_wait3A_822] : memref<250000x128xf32, #tpu.memory_space<hbm>> -> memref<250000x128xf32, #tpu.memory_space<hbm>>
    tpu.wait_indirect_dma semaphore(%arg10 : memref<!tpu.dma_semaphore, #tpu.memory_space<semaphore_mem>>) src(%dma_wait3A_823 : memref<250000x128xf32, #tpu.memory_space<hbm>>) dst(%dma_wait3A_817 : memref<128x128xf32, #tpu.memory_space<vmem>>)
    %dma_wait3A_824 = arith.constant 2 : i32
    %dma_wait3A_825 = arith.constant 256 : i32
    %dma_wait3A_826 = arith.constant 0 : i32
    %dma_wait3A_827 = tpu.memref_slice %arg8[%dma_wait3A_825, %dma_wait3A_826] : memref<512x128xf32, #tpu.memory_space<vmem>> -> memref<128x128xf32, #tpu.memory_space<vmem>>
    %dma_wait3A_828 = arith.constant 0 : i32
    %dma_wait3A_829 = tpu.memref_slice %arg6[%dma_wait3A_824, %dma_wait3A_828] : memref<4x128xi32, #tpu.memory_space<vmem>> -> memref<1x128xi32, #tpu.memory_space<vmem>>
    %dma_wait3A_830 = tpu.memref_squeeze %dma_wait3A_829 : memref<1x128xi32, #tpu.memory_space<vmem>> -> memref<128xi32, #tpu.memory_space<vmem>>
    %dma_wait3A_831 = arith.constant 0 : i32
    %dma_wait3A_832 = arith.constant 0 : i32
    %dma_wait3A_833 = tpu.memref_slice %arg3[%dma_wait3A_831, %dma_wait3A_832] : memref<250000x128xf32, #tpu.memory_space<hbm>> -> memref<250000x128xf32, #tpu.memory_space<hbm>>
    tpu.wait_indirect_dma semaphore(%arg10 : memref<!tpu.dma_semaphore, #tpu.memory_space<semaphore_mem>>) src(%dma_wait3A_833 : memref<250000x128xf32, #tpu.memory_space<hbm>>) dst(%dma_wait3A_827 : memref<128x128xf32, #tpu.memory_space<vmem>>)
    %dma_wait3A_834 = arith.constant 3 : i32
    %dma_wait3A_835 = arith.constant 384 : i32
    %dma_wait3A_836 = arith.constant 0 : i32
    %dma_wait3A_837 = tpu.memref_slice %arg8[%dma_wait3A_835, %dma_wait3A_836] : memref<512x128xf32, #tpu.memory_space<vmem>> -> memref<128x128xf32, #tpu.memory_space<vmem>>
    %dma_wait3A_838 = arith.constant 0 : i32
    %dma_wait3A_839 = tpu.memref_slice %arg6[%dma_wait3A_834, %dma_wait3A_838] : memref<4x128xi32, #tpu.memory_space<vmem>> -> memref<1x128xi32, #tpu.memory_space<vmem>>
    %dma_wait3A_840 = tpu.memref_squeeze %dma_wait3A_839 : memref<1x128xi32, #tpu.memory_space<vmem>> -> memref<128xi32, #tpu.memory_space<vmem>>
    %dma_wait3A_841 = arith.constant 0 : i32
    %dma_wait3A_842 = arith.constant 0 : i32
    %dma_wait3A_843 = tpu.memref_slice %arg3[%dma_wait3A_841, %dma_wait3A_842] : memref<250000x128xf32, #tpu.memory_space<hbm>> -> memref<250000x128xf32, #tpu.memory_space<hbm>>
    tpu.wait_indirect_dma semaphore(%arg10 : memref<!tpu.dma_semaphore, #tpu.memory_space<semaphore_mem>>) src(%dma_wait3A_843 : memref<250000x128xf32, #tpu.memory_space<hbm>>) dst(%dma_wait3A_837 : memref<128x128xf32, #tpu.memory_space<vmem>>)
    %scan3A = arith.constant 0 : i32
    %scan3A_844 = arith.constant 0 : i32
    %scan3A_845 = arith.constant 32 : i32
    %scan3A_846 = arith.addi %scan3A_844, %scan3A_845 : i32
    %scan3A_847 = arith.constant 1 : i32
    %scan3A_848 = scf.for %scan3A_929 = %scan3A_844 to %scan3A_846 step %scan3A_847 iter_args(%scan3A_930 = %scan3A) -> (i32)  : i32 {
      %mul3A_931 = arith.constant 16 : i32
      %mul3A_932 = arith.muli %scan3A_929, %mul3A_931 : i32
      %get3A_933 = arith.index_cast %mul3A_932 : i32 to index
      %get3A_934 = tpu.vector_load %arg7[%get3A_933] {strides = array<i32>} : memref<512xi32, #tpu.memory_space<vmem>>, vector<16xi32>,
      %get3A_935 = vector.shape_cast %get3A_934 : vector<16xi32> to vector<16xi32>
      %slice3A = vector.extract_strided_slice %get3A_935 {offsets = [0], sizes = [1], strides = [1]} : vector<16xi32> to vector<1xi32>
      %squeeze3A = vector.extract %slice3A[0] : i32 from vector<1xi32>
      %add3A_936 = arith.constant 0 : i32
      %add3A_937 = arith.addi %mul3A_932, %add3A_936 : i32
      %add3A_938 = arith.constant 0 : i32
      %add3A_939 = arith.addi %squeeze3A, %add3A_938 : i32
      %get3A_940 = arith.index_cast %add3A_937 : i32 to index
      %get3A_941 = arith.index_cast %add3A_939 : i32 to index
      %get3A_942 = tpu.vector_load %arg8[%get3A_940, %get3A_941] {strides = array<i32>} : memref<512x128xf32, #tpu.memory_space<vmem>>, vector<1x16xf32>,
      %get3A_943 = vector.shape_cast %get3A_942 : vector<1x16xf32> to vector<16xf32>
      %slice3A_944 = vector.extract_strided_slice %get3A_935 {offsets = [1], sizes = [1], strides = [1]} : vector<16xi32> to vector<1xi32>
      %squeeze3A_945 = vector.extract %slice3A_944[0] : i32 from vector<1xi32>
      %add3A_946 = arith.constant 1 : i32
      %add3A_947 = arith.addi %mul3A_932, %add3A_946 : i32
      %add3A_948 = arith.constant 0 : i32
      %add3A_949 = arith.addi %squeeze3A_945, %add3A_948 : i32
      %get3A_950 = arith.index_cast %add3A_947 : i32 to index
      %get3A_951 = arith.index_cast %add3A_949 : i32 to index
      %get3A_952 = tpu.vector_load %arg8[%get3A_950, %get3A_951] {strides = array<i32>} : memref<512x128xf32, #tpu.memory_space<vmem>>, vector<1x16xf32>,
      %get3A_953 = vector.shape_cast %get3A_952 : vector<1x16xf32> to vector<16xf32>
      %slice3A_954 = vector.extract_strided_slice %get3A_935 {offsets = [2], sizes = [1], strides = [1]} : vector<16xi32> to vector<1xi32>
      %squeeze3A_955 = vector.extract %slice3A_954[0] : i32 from vector<1xi32>
      %add3A_956 = arith.constant 2 : i32
      %add3A_957 = arith.addi %mul3A_932, %add3A_956 : i32
      %add3A_958 = arith.constant 0 : i32
      %add3A_959 = arith.addi %squeeze3A_955, %add3A_958 : i32
      %get3A_960 = arith.index_cast %add3A_957 : i32 to index
      %get3A_961 = arith.index_cast %add3A_959 : i32 to index
      %get3A_962 = tpu.vector_load %arg8[%get3A_960, %get3A_961] {strides = array<i32>} : memref<512x128xf32, #tpu.memory_space<vmem>>, vector<1x16xf32>,
      %get3A_963 = vector.shape_cast %get3A_962 : vector<1x16xf32> to vector<16xf32>
      %slice3A_964 = vector.extract_strided_slice %get3A_935 {offsets = [3], sizes = [1], strides = [1]} : vector<16xi32> to vector<1xi32>
      %squeeze3A_965 = vector.extract %slice3A_964[0] : i32 from vector<1xi32>
      %add3A_966 = arith.constant 3 : i32
      %add3A_967 = arith.addi %mul3A_932, %add3A_966 : i32
      %add3A_968 = arith.constant 0 : i32
      %add3A_969 = arith.addi %squeeze3A_965, %add3A_968 : i32
      %get3A_970 = arith.index_cast %add3A_967 : i32 to index
      %get3A_971 = arith.index_cast %add3A_969 : i32 to index
      %get3A_972 = tpu.vector_load %arg8[%get3A_970, %get3A_971] {strides = array<i32>} : memref<512x128xf32, #tpu.memory_space<vmem>>, vector<1x16xf32>,
      %get3A_973 = vector.shape_cast %get3A_972 : vector<1x16xf32> to vector<16xf32>
      %slice3A_974 = vector.extract_strided_slice %get3A_935 {offsets = [4], sizes = [1], strides = [1]} : vector<16xi32> to vector<1xi32>
      %squeeze3A_975 = vector.extract %slice3A_974[0] : i32 from vector<1xi32>
      %add3A_976 = arith.constant 4 : i32
      %add3A_977 = arith.addi %mul3A_932, %add3A_976 : i32
      %add3A_978 = arith.constant 0 : i32
      %add3A_979 = arith.addi %squeeze3A_975, %add3A_978 : i32
      %get3A_980 = arith.index_cast %add3A_977 : i32 to index
      %get3A_981 = arith.index_cast %add3A_979 : i32 to index
      %get3A_982 = tpu.vector_load %arg8[%get3A_980, %get3A_981] {strides = array<i32>} : memref<512x128xf32, #tpu.memory_space<vmem>>, vector<1x16xf32>,
      %get3A_983 = vector.shape_cast %get3A_982 : vector<1x16xf32> to vector<16xf32>
      %slice3A_984 = vector.extract_strided_slice %get3A_935 {offsets = [5], sizes = [1], strides = [1]} : vector<16xi32> to vector<1xi32>
      %squeeze3A_985 = vector.extract %slice3A_984[0] : i32 from vector<1xi32>
      %add3A_986 = arith.constant 5 : i32
      %add3A_987 = arith.addi %mul3A_932, %add3A_986 : i32
      %add3A_988 = arith.constant 0 : i32
      %add3A_989 = arith.addi %squeeze3A_985, %add3A_988 : i32
      %get3A_990 = arith.index_cast %add3A_987 : i32 to index
      %get3A_991 = arith.index_cast %add3A_989 : i32 to index
      %get3A_992 = tpu.vector_load %arg8[%get3A_990, %get3A_991] {strides = array<i32>} : memref<512x128xf32, #tpu.memory_space<vmem>>, vector<1x16xf32>,
      %get3A_993 = vector.shape_cast %get3A_992 : vector<1x16xf32> to vector<16xf32>
      %slice3A_994 = vector.extract_strided_slice %get3A_935 {offsets = [6], sizes = [1], strides = [1]} : vector<16xi32> to vector<1xi32>
      %squeeze3A_995 = vector.extract %slice3A_994[0] : i32 from vector<1xi32>
      %add3A_996 = arith.constant 6 : i32
      %add3A_997 = arith.addi %mul3A_932, %add3A_996 : i32
      %add3A_998 = arith.constant 0 : i32
      %add3A_999 = arith.addi %squeeze3A_995, %add3A_998 : i32
      %get3A_1000 = arith.index_cast %add3A_997 : i32 to index
      %get3A_1001 = arith.index_cast %add3A_999 : i32 to index
      %get3A_1002 = tpu.vector_load %arg8[%get3A_1000, %get3A_1001] {strides = array<i32>} : memref<512x128xf32, #tpu.memory_space<vmem>>, vector<1x16xf32>,
      %get3A_1003 = vector.shape_cast %get3A_1002 : vector<1x16xf32> to vector<16xf32>
      %slice3A_1004 = vector.extract_strided_slice %get3A_935 {offsets = [7], sizes = [1], strides = [1]} : vector<16xi32> to vector<1xi32>
      %squeeze3A_1005 = vector.extract %slice3A_1004[0] : i32 from vector<1xi32>
      %add3A_1006 = arith.constant 7 : i32
      %add3A_1007 = arith.addi %mul3A_932, %add3A_1006 : i32
      %add3A_1008 = arith.constant 0 : i32
      %add3A_1009 = arith.addi %squeeze3A_1005, %add3A_1008 : i32
      %get3A_1010 = arith.index_cast %add3A_1007 : i32 to index
      %get3A_1011 = arith.index_cast %add3A_1009 : i32 to index
      %get3A_1012 = tpu.vector_load %arg8[%get3A_1010, %get3A_1011] {strides = array<i32>} : memref<512x128xf32, #tpu.memory_space<vmem>>, vector<1x16xf32>,
      %get3A_1013 = vector.shape_cast %get3A_1012 : vector<1x16xf32> to vector<16xf32>
      %slice3A_1014 = vector.extract_strided_slice %get3A_935 {offsets = [8], sizes = [1], strides = [1]} : vector<16xi32> to vector<1xi32>
      %squeeze3A_1015 = vector.extract %slice3A_1014[0] : i32 from vector<1xi32>
      %add3A_1016 = arith.constant 8 : i32
      %add3A_1017 = arith.addi %mul3A_932, %add3A_1016 : i32
      %add3A_1018 = arith.constant 0 : i32
      %add3A_1019 = arith.addi %squeeze3A_1015, %add3A_1018 : i32
      %get3A_1020 = arith.index_cast %add3A_1017 : i32 to index
      %get3A_1021 = arith.index_cast %add3A_1019 : i32 to index
      %get3A_1022 = tpu.vector_load %arg8[%get3A_1020, %get3A_1021] {strides = array<i32>} : memref<512x128xf32, #tpu.memory_space<vmem>>, vector<1x16xf32>,
      %get3A_1023 = vector.shape_cast %get3A_1022 : vector<1x16xf32> to vector<16xf32>
      %slice3A_1024 = vector.extract_strided_slice %get3A_935 {offsets = [9], sizes = [1], strides = [1]} : vector<16xi32> to vector<1xi32>
      %squeeze3A_1025 = vector.extract %slice3A_1024[0] : i32 from vector<1xi32>
      %add3A_1026 = arith.constant 9 : i32
      %add3A_1027 = arith.addi %mul3A_932, %add3A_1026 : i32
      %add3A_1028 = arith.constant 0 : i32
      %add3A_1029 = arith.addi %squeeze3A_1025, %add3A_1028 : i32
      %get3A_1030 = arith.index_cast %add3A_1027 : i32 to index
      %get3A_1031 = arith.index_cast %add3A_1029 : i32 to index
      %get3A_1032 = tpu.vector_load %arg8[%get3A_1030, %get3A_1031] {strides = array<i32>} : memref<512x128xf32, #tpu.memory_space<vmem>>, vector<1x16xf32>,
      %get3A_1033 = vector.shape_cast %get3A_1032 : vector<1x16xf32> to vector<16xf32>
      %slice3A_1034 = vector.extract_strided_slice %get3A_935 {offsets = [10], sizes = [1], strides = [1]} : vector<16xi32> to vector<1xi32>
      %squeeze3A_1035 = vector.extract %slice3A_1034[0] : i32 from vector<1xi32>
      %add3A_1036 = arith.constant 10 : i32
      %add3A_1037 = arith.addi %mul3A_932, %add3A_1036 : i32
      %add3A_1038 = arith.constant 0 : i32
      %add3A_1039 = arith.addi %squeeze3A_1035, %add3A_1038 : i32
      %get3A_1040 = arith.index_cast %add3A_1037 : i32 to index
      %get3A_1041 = arith.index_cast %add3A_1039 : i32 to index
      %get3A_1042 = tpu.vector_load %arg8[%get3A_1040, %get3A_1041] {strides = array<i32>} : memref<512x128xf32, #tpu.memory_space<vmem>>, vector<1x16xf32>,
      %get3A_1043 = vector.shape_cast %get3A_1042 : vector<1x16xf32> to vector<16xf32>
      %slice3A_1044 = vector.extract_strided_slice %get3A_935 {offsets = [11], sizes = [1], strides = [1]} : vector<16xi32> to vector<1xi32>
      %squeeze3A_1045 = vector.extract %slice3A_1044[0] : i32 from vector<1xi32>
      %add3A_1046 = arith.constant 11 : i32
      %add3A_1047 = arith.addi %mul3A_932, %add3A_1046 : i32
      %add3A_1048 = arith.constant 0 : i32
      %add3A_1049 = arith.addi %squeeze3A_1045, %add3A_1048 : i32
      %get3A_1050 = arith.index_cast %add3A_1047 : i32 to index
      %get3A_1051 = arith.index_cast %add3A_1049 : i32 to index
      %get3A_1052 = tpu.vector_load %arg8[%get3A_1050, %get3A_1051] {strides = array<i32>} : memref<512x128xf32, #tpu.memory_space<vmem>>, vector<1x16xf32>,
      %get3A_1053 = vector.shape_cast %get3A_1052 : vector<1x16xf32> to vector<16xf32>
      %slice3A_1054 = vector.extract_strided_slice %get3A_935 {offsets = [12], sizes = [1], strides = [1]} : vector<16xi32> to vector<1xi32>
      %squeeze3A_1055 = vector.extract %slice3A_1054[0] : i32 from vector<1xi32>
      %add3A_1056 = arith.constant 12 : i32
      %add3A_1057 = arith.addi %mul3A_932, %add3A_1056 : i32
      %add3A_1058 = arith.constant 0 : i32
      %add3A_1059 = arith.addi %squeeze3A_1055, %add3A_1058 : i32
      %get3A_1060 = arith.index_cast %add3A_1057 : i32 to index
      %get3A_1061 = arith.index_cast %add3A_1059 : i32 to index
      %get3A_1062 = tpu.vector_load %arg8[%get3A_1060, %get3A_1061] {strides = array<i32>} : memref<512x128xf32, #tpu.memory_space<vmem>>, vector<1x16xf32>,
      %get3A_1063 = vector.shape_cast %get3A_1062 : vector<1x16xf32> to vector<16xf32>
      %slice3A_1064 = vector.extract_strided_slice %get3A_935 {offsets = [13], sizes = [1], strides = [1]} : vector<16xi32> to vector<1xi32>
      %squeeze3A_1065 = vector.extract %slice3A_1064[0] : i32 from vector<1xi32>
      %add3A_1066 = arith.constant 13 : i32
      %add3A_1067 = arith.addi %mul3A_932, %add3A_1066 : i32
      %add3A_1068 = arith.constant 0 : i32
      %add3A_1069 = arith.addi %squeeze3A_1065, %add3A_1068 : i32
      %get3A_1070 = arith.index_cast %add3A_1067 : i32 to index
      %get3A_1071 = arith.index_cast %add3A_1069 : i32 to index
      %get3A_1072 = tpu.vector_load %arg8[%get3A_1070, %get3A_1071] {strides = array<i32>} : memref<512x128xf32, #tpu.memory_space<vmem>>, vector<1x16xf32>,
      %get3A_1073 = vector.shape_cast %get3A_1072 : vector<1x16xf32> to vector<16xf32>
      %slice3A_1074 = vector.extract_strided_slice %get3A_935 {offsets = [14], sizes = [1], strides = [1]} : vector<16xi32> to vector<1xi32>
      %squeeze3A_1075 = vector.extract %slice3A_1074[0] : i32 from vector<1xi32>
      %add3A_1076 = arith.constant 14 : i32
      %add3A_1077 = arith.addi %mul3A_932, %add3A_1076 : i32
      %add3A_1078 = arith.constant 0 : i32
      %add3A_1079 = arith.addi %squeeze3A_1075, %add3A_1078 : i32
      %get3A_1080 = arith.index_cast %add3A_1077 : i32 to index
      %get3A_1081 = arith.index_cast %add3A_1079 : i32 to index
      %get3A_1082 = tpu.vector_load %arg8[%get3A_1080, %get3A_1081] {strides = array<i32>} : memref<512x128xf32, #tpu.memory_space<vmem>>, vector<1x16xf32>,
      %get3A_1083 = vector.shape_cast %get3A_1082 : vector<1x16xf32> to vector<16xf32>
      %slice3A_1084 = vector.extract_strided_slice %get3A_935 {offsets = [15], sizes = [1], strides = [1]} : vector<16xi32> to vector<1xi32>
      %squeeze3A_1085 = vector.extract %slice3A_1084[0] : i32 from vector<1xi32>
      %add3A_1086 = arith.constant 15 : i32
      %add3A_1087 = arith.addi %mul3A_932, %add3A_1086 : i32
      %add3A_1088 = arith.constant 0 : i32
      %add3A_1089 = arith.addi %squeeze3A_1085, %add3A_1088 : i32
      %get3A_1090 = arith.index_cast %add3A_1087 : i32 to index
      %get3A_1091 = arith.index_cast %add3A_1089 : i32 to index
      %get3A_1092 = tpu.vector_load %arg8[%get3A_1090, %get3A_1091] {strides = array<i32>} : memref<512x128xf32, #tpu.memory_space<vmem>>, vector<1x16xf32>,
      %get3A_1093 = vector.shape_cast %get3A_1092 : vector<1x16xf32> to vector<16xf32>
      %iota3A = tpu.iota {dimensions = array<i32: 0>} : vector<16xi32>
      %and3A_1094 = arith.constant 1 : i32
      %and3A_1095 = vector.broadcast %and3A_1094 : i32 to vector<16xi32>
      %and3A_1096 = arith.andi %iota3A, %and3A_1095 : vector<16xi32>
      %eq3A = arith.constant 0 : i32
      %eq3A_1097 = vector.broadcast %eq3A : i32 to vector<16xi32>
      %eq3A_1098 = arith.cmpi eq, %and3A_1096, %eq3A_1097 : vector<16xi32>
      %sub3A = arith.constant 1 : i32
      %sub3A_1099 = vector.broadcast %sub3A : i32 to vector<16xi32>
      %sub3A_1100 = arith.subi %iota3A, %sub3A_1099 : vector<16xi32>
      %jit3A = arith.constant 16 : i32
      %eq3A_1101 = arith.constant 0 : i32
      %eq3A_1102 = arith.cmpi eq, %jit3A, %eq3A_1101 : i32
      %jit3A_1103 = arith.constant 1 : i32
      %select_n3A = arith.select %eq3A_1102, %jit3A_1103, %jit3A : i32
      %rem3A = vector.broadcast %select_n3A : i32 to vector<16xi32>
      %rem3A_1104 = arith.remsi %sub3A_1100, %rem3A : vector<16xi32>
      %ne3A = arith.constant 0 : i32
      %ne3A_1105 = vector.broadcast %ne3A : i32 to vector<16xi32>
      %ne3A_1106 = arith.cmpi ne, %rem3A_1104, %ne3A_1105 : vector<16xi32>
      %lt3A = arith.constant 0 : i32
      %lt3A_1107 = vector.broadcast %lt3A : i32 to vector<16xi32>
      %lt3A_1108 = arith.cmpi slt, %rem3A_1104, %lt3A_1107 : vector<16xi32>
      %lt3A_1109 = arith.constant 0 : i32
      %lt3A_1110 = arith.cmpi slt, %select_n3A, %lt3A_1109 : i32
      %ne3A_1111 = vector.broadcast %lt3A_1110 : i1 to vector<16xi1>
      %ne3A_1112 = vector.broadcast %ne3A_1111 : vector<16xi1> to vector<16xi1>
      %ne3A_1113 = arith.xori %lt3A_1108, %ne3A_1112 : vector<16xi1>
      %and3A_1114 = arith.andi %ne3A_1113, %ne3A_1106 : vector<16xi1>
      %add3A_1115 = vector.broadcast %select_n3A : i32 to vector<16xi32>
      %add3A_1116 = arith.addi %rem3A_1104, %add3A_1115 : vector<16xi32>
      %select_n3A_1117 = arith.select %and3A_1114, %add3A_1116, %rem3A_1104 : vector<16xi1>, vector<16xi32>
      %add3A_1118 = arith.constant 1 : i32
      %add3A_1119 = vector.broadcast %add3A_1118 : i32 to vector<16xi32>
      %add3A_1120 = arith.addi %iota3A, %add3A_1119 : vector<16xi32>
      %jit3A_1121 = arith.constant 16 : i32
      %eq3A_1122 = arith.constant 0 : i32
      %eq3A_1123 = arith.cmpi eq, %jit3A_1121, %eq3A_1122 : i32
      %jit3A_1124 = arith.constant 1 : i32
      %select_n3A_1125 = arith.select %eq3A_1123, %jit3A_1124, %jit3A_1121 : i32
      %rem3A_1126 = vector.broadcast %select_n3A_1125 : i32 to vector<16xi32>
      %rem3A_1127 = arith.remsi %add3A_1120, %rem3A_1126 : vector<16xi32>
      %ne3A_1128 = arith.constant 0 : i32
      %ne3A_1129 = vector.broadcast %ne3A_1128 : i32 to vector<16xi32>
      %ne3A_1130 = arith.cmpi ne, %rem3A_1127, %ne3A_1129 : vector<16xi32>
      %lt3A_1131 = arith.constant 0 : i32
      %lt3A_1132 = vector.broadcast %lt3A_1131 : i32 to vector<16xi32>
      %lt3A_1133 = arith.cmpi slt, %rem3A_1127, %lt3A_1132 : vector<16xi32>
      %lt3A_1134 = arith.constant 0 : i32
      %lt3A_1135 = arith.cmpi slt, %select_n3A_1125, %lt3A_1134 : i32
      %ne3A_1136 = vector.broadcast %lt3A_1135 : i1 to vector<16xi1>
      %ne3A_1137 = vector.broadcast %ne3A_1136 : vector<16xi1> to vector<16xi1>
      %ne3A_1138 = arith.xori %lt3A_1133, %ne3A_1137 : vector<16xi1>
      %and3A_1139 = arith.andi %ne3A_1138, %ne3A_1130 : vector<16xi1>
      %add3A_1140 = vector.broadcast %select_n3A_1125 : i32 to vector<16xi32>
      %add3A_1141 = arith.addi %rem3A_1127, %add3A_1140 : vector<16xi32>
      %select_n3A_1142 = arith.select %and3A_1139, %add3A_1141, %rem3A_1127 : vector<16xi1>, vector<16xi32>
      %broadcast_in_dim3A = vector.shape_cast %select_n3A_1117 : vector<16xi32> to vector<16x1xi32>
      %gather3A = vector.shape_cast %broadcast_in_dim3A : vector<16x1xi32> to vector<16xi32>
      %gather3A_1143 = tpu.dynamic_gather %get3A_953[%gather3A] in [0] : vector<16xf32>, vector<16xi32> -> vector<16xf32>
      %select_n3A_1144 = arith.select %eq3A_1098, %get3A_943, %gather3A_1143 : vector<16xi1>, vector<16xf32>
      %broadcast_in_dim3A_1145 = vector.shape_cast %select_n3A_1142 : vector<16xi32> to vector<16x1xi32>
      %gather3A_1146 = vector.shape_cast %broadcast_in_dim3A_1145 : vector<16x1xi32> to vector<16xi32>
      %gather3A_1147 = tpu.dynamic_gather %get3A_943[%gather3A_1146] in [0] : vector<16xf32>, vector<16xi32> -> vector<16xf32>
      %select_n3A_1148 = arith.select %eq3A_1098, %gather3A_1147, %get3A_953 : vector<16xi1>, vector<16xf32>
      %broadcast_in_dim3A_1149 = vector.shape_cast %select_n3A_1117 : vector<16xi32> to vector<16x1xi32>
      %gather3A_1150 = vector.shape_cast %broadcast_in_dim3A_1149 : vector<16x1xi32> to vector<16xi32>
      %gather3A_1151 = tpu.dynamic_gather %get3A_973[%gather3A_1150] in [0] : vector<16xf32>, vector<16xi32> -> vector<16xf32>
      %select_n3A_1152 = arith.select %eq3A_1098, %get3A_963, %gather3A_1151 : vector<16xi1>, vector<16xf32>
      %broadcast_in_dim3A_1153 = vector.shape_cast %select_n3A_1142 : vector<16xi32> to vector<16x1xi32>
      %gather3A_1154 = vector.shape_cast %broadcast_in_dim3A_1153 : vector<16x1xi32> to vector<16xi32>
      %gather3A_1155 = tpu.dynamic_gather %get3A_963[%gather3A_1154] in [0] : vector<16xf32>, vector<16xi32> -> vector<16xf32>
      %select_n3A_1156 = arith.select %eq3A_1098, %gather3A_1155, %get3A_973 : vector<16xi1>, vector<16xf32>
      %broadcast_in_dim3A_1157 = vector.shape_cast %select_n3A_1117 : vector<16xi32> to vector<16x1xi32>
      %gather3A_1158 = vector.shape_cast %broadcast_in_dim3A_1157 : vector<16x1xi32> to vector<16xi32>
      %gather3A_1159 = tpu.dynamic_gather %get3A_993[%gather3A_1158] in [0] : vector<16xf32>, vector<16xi32> -> vector<16xf32>
      %select_n3A_1160 = arith.select %eq3A_1098, %get3A_983, %gather3A_1159 : vector<16xi1>, vector<16xf32>
      %broadcast_in_dim3A_1161 = vector.shape_cast %select_n3A_1142 : vector<16xi32> to vector<16x1xi32>
      %gather3A_1162 = vector.shape_cast %broadcast_in_dim3A_1161 : vector<16x1xi32> to vector<16xi32>
      %gather3A_1163 = tpu.dynamic_gather %get3A_983[%gather3A_1162] in [0] : vector<16xf32>, vector<16xi32> -> vector<16xf32>
      %select_n3A_1164 = arith.select %eq3A_1098, %gather3A_1163, %get3A_993 : vector<16xi1>, vector<16xf32>
      %broadcast_in_dim3A_1165 = vector.shape_cast %select_n3A_1117 : vector<16xi32> to vector<16x1xi32>
      %gather3A_1166 = vector.shape_cast %broadcast_in_dim3A_1165 : vector<16x1xi32> to vector<16xi32>
      %gather3A_1167 = tpu.dynamic_gather %get3A_1013[%gather3A_1166] in [0] : vector<16xf32>, vector<16xi32> -> vector<16xf32>
      %select_n3A_1168 = arith.select %eq3A_1098, %get3A_1003, %gather3A_1167 : vector<16xi1>, vector<16xf32>
      %broadcast_in_dim3A_1169 = vector.shape_cast %select_n3A_1142 : vector<16xi32> to vector<16x1xi32>
      %gather3A_1170 = vector.shape_cast %broadcast_in_dim3A_1169 : vector<16x1xi32> to vector<16xi32>
      %gather3A_1171 = tpu.dynamic_gather %get3A_1003[%gather3A_1170] in [0] : vector<16xf32>, vector<16xi32> -> vector<16xf32>
      %select_n3A_1172 = arith.select %eq3A_1098, %gather3A_1171, %get3A_1013 : vector<16xi1>, vector<16xf32>
      %broadcast_in_dim3A_1173 = vector.shape_cast %select_n3A_1117 : vector<16xi32> to vector<16x1xi32>
      %gather3A_1174 = vector.shape_cast %broadcast_in_dim3A_1173 : vector<16x1xi32> to vector<16xi32>
      %gather3A_1175 = tpu.dynamic_gather %get3A_1033[%gather3A_1174] in [0] : vector<16xf32>, vector<16xi32> -> vector<16xf32>
      %select_n3A_1176 = arith.select %eq3A_1098, %get3A_1023, %gather3A_1175 : vector<16xi1>, vector<16xf32>
      %broadcast_in_dim3A_1177 = vector.shape_cast %select_n3A_1142 : vector<16xi32> to vector<16x1xi32>
      %gather3A_1178 = vector.shape_cast %broadcast_in_dim3A_1177 : vector<16x1xi32> to vector<16xi32>
      %gather3A_1179 = tpu.dynamic_gather %get3A_1023[%gather3A_1178] in [0] : vector<16xf32>, vector<16xi32> -> vector<16xf32>
      %select_n3A_1180 = arith.select %eq3A_1098, %gather3A_1179, %get3A_1033 : vector<16xi1>, vector<16xf32>
      %broadcast_in_dim3A_1181 = vector.shape_cast %select_n3A_1117 : vector<16xi32> to vector<16x1xi32>
      %gather3A_1182 = vector.shape_cast %broadcast_in_dim3A_1181 : vector<16x1xi32> to vector<16xi32>
      %gather3A_1183 = tpu.dynamic_gather %get3A_1053[%gather3A_1182] in [0] : vector<16xf32>, vector<16xi32> -> vector<16xf32>
      %select_n3A_1184 = arith.select %eq3A_1098, %get3A_1043, %gather3A_1183 : vector<16xi1>, vector<16xf32>
      %broadcast_in_dim3A_1185 = vector.shape_cast %select_n3A_1142 : vector<16xi32> to vector<16x1xi32>
      %gather3A_1186 = vector.shape_cast %broadcast_in_dim3A_1185 : vector<16x1xi32> to vector<16xi32>
      %gather3A_1187 = tpu.dynamic_gather %get3A_1043[%gather3A_1186] in [0] : vector<16xf32>, vector<16xi32> -> vector<16xf32>
      %select_n3A_1188 = arith.select %eq3A_1098, %gather3A_1187, %get3A_1053 : vector<16xi1>, vector<16xf32>
      %broadcast_in_dim3A_1189 = vector.shape_cast %select_n3A_1117 : vector<16xi32> to vector<16x1xi32>
      %gather3A_1190 = vector.shape_cast %broadcast_in_dim3A_1189 : vector<16x1xi32> to vector<16xi32>
      %gather3A_1191 = tpu.dynamic_gather %get3A_1073[%gather3A_1190] in [0] : vector<16xf32>, vector<16xi32> -> vector<16xf32>
      %select_n3A_1192 = arith.select %eq3A_1098, %get3A_1063, %gather3A_1191 : vector<16xi1>, vector<16xf32>
      %broadcast_in_dim3A_1193 = vector.shape_cast %select_n3A_1142 : vector<16xi32> to vector<16x1xi32>
      %gather3A_1194 = vector.shape_cast %broadcast_in_dim3A_1193 : vector<16x1xi32> to vector<16xi32>
      %gather3A_1195 = tpu.dynamic_gather %get3A_1063[%gather3A_1194] in [0] : vector<16xf32>, vector<16xi32> -> vector<16xf32>
      %select_n3A_1196 = arith.select %eq3A_1098, %gather3A_1195, %get3A_1073 : vector<16xi1>, vector<16xf32>
      %broadcast_in_dim3A_1197 = vector.shape_cast %select_n3A_1117 : vector<16xi32> to vector<16x1xi32>
      %gather3A_1198 = vector.shape_cast %broadcast_in_dim3A_1197 : vector<16x1xi32> to vector<16xi32>
      %gather3A_1199 = tpu.dynamic_gather %get3A_1093[%gather3A_1198] in [0] : vector<16xf32>, vector<16xi32> -> vector<16xf32>
      %select_n3A_1200 = arith.select %eq3A_1098, %get3A_1083, %gather3A_1199 : vector<16xi1>, vector<16xf32>
      %broadcast_in_dim3A_1201 = vector.shape_cast %select_n3A_1142 : vector<16xi32> to vector<16x1xi32>
      %gather3A_1202 = vector.shape_cast %broadcast_in_dim3A_1201 : vector<16x1xi32> to vector<16xi32>
      %gather3A_1203 = tpu.dynamic_gather %get3A_1083[%gather3A_1202] in [0] : vector<16xf32>, vector<16xi32> -> vector<16xf32>
      %select_n3A_1204 = arith.select %eq3A_1098, %gather3A_1203, %get3A_1093 : vector<16xi1>, vector<16xf32>
      %and3A_1205 = arith.constant 2 : i32
      %and3A_1206 = vector.broadcast %and3A_1205 : i32 to vector<16xi32>
      %and3A_1207 = arith.andi %iota3A, %and3A_1206 : vector<16xi32>
      %eq3A_1208 = arith.constant 0 : i32
      %eq3A_1209 = vector.broadcast %eq3A_1208 : i32 to vector<16xi32>
      %eq3A_1210 = arith.cmpi eq, %and3A_1207, %eq3A_1209 : vector<16xi32>
      %sub3A_1211 = arith.constant 2 : i32
      %sub3A_1212 = vector.broadcast %sub3A_1211 : i32 to vector<16xi32>
      %sub3A_1213 = arith.subi %iota3A, %sub3A_1212 : vector<16xi32>
      %jit3A_1214 = arith.constant 16 : i32
      %eq3A_1215 = arith.constant 0 : i32
      %eq3A_1216 = arith.cmpi eq, %jit3A_1214, %eq3A_1215 : i32
      %jit3A_1217 = arith.constant 1 : i32
      %select_n3A_1218 = arith.select %eq3A_1216, %jit3A_1217, %jit3A_1214 : i32
      %rem3A_1219 = vector.broadcast %select_n3A_1218 : i32 to vector<16xi32>
      %rem3A_1220 = arith.remsi %sub3A_1213, %rem3A_1219 : vector<16xi32>
      %ne3A_1221 = arith.constant 0 : i32
      %ne3A_1222 = vector.broadcast %ne3A_1221 : i32 to vector<16xi32>
      %ne3A_1223 = arith.cmpi ne, %rem3A_1220, %ne3A_1222 : vector<16xi32>
      %lt3A_1224 = arith.constant 0 : i32
      %lt3A_1225 = vector.broadcast %lt3A_1224 : i32 to vector<16xi32>
      %lt3A_1226 = arith.cmpi slt, %rem3A_1220, %lt3A_1225 : vector<16xi32>
      %lt3A_1227 = arith.constant 0 : i32
      %lt3A_1228 = arith.cmpi slt, %select_n3A_1218, %lt3A_1227 : i32
      %ne3A_1229 = vector.broadcast %lt3A_1228 : i1 to vector<16xi1>
      %ne3A_1230 = vector.broadcast %ne3A_1229 : vector<16xi1> to vector<16xi1>
      %ne3A_1231 = arith.xori %lt3A_1226, %ne3A_1230 : vector<16xi1>
      %and3A_1232 = arith.andi %ne3A_1231, %ne3A_1223 : vector<16xi1>
      %add3A_1233 = vector.broadcast %select_n3A_1218 : i32 to vector<16xi32>
      %add3A_1234 = arith.addi %rem3A_1220, %add3A_1233 : vector<16xi32>
      %select_n3A_1235 = arith.select %and3A_1232, %add3A_1234, %rem3A_1220 : vector<16xi1>, vector<16xi32>
      %add3A_1236 = arith.constant 2 : i32
      %add3A_1237 = vector.broadcast %add3A_1236 : i32 to vector<16xi32>
      %add3A_1238 = arith.addi %iota3A, %add3A_1237 : vector<16xi32>
      %jit3A_1239 = arith.constant 16 : i32
      %eq3A_1240 = arith.constant 0 : i32
      %eq3A_1241 = arith.cmpi eq, %jit3A_1239, %eq3A_1240 : i32
      %jit3A_1242 = arith.constant 1 : i32
      %select_n3A_1243 = arith.select %eq3A_1241, %jit3A_1242, %jit3A_1239 : i32
      %rem3A_1244 = vector.broadcast %select_n3A_1243 : i32 to vector<16xi32>
      %rem3A_1245 = arith.remsi %add3A_1238, %rem3A_1244 : vector<16xi32>
      %ne3A_1246 = arith.constant 0 : i32
      %ne3A_1247 = vector.broadcast %ne3A_1246 : i32 to vector<16xi32>
      %ne3A_1248 = arith.cmpi ne, %rem3A_1245, %ne3A_1247 : vector<16xi32>
      %lt3A_1249 = arith.constant 0 : i32
      %lt3A_1250 = vector.broadcast %lt3A_1249 : i32 to vector<16xi32>
      %lt3A_1251 = arith.cmpi slt, %rem3A_1245, %lt3A_1250 : vector<16xi32>
      %lt3A_1252 = arith.constant 0 : i32
      %lt3A_1253 = arith.cmpi slt, %select_n3A_1243, %lt3A_1252 : i32
      %ne3A_1254 = vector.broadcast %lt3A_1253 : i1 to vector<16xi1>
      %ne3A_1255 = vector.broadcast %ne3A_1254 : vector<16xi1> to vector<16xi1>
      %ne3A_1256 = arith.xori %lt3A_1251, %ne3A_1255 : vector<16xi1>
      %and3A_1257 = arith.andi %ne3A_1256, %ne3A_1248 : vector<16xi1>
      %add3A_1258 = vector.broadcast %select_n3A_1243 : i32 to vector<16xi32>
      %add3A_1259 = arith.addi %rem3A_1245, %add3A_1258 : vector<16xi32>
      %select_n3A_1260 = arith.select %and3A_1257, %add3A_1259, %rem3A_1245 : vector<16xi1>, vector<16xi32>
      %broadcast_in_dim3A_1261 = vector.shape_cast %select_n3A_1235 : vector<16xi32> to vector<16x1xi32>
      %gather3A_1262 = vector.shape_cast %broadcast_in_dim3A_1261 : vector<16x1xi32> to vector<16xi32>
      %gather3A_1263 = tpu.dynamic_gather %select_n3A_1152[%gather3A_1262] in [0] : vector<16xf32>, vector<16xi32> -> vector<16xf32>
      %select_n3A_1264 = arith.select %eq3A_1210, %select_n3A_1144, %gather3A_1263 : vector<16xi1>, vector<16xf32>
      %broadcast_in_dim3A_1265 = vector.shape_cast %select_n3A_1260 : vector<16xi32> to vector<16x1xi32>
      %gather3A_1266 = vector.shape_cast %broadcast_in_dim3A_1265 : vector<16x1xi32> to vector<16xi32>
      %gather3A_1267 = tpu.dynamic_gather %select_n3A_1144[%gather3A_1266] in [0] : vector<16xf32>, vector<16xi32> -> vector<16xf32>
      %select_n3A_1268 = arith.select %eq3A_1210, %gather3A_1267, %select_n3A_1152 : vector<16xi1>, vector<16xf32>
      %broadcast_in_dim3A_1269 = vector.shape_cast %select_n3A_1235 : vector<16xi32> to vector<16x1xi32>
      %gather3A_1270 = vector.shape_cast %broadcast_in_dim3A_1269 : vector<16x1xi32> to vector<16xi32>
      %gather3A_1271 = tpu.dynamic_gather %select_n3A_1156[%gather3A_1270] in [0] : vector<16xf32>, vector<16xi32> -> vector<16xf32>
      %select_n3A_1272 = arith.select %eq3A_1210, %select_n3A_1148, %gather3A_1271 : vector<16xi1>, vector<16xf32>
      %broadcast_in_dim3A_1273 = vector.shape_cast %select_n3A_1260 : vector<16xi32> to vector<16x1xi32>
      %gather3A_1274 = vector.shape_cast %broadcast_in_dim3A_1273 : vector<16x1xi32> to vector<16xi32>
      %gather3A_1275 = tpu.dynamic_gather %select_n3A_1148[%gather3A_1274] in [0] : vector<16xf32>, vector<16xi32> -> vector<16xf32>
      %select_n3A_1276 = arith.select %eq3A_1210, %gather3A_1275, %select_n3A_1156 : vector<16xi1>, vector<16xf32>
      %broadcast_in_dim3A_1277 = vector.shape_cast %select_n3A_1235 : vector<16xi32> to vector<16x1xi32>
      %gather3A_1278 = vector.shape_cast %broadcast_in_dim3A_1277 : vector<16x1xi32> to vector<16xi32>
      %gather3A_1279 = tpu.dynamic_gather %select_n3A_1168[%gather3A_1278] in [0] : vector<16xf32>, vector<16xi32> -> vector<16xf32>
      %select_n3A_1280 = arith.select %eq3A_1210, %select_n3A_1160, %gather3A_1279 : vector<16xi1>, vector<16xf32>
      %broadcast_in_dim3A_1281 = vector.shape_cast %select_n3A_1260 : vector<16xi32> to vector<16x1xi32>
      %gather3A_1282 = vector.shape_cast %broadcast_in_dim3A_1281 : vector<16x1xi32> to vector<16xi32>
      %gather3A_1283 = tpu.dynamic_gather %select_n3A_1160[%gather3A_1282] in [0] : vector<16xf32>, vector<16xi32> -> vector<16xf32>
      %select_n3A_1284 = arith.select %eq3A_1210, %gather3A_1283, %select_n3A_1168 : vector<16xi1>, vector<16xf32>
      %broadcast_in_dim3A_1285 = vector.shape_cast %select_n3A_1235 : vector<16xi32> to vector<16x1xi32>
      %gather3A_1286 = vector.shape_cast %broadcast_in_dim3A_1285 : vector<16x1xi32> to vector<16xi32>
      %gather3A_1287 = tpu.dynamic_gather %select_n3A_1172[%gather3A_1286] in [0] : vector<16xf32>, vector<16xi32> -> vector<16xf32>
      %select_n3A_1288 = arith.select %eq3A_1210, %select_n3A_1164, %gather3A_1287 : vector<16xi1>, vector<16xf32>
      %broadcast_in_dim3A_1289 = vector.shape_cast %select_n3A_1260 : vector<16xi32> to vector<16x1xi32>
      %gather3A_1290 = vector.shape_cast %broadcast_in_dim3A_1289 : vector<16x1xi32> to vector<16xi32>
      %gather3A_1291 = tpu.dynamic_gather %select_n3A_1164[%gather3A_1290] in [0] : vector<16xf32>, vector<16xi32> -> vector<16xf32>
      %select_n3A_1292 = arith.select %eq3A_1210, %gather3A_1291, %select_n3A_1172 : vector<16xi1>, vector<16xf32>
      %broadcast_in_dim3A_1293 = vector.shape_cast %select_n3A_1235 : vector<16xi32> to vector<16x1xi32>
      %gather3A_1294 = vector.shape_cast %broadcast_in_dim3A_1293 : vector<16x1xi32> to vector<16xi32>
      %gather3A_1295 = tpu.dynamic_gather %select_n3A_1184[%gather3A_1294] in [0] : vector<16xf32>, vector<16xi32> -> vector<16xf32>
      %select_n3A_1296 = arith.select %eq3A_1210, %select_n3A_1176, %gather3A_1295 : vector<16xi1>, vector<16xf32>
      %broadcast_in_dim3A_1297 = vector.shape_cast %select_n3A_1260 : vector<16xi32> to vector<16x1xi32>
      %gather3A_1298 = vector.shape_cast %broadcast_in_dim3A_1297 : vector<16x1xi32> to vector<16xi32>
      %gather3A_1299 = tpu.dynamic_gather %select_n3A_1176[%gather3A_1298] in [0] : vector<16xf32>, vector<16xi32> -> vector<16xf32>
      %select_n3A_1300 = arith.select %eq3A_1210, %gather3A_1299, %select_n3A_1184 : vector<16xi1>, vector<16xf32>
      %broadcast_in_dim3A_1301 = vector.shape_cast %select_n3A_1235 : vector<16xi32> to vector<16x1xi32>
      %gather3A_1302 = vector.shape_cast %broadcast_in_dim3A_1301 : vector<16x1xi32> to vector<16xi32>
      %gather3A_1303 = tpu.dynamic_gather %select_n3A_1188[%gather3A_1302] in [0] : vector<16xf32>, vector<16xi32> -> vector<16xf32>
      %select_n3A_1304 = arith.select %eq3A_1210, %select_n3A_1180, %gather3A_1303 : vector<16xi1>, vector<16xf32>
      %broadcast_in_dim3A_1305 = vector.shape_cast %select_n3A_1260 : vector<16xi32> to vector<16x1xi32>
      %gather3A_1306 = vector.shape_cast %broadcast_in_dim3A_1305 : vector<16x1xi32> to vector<16xi32>
      %gather3A_1307 = tpu.dynamic_gather %select_n3A_1180[%gather3A_1306] in [0] : vector<16xf32>, vector<16xi32> -> vector<16xf32>
      %select_n3A_1308 = arith.select %eq3A_1210, %gather3A_1307, %select_n3A_1188 : vector<16xi1>, vector<16xf32>
      %broadcast_in_dim3A_1309 = vector.shape_cast %select_n3A_1235 : vector<16xi32> to vector<16x1xi32>
      %gather3A_1310 = vector.shape_cast %broadcast_in_dim3A_1309 : vector<16x1xi32> to vector<16xi32>
      %gather3A_1311 = tpu.dynamic_gather %select_n3A_1200[%gather3A_1310] in [0] : vector<16xf32>, vector<16xi32> -> vector<16xf32>
      %select_n3A_1312 = arith.select %eq3A_1210, %select_n3A_1192, %gather3A_1311 : vector<16xi1>, vector<16xf32>
      %broadcast_in_dim3A_1313 = vector.shape_cast %select_n3A_1260 : vector<16xi32> to vector<16x1xi32>
      %gather3A_1314 = vector.shape_cast %broadcast_in_dim3A_1313 : vector<16x1xi32> to vector<16xi32>
      %gather3A_1315 = tpu.dynamic_gather %select_n3A_1192[%gather3A_1314] in [0] : vector<16xf32>, vector<16xi32> -> vector<16xf32>
      %select_n3A_1316 = arith.select %eq3A_1210, %gather3A_1315, %select_n3A_1200 : vector<16xi1>, vector<16xf32>
      %broadcast_in_dim3A_1317 = vector.shape_cast %select_n3A_1235 : vector<16xi32> to vector<16x1xi32>
      %gather3A_1318 = vector.shape_cast %broadcast_in_dim3A_1317 : vector<16x1xi32> to vector<16xi32>
      %gather3A_1319 = tpu.dynamic_gather %select_n3A_1204[%gather3A_1318] in [0] : vector<16xf32>, vector<16xi32> -> vector<16xf32>
      %select_n3A_1320 = arith.select %eq3A_1210, %select_n3A_1196, %gather3A_1319 : vector<16xi1>, vector<16xf32>
      %broadcast_in_dim3A_1321 = vector.shape_cast %select_n3A_1260 : vector<16xi32> to vector<16x1xi32>
      %gather3A_1322 = vector.shape_cast %broadcast_in_dim3A_1321 : vector<16x1xi32> to vector<16xi32>
      %gather3A_1323 = tpu.dynamic_gather %select_n3A_1196[%gather3A_1322] in [0] : vector<16xf32>, vector<16xi32> -> vector<16xf32>
      %select_n3A_1324 = arith.select %eq3A_1210, %gather3A_1323, %select_n3A_1204 : vector<16xi1>, vector<16xf32>
      %and3A_1325 = arith.constant 4 : i32
      %and3A_1326 = vector.broadcast %and3A_1325 : i32 to vector<16xi32>
      %and3A_1327 = arith.andi %iota3A, %and3A_1326 : vector<16xi32>
      %eq3A_1328 = arith.constant 0 : i32
      %eq3A_1329 = vector.broadcast %eq3A_1328 : i32 to vector<16xi32>
      %eq3A_1330 = arith.cmpi eq, %and3A_1327, %eq3A_1329 : vector<16xi32>
      %sub3A_1331 = arith.constant 4 : i32
      %sub3A_1332 = vector.broadcast %sub3A_1331 : i32 to vector<16xi32>
      %sub3A_1333 = arith.subi %iota3A, %sub3A_1332 : vector<16xi32>
      %jit3A_1334 = arith.constant 16 : i32
      %eq3A_1335 = arith.constant 0 : i32
      %eq3A_1336 = arith.cmpi eq, %jit3A_1334, %eq3A_1335 : i32
      %jit3A_1337 = arith.constant 1 : i32
      %select_n3A_1338 = arith.select %eq3A_1336, %jit3A_1337, %jit3A_1334 : i32
      %rem3A_1339 = vector.broadcast %select_n3A_1338 : i32 to vector<16xi32>
      %rem3A_1340 = arith.remsi %sub3A_1333, %rem3A_1339 : vector<16xi32>
      %ne3A_1341 = arith.constant 0 : i32
      %ne3A_1342 = vector.broadcast %ne3A_1341 : i32 to vector<16xi32>
      %ne3A_1343 = arith.cmpi ne, %rem3A_1340, %ne3A_1342 : vector<16xi32>
      %lt3A_1344 = arith.constant 0 : i32
      %lt3A_1345 = vector.broadcast %lt3A_1344 : i32 to vector<16xi32>
      %lt3A_1346 = arith.cmpi slt, %rem3A_1340, %lt3A_1345 : vector<16xi32>
      %lt3A_1347 = arith.constant 0 : i32
      %lt3A_1348 = arith.cmpi slt, %select_n3A_1338, %lt3A_1347 : i32
      %ne3A_1349 = vector.broadcast %lt3A_1348 : i1 to vector<16xi1>
      %ne3A_1350 = vector.broadcast %ne3A_1349 : vector<16xi1> to vector<16xi1>
      %ne3A_1351 = arith.xori %lt3A_1346, %ne3A_1350 : vector<16xi1>
      %and3A_1352 = arith.andi %ne3A_1351, %ne3A_1343 : vector<16xi1>
      %add3A_1353 = vector.broadcast %select_n3A_1338 : i32 to vector<16xi32>
      %add3A_1354 = arith.addi %rem3A_1340, %add3A_1353 : vector<16xi32>
      %select_n3A_1355 = arith.select %and3A_1352, %add3A_1354, %rem3A_1340 : vector<16xi1>, vector<16xi32>
      %add3A_1356 = arith.constant 4 : i32
      %add3A_1357 = vector.broadcast %add3A_1356 : i32 to vector<16xi32>
      %add3A_1358 = arith.addi %iota3A, %add3A_1357 : vector<16xi32>
      %jit3A_1359 = arith.constant 16 : i32
      %eq3A_1360 = arith.constant 0 : i32
      %eq3A_1361 = arith.cmpi eq, %jit3A_1359, %eq3A_1360 : i32
      %jit3A_1362 = arith.constant 1 : i32
      %select_n3A_1363 = arith.select %eq3A_1361, %jit3A_1362, %jit3A_1359 : i32
      %rem3A_1364 = vector.broadcast %select_n3A_1363 : i32 to vector<16xi32>
      %rem3A_1365 = arith.remsi %add3A_1358, %rem3A_1364 : vector<16xi32>
      %ne3A_1366 = arith.constant 0 : i32
      %ne3A_1367 = vector.broadcast %ne3A_1366 : i32 to vector<16xi32>
      %ne3A_1368 = arith.cmpi ne, %rem3A_1365, %ne3A_1367 : vector<16xi32>
      %lt3A_1369 = arith.constant 0 : i32
      %lt3A_1370 = vector.broadcast %lt3A_1369 : i32 to vector<16xi32>
      %lt3A_1371 = arith.cmpi slt, %rem3A_1365, %lt3A_1370 : vector<16xi32>
      %lt3A_1372 = arith.constant 0 : i32
      %lt3A_1373 = arith.cmpi slt, %select_n3A_1363, %lt3A_1372 : i32
      %ne3A_1374 = vector.broadcast %lt3A_1373 : i1 to vector<16xi1>
      %ne3A_1375 = vector.broadcast %ne3A_1374 : vector<16xi1> to vector<16xi1>
      %ne3A_1376 = arith.xori %lt3A_1371, %ne3A_1375 : vector<16xi1>
      %and3A_1377 = arith.andi %ne3A_1376, %ne3A_1368 : vector<16xi1>
      %add3A_1378 = vector.broadcast %select_n3A_1363 : i32 to vector<16xi32>
      %add3A_1379 = arith.addi %rem3A_1365, %add3A_1378 : vector<16xi32>
      %select_n3A_1380 = arith.select %and3A_1377, %add3A_1379, %rem3A_1365 : vector<16xi1>, vector<16xi32>
      %broadcast_in_dim3A_1381 = vector.shape_cast %select_n3A_1355 : vector<16xi32> to vector<16x1xi32>
      %gather3A_1382 = vector.shape_cast %broadcast_in_dim3A_1381 : vector<16x1xi32> to vector<16xi32>
      %gather3A_1383 = tpu.dynamic_gather %select_n3A_1280[%gather3A_1382] in [0] : vector<16xf32>, vector<16xi32> -> vector<16xf32>
      %select_n3A_1384 = arith.select %eq3A_1330, %select_n3A_1264, %gather3A_1383 : vector<16xi1>, vector<16xf32>
      %broadcast_in_dim3A_1385 = vector.shape_cast %select_n3A_1380 : vector<16xi32> to vector<16x1xi32>
      %gather3A_1386 = vector.shape_cast %broadcast_in_dim3A_1385 : vector<16x1xi32> to vector<16xi32>
      %gather3A_1387 = tpu.dynamic_gather %select_n3A_1264[%gather3A_1386] in [0] : vector<16xf32>, vector<16xi32> -> vector<16xf32>
      %select_n3A_1388 = arith.select %eq3A_1330, %gather3A_1387, %select_n3A_1280 : vector<16xi1>, vector<16xf32>
      %broadcast_in_dim3A_1389 = vector.shape_cast %select_n3A_1355 : vector<16xi32> to vector<16x1xi32>
      %gather3A_1390 = vector.shape_cast %broadcast_in_dim3A_1389 : vector<16x1xi32> to vector<16xi32>
      %gather3A_1391 = tpu.dynamic_gather %select_n3A_1288[%gather3A_1390] in [0] : vector<16xf32>, vector<16xi32> -> vector<16xf32>
      %select_n3A_1392 = arith.select %eq3A_1330, %select_n3A_1272, %gather3A_1391 : vector<16xi1>, vector<16xf32>
      %broadcast_in_dim3A_1393 = vector.shape_cast %select_n3A_1380 : vector<16xi32> to vector<16x1xi32>
      %gather3A_1394 = vector.shape_cast %broadcast_in_dim3A_1393 : vector<16x1xi32> to vector<16xi32>
      %gather3A_1395 = tpu.dynamic_gather %select_n3A_1272[%gather3A_1394] in [0] : vector<16xf32>, vector<16xi32> -> vector<16xf32>
      %select_n3A_1396 = arith.select %eq3A_1330, %gather3A_1395, %select_n3A_1288 : vector<16xi1>, vector<16xf32>
      %broadcast_in_dim3A_1397 = vector.shape_cast %select_n3A_1355 : vector<16xi32> to vector<16x1xi32>
      %gather3A_1398 = vector.shape_cast %broadcast_in_dim3A_1397 : vector<16x1xi32> to vector<16xi32>
      %gather3A_1399 = tpu.dynamic_gather %select_n3A_1284[%gather3A_1398] in [0] : vector<16xf32>, vector<16xi32> -> vector<16xf32>
      %select_n3A_1400 = arith.select %eq3A_1330, %select_n3A_1268, %gather3A_1399 : vector<16xi1>, vector<16xf32>
      %broadcast_in_dim3A_1401 = vector.shape_cast %select_n3A_1380 : vector<16xi32> to vector<16x1xi32>
      %gather3A_1402 = vector.shape_cast %broadcast_in_dim3A_1401 : vector<16x1xi32> to vector<16xi32>
      %gather3A_1403 = tpu.dynamic_gather %select_n3A_1268[%gather3A_1402] in [0] : vector<16xf32>, vector<16xi32> -> vector<16xf32>
      %select_n3A_1404 = arith.select %eq3A_1330, %gather3A_1403, %select_n3A_1284 : vector<16xi1>, vector<16xf32>
      %broadcast_in_dim3A_1405 = vector.shape_cast %select_n3A_1355 : vector<16xi32> to vector<16x1xi32>
      %gather3A_1406 = vector.shape_cast %broadcast_in_dim3A_1405 : vector<16x1xi32> to vector<16xi32>
      %gather3A_1407 = tpu.dynamic_gather %select_n3A_1292[%gather3A_1406] in [0] : vector<16xf32>, vector<16xi32> -> vector<16xf32>
      %select_n3A_1408 = arith.select %eq3A_1330, %select_n3A_1276, %gather3A_1407 : vector<16xi1>, vector<16xf32>
      %broadcast_in_dim3A_1409 = vector.shape_cast %select_n3A_1380 : vector<16xi32> to vector<16x1xi32>
      %gather3A_1410 = vector.shape_cast %broadcast_in_dim3A_1409 : vector<16x1xi32> to vector<16xi32>
      %gather3A_1411 = tpu.dynamic_gather %select_n3A_1276[%gather3A_1410] in [0] : vector<16xf32>, vector<16xi32> -> vector<16xf32>
      %select_n3A_1412 = arith.select %eq3A_1330, %gather3A_1411, %select_n3A_1292 : vector<16xi1>, vector<16xf32>
      %broadcast_in_dim3A_1413 = vector.shape_cast %select_n3A_1355 : vector<16xi32> to vector<16x1xi32>
      %gather3A_1414 = vector.shape_cast %broadcast_in_dim3A_1413 : vector<16x1xi32> to vector<16xi32>
      %gather3A_1415 = tpu.dynamic_gather %select_n3A_1312[%gather3A_1414] in [0] : vector<16xf32>, vector<16xi32> -> vector<16xf32>
      %select_n3A_1416 = arith.select %eq3A_1330, %select_n3A_1296, %gather3A_1415 : vector<16xi1>, vector<16xf32>
      %broadcast_in_dim3A_1417 = vector.shape_cast %select_n3A_1380 : vector<16xi32> to vector<16x1xi32>
      %gather3A_1418 = vector.shape_cast %broadcast_in_dim3A_1417 : vector<16x1xi32> to vector<16xi32>
      %gather3A_1419 = tpu.dynamic_gather %select_n3A_1296[%gather3A_1418] in [0] : vector<16xf32>, vector<16xi32> -> vector<16xf32>
      %select_n3A_1420 = arith.select %eq3A_1330, %gather3A_1419, %select_n3A_1312 : vector<16xi1>, vector<16xf32>
      %broadcast_in_dim3A_1421 = vector.shape_cast %select_n3A_1355 : vector<16xi32> to vector<16x1xi32>
      %gather3A_1422 = vector.shape_cast %broadcast_in_dim3A_1421 : vector<16x1xi32> to vector<16xi32>
      %gather3A_1423 = tpu.dynamic_gather %select_n3A_1320[%gather3A_1422] in [0] : vector<16xf32>, vector<16xi32> -> vector<16xf32>
      %select_n3A_1424 = arith.select %eq3A_1330, %select_n3A_1304, %gather3A_1423 : vector<16xi1>, vector<16xf32>
      %broadcast_in_dim3A_1425 = vector.shape_cast %select_n3A_1380 : vector<16xi32> to vector<16x1xi32>
      %gather3A_1426 = vector.shape_cast %broadcast_in_dim3A_1425 : vector<16x1xi32> to vector<16xi32>
      %gather3A_1427 = tpu.dynamic_gather %select_n3A_1304[%gather3A_1426] in [0] : vector<16xf32>, vector<16xi32> -> vector<16xf32>
      %select_n3A_1428 = arith.select %eq3A_1330, %gather3A_1427, %select_n3A_1320 : vector<16xi1>, vector<16xf32>
      %broadcast_in_dim3A_1429 = vector.shape_cast %select_n3A_1355 : vector<16xi32> to vector<16x1xi32>
      %gather3A_1430 = vector.shape_cast %broadcast_in_dim3A_1429 : vector<16x1xi32> to vector<16xi32>
      %gather3A_1431 = tpu.dynamic_gather %select_n3A_1316[%gather3A_1430] in [0] : vector<16xf32>, vector<16xi32> -> vector<16xf32>
      %select_n3A_1432 = arith.select %eq3A_1330, %select_n3A_1300, %gather3A_1431 : vector<16xi1>, vector<16xf32>
      %broadcast_in_dim3A_1433 = vector.shape_cast %select_n3A_1380 : vector<16xi32> to vector<16x1xi32>
      %gather3A_1434 = vector.shape_cast %broadcast_in_dim3A_1433 : vector<16x1xi32> to vector<16xi32>
      %gather3A_1435 = tpu.dynamic_gather %select_n3A_1300[%gather3A_1434] in [0] : vector<16xf32>, vector<16xi32> -> vector<16xf32>
      %select_n3A_1436 = arith.select %eq3A_1330, %gather3A_1435, %select_n3A_1316 : vector<16xi1>, vector<16xf32>
      %broadcast_in_dim3A_1437 = vector.shape_cast %select_n3A_1355 : vector<16xi32> to vector<16x1xi32>
      %gather3A_1438 = vector.shape_cast %broadcast_in_dim3A_1437 : vector<16x1xi32> to vector<16xi32>
      %gather3A_1439 = tpu.dynamic_gather %select_n3A_1324[%gather3A_1438] in [0] : vector<16xf32>, vector<16xi32> -> vector<16xf32>
      %select_n3A_1440 = arith.select %eq3A_1330, %select_n3A_1308, %gather3A_1439 : vector<16xi1>, vector<16xf32>
      %broadcast_in_dim3A_1441 = vector.shape_cast %select_n3A_1380 : vector<16xi32> to vector<16x1xi32>
      %gather3A_1442 = vector.shape_cast %broadcast_in_dim3A_1441 : vector<16x1xi32> to vector<16xi32>
      %gather3A_1443 = tpu.dynamic_gather %select_n3A_1308[%gather3A_1442] in [0] : vector<16xf32>, vector<16xi32> -> vector<16xf32>
      %select_n3A_1444 = arith.select %eq3A_1330, %gather3A_1443, %select_n3A_1324 : vector<16xi1>, vector<16xf32>
      %and3A_1445 = arith.constant 8 : i32
      %and3A_1446 = vector.broadcast %and3A_1445 : i32 to vector<16xi32>
      %and3A_1447 = arith.andi %iota3A, %and3A_1446 : vector<16xi32>
      %eq3A_1448 = arith.constant 0 : i32
      %eq3A_1449 = vector.broadcast %eq3A_1448 : i32 to vector<16xi32>
      %eq3A_1450 = arith.cmpi eq, %and3A_1447, %eq3A_1449 : vector<16xi32>
      %sub3A_1451 = arith.constant 8 : i32
      %sub3A_1452 = vector.broadcast %sub3A_1451 : i32 to vector<16xi32>
      %sub3A_1453 = arith.subi %iota3A, %sub3A_1452 : vector<16xi32>
      %jit3A_1454 = arith.constant 16 : i32
      %eq3A_1455 = arith.constant 0 : i32
      %eq3A_1456 = arith.cmpi eq, %jit3A_1454, %eq3A_1455 : i32
      %jit3A_1457 = arith.constant 1 : i32
      %select_n3A_1458 = arith.select %eq3A_1456, %jit3A_1457, %jit3A_1454 : i32
      %rem3A_1459 = vector.broadcast %select_n3A_1458 : i32 to vector<16xi32>
      %rem3A_1460 = arith.remsi %sub3A_1453, %rem3A_1459 : vector<16xi32>
      %ne3A_1461 = arith.constant 0 : i32
      %ne3A_1462 = vector.broadcast %ne3A_1461 : i32 to vector<16xi32>
      %ne3A_1463 = arith.cmpi ne, %rem3A_1460, %ne3A_1462 : vector<16xi32>
      %lt3A_1464 = arith.constant 0 : i32
      %lt3A_1465 = vector.broadcast %lt3A_1464 : i32 to vector<16xi32>
      %lt3A_1466 = arith.cmpi slt, %rem3A_1460, %lt3A_1465 : vector<16xi32>
      %lt3A_1467 = arith.constant 0 : i32
      %lt3A_1468 = arith.cmpi slt, %select_n3A_1458, %lt3A_1467 : i32
      %ne3A_1469 = vector.broadcast %lt3A_1468 : i1 to vector<16xi1>
      %ne3A_1470 = vector.broadcast %ne3A_1469 : vector<16xi1> to vector<16xi1>
      %ne3A_1471 = arith.xori %lt3A_1466, %ne3A_1470 : vector<16xi1>
      %and3A_1472 = arith.andi %ne3A_1471, %ne3A_1463 : vector<16xi1>
      %add3A_1473 = vector.broadcast %select_n3A_1458 : i32 to vector<16xi32>
      %add3A_1474 = arith.addi %rem3A_1460, %add3A_1473 : vector<16xi32>
      %select_n3A_1475 = arith.select %and3A_1472, %add3A_1474, %rem3A_1460 : vector<16xi1>, vector<16xi32>
      %add3A_1476 = arith.constant 8 : i32
      %add3A_1477 = vector.broadcast %add3A_1476 : i32 to vector<16xi32>
      %add3A_1478 = arith.addi %iota3A, %add3A_1477 : vector<16xi32>
      %jit3A_1479 = arith.constant 16 : i32
      %eq3A_1480 = arith.constant 0 : i32
      %eq3A_1481 = arith.cmpi eq, %jit3A_1479, %eq3A_1480 : i32
      %jit3A_1482 = arith.constant 1 : i32
      %select_n3A_1483 = arith.select %eq3A_1481, %jit3A_1482, %jit3A_1479 : i32
      %rem3A_1484 = vector.broadcast %select_n3A_1483 : i32 to vector<16xi32>
      %rem3A_1485 = arith.remsi %add3A_1478, %rem3A_1484 : vector<16xi32>
      %ne3A_1486 = arith.constant 0 : i32
      %ne3A_1487 = vector.broadcast %ne3A_1486 : i32 to vector<16xi32>
      %ne3A_1488 = arith.cmpi ne, %rem3A_1485, %ne3A_1487 : vector<16xi32>
      %lt3A_1489 = arith.constant 0 : i32
      %lt3A_1490 = vector.broadcast %lt3A_1489 : i32 to vector<16xi32>
      %lt3A_1491 = arith.cmpi slt, %rem3A_1485, %lt3A_1490 : vector<16xi32>
      %lt3A_1492 = arith.constant 0 : i32
      %lt3A_1493 = arith.cmpi slt, %select_n3A_1483, %lt3A_1492 : i32
      %ne3A_1494 = vector.broadcast %lt3A_1493 : i1 to vector<16xi1>
      %ne3A_1495 = vector.broadcast %ne3A_1494 : vector<16xi1> to vector<16xi1>
      %ne3A_1496 = arith.xori %lt3A_1491, %ne3A_1495 : vector<16xi1>
      %and3A_1497 = arith.andi %ne3A_1496, %ne3A_1488 : vector<16xi1>
      %add3A_1498 = vector.broadcast %select_n3A_1483 : i32 to vector<16xi32>
      %add3A_1499 = arith.addi %rem3A_1485, %add3A_1498 : vector<16xi32>
      %select_n3A_1500 = arith.select %and3A_1497, %add3A_1499, %rem3A_1485 : vector<16xi1>, vector<16xi32>
      %broadcast_in_dim3A_1501 = vector.shape_cast %select_n3A_1475 : vector<16xi32> to vector<16x1xi32>
      %gather3A_1502 = vector.shape_cast %broadcast_in_dim3A_1501 : vector<16x1xi32> to vector<16xi32>
      %gather3A_1503 = tpu.dynamic_gather %select_n3A_1416[%gather3A_1502] in [0] : vector<16xf32>, vector<16xi32> -> vector<16xf32>
      %select_n3A_1504 = arith.select %eq3A_1450, %select_n3A_1384, %gather3A_1503 : vector<16xi1>, vector<16xf32>
      %broadcast_in_dim3A_1505 = vector.shape_cast %select_n3A_1500 : vector<16xi32> to vector<16x1xi32>
      %gather3A_1506 = vector.shape_cast %broadcast_in_dim3A_1505 : vector<16x1xi32> to vector<16xi32>
      %gather3A_1507 = tpu.dynamic_gather %select_n3A_1384[%gather3A_1506] in [0] : vector<16xf32>, vector<16xi32> -> vector<16xf32>
      %select_n3A_1508 = arith.select %eq3A_1450, %gather3A_1507, %select_n3A_1416 : vector<16xi1>, vector<16xf32>
      %broadcast_in_dim3A_1509 = vector.shape_cast %select_n3A_1475 : vector<16xi32> to vector<16x1xi32>
      %gather3A_1510 = vector.shape_cast %broadcast_in_dim3A_1509 : vector<16x1xi32> to vector<16xi32>
      %gather3A_1511 = tpu.dynamic_gather %select_n3A_1424[%gather3A_1510] in [0] : vector<16xf32>, vector<16xi32> -> vector<16xf32>
      %select_n3A_1512 = arith.select %eq3A_1450, %select_n3A_1392, %gather3A_1511 : vector<16xi1>, vector<16xf32>
      %broadcast_in_dim3A_1513 = vector.shape_cast %select_n3A_1500 : vector<16xi32> to vector<16x1xi32>
      %gather3A_1514 = vector.shape_cast %broadcast_in_dim3A_1513 : vector<16x1xi32> to vector<16xi32>
      %gather3A_1515 = tpu.dynamic_gather %select_n3A_1392[%gather3A_1514] in [0] : vector<16xf32>, vector<16xi32> -> vector<16xf32>
      %select_n3A_1516 = arith.select %eq3A_1450, %gather3A_1515, %select_n3A_1424 : vector<16xi1>, vector<16xf32>
      %broadcast_in_dim3A_1517 = vector.shape_cast %select_n3A_1475 : vector<16xi32> to vector<16x1xi32>
      %gather3A_1518 = vector.shape_cast %broadcast_in_dim3A_1517 : vector<16x1xi32> to vector<16xi32>
      %gather3A_1519 = tpu.dynamic_gather %select_n3A_1432[%gather3A_1518] in [0] : vector<16xf32>, vector<16xi32> -> vector<16xf32>
      %select_n3A_1520 = arith.select %eq3A_1450, %select_n3A_1400, %gather3A_1519 : vector<16xi1>, vector<16xf32>
      %broadcast_in_dim3A_1521 = vector.shape_cast %select_n3A_1500 : vector<16xi32> to vector<16x1xi32>
      %gather3A_1522 = vector.shape_cast %broadcast_in_dim3A_1521 : vector<16x1xi32> to vector<16xi32>
      %gather3A_1523 = tpu.dynamic_gather %select_n3A_1400[%gather3A_1522] in [0] : vector<16xf32>, vector<16xi32> -> vector<16xf32>
      %select_n3A_1524 = arith.select %eq3A_1450, %gather3A_1523, %select_n3A_1432 : vector<16xi1>, vector<16xf32>
      %broadcast_in_dim3A_1525 = vector.shape_cast %select_n3A_1475 : vector<16xi32> to vector<16x1xi32>
      %gather3A_1526 = vector.shape_cast %broadcast_in_dim3A_1525 : vector<16x1xi32> to vector<16xi32>
      %gather3A_1527 = tpu.dynamic_gather %select_n3A_1440[%gather3A_1526] in [0] : vector<16xf32>, vector<16xi32> -> vector<16xf32>
      %select_n3A_1528 = arith.select %eq3A_1450, %select_n3A_1408, %gather3A_1527 : vector<16xi1>, vector<16xf32>
      %broadcast_in_dim3A_1529 = vector.shape_cast %select_n3A_1500 : vector<16xi32> to vector<16x1xi32>
      %gather3A_1530 = vector.shape_cast %broadcast_in_dim3A_1529 : vector<16x1xi32> to vector<16xi32>
      %gather3A_1531 = tpu.dynamic_gather %select_n3A_1408[%gather3A_1530] in [0] : vector<16xf32>, vector<16xi32> -> vector<16xf32>
      %select_n3A_1532 = arith.select %eq3A_1450, %gather3A_1531, %select_n3A_1440 : vector<16xi1>, vector<16xf32>
      %broadcast_in_dim3A_1533 = vector.shape_cast %select_n3A_1475 : vector<16xi32> to vector<16x1xi32>
      %gather3A_1534 = vector.shape_cast %broadcast_in_dim3A_1533 : vector<16x1xi32> to vector<16xi32>
      %gather3A_1535 = tpu.dynamic_gather %select_n3A_1420[%gather3A_1534] in [0] : vector<16xf32>, vector<16xi32> -> vector<16xf32>
      %select_n3A_1536 = arith.select %eq3A_1450, %select_n3A_1388, %gather3A_1535 : vector<16xi1>, vector<16xf32>
      %broadcast_in_dim3A_1537 = vector.shape_cast %select_n3A_1500 : vector<16xi32> to vector<16x1xi32>
      %gather3A_1538 = vector.shape_cast %broadcast_in_dim3A_1537 : vector<16x1xi32> to vector<16xi32>
      %gather3A_1539 = tpu.dynamic_gather %select_n3A_1388[%gather3A_1538] in [0] : vector<16xf32>, vector<16xi32> -> vector<16xf32>
      %select_n3A_1540 = arith.select %eq3A_1450, %gather3A_1539, %select_n3A_1420 : vector<16xi1>, vector<16xf32>
      %broadcast_in_dim3A_1541 = vector.shape_cast %select_n3A_1475 : vector<16xi32> to vector<16x1xi32>
      %gather3A_1542 = vector.shape_cast %broadcast_in_dim3A_1541 : vector<16x1xi32> to vector<16xi32>
      %gather3A_1543 = tpu.dynamic_gather %select_n3A_1428[%gather3A_1542] in [0] : vector<16xf32>, vector<16xi32> -> vector<16xf32>
      %select_n3A_1544 = arith.select %eq3A_1450, %select_n3A_1396, %gather3A_1543 : vector<16xi1>, vector<16xf32>
      %broadcast_in_dim3A_1545 = vector.shape_cast %select_n3A_1500 : vector<16xi32> to vector<16x1xi32>
      %gather3A_1546 = vector.shape_cast %broadcast_in_dim3A_1545 : vector<16x1xi32> to vector<16xi32>
      %gather3A_1547 = tpu.dynamic_gather %select_n3A_1396[%gather3A_1546] in [0] : vector<16xf32>, vector<16xi32> -> vector<16xf32>
      %select_n3A_1548 = arith.select %eq3A_1450, %gather3A_1547, %select_n3A_1428 : vector<16xi1>, vector<16xf32>
      %broadcast_in_dim3A_1549 = vector.shape_cast %select_n3A_1475 : vector<16xi32> to vector<16x1xi32>
      %gather3A_1550 = vector.shape_cast %broadcast_in_dim3A_1549 : vector<16x1xi32> to vector<16xi32>
      %gather3A_1551 = tpu.dynamic_gather %select_n3A_1436[%gather3A_1550] in [0] : vector<16xf32>, vector<16xi32> -> vector<16xf32>
      %select_n3A_1552 = arith.select %eq3A_1450, %select_n3A_1404, %gather3A_1551 : vector<16xi1>, vector<16xf32>
      %broadcast_in_dim3A_1553 = vector.shape_cast %select_n3A_1500 : vector<16xi32> to vector<16x1xi32>
      %gather3A_1554 = vector.shape_cast %broadcast_in_dim3A_1553 : vector<16x1xi32> to vector<16xi32>
      %gather3A_1555 = tpu.dynamic_gather %select_n3A_1404[%gather3A_1554] in [0] : vector<16xf32>, vector<16xi32> -> vector<16xf32>
      %select_n3A_1556 = arith.select %eq3A_1450, %gather3A_1555, %select_n3A_1436 : vector<16xi1>, vector<16xf32>
      %broadcast_in_dim3A_1557 = vector.shape_cast %select_n3A_1475 : vector<16xi32> to vector<16x1xi32>
      %gather3A_1558 = vector.shape_cast %broadcast_in_dim3A_1557 : vector<16x1xi32> to vector<16xi32>
      %gather3A_1559 = tpu.dynamic_gather %select_n3A_1444[%gather3A_1558] in [0] : vector<16xf32>, vector<16xi32> -> vector<16xf32>
      %select_n3A_1560 = arith.select %eq3A_1450, %select_n3A_1412, %gather3A_1559 : vector<16xi1>, vector<16xf32>
      %broadcast_in_dim3A_1561 = vector.shape_cast %select_n3A_1500 : vector<16xi32> to vector<16x1xi32>
      %gather3A_1562 = vector.shape_cast %broadcast_in_dim3A_1561 : vector<16x1xi32> to vector<16xi32>
      %gather3A_1563 = tpu.dynamic_gather %select_n3A_1412[%gather3A_1562] in [0] : vector<16xf32>, vector<16xi32> -> vector<16xf32>
      %select_n3A_1564 = arith.select %eq3A_1450, %gather3A_1563, %select_n3A_1444 : vector<16xi1>, vector<16xf32>
      %swap3A_1565 = arith.constant 0 : i32
      %swap3A_1566 = arith.index_cast %swap3A_1565 : i32 to index
      %swap3A_1567 = arith.index_cast %mul3A_932 : i32 to index
      %swap3A_1568 = tpu.vector_load %arg9[%swap3A_1566, %swap3A_1567] {strides = array<i32>} : memref<32x512xf32, #tpu.memory_space<vmem>>, vector<1x16xf32>,
      %swap3A_1569 = vector.shape_cast %swap3A_1568 : vector<1x16xf32> to vector<16xf32>
      %swap3A_1570 = vector.shape_cast %select_n3A_1504 : vector<16xf32> to vector<1x16xf32>
      tpu.vector_store %arg9[%swap3A_1566, %swap3A_1567], %swap3A_1570 {strides = array<i32>} : memref<32x512xf32, #tpu.memory_space<vmem>>, vector<1x16xf32>,
      %swap3A_1571 = arith.constant 1 : i32
      %swap3A_1572 = arith.index_cast %swap3A_1571 : i32 to index
      %swap3A_1573 = arith.index_cast %mul3A_932 : i32 to index
      %swap3A_1574 = tpu.vector_load %arg9[%swap3A_1572, %swap3A_1573] {strides = array<i32>} : memref<32x512xf32, #tpu.memory_space<vmem>>, vector<1x16xf32>,
      %swap3A_1575 = vector.shape_cast %swap3A_1574 : vector<1x16xf32> to vector<16xf32>
      %swap3A_1576 = vector.shape_cast %select_n3A_1512 : vector<16xf32> to vector<1x16xf32>
      tpu.vector_store %arg9[%swap3A_1572, %swap3A_1573], %swap3A_1576 {strides = array<i32>} : memref<32x512xf32, #tpu.memory_space<vmem>>, vector<1x16xf32>,
      %swap3A_1577 = arith.constant 2 : i32
      %swap3A_1578 = arith.index_cast %swap3A_1577 : i32 to index
      %swap3A_1579 = arith.index_cast %mul3A_932 : i32 to index
      %swap3A_1580 = tpu.vector_load %arg9[%swap3A_1578, %swap3A_1579] {strides = array<i32>} : memref<32x512xf32, #tpu.memory_space<vmem>>, vector<1x16xf32>,
      %swap3A_1581 = vector.shape_cast %swap3A_1580 : vector<1x16xf32> to vector<16xf32>
      %swap3A_1582 = vector.shape_cast %select_n3A_1520 : vector<16xf32> to vector<1x16xf32>
      tpu.vector_store %arg9[%swap3A_1578, %swap3A_1579], %swap3A_1582 {strides = array<i32>} : memref<32x512xf32, #tpu.memory_space<vmem>>, vector<1x16xf32>,
      %swap3A_1583 = arith.constant 3 : i32
      %swap3A_1584 = arith.index_cast %swap3A_1583 : i32 to index
      %swap3A_1585 = arith.index_cast %mul3A_932 : i32 to index
      %swap3A_1586 = tpu.vector_load %arg9[%swap3A_1584, %swap3A_1585] {strides = array<i32>} : memref<32x512xf32, #tpu.memory_space<vmem>>, vector<1x16xf32>,
      %swap3A_1587 = vector.shape_cast %swap3A_1586 : vector<1x16xf32> to vector<16xf32>
      %swap3A_1588 = vector.shape_cast %select_n3A_1528 : vector<16xf32> to vector<1x16xf32>
      tpu.vector_store %arg9[%swap3A_1584, %swap3A_1585], %swap3A_1588 {strides = array<i32>} : memref<32x512xf32, #tpu.memory_space<vmem>>, vector<1x16xf32>,
      %swap3A_1589 = arith.constant 4 : i32
      %swap3A_1590 = arith.index_cast %swap3A_1589 : i32 to index
      %swap3A_1591 = arith.index_cast %mul3A_932 : i32 to index
      %swap3A_1592 = tpu.vector_load %arg9[%swap3A_1590, %swap3A_1591] {strides = array<i32>} : memref<32x512xf32, #tpu.memory_space<vmem>>, vector<1x16xf32>,
      %swap3A_1593 = vector.shape_cast %swap3A_1592 : vector<1x16xf32> to vector<16xf32>
      %swap3A_1594 = vector.shape_cast %select_n3A_1536 : vector<16xf32> to vector<1x16xf32>
      tpu.vector_store %arg9[%swap3A_1590, %swap3A_1591], %swap3A_1594 {strides = array<i32>} : memref<32x512xf32, #tpu.memory_space<vmem>>, vector<1x16xf32>,
      %swap3A_1595 = arith.constant 5 : i32
      %swap3A_1596 = arith.index_cast %swap3A_1595 : i32 to index
      %swap3A_1597 = arith.index_cast %mul3A_932 : i32 to index
      %swap3A_1598 = tpu.vector_load %arg9[%swap3A_1596, %swap3A_1597] {strides = array<i32>} : memref<32x512xf32, #tpu.memory_space<vmem>>, vector<1x16xf32>,
      %swap3A_1599 = vector.shape_cast %swap3A_1598 : vector<1x16xf32> to vector<16xf32>
      %swap3A_1600 = vector.shape_cast %select_n3A_1544 : vector<16xf32> to vector<1x16xf32>
      tpu.vector_store %arg9[%swap3A_1596, %swap3A_1597], %swap3A_1600 {strides = array<i32>} : memref<32x512xf32, #tpu.memory_space<vmem>>, vector<1x16xf32>,
      %swap3A_1601 = arith.constant 6 : i32
      %swap3A_1602 = arith.index_cast %swap3A_1601 : i32 to index
      %swap3A_1603 = arith.index_cast %mul3A_932 : i32 to index
      %swap3A_1604 = tpu.vector_load %arg9[%swap3A_1602, %swap3A_1603] {strides = array<i32>} : memref<32x512xf32, #tpu.memory_space<vmem>>, vector<1x16xf32>,
      %swap3A_1605 = vector.shape_cast %swap3A_1604 : vector<1x16xf32> to vector<16xf32>
      %swap3A_1606 = vector.shape_cast %select_n3A_1552 : vector<16xf32> to vector<1x16xf32>
      tpu.vector_store %arg9[%swap3A_1602, %swap3A_1603], %swap3A_1606 {strides = array<i32>} : memref<32x512xf32, #tpu.memory_space<vmem>>, vector<1x16xf32>,
      %swap3A_1607 = arith.constant 7 : i32
      %swap3A_1608 = arith.index_cast %swap3A_1607 : i32 to index
      %swap3A_1609 = arith.index_cast %mul3A_932 : i32 to index
      %swap3A_1610 = tpu.vector_load %arg9[%swap3A_1608, %swap3A_1609] {strides = array<i32>} : memref<32x512xf32, #tpu.memory_space<vmem>>, vector<1x16xf32>,
      %swap3A_1611 = vector.shape_cast %swap3A_1610 : vector<1x16xf32> to vector<16xf32>
      %swap3A_1612 = vector.shape_cast %select_n3A_1560 : vector<16xf32> to vector<1x16xf32>
      tpu.vector_store %arg9[%swap3A_1608, %swap3A_1609], %swap3A_1612 {strides = array<i32>} : memref<32x512xf32, #tpu.memory_space<vmem>>, vector<1x16xf32>,
      %swap3A_1613 = arith.constant 8 : i32
      %swap3A_1614 = arith.index_cast %swap3A_1613 : i32 to index
      %swap3A_1615 = arith.index_cast %mul3A_932 : i32 to index
      %swap3A_1616 = tpu.vector_load %arg9[%swap3A_1614, %swap3A_1615] {strides = array<i32>} : memref<32x512xf32, #tpu.memory_space<vmem>>, vector<1x16xf32>,
      %swap3A_1617 = vector.shape_cast %swap3A_1616 : vector<1x16xf32> to vector<16xf32>
      %swap3A_1618 = vector.shape_cast %select_n3A_1508 : vector<16xf32> to vector<1x16xf32>
      tpu.vector_store %arg9[%swap3A_1614, %swap3A_1615], %swap3A_1618 {strides = array<i32>} : memref<32x512xf32, #tpu.memory_space<vmem>>, vector<1x16xf32>,
      %swap3A_1619 = arith.constant 9 : i32
      %swap3A_1620 = arith.index_cast %swap3A_1619 : i32 to index
      %swap3A_1621 = arith.index_cast %mul3A_932 : i32 to index
      %swap3A_1622 = tpu.vector_load %arg9[%swap3A_1620, %swap3A_1621] {strides = array<i32>} : memref<32x512xf32, #tpu.memory_space<vmem>>, vector<1x16xf32>,
      %swap3A_1623 = vector.shape_cast %swap3A_1622 : vector<1x16xf32> to vector<16xf32>
      %swap3A_1624 = vector.shape_cast %select_n3A_1516 : vector<16xf32> to vector<1x16xf32>
      tpu.vector_store %arg9[%swap3A_1620, %swap3A_1621], %swap3A_1624 {strides = array<i32>} : memref<32x512xf32, #tpu.memory_space<vmem>>, vector<1x16xf32>,
      %swap3A_1625 = arith.constant 10 : i32
      %swap3A_1626 = arith.index_cast %swap3A_1625 : i32 to index
      %swap3A_1627 = arith.index_cast %mul3A_932 : i32 to index
      %swap3A_1628 = tpu.vector_load %arg9[%swap3A_1626, %swap3A_1627] {strides = array<i32>} : memref<32x512xf32, #tpu.memory_space<vmem>>, vector<1x16xf32>,
      %swap3A_1629 = vector.shape_cast %swap3A_1628 : vector<1x16xf32> to vector<16xf32>
      %swap3A_1630 = vector.shape_cast %select_n3A_1524 : vector<16xf32> to vector<1x16xf32>
      tpu.vector_store %arg9[%swap3A_1626, %swap3A_1627], %swap3A_1630 {strides = array<i32>} : memref<32x512xf32, #tpu.memory_space<vmem>>, vector<1x16xf32>,
      %swap3A_1631 = arith.constant 11 : i32
      %swap3A_1632 = arith.index_cast %swap3A_1631 : i32 to index
      %swap3A_1633 = arith.index_cast %mul3A_932 : i32 to index
      %swap3A_1634 = tpu.vector_load %arg9[%swap3A_1632, %swap3A_1633] {strides = array<i32>} : memref<32x512xf32, #tpu.memory_space<vmem>>, vector<1x16xf32>,
      %swap3A_1635 = vector.shape_cast %swap3A_1634 : vector<1x16xf32> to vector<16xf32>
      %swap3A_1636 = vector.shape_cast %select_n3A_1532 : vector<16xf32> to vector<1x16xf32>
      tpu.vector_store %arg9[%swap3A_1632, %swap3A_1633], %swap3A_1636 {strides = array<i32>} : memref<32x512xf32, #tpu.memory_space<vmem>>, vector<1x16xf32>,
      %swap3A_1637 = arith.constant 12 : i32
      %swap3A_1638 = arith.index_cast %swap3A_1637 : i32 to index
      %swap3A_1639 = arith.index_cast %mul3A_932 : i32 to index
      %swap3A_1640 = tpu.vector_load %arg9[%swap3A_1638, %swap3A_1639] {strides = array<i32>} : memref<32x512xf32, #tpu.memory_space<vmem>>, vector<1x16xf32>,
      %swap3A_1641 = vector.shape_cast %swap3A_1640 : vector<1x16xf32> to vector<16xf32>
      %swap3A_1642 = vector.shape_cast %select_n3A_1540 : vector<16xf32> to vector<1x16xf32>
      tpu.vector_store %arg9[%swap3A_1638, %swap3A_1639], %swap3A_1642 {strides = array<i32>} : memref<32x512xf32, #tpu.memory_space<vmem>>, vector<1x16xf32>,
      %swap3A_1643 = arith.constant 13 : i32
      %swap3A_1644 = arith.index_cast %swap3A_1643 : i32 to index
      %swap3A_1645 = arith.index_cast %mul3A_932 : i32 to index
      %swap3A_1646 = tpu.vector_load %arg9[%swap3A_1644, %swap3A_1645] {strides = array<i32>} : memref<32x512xf32, #tpu.memory_space<vmem>>, vector<1x16xf32>,
      %swap3A_1647 = vector.shape_cast %swap3A_1646 : vector<1x16xf32> to vector<16xf32>
      %swap3A_1648 = vector.shape_cast %select_n3A_1548 : vector<16xf32> to vector<1x16xf32>
      tpu.vector_store %arg9[%swap3A_1644, %swap3A_1645], %swap3A_1648 {strides = array<i32>} : memref<32x512xf32, #tpu.memory_space<vmem>>, vector<1x16xf32>,
      %swap3A_1649 = arith.constant 14 : i32
      %swap3A_1650 = arith.index_cast %swap3A_1649 : i32 to index
      %swap3A_1651 = arith.index_cast %mul3A_932 : i32 to index
      %swap3A_1652 = tpu.vector_load %arg9[%swap3A_1650, %swap3A_1651] {strides = array<i32>} : memref<32x512xf32, #tpu.memory_space<vmem>>, vector<1x16xf32>,
      %swap3A_1653 = vector.shape_cast %swap3A_1652 : vector<1x16xf32> to vector<16xf32>
      %swap3A_1654 = vector.shape_cast %select_n3A_1556 : vector<16xf32> to vector<1x16xf32>
      tpu.vector_store %arg9[%swap3A_1650, %swap3A_1651], %swap3A_1654 {strides = array<i32>} : memref<32x512xf32, #tpu.memory_space<vmem>>, vector<1x16xf32>,
      %swap3A_1655 = arith.constant 15 : i32
      %swap3A_1656 = arith.index_cast %swap3A_1655 : i32 to index
      %swap3A_1657 = arith.index_cast %mul3A_932 : i32 to index
      %swap3A_1658 = tpu.vector_load %arg9[%swap3A_1656, %swap3A_1657] {strides = array<i32>} : memref<32x512xf32, #tpu.memory_space<vmem>>, vector<1x16xf32>,
      %swap3A_1659 = vector.shape_cast %swap3A_1658 : vector<1x16xf32> to vector<16xf32>
      %swap3A_1660 = vector.shape_cast %select_n3A_1564 : vector<16xf32> to vector<1x16xf32>
      tpu.vector_store %arg9[%swap3A_1656, %swap3A_1657], %swap3A_1660 {strides = array<i32>} : memref<32x512xf32, #tpu.memory_space<vmem>>, vector<1x16xf32>,
      %slice3A_1661 = vector.extract_strided_slice %get3A_935 {offsets = [0], sizes = [1], strides = [1]} : vector<16xi32> to vector<1xi32>
      %squeeze3A_1662 = vector.extract %slice3A_1661[0] : i32 from vector<1xi32>
      %add3A_1663 = arith.constant 0 : i32
      %add3A_1664 = arith.addi %mul3A_932, %add3A_1663 : i32
      %add3A_1665 = arith.constant 16 : i32
      %add3A_1666 = arith.addi %squeeze3A_1662, %add3A_1665 : i32
      %get3A_1667 = arith.index_cast %add3A_1664 : i32 to index
      %get3A_1668 = arith.index_cast %add3A_1666 : i32 to index
      %get3A_1669 = tpu.vector_load %arg8[%get3A_1667, %get3A_1668] {strides = array<i32>} : memref<512x128xf32, #tpu.memory_space<vmem>>, vector<1x16xf32>,
      %get3A_1670 = vector.shape_cast %get3A_1669 : vector<1x16xf32> to vector<16xf32>
      %slice3A_1671 = vector.extract_strided_slice %get3A_935 {offsets = [1], sizes = [1], strides = [1]} : vector<16xi32> to vector<1xi32>
      %squeeze3A_1672 = vector.extract %slice3A_1671[0] : i32 from vector<1xi32>
      %add3A_1673 = arith.constant 1 : i32
      %add3A_1674 = arith.addi %mul3A_932, %add3A_1673 : i32
      %add3A_1675 = arith.constant 16 : i32
      %add3A_1676 = arith.addi %squeeze3A_1672, %add3A_1675 : i32
      %get3A_1677 = arith.index_cast %add3A_1674 : i32 to index
      %get3A_1678 = arith.index_cast %add3A_1676 : i32 to index
      %get3A_1679 = tpu.vector_load %arg8[%get3A_1677, %get3A_1678] {strides = array<i32>} : memref<512x128xf32, #tpu.memory_space<vmem>>, vector<1x16xf32>,
      %get3A_1680 = vector.shape_cast %get3A_1679 : vector<1x16xf32> to vector<16xf32>
      %slice3A_1681 = vector.extract_strided_slice %get3A_935 {offsets = [2], sizes = [1], strides = [1]} : vector<16xi32> to vector<1xi32>
      %squeeze3A_1682 = vector.extract %slice3A_1681[0] : i32 from vector<1xi32>
      %add3A_1683 = arith.constant 2 : i32
      %add3A_1684 = arith.addi %mul3A_932, %add3A_1683 : i32
      %add3A_1685 = arith.constant 16 : i32
      %add3A_1686 = arith.addi %squeeze3A_1682, %add3A_1685 : i32
      %get3A_1687 = arith.index_cast %add3A_1684 : i32 to index
      %get3A_1688 = arith.index_cast %add3A_1686 : i32 to index
      %get3A_1689 = tpu.vector_load %arg8[%get3A_1687, %get3A_1688] {strides = array<i32>} : memref<512x128xf32, #tpu.memory_space<vmem>>, vector<1x16xf32>,
      %get3A_1690 = vector.shape_cast %get3A_1689 : vector<1x16xf32> to vector<16xf32>
      %slice3A_1691 = vector.extract_strided_slice %get3A_935 {offsets = [3], sizes = [1], strides = [1]} : vector<16xi32> to vector<1xi32>
      %squeeze3A_1692 = vector.extract %slice3A_1691[0] : i32 from vector<1xi32>
      %add3A_1693 = arith.constant 3 : i32
      %add3A_1694 = arith.addi %mul3A_932, %add3A_1693 : i32
      %add3A_1695 = arith.constant 16 : i32
      %add3A_1696 = arith.addi %squeeze3A_1692, %add3A_1695 : i32
      %get3A_1697 = arith.index_cast %add3A_1694 : i32 to index
      %get3A_1698 = arith.index_cast %add3A_1696 : i32 to index
      %get3A_1699 = tpu.vector_load %arg8[%get3A_1697, %get3A_1698] {strides = array<i32>} : memref<512x128xf32, #tpu.memory_space<vmem>>, vector<1x16xf32>,
      %get3A_1700 = vector.shape_cast %get3A_1699 : vector<1x16xf32> to vector<16xf32>
      %slice3A_1701 = vector.extract_strided_slice %get3A_935 {offsets = [4], sizes = [1], strides = [1]} : vector<16xi32> to vector<1xi32>
      %squeeze3A_1702 = vector.extract %slice3A_1701[0] : i32 from vector<1xi32>
      %add3A_1703 = arith.constant 4 : i32
      %add3A_1704 = arith.addi %mul3A_932, %add3A_1703 : i32
      %add3A_1705 = arith.constant 16 : i32
      %add3A_1706 = arith.addi %squeeze3A_1702, %add3A_1705 : i32
      %get3A_1707 = arith.index_cast %add3A_1704 : i32 to index
      %get3A_1708 = arith.index_cast %add3A_1706 : i32 to index
      %get3A_1709 = tpu.vector_load %arg8[%get3A_1707, %get3A_1708] {strides = array<i32>} : memref<512x128xf32, #tpu.memory_space<vmem>>, vector<1x16xf32>,
      %get3A_1710 = vector.shape_cast %get3A_1709 : vector<1x16xf32> to vector<16xf32>
      %slice3A_1711 = vector.extract_strided_slice %get3A_935 {offsets = [5], sizes = [1], strides = [1]} : vector<16xi32> to vector<1xi32>
      %squeeze3A_1712 = vector.extract %slice3A_1711[0] : i32 from vector<1xi32>
      %add3A_1713 = arith.constant 5 : i32
      %add3A_1714 = arith.addi %mul3A_932, %add3A_1713 : i32
      %add3A_1715 = arith.constant 16 : i32
      %add3A_1716 = arith.addi %squeeze3A_1712, %add3A_1715 : i32
      %get3A_1717 = arith.index_cast %add3A_1714 : i32 to index
      %get3A_1718 = arith.index_cast %add3A_1716 : i32 to index
      %get3A_1719 = tpu.vector_load %arg8[%get3A_1717, %get3A_1718] {strides = array<i32>} : memref<512x128xf32, #tpu.memory_space<vmem>>, vector<1x16xf32>,
      %get3A_1720 = vector.shape_cast %get3A_1719 : vector<1x16xf32> to vector<16xf32>
      %slice3A_1721 = vector.extract_strided_slice %get3A_935 {offsets = [6], sizes = [1], strides = [1]} : vector<16xi32> to vector<1xi32>
      %squeeze3A_1722 = vector.extract %slice3A_1721[0] : i32 from vector<1xi32>
      %add3A_1723 = arith.constant 6 : i32
      %add3A_1724 = arith.addi %mul3A_932, %add3A_1723 : i32
      %add3A_1725 = arith.constant 16 : i32
      %add3A_1726 = arith.addi %squeeze3A_1722, %add3A_1725 : i32
      %get3A_1727 = arith.index_cast %add3A_1724 : i32 to index
      %get3A_1728 = arith.index_cast %add3A_1726 : i32 to index
      %get3A_1729 = tpu.vector_load %arg8[%get3A_1727, %get3A_1728] {strides = array<i32>} : memref<512x128xf32, #tpu.memory_space<vmem>>, vector<1x16xf32>,
      %get3A_1730 = vector.shape_cast %get3A_1729 : vector<1x16xf32> to vector<16xf32>
      %slice3A_1731 = vector.extract_strided_slice %get3A_935 {offsets = [7], sizes = [1], strides = [1]} : vector<16xi32> to vector<1xi32>
      %squeeze3A_1732 = vector.extract %slice3A_1731[0] : i32 from vector<1xi32>
      %add3A_1733 = arith.constant 7 : i32
      %add3A_1734 = arith.addi %mul3A_932, %add3A_1733 : i32
      %add3A_1735 = arith.constant 16 : i32
      %add3A_1736 = arith.addi %squeeze3A_1732, %add3A_1735 : i32
      %get3A_1737 = arith.index_cast %add3A_1734 : i32 to index
      %get3A_1738 = arith.index_cast %add3A_1736 : i32 to index
      %get3A_1739 = tpu.vector_load %arg8[%get3A_1737, %get3A_1738] {strides = array<i32>} : memref<512x128xf32, #tpu.memory_space<vmem>>, vector<1x16xf32>,
      %get3A_1740 = vector.shape_cast %get3A_1739 : vector<1x16xf32> to vector<16xf32>
      %slice3A_1741 = vector.extract_strided_slice %get3A_935 {offsets = [8], sizes = [1], strides = [1]} : vector<16xi32> to vector<1xi32>
      %squeeze3A_1742 = vector.extract %slice3A_1741[0] : i32 from vector<1xi32>
      %add3A_1743 = arith.constant 8 : i32
      %add3A_1744 = arith.addi %mul3A_932, %add3A_1743 : i32
      %add3A_1745 = arith.constant 16 : i32
      %add3A_1746 = arith.addi %squeeze3A_1742, %add3A_1745 : i32
      %get3A_1747 = arith.index_cast %add3A_1744 : i32 to index
      %get3A_1748 = arith.index_cast %add3A_1746 : i32 to index
      %get3A_1749 = tpu.vector_load %arg8[%get3A_1747, %get3A_1748] {strides = array<i32>} : memref<512x128xf32, #tpu.memory_space<vmem>>, vector<1x16xf32>,
      %get3A_1750 = vector.shape_cast %get3A_1749 : vector<1x16xf32> to vector<16xf32>
      %slice3A_1751 = vector.extract_strided_slice %get3A_935 {offsets = [9], sizes = [1], strides = [1]} : vector<16xi32> to vector<1xi32>
      %squeeze3A_1752 = vector.extract %slice3A_1751[0] : i32 from vector<1xi32>
      %add3A_1753 = arith.constant 9 : i32
      %add3A_1754 = arith.addi %mul3A_932, %add3A_1753 : i32
      %add3A_1755 = arith.constant 16 : i32
      %add3A_1756 = arith.addi %squeeze3A_1752, %add3A_1755 : i32
      %get3A_1757 = arith.index_cast %add3A_1754 : i32 to index
      %get3A_1758 = arith.index_cast %add3A_1756 : i32 to index
      %get3A_1759 = tpu.vector_load %arg8[%get3A_1757, %get3A_1758] {strides = array<i32>} : memref<512x128xf32, #tpu.memory_space<vmem>>, vector<1x16xf32>,
      %get3A_1760 = vector.shape_cast %get3A_1759 : vector<1x16xf32> to vector<16xf32>
      %slice3A_1761 = vector.extract_strided_slice %get3A_935 {offsets = [10], sizes = [1], strides = [1]} : vector<16xi32> to vector<1xi32>
      %squeeze3A_1762 = vector.extract %slice3A_1761[0] : i32 from vector<1xi32>
      %add3A_1763 = arith.constant 10 : i32
      %add3A_1764 = arith.addi %mul3A_932, %add3A_1763 : i32
      %add3A_1765 = arith.constant 16 : i32
      %add3A_1766 = arith.addi %squeeze3A_1762, %add3A_1765 : i32
      %get3A_1767 = arith.index_cast %add3A_1764 : i32 to index
      %get3A_1768 = arith.index_cast %add3A_1766 : i32 to index
      %get3A_1769 = tpu.vector_load %arg8[%get3A_1767, %get3A_1768] {strides = array<i32>} : memref<512x128xf32, #tpu.memory_space<vmem>>, vector<1x16xf32>,
      %get3A_1770 = vector.shape_cast %get3A_1769 : vector<1x16xf32> to vector<16xf32>
      %slice3A_1771 = vector.extract_strided_slice %get3A_935 {offsets = [11], sizes = [1], strides = [1]} : vector<16xi32> to vector<1xi32>
      %squeeze3A_1772 = vector.extract %slice3A_1771[0] : i32 from vector<1xi32>
      %add3A_1773 = arith.constant 11 : i32
      %add3A_1774 = arith.addi %mul3A_932, %add3A_1773 : i32
      %add3A_1775 = arith.constant 16 : i32
      %add3A_1776 = arith.addi %squeeze3A_1772, %add3A_1775 : i32
      %get3A_1777 = arith.index_cast %add3A_1774 : i32 to index
      %get3A_1778 = arith.index_cast %add3A_1776 : i32 to index
      %get3A_1779 = tpu.vector_load %arg8[%get3A_1777, %get3A_1778] {strides = array<i32>} : memref<512x128xf32, #tpu.memory_space<vmem>>, vector<1x16xf32>,
      %get3A_1780 = vector.shape_cast %get3A_1779 : vector<1x16xf32> to vector<16xf32>
      %slice3A_1781 = vector.extract_strided_slice %get3A_935 {offsets = [12], sizes = [1], strides = [1]} : vector<16xi32> to vector<1xi32>
      %squeeze3A_1782 = vector.extract %slice3A_1781[0] : i32 from vector<1xi32>
      %add3A_1783 = arith.constant 12 : i32
      %add3A_1784 = arith.addi %mul3A_932, %add3A_1783 : i32
      %add3A_1785 = arith.constant 16 : i32
      %add3A_1786 = arith.addi %squeeze3A_1782, %add3A_1785 : i32
      %get3A_1787 = arith.index_cast %add3A_1784 : i32 to index
      %get3A_1788 = arith.index_cast %add3A_1786 : i32 to index
      %get3A_1789 = tpu.vector_load %arg8[%get3A_1787, %get3A_1788] {strides = array<i32>} : memref<512x128xf32, #tpu.memory_space<vmem>>, vector<1x16xf32>,
      %get3A_1790 = vector.shape_cast %get3A_1789 : vector<1x16xf32> to vector<16xf32>
      %slice3A_1791 = vector.extract_strided_slice %get3A_935 {offsets = [13], sizes = [1], strides = [1]} : vector<16xi32> to vector<1xi32>
      %squeeze3A_1792 = vector.extract %slice3A_1791[0] : i32 from vector<1xi32>
      %add3A_1793 = arith.constant 13 : i32
      %add3A_1794 = arith.addi %mul3A_932, %add3A_1793 : i32
      %add3A_1795 = arith.constant 16 : i32
      %add3A_1796 = arith.addi %squeeze3A_1792, %add3A_1795 : i32
      %get3A_1797 = arith.index_cast %add3A_1794 : i32 to index
      %get3A_1798 = arith.index_cast %add3A_1796 : i32 to index
      %get3A_1799 = tpu.vector_load %arg8[%get3A_1797, %get3A_1798] {strides = array<i32>} : memref<512x128xf32, #tpu.memory_space<vmem>>, vector<1x16xf32>,
      %get3A_1800 = vector.shape_cast %get3A_1799 : vector<1x16xf32> to vector<16xf32>
      %slice3A_1801 = vector.extract_strided_slice %get3A_935 {offsets = [14], sizes = [1], strides = [1]} : vector<16xi32> to vector<1xi32>
      %squeeze3A_1802 = vector.extract %slice3A_1801[0] : i32 from vector<1xi32>
      %add3A_1803 = arith.constant 14 : i32
      %add3A_1804 = arith.addi %mul3A_932, %add3A_1803 : i32
      %add3A_1805 = arith.constant 16 : i32
      %add3A_1806 = arith.addi %squeeze3A_1802, %add3A_1805 : i32
      %get3A_1807 = arith.index_cast %add3A_1804 : i32 to index
      %get3A_1808 = arith.index_cast %add3A_1806 : i32 to index
      %get3A_1809 = tpu.vector_load %arg8[%get3A_1807, %get3A_1808] {strides = array<i32>} : memref<512x128xf32, #tpu.memory_space<vmem>>, vector<1x16xf32>,
      %get3A_1810 = vector.shape_cast %get3A_1809 : vector<1x16xf32> to vector<16xf32>
      %slice3A_1811 = vector.extract_strided_slice %get3A_935 {offsets = [15], sizes = [1], strides = [1]} : vector<16xi32> to vector<1xi32>
      %squeeze3A_1812 = vector.extract %slice3A_1811[0] : i32 from vector<1xi32>
      %add3A_1813 = arith.constant 15 : i32
      %add3A_1814 = arith.addi %mul3A_932, %add3A_1813 : i32
      %add3A_1815 = arith.constant 16 : i32
      %add3A_1816 = arith.addi %squeeze3A_1812, %add3A_1815 : i32
      %get3A_1817 = arith.index_cast %add3A_1814 : i32 to index
      %get3A_1818 = arith.index_cast %add3A_1816 : i32 to index
      %get3A_1819 = tpu.vector_load %arg8[%get3A_1817, %get3A_1818] {strides = array<i32>} : memref<512x128xf32, #tpu.memory_space<vmem>>, vector<1x16xf32>,
      %get3A_1820 = vector.shape_cast %get3A_1819 : vector<1x16xf32> to vector<16xf32>
      %iota3A_1821 = tpu.iota {dimensions = array<i32: 0>} : vector<16xi32>
      %and3A_1822 = arith.constant 1 : i32
      %and3A_1823 = vector.broadcast %and3A_1822 : i32 to vector<16xi32>
      %and3A_1824 = arith.andi %iota3A_1821, %and3A_1823 : vector<16xi32>
      %eq3A_1825 = arith.constant 0 : i32
      %eq3A_1826 = vector.broadcast %eq3A_1825 : i32 to vector<16xi32>
      %eq3A_1827 = arith.cmpi eq, %and3A_1824, %eq3A_1826 : vector<16xi32>
      %sub3A_1828 = arith.constant 1 : i32
      %sub3A_1829 = vector.broadcast %sub3A_1828 : i32 to vector<16xi32>
      %sub3A_1830 = arith.subi %iota3A_1821, %sub3A_1829 : vector<16xi32>
      %jit3A_1831 = arith.constant 16 : i32
      %eq3A_1832 = arith.constant 0 : i32
      %eq3A_1833 = arith.cmpi eq, %jit3A_1831, %eq3A_1832 : i32
      %jit3A_1834 = arith.constant 1 : i32
      %select_n3A_1835 = arith.select %eq3A_1833, %jit3A_1834, %jit3A_1831 : i32
      %rem3A_1836 = vector.broadcast %select_n3A_1835 : i32 to vector<16xi32>
      %rem3A_1837 = arith.remsi %sub3A_1830, %rem3A_1836 : vector<16xi32>
      %ne3A_1838 = arith.constant 0 : i32
      %ne3A_1839 = vector.broadcast %ne3A_1838 : i32 to vector<16xi32>
      %ne3A_1840 = arith.cmpi ne, %rem3A_1837, %ne3A_1839 : vector<16xi32>
      %lt3A_1841 = arith.constant 0 : i32
      %lt3A_1842 = vector.broadcast %lt3A_1841 : i32 to vector<16xi32>
      %lt3A_1843 = arith.cmpi slt, %rem3A_1837, %lt3A_1842 : vector<16xi32>
      %lt3A_1844 = arith.constant 0 : i32
      %lt3A_1845 = arith.cmpi slt, %select_n3A_1835, %lt3A_1844 : i32
      %ne3A_1846 = vector.broadcast %lt3A_1845 : i1 to vector<16xi1>
      %ne3A_1847 = vector.broadcast %ne3A_1846 : vector<16xi1> to vector<16xi1>
      %ne3A_1848 = arith.xori %lt3A_1843, %ne3A_1847 : vector<16xi1>
      %and3A_1849 = arith.andi %ne3A_1848, %ne3A_1840 : vector<16xi1>
      %add3A_1850 = vector.broadcast %select_n3A_1835 : i32 to vector<16xi32>
      %add3A_1851 = arith.addi %rem3A_1837, %add3A_1850 : vector<16xi32>
      %select_n3A_1852 = arith.select %and3A_1849, %add3A_1851, %rem3A_1837 : vector<16xi1>, vector<16xi32>
      %add3A_1853 = arith.constant 1 : i32
      %add3A_1854 = vector.broadcast %add3A_1853 : i32 to vector<16xi32>
      %add3A_1855 = arith.addi %iota3A_1821, %add3A_1854 : vector<16xi32>
      %jit3A_1856 = arith.constant 16 : i32
      %eq3A_1857 = arith.constant 0 : i32
      %eq3A_1858 = arith.cmpi eq, %jit3A_1856, %eq3A_1857 : i32
      %jit3A_1859 = arith.constant 1 : i32
      %select_n3A_1860 = arith.select %eq3A_1858, %jit3A_1859, %jit3A_1856 : i32
      %rem3A_1861 = vector.broadcast %select_n3A_1860 : i32 to vector<16xi32>
      %rem3A_1862 = arith.remsi %add3A_1855, %rem3A_1861 : vector<16xi32>
      %ne3A_1863 = arith.constant 0 : i32
      %ne3A_1864 = vector.broadcast %ne3A_1863 : i32 to vector<16xi32>
      %ne3A_1865 = arith.cmpi ne, %rem3A_1862, %ne3A_1864 : vector<16xi32>
      %lt3A_1866 = arith.constant 0 : i32
      %lt3A_1867 = vector.broadcast %lt3A_1866 : i32 to vector<16xi32>
      %lt3A_1868 = arith.cmpi slt, %rem3A_1862, %lt3A_1867 : vector<16xi32>
      %lt3A_1869 = arith.constant 0 : i32
      %lt3A_1870 = arith.cmpi slt, %select_n3A_1860, %lt3A_1869 : i32
      %ne3A_1871 = vector.broadcast %lt3A_1870 : i1 to vector<16xi1>
      %ne3A_1872 = vector.broadcast %ne3A_1871 : vector<16xi1> to vector<16xi1>
      %ne3A_1873 = arith.xori %lt3A_1868, %ne3A_1872 : vector<16xi1>
      %and3A_1874 = arith.andi %ne3A_1873, %ne3A_1865 : vector<16xi1>
      %add3A_1875 = vector.broadcast %select_n3A_1860 : i32 to vector<16xi32>
      %add3A_1876 = arith.addi %rem3A_1862, %add3A_1875 : vector<16xi32>
      %select_n3A_1877 = arith.select %and3A_1874, %add3A_1876, %rem3A_1862 : vector<16xi1>, vector<16xi32>
      %broadcast_in_dim3A_1878 = vector.shape_cast %select_n3A_1852 : vector<16xi32> to vector<16x1xi32>
      %gather3A_1879 = vector.shape_cast %broadcast_in_dim3A_1878 : vector<16x1xi32> to vector<16xi32>
      %gather3A_1880 = tpu.dynamic_gather %get3A_1680[%gather3A_1879] in [0] : vector<16xf32>, vector<16xi32> -> vector<16xf32>
      %select_n3A_1881 = arith.select %eq3A_1827, %get3A_1670, %gather3A_1880 : vector<16xi1>, vector<16xf32>
      %broadcast_in_dim3A_1882 = vector.shape_cast %select_n3A_1877 : vector<16xi32> to vector<16x1xi32>
      %gather3A_1883 = vector.shape_cast %broadcast_in_dim3A_1882 : vector<16x1xi32> to vector<16xi32>
      %gather3A_1884 = tpu.dynamic_gather %get3A_1670[%gather3A_1883] in [0] : vector<16xf32>, vector<16xi32> -> vector<16xf32>
      %select_n3A_1885 = arith.select %eq3A_1827, %gather3A_1884, %get3A_1680 : vector<16xi1>, vector<16xf32>
      %broadcast_in_dim3A_1886 = vector.shape_cast %select_n3A_1852 : vector<16xi32> to vector<16x1xi32>
      %gather3A_1887 = vector.shape_cast %broadcast_in_dim3A_1886 : vector<16x1xi32> to vector<16xi32>
      %gather3A_1888 = tpu.dynamic_gather %get3A_1700[%gather3A_1887] in [0] : vector<16xf32>, vector<16xi32> -> vector<16xf32>
      %select_n3A_1889 = arith.select %eq3A_1827, %get3A_1690, %gather3A_1888 : vector<16xi1>, vector<16xf32>
      %broadcast_in_dim3A_1890 = vector.shape_cast %select_n3A_1877 : vector<16xi32> to vector<16x1xi32>
      %gather3A_1891 = vector.shape_cast %broadcast_in_dim3A_1890 : vector<16x1xi32> to vector<16xi32>
      %gather3A_1892 = tpu.dynamic_gather %get3A_1690[%gather3A_1891] in [0] : vector<16xf32>, vector<16xi32> -> vector<16xf32>
      %select_n3A_1893 = arith.select %eq3A_1827, %gather3A_1892, %get3A_1700 : vector<16xi1>, vector<16xf32>
      %broadcast_in_dim3A_1894 = vector.shape_cast %select_n3A_1852 : vector<16xi32> to vector<16x1xi32>
      %gather3A_1895 = vector.shape_cast %broadcast_in_dim3A_1894 : vector<16x1xi32> to vector<16xi32>
      %gather3A_1896 = tpu.dynamic_gather %get3A_1720[%gather3A_1895] in [0] : vector<16xf32>, vector<16xi32> -> vector<16xf32>
      %select_n3A_1897 = arith.select %eq3A_1827, %get3A_1710, %gather3A_1896 : vector<16xi1>, vector<16xf32>
      %broadcast_in_dim3A_1898 = vector.shape_cast %select_n3A_1877 : vector<16xi32> to vector<16x1xi32>
      %gather3A_1899 = vector.shape_cast %broadcast_in_dim3A_1898 : vector<16x1xi32> to vector<16xi32>
      %gather3A_1900 = tpu.dynamic_gather %get3A_1710[%gather3A_1899] in [0] : vector<16xf32>, vector<16xi32> -> vector<16xf32>
      %select_n3A_1901 = arith.select %eq3A_1827, %gather3A_1900, %get3A_1720 : vector<16xi1>, vector<16xf32>
      %broadcast_in_dim3A_1902 = vector.shape_cast %select_n3A_1852 : vector<16xi32> to vector<16x1xi32>
      %gather3A_1903 = vector.shape_cast %broadcast_in_dim3A_1902 : vector<16x1xi32> to vector<16xi32>
      %gather3A_1904 = tpu.dynamic_gather %get3A_1740[%gather3A_1903] in [0] : vector<16xf32>, vector<16xi32> -> vector<16xf32>
      %select_n3A_1905 = arith.select %eq3A_1827, %get3A_1730, %gather3A_1904 : vector<16xi1>, vector<16xf32>
      %broadcast_in_dim3A_1906 = vector.shape_cast %select_n3A_1877 : vector<16xi32> to vector<16x1xi32>
      %gather3A_1907 = vector.shape_cast %broadcast_in_dim3A_1906 : vector<16x1xi32> to vector<16xi32>
      %gather3A_1908 = tpu.dynamic_gather %get3A_1730[%gather3A_1907] in [0] : vector<16xf32>, vector<16xi32> -> vector<16xf32>
      %select_n3A_1909 = arith.select %eq3A_1827, %gather3A_1908, %get3A_1740 : vector<16xi1>, vector<16xf32>
      %broadcast_in_dim3A_1910 = vector.shape_cast %select_n3A_1852 : vector<16xi32> to vector<16x1xi32>
      %gather3A_1911 = vector.shape_cast %broadcast_in_dim3A_1910 : vector<16x1xi32> to vector<16xi32>
      %gather3A_1912 = tpu.dynamic_gather %get3A_1760[%gather3A_1911] in [0] : vector<16xf32>, vector<16xi32> -> vector<16xf32>
      %select_n3A_1913 = arith.select %eq3A_1827, %get3A_1750, %gather3A_1912 : vector<16xi1>, vector<16xf32>
      %broadcast_in_dim3A_1914 = vector.shape_cast %select_n3A_1877 : vector<16xi32> to vector<16x1xi32>
      %gather3A_1915 = vector.shape_cast %broadcast_in_dim3A_1914 : vector<16x1xi32> to vector<16xi32>
      %gather3A_1916 = tpu.dynamic_gather %get3A_1750[%gather3A_1915] in [0] : vector<16xf32>, vector<16xi32> -> vector<16xf32>
      %select_n3A_1917 = arith.select %eq3A_1827, %gather3A_1916, %get3A_1760 : vector<16xi1>, vector<16xf32>
      %broadcast_in_dim3A_1918 = vector.shape_cast %select_n3A_1852 : vector<16xi32> to vector<16x1xi32>
      %gather3A_1919 = vector.shape_cast %broadcast_in_dim3A_1918 : vector<16x1xi32> to vector<16xi32>
      %gather3A_1920 = tpu.dynamic_gather %get3A_1780[%gather3A_1919] in [0] : vector<16xf32>, vector<16xi32> -> vector<16xf32>
      %select_n3A_1921 = arith.select %eq3A_1827, %get3A_1770, %gather3A_1920 : vector<16xi1>, vector<16xf32>
      %broadcast_in_dim3A_1922 = vector.shape_cast %select_n3A_1877 : vector<16xi32> to vector<16x1xi32>
      %gather3A_1923 = vector.shape_cast %broadcast_in_dim3A_1922 : vector<16x1xi32> to vector<16xi32>
      %gather3A_1924 = tpu.dynamic_gather %get3A_1770[%gather3A_1923] in [0] : vector<16xf32>, vector<16xi32> -> vector<16xf32>
      %select_n3A_1925 = arith.select %eq3A_1827, %gather3A_1924, %get3A_1780 : vector<16xi1>, vector<16xf32>
      %broadcast_in_dim3A_1926 = vector.shape_cast %select_n3A_1852 : vector<16xi32> to vector<16x1xi32>
      %gather3A_1927 = vector.shape_cast %broadcast_in_dim3A_1926 : vector<16x1xi32> to vector<16xi32>
      %gather3A_1928 = tpu.dynamic_gather %get3A_1800[%gather3A_1927] in [0] : vector<16xf32>, vector<16xi32> -> vector<16xf32>
      %select_n3A_1929 = arith.select %eq3A_1827, %get3A_1790, %gather3A_1928 : vector<16xi1>, vector<16xf32>
      %broadcast_in_dim3A_1930 = vector.shape_cast %select_n3A_1877 : vector<16xi32> to vector<16x1xi32>
      %gather3A_1931 = vector.shape_cast %broadcast_in_dim3A_1930 : vector<16x1xi32> to vector<16xi32>
      %gather3A_1932 = tpu.dynamic_gather %get3A_1790[%gather3A_1931] in [0] : vector<16xf32>, vector<16xi32> -> vector<16xf32>
      %select_n3A_1933 = arith.select %eq3A_1827, %gather3A_1932, %get3A_1800 : vector<16xi1>, vector<16xf32>
      %broadcast_in_dim3A_1934 = vector.shape_cast %select_n3A_1852 : vector<16xi32> to vector<16x1xi32>
      %gather3A_1935 = vector.shape_cast %broadcast_in_dim3A_1934 : vector<16x1xi32> to vector<16xi32>
      %gather3A_1936 = tpu.dynamic_gather %get3A_1820[%gather3A_1935] in [0] : vector<16xf32>, vector<16xi32> -> vector<16xf32>
      %select_n3A_1937 = arith.select %eq3A_1827, %get3A_1810, %gather3A_1936 : vector<16xi1>, vector<16xf32>
      %broadcast_in_dim3A_1938 = vector.shape_cast %select_n3A_1877 : vector<16xi32> to vector<16x1xi32>
      %gather3A_1939 = vector.shape_cast %broadcast_in_dim3A_1938 : vector<16x1xi32> to vector<16xi32>
      %gather3A_1940 = tpu.dynamic_gather %get3A_1810[%gather3A_1939] in [0] : vector<16xf32>, vector<16xi32> -> vector<16xf32>
      %select_n3A_1941 = arith.select %eq3A_1827, %gather3A_1940, %get3A_1820 : vector<16xi1>, vector<16xf32>
      %and3A_1942 = arith.constant 2 : i32
      %and3A_1943 = vector.broadcast %and3A_1942 : i32 to vector<16xi32>
      %and3A_1944 = arith.andi %iota3A_1821, %and3A_1943 : vector<16xi32>
      %eq3A_1945 = arith.constant 0 : i32
      %eq3A_1946 = vector.broadcast %eq3A_1945 : i32 to vector<16xi32>
      %eq3A_1947 = arith.cmpi eq, %and3A_1944, %eq3A_1946 : vector<16xi32>
      %sub3A_1948 = arith.constant 2 : i32
      %sub3A_1949 = vector.broadcast %sub3A_1948 : i32 to vector<16xi32>
      %sub3A_1950 = arith.subi %iota3A_1821, %sub3A_1949 : vector<16xi32>
      %jit3A_1951 = arith.constant 16 : i32
      %eq3A_1952 = arith.constant 0 : i32
      %eq3A_1953 = arith.cmpi eq, %jit3A_1951, %eq3A_1952 : i32
      %jit3A_1954 = arith.constant 1 : i32
      %select_n3A_1955 = arith.select %eq3A_1953, %jit3A_1954, %jit3A_1951 : i32
      %rem3A_1956 = vector.broadcast %select_n3A_1955 : i32 to vector<16xi32>
      %rem3A_1957 = arith.remsi %sub3A_1950, %rem3A_1956 : vector<16xi32>
      %ne3A_1958 = arith.constant 0 : i32
      %ne3A_1959 = vector.broadcast %ne3A_1958 : i32 to vector<16xi32>
      %ne3A_1960 = arith.cmpi ne, %rem3A_1957, %ne3A_1959 : vector<16xi32>
      %lt3A_1961 = arith.constant 0 : i32
      %lt3A_1962 = vector.broadcast %lt3A_1961 : i32 to vector<16xi32>
      %lt3A_1963 = arith.cmpi slt, %rem3A_1957, %lt3A_1962 : vector<16xi32>
      %lt3A_1964 = arith.constant 0 : i32
      %lt3A_1965 = arith.cmpi slt, %select_n3A_1955, %lt3A_1964 : i32
      %ne3A_1966 = vector.broadcast %lt3A_1965 : i1 to vector<16xi1>
      %ne3A_1967 = vector.broadcast %ne3A_1966 : vector<16xi1> to vector<16xi1>
      %ne3A_1968 = arith.xori %lt3A_1963, %ne3A_1967 : vector<16xi1>
      %and3A_1969 = arith.andi %ne3A_1968, %ne3A_1960 : vector<16xi1>
      %add3A_1970 = vector.broadcast %select_n3A_1955 : i32 to vector<16xi32>
      %add3A_1971 = arith.addi %rem3A_1957, %add3A_1970 : vector<16xi32>
      %select_n3A_1972 = arith.select %and3A_1969, %add3A_1971, %rem3A_1957 : vector<16xi1>, vector<16xi32>
      %add3A_1973 = arith.constant 2 : i32
      %add3A_1974 = vector.broadcast %add3A_1973 : i32 to vector<16xi32>
      %add3A_1975 = arith.addi %iota3A_1821, %add3A_1974 : vector<16xi32>
      %jit3A_1976 = arith.constant 16 : i32
      %eq3A_1977 = arith.constant 0 : i32
      %eq3A_1978 = arith.cmpi eq, %jit3A_1976, %eq3A_1977 : i32
      %jit3A_1979 = arith.constant 1 : i32
      %select_n3A_1980 = arith.select %eq3A_1978, %jit3A_1979, %jit3A_1976 : i32
      %rem3A_1981 = vector.broadcast %select_n3A_1980 : i32 to vector<16xi32>
      %rem3A_1982 = arith.remsi %add3A_1975, %rem3A_1981 : vector<16xi32>
      %ne3A_1983 = arith.constant 0 : i32
      %ne3A_1984 = vector.broadcast %ne3A_1983 : i32 to vector<16xi32>
      %ne3A_1985 = arith.cmpi ne, %rem3A_1982, %ne3A_1984 : vector<16xi32>
      %lt3A_1986 = arith.constant 0 : i32
      %lt3A_1987 = vector.broadcast %lt3A_1986 : i32 to vector<16xi32>
      %lt3A_1988 = arith.cmpi slt, %rem3A_1982, %lt3A_1987 : vector<16xi32>
      %lt3A_1989 = arith.constant 0 : i32
      %lt3A_1990 = arith.cmpi slt, %select_n3A_1980, %lt3A_1989 : i32
      %ne3A_1991 = vector.broadcast %lt3A_1990 : i1 to vector<16xi1>
      %ne3A_1992 = vector.broadcast %ne3A_1991 : vector<16xi1> to vector<16xi1>
      %ne3A_1993 = arith.xori %lt3A_1988, %ne3A_1992 : vector<16xi1>
      %and3A_1994 = arith.andi %ne3A_1993, %ne3A_1985 : vector<16xi1>
      %add3A_1995 = vector.broadcast %select_n3A_1980 : i32 to vector<16xi32>
      %add3A_1996 = arith.addi %rem3A_1982, %add3A_1995 : vector<16xi32>
      %select_n3A_1997 = arith.select %and3A_1994, %add3A_1996, %rem3A_1982 : vector<16xi1>, vector<16xi32>
      %broadcast_in_dim3A_1998 = vector.shape_cast %select_n3A_1972 : vector<16xi32> to vector<16x1xi32>
      %gather3A_1999 = vector.shape_cast %broadcast_in_dim3A_1998 : vector<16x1xi32> to vector<16xi32>
      %gather3A_2000 = tpu.dynamic_gather %select_n3A_1889[%gather3A_1999] in [0] : vector<16xf32>, vector<16xi32> -> vector<16xf32>
      %select_n3A_2001 = arith.select %eq3A_1947, %select_n3A_1881, %gather3A_2000 : vector<16xi1>, vector<16xf32>
      %broadcast_in_dim3A_2002 = vector.shape_cast %select_n3A_1997 : vector<16xi32> to vector<16x1xi32>
      %gather3A_2003 = vector.shape_cast %broadcast_in_dim3A_2002 : vector<16x1xi32> to vector<16xi32>
      %gather3A_2004 = tpu.dynamic_gather %select_n3A_1881[%gather3A_2003] in [0] : vector<16xf32>, vector<16xi32> -> vector<16xf32>
      %select_n3A_2005 = arith.select %eq3A_1947, %gather3A_2004, %select_n3A_1889 : vector<16xi1>, vector<16xf32>
      %broadcast_in_dim3A_2006 = vector.shape_cast %select_n3A_1972 : vector<16xi32> to vector<16x1xi32>
      %gather3A_2007 = vector.shape_cast %broadcast_in_dim3A_2006 : vector<16x1xi32> to vector<16xi32>
      %gather3A_2008 = tpu.dynamic_gather %select_n3A_1893[%gather3A_2007] in [0] : vector<16xf32>, vector<16xi32> -> vector<16xf32>
      %select_n3A_2009 = arith.select %eq3A_1947, %select_n3A_1885, %gather3A_2008 : vector<16xi1>, vector<16xf32>
      %broadcast_in_dim3A_2010 = vector.shape_cast %select_n3A_1997 : vector<16xi32> to vector<16x1xi32>
      %gather3A_2011 = vector.shape_cast %broadcast_in_dim3A_2010 : vector<16x1xi32> to vector<16xi32>
      %gather3A_2012 = tpu.dynamic_gather %select_n3A_1885[%gather3A_2011] in [0] : vector<16xf32>, vector<16xi32> -> vector<16xf32>
      %select_n3A_2013 = arith.select %eq3A_1947, %gather3A_2012, %select_n3A_1893 : vector<16xi1>, vector<16xf32>
      %broadcast_in_dim3A_2014 = vector.shape_cast %select_n3A_1972 : vector<16xi32> to vector<16x1xi32>
      %gather3A_2015 = vector.shape_cast %broadcast_in_dim3A_2014 : vector<16x1xi32> to vector<16xi32>
      %gather3A_2016 = tpu.dynamic_gather %select_n3A_1905[%gather3A_2015] in [0] : vector<16xf32>, vector<16xi32> -> vector<16xf32>
      %select_n3A_2017 = arith.select %eq3A_1947, %select_n3A_1897, %gather3A_2016 : vector<16xi1>, vector<16xf32>
      %broadcast_in_dim3A_2018 = vector.shape_cast %select_n3A_1997 : vector<16xi32> to vector<16x1xi32>
      %gather3A_2019 = vector.shape_cast %broadcast_in_dim3A_2018 : vector<16x1xi32> to vector<16xi32>
      %gather3A_2020 = tpu.dynamic_gather %select_n3A_1897[%gather3A_2019] in [0] : vector<16xf32>, vector<16xi32> -> vector<16xf32>
      %select_n3A_2021 = arith.select %eq3A_1947, %gather3A_2020, %select_n3A_1905 : vector<16xi1>, vector<16xf32>
      %broadcast_in_dim3A_2022 = vector.shape_cast %select_n3A_1972 : vector<16xi32> to vector<16x1xi32>
      %gather3A_2023 = vector.shape_cast %broadcast_in_dim3A_2022 : vector<16x1xi32> to vector<16xi32>
      %gather3A_2024 = tpu.dynamic_gather %select_n3A_1909[%gather3A_2023] in [0] : vector<16xf32>, vector<16xi32> -> vector<16xf32>
      %select_n3A_2025 = arith.select %eq3A_1947, %select_n3A_1901, %gather3A_2024 : vector<16xi1>, vector<16xf32>
      %broadcast_in_dim3A_2026 = vector.shape_cast %select_n3A_1997 : vector<16xi32> to vector<16x1xi32>
      %gather3A_2027 = vector.shape_cast %broadcast_in_dim3A_2026 : vector<16x1xi32> to vector<16xi32>
      %gather3A_2028 = tpu.dynamic_gather %select_n3A_1901[%gather3A_2027] in [0] : vector<16xf32>, vector<16xi32> -> vector<16xf32>
      %select_n3A_2029 = arith.select %eq3A_1947, %gather3A_2028, %select_n3A_1909 : vector<16xi1>, vector<16xf32>
      %broadcast_in_dim3A_2030 = vector.shape_cast %select_n3A_1972 : vector<16xi32> to vector<16x1xi32>
      %gather3A_2031 = vector.shape_cast %broadcast_in_dim3A_2030 : vector<16x1xi32> to vector<16xi32>
      %gather3A_2032 = tpu.dynamic_gather %select_n3A_1921[%gather3A_2031] in [0] : vector<16xf32>, vector<16xi32> -> vector<16xf32>
      %select_n3A_2033 = arith.select %eq3A_1947, %select_n3A_1913, %gather3A_2032 : vector<16xi1>, vector<16xf32>
      %broadcast_in_dim3A_2034 = vector.shape_cast %select_n3A_1997 : vector<16xi32> to vector<16x1xi32>
      %gather3A_2035 = vector.shape_cast %broadcast_in_dim3A_2034 : vector<16x1xi32> to vector<16xi32>
      %gather3A_2036 = tpu.dynamic_gather %select_n3A_1913[%gather3A_2035] in [0] : vector<16xf32>, vector<16xi32> -> vector<16xf32>
      %select_n3A_2037 = arith.select %eq3A_1947, %gather3A_2036, %select_n3A_1921 : vector<16xi1>, vector<16xf32>
      %broadcast_in_dim3A_2038 = vector.shape_cast %select_n3A_1972 : vector<16xi32> to vector<16x1xi32>
      %gather3A_2039 = vector.shape_cast %broadcast_in_dim3A_2038 : vector<16x1xi32> to vector<16xi32>
      %gather3A_2040 = tpu.dynamic_gather %select_n3A_1925[%gather3A_2039] in [0] : vector<16xf32>, vector<16xi32> -> vector<16xf32>
      %select_n3A_2041 = arith.select %eq3A_1947, %select_n3A_1917, %gather3A_2040 : vector<16xi1>, vector<16xf32>
      %broadcast_in_dim3A_2042 = vector.shape_cast %select_n3A_1997 : vector<16xi32> to vector<16x1xi32>
      %gather3A_2043 = vector.shape_cast %broadcast_in_dim3A_2042 : vector<16x1xi32> to vector<16xi32>
      %gather3A_2044 = tpu.dynamic_gather %select_n3A_1917[%gather3A_2043] in [0] : vector<16xf32>, vector<16xi32> -> vector<16xf32>
      %select_n3A_2045 = arith.select %eq3A_1947, %gather3A_2044, %select_n3A_1925 : vector<16xi1>, vector<16xf32>
      %broadcast_in_dim3A_2046 = vector.shape_cast %select_n3A_1972 : vector<16xi32> to vector<16x1xi32>
      %gather3A_2047 = vector.shape_cast %broadcast_in_dim3A_2046 : vector<16x1xi32> to vector<16xi32>
      %gather3A_2048 = tpu.dynamic_gather %select_n3A_1937[%gather3A_2047] in [0] : vector<16xf32>, vector<16xi32> -> vector<16xf32>
      %select_n3A_2049 = arith.select %eq3A_1947, %select_n3A_1929, %gather3A_2048 : vector<16xi1>, vector<16xf32>
      %broadcast_in_dim3A_2050 = vector.shape_cast %select_n3A_1997 : vector<16xi32> to vector<16x1xi32>
      %gather3A_2051 = vector.shape_cast %broadcast_in_dim3A_2050 : vector<16x1xi32> to vector<16xi32>
      %gather3A_2052 = tpu.dynamic_gather %select_n3A_1929[%gather3A_2051] in [0] : vector<16xf32>, vector<16xi32> -> vector<16xf32>
      %select_n3A_2053 = arith.select %eq3A_1947, %gather3A_2052, %select_n3A_1937 : vector<16xi1>, vector<16xf32>
      %broadcast_in_dim3A_2054 = vector.shape_cast %select_n3A_1972 : vector<16xi32> to vector<16x1xi32>
      %gather3A_2055 = vector.shape_cast %broadcast_in_dim3A_2054 : vector<16x1xi32> to vector<16xi32>
      %gather3A_2056 = tpu.dynamic_gather %select_n3A_1941[%gather3A_2055] in [0] : vector<16xf32>, vector<16xi32> -> vector<16xf32>
      %select_n3A_2057 = arith.select %eq3A_1947, %select_n3A_1933, %gather3A_2056 : vector<16xi1>, vector<16xf32>
      %broadcast_in_dim3A_2058 = vector.shape_cast %select_n3A_1997 : vector<16xi32> to vector<16x1xi32>
      %gather3A_2059 = vector.shape_cast %broadcast_in_dim3A_2058 : vector<16x1xi32> to vector<16xi32>
      %gather3A_2060 = tpu.dynamic_gather %select_n3A_1933[%gather3A_2059] in [0] : vector<16xf32>, vector<16xi32> -> vector<16xf32>
      %select_n3A_2061 = arith.select %eq3A_1947, %gather3A_2060, %select_n3A_1941 : vector<16xi1>, vector<16xf32>
      %and3A_2062 = arith.constant 4 : i32
      %and3A_2063 = vector.broadcast %and3A_2062 : i32 to vector<16xi32>
      %and3A_2064 = arith.andi %iota3A_1821, %and3A_2063 : vector<16xi32>
      %eq3A_2065 = arith.constant 0 : i32
      %eq3A_2066 = vector.broadcast %eq3A_2065 : i32 to vector<16xi32>
      %eq3A_2067 = arith.cmpi eq, %and3A_2064, %eq3A_2066 : vector<16xi32>
      %sub3A_2068 = arith.constant 4 : i32
      %sub3A_2069 = vector.broadcast %sub3A_2068 : i32 to vector<16xi32>
      %sub3A_2070 = arith.subi %iota3A_1821, %sub3A_2069 : vector<16xi32>
      %jit3A_2071 = arith.constant 16 : i32
      %eq3A_2072 = arith.constant 0 : i32
      %eq3A_2073 = arith.cmpi eq, %jit3A_2071, %eq3A_2072 : i32
      %jit3A_2074 = arith.constant 1 : i32
      %select_n3A_2075 = arith.select %eq3A_2073, %jit3A_2074, %jit3A_2071 : i32
      %rem3A_2076 = vector.broadcast %select_n3A_2075 : i32 to vector<16xi32>
      %rem3A_2077 = arith.remsi %sub3A_2070, %rem3A_2076 : vector<16xi32>
      %ne3A_2078 = arith.constant 0 : i32
      %ne3A_2079 = vector.broadcast %ne3A_2078 : i32 to vector<16xi32>
      %ne3A_2080 = arith.cmpi ne, %rem3A_2077, %ne3A_2079 : vector<16xi32>
      %lt3A_2081 = arith.constant 0 : i32
      %lt3A_2082 = vector.broadcast %lt3A_2081 : i32 to vector<16xi32>
      %lt3A_2083 = arith.cmpi slt, %rem3A_2077, %lt3A_2082 : vector<16xi32>
      %lt3A_2084 = arith.constant 0 : i32
      %lt3A_2085 = arith.cmpi slt, %select_n3A_2075, %lt3A_2084 : i32
      %ne3A_2086 = vector.broadcast %lt3A_2085 : i1 to vector<16xi1>
      %ne3A_2087 = vector.broadcast %ne3A_2086 : vector<16xi1> to vector<16xi1>
      %ne3A_2088 = arith.xori %lt3A_2083, %ne3A_2087 : vector<16xi1>
      %and3A_2089 = arith.andi %ne3A_2088, %ne3A_2080 : vector<16xi1>
      %add3A_2090 = vector.broadcast %select_n3A_2075 : i32 to vector<16xi32>
      %add3A_2091 = arith.addi %rem3A_2077, %add3A_2090 : vector<16xi32>
      %select_n3A_2092 = arith.select %and3A_2089, %add3A_2091, %rem3A_2077 : vector<16xi1>, vector<16xi32>
      %add3A_2093 = arith.constant 4 : i32
      %add3A_2094 = vector.broadcast %add3A_2093 : i32 to vector<16xi32>
      %add3A_2095 = arith.addi %iota3A_1821, %add3A_2094 : vector<16xi32>
      %jit3A_2096 = arith.constant 16 : i32
      %eq3A_2097 = arith.constant 0 : i32
      %eq3A_2098 = arith.cmpi eq, %jit3A_2096, %eq3A_2097 : i32
      %jit3A_2099 = arith.constant 1 : i32
      %select_n3A_2100 = arith.select %eq3A_2098, %jit3A_2099, %jit3A_2096 : i32
      %rem3A_2101 = vector.broadcast %select_n3A_2100 : i32 to vector<16xi32>
      %rem3A_2102 = arith.remsi %add3A_2095, %rem3A_2101 : vector<16xi32>
      %ne3A_2103 = arith.constant 0 : i32
      %ne3A_2104 = vector.broadcast %ne3A_2103 : i32 to vector<16xi32>
      %ne3A_2105 = arith.cmpi ne, %rem3A_2102, %ne3A_2104 : vector<16xi32>
      %lt3A_2106 = arith.constant 0 : i32
      %lt3A_2107 = vector.broadcast %lt3A_2106 : i32 to vector<16xi32>
      %lt3A_2108 = arith.cmpi slt, %rem3A_2102, %lt3A_2107 : vector<16xi32>
      %lt3A_2109 = arith.constant 0 : i32
      %lt3A_2110 = arith.cmpi slt, %select_n3A_2100, %lt3A_2109 : i32
      %ne3A_2111 = vector.broadcast %lt3A_2110 : i1 to vector<16xi1>
      %ne3A_2112 = vector.broadcast %ne3A_2111 : vector<16xi1> to vector<16xi1>
      %ne3A_2113 = arith.xori %lt3A_2108, %ne3A_2112 : vector<16xi1>
      %and3A_2114 = arith.andi %ne3A_2113, %ne3A_2105 : vector<16xi1>
      %add3A_2115 = vector.broadcast %select_n3A_2100 : i32 to vector<16xi32>
      %add3A_2116 = arith.addi %rem3A_2102, %add3A_2115 : vector<16xi32>
      %select_n3A_2117 = arith.select %and3A_2114, %add3A_2116, %rem3A_2102 : vector<16xi1>, vector<16xi32>
      %broadcast_in_dim3A_2118 = vector.shape_cast %select_n3A_2092 : vector<16xi32> to vector<16x1xi32>
      %gather3A_2119 = vector.shape_cast %broadcast_in_dim3A_2118 : vector<16x1xi32> to vector<16xi32>
      %gather3A_2120 = tpu.dynamic_gather %select_n3A_2017[%gather3A_2119] in [0] : vector<16xf32>, vector<16xi32> -> vector<16xf32>
      %select_n3A_2121 = arith.select %eq3A_2067, %select_n3A_2001, %gather3A_2120 : vector<16xi1>, vector<16xf32>
      %broadcast_in_dim3A_2122 = vector.shape_cast %select_n3A_2117 : vector<16xi32> to vector<16x1xi32>
      %gather3A_2123 = vector.shape_cast %broadcast_in_dim3A_2122 : vector<16x1xi32> to vector<16xi32>
      %gather3A_2124 = tpu.dynamic_gather %select_n3A_2001[%gather3A_2123] in [0] : vector<16xf32>, vector<16xi32> -> vector<16xf32>
      %select_n3A_2125 = arith.select %eq3A_2067, %gather3A_2124, %select_n3A_2017 : vector<16xi1>, vector<16xf32>
      %broadcast_in_dim3A_2126 = vector.shape_cast %select_n3A_2092 : vector<16xi32> to vector<16x1xi32>
      %gather3A_2127 = vector.shape_cast %broadcast_in_dim3A_2126 : vector<16x1xi32> to vector<16xi32>
      %gather3A_2128 = tpu.dynamic_gather %select_n3A_2025[%gather3A_2127] in [0] : vector<16xf32>, vector<16xi32> -> vector<16xf32>
      %select_n3A_2129 = arith.select %eq3A_2067, %select_n3A_2009, %gather3A_2128 : vector<16xi1>, vector<16xf32>
      %broadcast_in_dim3A_2130 = vector.shape_cast %select_n3A_2117 : vector<16xi32> to vector<16x1xi32>
      %gather3A_2131 = vector.shape_cast %broadcast_in_dim3A_2130 : vector<16x1xi32> to vector<16xi32>
      %gather3A_2132 = tpu.dynamic_gather %select_n3A_2009[%gather3A_2131] in [0] : vector<16xf32>, vector<16xi32> -> vector<16xf32>
      %select_n3A_2133 = arith.select %eq3A_2067, %gather3A_2132, %select_n3A_2025 : vector<16xi1>, vector<16xf32>
      %broadcast_in_dim3A_2134 = vector.shape_cast %select_n3A_2092 : vector<16xi32> to vector<16x1xi32>
      %gather3A_2135 = vector.shape_cast %broadcast_in_dim3A_2134 : vector<16x1xi32> to vector<16xi32>
      %gather3A_2136 = tpu.dynamic_gather %select_n3A_2021[%gather3A_2135] in [0] : vector<16xf32>, vector<16xi32> -> vector<16xf32>
      %select_n3A_2137 = arith.select %eq3A_2067, %select_n3A_2005, %gather3A_2136 : vector<16xi1>, vector<16xf32>
      %broadcast_in_dim3A_2138 = vector.shape_cast %select_n3A_2117 : vector<16xi32> to vector<16x1xi32>
      %gather3A_2139 = vector.shape_cast %broadcast_in_dim3A_2138 : vector<16x1xi32> to vector<16xi32>
      %gather3A_2140 = tpu.dynamic_gather %select_n3A_2005[%gather3A_2139] in [0] : vector<16xf32>, vector<16xi32> -> vector<16xf32>
      %select_n3A_2141 = arith.select %eq3A_2067, %gather3A_2140, %select_n3A_2021 : vector<16xi1>, vector<16xf32>
      %broadcast_in_dim3A_2142 = vector.shape_cast %select_n3A_2092 : vector<16xi32> to vector<16x1xi32>
      %gather3A_2143 = vector.shape_cast %broadcast_in_dim3A_2142 : vector<16x1xi32> to vector<16xi32>
      %gather3A_2144 = tpu.dynamic_gather %select_n3A_2029[%gather3A_2143] in [0] : vector<16xf32>, vector<16xi32> -> vector<16xf32>
      %select_n3A_2145 = arith.select %eq3A_2067, %select_n3A_2013, %gather3A_2144 : vector<16xi1>, vector<16xf32>
      %broadcast_in_dim3A_2146 = vector.shape_cast %select_n3A_2117 : vector<16xi32> to vector<16x1xi32>
      %gather3A_2147 = vector.shape_cast %broadcast_in_dim3A_2146 : vector<16x1xi32> to vector<16xi32>
      %gather3A_2148 = tpu.dynamic_gather %select_n3A_2013[%gather3A_2147] in [0] : vector<16xf32>, vector<16xi32> -> vector<16xf32>
      %select_n3A_2149 = arith.select %eq3A_2067, %gather3A_2148, %select_n3A_2029 : vector<16xi1>, vector<16xf32>
      %broadcast_in_dim3A_2150 = vector.shape_cast %select_n3A_2092 : vector<16xi32> to vector<16x1xi32>
      %gather3A_2151 = vector.shape_cast %broadcast_in_dim3A_2150 : vector<16x1xi32> to vector<16xi32>
      %gather3A_2152 = tpu.dynamic_gather %select_n3A_2049[%gather3A_2151] in [0] : vector<16xf32>, vector<16xi32> -> vector<16xf32>
      %select_n3A_2153 = arith.select %eq3A_2067, %select_n3A_2033, %gather3A_2152 : vector<16xi1>, vector<16xf32>
      %broadcast_in_dim3A_2154 = vector.shape_cast %select_n3A_2117 : vector<16xi32> to vector<16x1xi32>
      %gather3A_2155 = vector.shape_cast %broadcast_in_dim3A_2154 : vector<16x1xi32> to vector<16xi32>
      %gather3A_2156 = tpu.dynamic_gather %select_n3A_2033[%gather3A_2155] in [0] : vector<16xf32>, vector<16xi32> -> vector<16xf32>
      %select_n3A_2157 = arith.select %eq3A_2067, %gather3A_2156, %select_n3A_2049 : vector<16xi1>, vector<16xf32>
      %broadcast_in_dim3A_2158 = vector.shape_cast %select_n3A_2092 : vector<16xi32> to vector<16x1xi32>
      %gather3A_2159 = vector.shape_cast %broadcast_in_dim3A_2158 : vector<16x1xi32> to vector<16xi32>
      %gather3A_2160 = tpu.dynamic_gather %select_n3A_2057[%gather3A_2159] in [0] : vector<16xf32>, vector<16xi32> -> vector<16xf32>
      %select_n3A_2161 = arith.select %eq3A_2067, %select_n3A_2041, %gather3A_2160 : vector<16xi1>, vector<16xf32>
      %broadcast_in_dim3A_2162 = vector.shape_cast %select_n3A_2117 : vector<16xi32> to vector<16x1xi32>
      %gather3A_2163 = vector.shape_cast %broadcast_in_dim3A_2162 : vector<16x1xi32> to vector<16xi32>
      %gather3A_2164 = tpu.dynamic_gather %select_n3A_2041[%gather3A_2163] in [0] : vector<16xf32>, vector<16xi32> -> vector<16xf32>
      %select_n3A_2165 = arith.select %eq3A_2067, %gather3A_2164, %select_n3A_2057 : vector<16xi1>, vector<16xf32>
      %broadcast_in_dim3A_2166 = vector.shape_cast %select_n3A_2092 : vector<16xi32> to vector<16x1xi32>
      %gather3A_2167 = vector.shape_cast %broadcast_in_dim3A_2166 : vector<16x1xi32> to vector<16xi32>
      %gather3A_2168 = tpu.dynamic_gather %select_n3A_2053[%gather3A_2167] in [0] : vector<16xf32>, vector<16xi32> -> vector<16xf32>
      %select_n3A_2169 = arith.select %eq3A_2067, %select_n3A_2037, %gather3A_2168 : vector<16xi1>, vector<16xf32>
      %broadcast_in_dim3A_2170 = vector.shape_cast %select_n3A_2117 : vector<16xi32> to vector<16x1xi32>
      %gather3A_2171 = vector.shape_cast %broadcast_in_dim3A_2170 : vector<16x1xi32> to vector<16xi32>
      %gather3A_2172 = tpu.dynamic_gather %select_n3A_2037[%gather3A_2171] in [0] : vector<16xf32>, vector<16xi32> -> vector<16xf32>
      %select_n3A_2173 = arith.select %eq3A_2067, %gather3A_2172, %select_n3A_2053 : vector<16xi1>, vector<16xf32>
      %broadcast_in_dim3A_2174 = vector.shape_cast %select_n3A_2092 : vector<16xi32> to vector<16x1xi32>
      %gather3A_2175 = vector.shape_cast %broadcast_in_dim3A_2174 : vector<16x1xi32> to vector<16xi32>
      %gather3A_2176 = tpu.dynamic_gather %select_n3A_2061[%gather3A_2175] in [0] : vector<16xf32>, vector<16xi32> -> vector<16xf32>
      %select_n3A_2177 = arith.select %eq3A_2067, %select_n3A_2045, %gather3A_2176 : vector<16xi1>, vector<16xf32>
      %broadcast_in_dim3A_2178 = vector.shape_cast %select_n3A_2117 : vector<16xi32> to vector<16x1xi32>
      %gather3A_2179 = vector.shape_cast %broadcast_in_dim3A_2178 : vector<16x1xi32> to vector<16xi32>
      %gather3A_2180 = tpu.dynamic_gather %select_n3A_2045[%gather3A_2179] in [0] : vector<16xf32>, vector<16xi32> -> vector<16xf32>
      %select_n3A_2181 = arith.select %eq3A_2067, %gather3A_2180, %select_n3A_2061 : vector<16xi1>, vector<16xf32>
      %and3A_2182 = arith.constant 8 : i32
      %and3A_2183 = vector.broadcast %and3A_2182 : i32 to vector<16xi32>
      %and3A_2184 = arith.andi %iota3A_1821, %and3A_2183 : vector<16xi32>
      %eq3A_2185 = arith.constant 0 : i32
      %eq3A_2186 = vector.broadcast %eq3A_2185 : i32 to vector<16xi32>
      %eq3A_2187 = arith.cmpi eq, %and3A_2184, %eq3A_2186 : vector<16xi32>
      %sub3A_2188 = arith.constant 8 : i32
      %sub3A_2189 = vector.broadcast %sub3A_2188 : i32 to vector<16xi32>
      %sub3A_2190 = arith.subi %iota3A_1821, %sub3A_2189 : vector<16xi32>
      %jit3A_2191 = arith.constant 16 : i32
      %eq3A_2192 = arith.constant 0 : i32
      %eq3A_2193 = arith.cmpi eq, %jit3A_2191, %eq3A_2192 : i32
      %jit3A_2194 = arith.constant 1 : i32
      %select_n3A_2195 = arith.select %eq3A_2193, %jit3A_2194, %jit3A_2191 : i32
      %rem3A_2196 = vector.broadcast %select_n3A_2195 : i32 to vector<16xi32>
      %rem3A_2197 = arith.remsi %sub3A_2190, %rem3A_2196 : vector<16xi32>
      %ne3A_2198 = arith.constant 0 : i32
      %ne3A_2199 = vector.broadcast %ne3A_2198 : i32 to vector<16xi32>
      %ne3A_2200 = arith.cmpi ne, %rem3A_2197, %ne3A_2199 : vector<16xi32>
      %lt3A_2201 = arith.constant 0 : i32
      %lt3A_2202 = vector.broadcast %lt3A_2201 : i32 to vector<16xi32>
      %lt3A_2203 = arith.cmpi slt, %rem3A_2197, %lt3A_2202 : vector<16xi32>
      %lt3A_2204 = arith.constant 0 : i32
      %lt3A_2205 = arith.cmpi slt, %select_n3A_2195, %lt3A_2204 : i32
      %ne3A_2206 = vector.broadcast %lt3A_2205 : i1 to vector<16xi1>
      %ne3A_2207 = vector.broadcast %ne3A_2206 : vector<16xi1> to vector<16xi1>
      %ne3A_2208 = arith.xori %lt3A_2203, %ne3A_2207 : vector<16xi1>
      %and3A_2209 = arith.andi %ne3A_2208, %ne3A_2200 : vector<16xi1>
      %add3A_2210 = vector.broadcast %select_n3A_2195 : i32 to vector<16xi32>
      %add3A_2211 = arith.addi %rem3A_2197, %add3A_2210 : vector<16xi32>
      %select_n3A_2212 = arith.select %and3A_2209, %add3A_2211, %rem3A_2197 : vector<16xi1>, vector<16xi32>
      %add3A_2213 = arith.constant 8 : i32
      %add3A_2214 = vector.broadcast %add3A_2213 : i32 to vector<16xi32>
      %add3A_2215 = arith.addi %iota3A_1821, %add3A_2214 : vector<16xi32>
      %jit3A_2216 = arith.constant 16 : i32
      %eq3A_2217 = arith.constant 0 : i32
      %eq3A_2218 = arith.cmpi eq, %jit3A_2216, %eq3A_2217 : i32
      %jit3A_2219 = arith.constant 1 : i32
      %select_n3A_2220 = arith.select %eq3A_2218, %jit3A_2219, %jit3A_2216 : i32
      %rem3A_2221 = vector.broadcast %select_n3A_2220 : i32 to vector<16xi32>
      %rem3A_2222 = arith.remsi %add3A_2215, %rem3A_2221 : vector<16xi32>
      %ne3A_2223 = arith.constant 0 : i32
      %ne3A_2224 = vector.broadcast %ne3A_2223 : i32 to vector<16xi32>
      %ne3A_2225 = arith.cmpi ne, %rem3A_2222, %ne3A_2224 : vector<16xi32>
      %lt3A_2226 = arith.constant 0 : i32
      %lt3A_2227 = vector.broadcast %lt3A_2226 : i32 to vector<16xi32>
      %lt3A_2228 = arith.cmpi slt, %rem3A_2222, %lt3A_2227 : vector<16xi32>
      %lt3A_2229 = arith.constant 0 : i32
      %lt3A_2230 = arith.cmpi slt, %select_n3A_2220, %lt3A_2229 : i32
      %ne3A_2231 = vector.broadcast %lt3A_2230 : i1 to vector<16xi1>
      %ne3A_2232 = vector.broadcast %ne3A_2231 : vector<16xi1> to vector<16xi1>
      %ne3A_2233 = arith.xori %lt3A_2228, %ne3A_2232 : vector<16xi1>
      %and3A_2234 = arith.andi %ne3A_2233, %ne3A_2225 : vector<16xi1>
      %add3A_2235 = vector.broadcast %select_n3A_2220 : i32 to vector<16xi32>
      %add3A_2236 = arith.addi %rem3A_2222, %add3A_2235 : vector<16xi32>
      %select_n3A_2237 = arith.select %and3A_2234, %add3A_2236, %rem3A_2222 : vector<16xi1>, vector<16xi32>
      %broadcast_in_dim3A_2238 = vector.shape_cast %select_n3A_2212 : vector<16xi32> to vector<16x1xi32>
      %gather3A_2239 = vector.shape_cast %broadcast_in_dim3A_2238 : vector<16x1xi32> to vector<16xi32>
      %gather3A_2240 = tpu.dynamic_gather %select_n3A_2153[%gather3A_2239] in [0] : vector<16xf32>, vector<16xi32> -> vector<16xf32>
      %select_n3A_2241 = arith.select %eq3A_2187, %select_n3A_2121, %gather3A_2240 : vector<16xi1>, vector<16xf32>
      %broadcast_in_dim3A_2242 = vector.shape_cast %select_n3A_2237 : vector<16xi32> to vector<16x1xi32>
      %gather3A_2243 = vector.shape_cast %broadcast_in_dim3A_2242 : vector<16x1xi32> to vector<16xi32>
      %gather3A_2244 = tpu.dynamic_gather %select_n3A_2121[%gather3A_2243] in [0] : vector<16xf32>, vector<16xi32> -> vector<16xf32>
      %select_n3A_2245 = arith.select %eq3A_2187, %gather3A_2244, %select_n3A_2153 : vector<16xi1>, vector<16xf32>
      %broadcast_in_dim3A_2246 = vector.shape_cast %select_n3A_2212 : vector<16xi32> to vector<16x1xi32>
      %gather3A_2247 = vector.shape_cast %broadcast_in_dim3A_2246 : vector<16x1xi32> to vector<16xi32>
      %gather3A_2248 = tpu.dynamic_gather %select_n3A_2161[%gather3A_2247] in [0] : vector<16xf32>, vector<16xi32> -> vector<16xf32>
      %select_n3A_2249 = arith.select %eq3A_2187, %select_n3A_2129, %gather3A_2248 : vector<16xi1>, vector<16xf32>
      %broadcast_in_dim3A_2250 = vector.shape_cast %select_n3A_2237 : vector<16xi32> to vector<16x1xi32>
      %gather3A_2251 = vector.shape_cast %broadcast_in_dim3A_2250 : vector<16x1xi32> to vector<16xi32>
      %gather3A_2252 = tpu.dynamic_gather %select_n3A_2129[%gather3A_2251] in [0] : vector<16xf32>, vector<16xi32> -> vector<16xf32>
      %select_n3A_2253 = arith.select %eq3A_2187, %gather3A_2252, %select_n3A_2161 : vector<16xi1>, vector<16xf32>
      %broadcast_in_dim3A_2254 = vector.shape_cast %select_n3A_2212 : vector<16xi32> to vector<16x1xi32>
      %gather3A_2255 = vector.shape_cast %broadcast_in_dim3A_2254 : vector<16x1xi32> to vector<16xi32>
      %gather3A_2256 = tpu.dynamic_gather %select_n3A_2169[%gather3A_2255] in [0] : vector<16xf32>, vector<16xi32> -> vector<16xf32>
      %select_n3A_2257 = arith.select %eq3A_2187, %select_n3A_2137, %gather3A_2256 : vector<16xi1>, vector<16xf32>
      %broadcast_in_dim3A_2258 = vector.shape_cast %select_n3A_2237 : vector<16xi32> to vector<16x1xi32>
      %gather3A_2259 = vector.shape_cast %broadcast_in_dim3A_2258 : vector<16x1xi32> to vector<16xi32>
      %gather3A_2260 = tpu.dynamic_gather %select_n3A_2137[%gather3A_2259] in [0] : vector<16xf32>, vector<16xi32> -> vector<16xf32>
      %select_n3A_2261 = arith.select %eq3A_2187, %gather3A_2260, %select_n3A_2169 : vector<16xi1>, vector<16xf32>
      %broadcast_in_dim3A_2262 = vector.shape_cast %select_n3A_2212 : vector<16xi32> to vector<16x1xi32>
      %gather3A_2263 = vector.shape_cast %broadcast_in_dim3A_2262 : vector<16x1xi32> to vector<16xi32>
      %gather3A_2264 = tpu.dynamic_gather %select_n3A_2177[%gather3A_2263] in [0] : vector<16xf32>, vector<16xi32> -> vector<16xf32>
      %select_n3A_2265 = arith.select %eq3A_2187, %select_n3A_2145, %gather3A_2264 : vector<16xi1>, vector<16xf32>
      %broadcast_in_dim3A_2266 = vector.shape_cast %select_n3A_2237 : vector<16xi32> to vector<16x1xi32>
      %gather3A_2267 = vector.shape_cast %broadcast_in_dim3A_2266 : vector<16x1xi32> to vector<16xi32>
      %gather3A_2268 = tpu.dynamic_gather %select_n3A_2145[%gather3A_2267] in [0] : vector<16xf32>, vector<16xi32> -> vector<16xf32>
      %select_n3A_2269 = arith.select %eq3A_2187, %gather3A_2268, %select_n3A_2177 : vector<16xi1>, vector<16xf32>
      %broadcast_in_dim3A_2270 = vector.shape_cast %select_n3A_2212 : vector<16xi32> to vector<16x1xi32>
      %gather3A_2271 = vector.shape_cast %broadcast_in_dim3A_2270 : vector<16x1xi32> to vector<16xi32>
      %gather3A_2272 = tpu.dynamic_gather %select_n3A_2157[%gather3A_2271] in [0] : vector<16xf32>, vector<16xi32> -> vector<16xf32>
      %select_n3A_2273 = arith.select %eq3A_2187, %select_n3A_2125, %gather3A_2272 : vector<16xi1>, vector<16xf32>
      %broadcast_in_dim3A_2274 = vector.shape_cast %select_n3A_2237 : vector<16xi32> to vector<16x1xi32>
      %gather3A_2275 = vector.shape_cast %broadcast_in_dim3A_2274 : vector<16x1xi32> to vector<16xi32>
      %gather3A_2276 = tpu.dynamic_gather %select_n3A_2125[%gather3A_2275] in [0] : vector<16xf32>, vector<16xi32> -> vector<16xf32>
      %select_n3A_2277 = arith.select %eq3A_2187, %gather3A_2276, %select_n3A_2157 : vector<16xi1>, vector<16xf32>
      %broadcast_in_dim3A_2278 = vector.shape_cast %select_n3A_2212 : vector<16xi32> to vector<16x1xi32>
      %gather3A_2279 = vector.shape_cast %broadcast_in_dim3A_2278 : vector<16x1xi32> to vector<16xi32>
      %gather3A_2280 = tpu.dynamic_gather %select_n3A_2165[%gather3A_2279] in [0] : vector<16xf32>, vector<16xi32> -> vector<16xf32>
      %select_n3A_2281 = arith.select %eq3A_2187, %select_n3A_2133, %gather3A_2280 : vector<16xi1>, vector<16xf32>
      %broadcast_in_dim3A_2282 = vector.shape_cast %select_n3A_2237 : vector<16xi32> to vector<16x1xi32>
      %gather3A_2283 = vector.shape_cast %broadcast_in_dim3A_2282 : vector<16x1xi32> to vector<16xi32>
      %gather3A_2284 = tpu.dynamic_gather %select_n3A_2133[%gather3A_2283] in [0] : vector<16xf32>, vector<16xi32> -> vector<16xf32>
      %select_n3A_2285 = arith.select %eq3A_2187, %gather3A_2284, %select_n3A_2165 : vector<16xi1>, vector<16xf32>
      %broadcast_in_dim3A_2286 = vector.shape_cast %select_n3A_2212 : vector<16xi32> to vector<16x1xi32>
      %gather3A_2287 = vector.shape_cast %broadcast_in_dim3A_2286 : vector<16x1xi32> to vector<16xi32>
      %gather3A_2288 = tpu.dynamic_gather %select_n3A_2173[%gather3A_2287] in [0] : vector<16xf32>, vector<16xi32> -> vector<16xf32>
      %select_n3A_2289 = arith.select %eq3A_2187, %select_n3A_2141, %gather3A_2288 : vector<16xi1>, vector<16xf32>
      %broadcast_in_dim3A_2290 = vector.shape_cast %select_n3A_2237 : vector<16xi32> to vector<16x1xi32>
      %gather3A_2291 = vector.shape_cast %broadcast_in_dim3A_2290 : vector<16x1xi32> to vector<16xi32>
      %gather3A_2292 = tpu.dynamic_gather %select_n3A_2141[%gather3A_2291] in [0] : vector<16xf32>, vector<16xi32> -> vector<16xf32>
      %select_n3A_2293 = arith.select %eq3A_2187, %gather3A_2292, %select_n3A_2173 : vector<16xi1>, vector<16xf32>
      %broadcast_in_dim3A_2294 = vector.shape_cast %select_n3A_2212 : vector<16xi32> to vector<16x1xi32>
      %gather3A_2295 = vector.shape_cast %broadcast_in_dim3A_2294 : vector<16x1xi32> to vector<16xi32>
      %gather3A_2296 = tpu.dynamic_gather %select_n3A_2181[%gather3A_2295] in [0] : vector<16xf32>, vector<16xi32> -> vector<16xf32>
      %select_n3A_2297 = arith.select %eq3A_2187, %select_n3A_2149, %gather3A_2296 : vector<16xi1>, vector<16xf32>
      %broadcast_in_dim3A_2298 = vector.shape_cast %select_n3A_2237 : vector<16xi32> to vector<16x1xi32>
      %gather3A_2299 = vector.shape_cast %broadcast_in_dim3A_2298 : vector<16x1xi32> to vector<16xi32>
      %gather3A_2300 = tpu.dynamic_gather %select_n3A_2149[%gather3A_2299] in [0] : vector<16xf32>, vector<16xi32> -> vector<16xf32>
      %select_n3A_2301 = arith.select %eq3A_2187, %gather3A_2300, %select_n3A_2181 : vector<16xi1>, vector<16xf32>
      %swap3A_2302 = arith.constant 16 : i32
      %swap3A_2303 = arith.index_cast %swap3A_2302 : i32 to index
      %swap3A_2304 = arith.index_cast %mul3A_932 : i32 to index
      %swap3A_2305 = tpu.vector_load %arg9[%swap3A_2303, %swap3A_2304] {strides = array<i32>} : memref<32x512xf32, #tpu.memory_space<vmem>>, vector<1x16xf32>,
      %swap3A_2306 = vector.shape_cast %swap3A_2305 : vector<1x16xf32> to vector<16xf32>
      %swap3A_2307 = vector.shape_cast %select_n3A_2241 : vector<16xf32> to vector<1x16xf32>
      tpu.vector_store %arg9[%swap3A_2303, %swap3A_2304], %swap3A_2307 {strides = array<i32>} : memref<32x512xf32, #tpu.memory_space<vmem>>, vector<1x16xf32>,
      %swap3A_2308 = arith.constant 17 : i32
      %swap3A_2309 = arith.index_cast %swap3A_2308 : i32 to index
      %swap3A_2310 = arith.index_cast %mul3A_932 : i32 to index
      %swap3A_2311 = tpu.vector_load %arg9[%swap3A_2309, %swap3A_2310] {strides = array<i32>} : memref<32x512xf32, #tpu.memory_space<vmem>>, vector<1x16xf32>,
      %swap3A_2312 = vector.shape_cast %swap3A_2311 : vector<1x16xf32> to vector<16xf32>
      %swap3A_2313 = vector.shape_cast %select_n3A_2249 : vector<16xf32> to vector<1x16xf32>
      tpu.vector_store %arg9[%swap3A_2309, %swap3A_2310], %swap3A_2313 {strides = array<i32>} : memref<32x512xf32, #tpu.memory_space<vmem>>, vector<1x16xf32>,
      %swap3A_2314 = arith.constant 18 : i32
      %swap3A_2315 = arith.index_cast %swap3A_2314 : i32 to index
      %swap3A_2316 = arith.index_cast %mul3A_932 : i32 to index
      %swap3A_2317 = tpu.vector_load %arg9[%swap3A_2315, %swap3A_2316] {strides = array<i32>} : memref<32x512xf32, #tpu.memory_space<vmem>>, vector<1x16xf32>,
      %swap3A_2318 = vector.shape_cast %swap3A_2317 : vector<1x16xf32> to vector<16xf32>
      %swap3A_2319 = vector.shape_cast %select_n3A_2257 : vector<16xf32> to vector<1x16xf32>
      tpu.vector_store %arg9[%swap3A_2315, %swap3A_2316], %swap3A_2319 {strides = array<i32>} : memref<32x512xf32, #tpu.memory_space<vmem>>, vector<1x16xf32>,
      %swap3A_2320 = arith.constant 19 : i32
      %swap3A_2321 = arith.index_cast %swap3A_2320 : i32 to index
      %swap3A_2322 = arith.index_cast %mul3A_932 : i32 to index
      %swap3A_2323 = tpu.vector_load %arg9[%swap3A_2321, %swap3A_2322] {strides = array<i32>} : memref<32x512xf32, #tpu.memory_space<vmem>>, vector<1x16xf32>,
      %swap3A_2324 = vector.shape_cast %swap3A_2323 : vector<1x16xf32> to vector<16xf32>
      %swap3A_2325 = vector.shape_cast %select_n3A_2265 : vector<16xf32> to vector<1x16xf32>
      tpu.vector_store %arg9[%swap3A_2321, %swap3A_2322], %swap3A_2325 {strides = array<i32>} : memref<32x512xf32, #tpu.memory_space<vmem>>, vector<1x16xf32>,
      %swap3A_2326 = arith.constant 20 : i32
      %swap3A_2327 = arith.index_cast %swap3A_2326 : i32 to index
      %swap3A_2328 = arith.index_cast %mul3A_932 : i32 to index
      %swap3A_2329 = tpu.vector_load %arg9[%swap3A_2327, %swap3A_2328] {strides = array<i32>} : memref<32x512xf32, #tpu.memory_space<vmem>>, vector<1x16xf32>,
      %swap3A_2330 = vector.shape_cast %swap3A_2329 : vector<1x16xf32> to vector<16xf32>
      %swap3A_2331 = vector.shape_cast %select_n3A_2273 : vector<16xf32> to vector<1x16xf32>
      tpu.vector_store %arg9[%swap3A_2327, %swap3A_2328], %swap3A_2331 {strides = array<i32>} : memref<32x512xf32, #tpu.memory_space<vmem>>, vector<1x16xf32>,
      %swap3A_2332 = arith.constant 21 : i32
      %swap3A_2333 = arith.index_cast %swap3A_2332 : i32 to index
      %swap3A_2334 = arith.index_cast %mul3A_932 : i32 to index
      %swap3A_2335 = tpu.vector_load %arg9[%swap3A_2333, %swap3A_2334] {strides = array<i32>} : memref<32x512xf32, #tpu.memory_space<vmem>>, vector<1x16xf32>,
      %swap3A_2336 = vector.shape_cast %swap3A_2335 : vector<1x16xf32> to vector<16xf32>
      %swap3A_2337 = vector.shape_cast %select_n3A_2281 : vector<16xf32> to vector<1x16xf32>
      tpu.vector_store %arg9[%swap3A_2333, %swap3A_2334], %swap3A_2337 {strides = array<i32>} : memref<32x512xf32, #tpu.memory_space<vmem>>, vector<1x16xf32>,
      %swap3A_2338 = arith.constant 22 : i32
      %swap3A_2339 = arith.index_cast %swap3A_2338 : i32 to index
      %swap3A_2340 = arith.index_cast %mul3A_932 : i32 to index
      %swap3A_2341 = tpu.vector_load %arg9[%swap3A_2339, %swap3A_2340] {strides = array<i32>} : memref<32x512xf32, #tpu.memory_space<vmem>>, vector<1x16xf32>,
      %swap3A_2342 = vector.shape_cast %swap3A_2341 : vector<1x16xf32> to vector<16xf32>
      %swap3A_2343 = vector.shape_cast %select_n3A_2289 : vector<16xf32> to vector<1x16xf32>
      tpu.vector_store %arg9[%swap3A_2339, %swap3A_2340], %swap3A_2343 {strides = array<i32>} : memref<32x512xf32, #tpu.memory_space<vmem>>, vector<1x16xf32>,
      %swap3A_2344 = arith.constant 23 : i32
      %swap3A_2345 = arith.index_cast %swap3A_2344 : i32 to index
      %swap3A_2346 = arith.index_cast %mul3A_932 : i32 to index
      %swap3A_2347 = tpu.vector_load %arg9[%swap3A_2345, %swap3A_2346] {strides = array<i32>} : memref<32x512xf32, #tpu.memory_space<vmem>>, vector<1x16xf32>,
      %swap3A_2348 = vector.shape_cast %swap3A_2347 : vector<1x16xf32> to vector<16xf32>
      %swap3A_2349 = vector.shape_cast %select_n3A_2297 : vector<16xf32> to vector<1x16xf32>
      tpu.vector_store %arg9[%swap3A_2345, %swap3A_2346], %swap3A_2349 {strides = array<i32>} : memref<32x512xf32, #tpu.memory_space<vmem>>, vector<1x16xf32>,
      %swap3A_2350 = arith.constant 24 : i32
      %swap3A_2351 = arith.index_cast %swap3A_2350 : i32 to index
      %swap3A_2352 = arith.index_cast %mul3A_932 : i32 to index
      %swap3A_2353 = tpu.vector_load %arg9[%swap3A_2351, %swap3A_2352] {strides = array<i32>} : memref<32x512xf32, #tpu.memory_space<vmem>>, vector<1x16xf32>,
      %swap3A_2354 = vector.shape_cast %swap3A_2353 : vector<1x16xf32> to vector<16xf32>
      %swap3A_2355 = vector.shape_cast %select_n3A_2245 : vector<16xf32> to vector<1x16xf32>
      tpu.vector_store %arg9[%swap3A_2351, %swap3A_2352], %swap3A_2355 {strides = array<i32>} : memref<32x512xf32, #tpu.memory_space<vmem>>, vector<1x16xf32>,
      %swap3A_2356 = arith.constant 25 : i32
      %swap3A_2357 = arith.index_cast %swap3A_2356 : i32 to index
      %swap3A_2358 = arith.index_cast %mul3A_932 : i32 to index
      %swap3A_2359 = tpu.vector_load %arg9[%swap3A_2357, %swap3A_2358] {strides = array<i32>} : memref<32x512xf32, #tpu.memory_space<vmem>>, vector<1x16xf32>,
      %swap3A_2360 = vector.shape_cast %swap3A_2359 : vector<1x16xf32> to vector<16xf32>
      %swap3A_2361 = vector.shape_cast %select_n3A_2253 : vector<16xf32> to vector<1x16xf32>
      tpu.vector_store %arg9[%swap3A_2357, %swap3A_2358], %swap3A_2361 {strides = array<i32>} : memref<32x512xf32, #tpu.memory_space<vmem>>, vector<1x16xf32>,
      %swap3A_2362 = arith.constant 26 : i32
      %swap3A_2363 = arith.index_cast %swap3A_2362 : i32 to index
      %swap3A_2364 = arith.index_cast %mul3A_932 : i32 to index
      %swap3A_2365 = tpu.vector_load %arg9[%swap3A_2363, %swap3A_2364] {strides = array<i32>} : memref<32x512xf32, #tpu.memory_space<vmem>>, vector<1x16xf32>,
      %swap3A_2366 = vector.shape_cast %swap3A_2365 : vector<1x16xf32> to vector<16xf32>
      %swap3A_2367 = vector.shape_cast %select_n3A_2261 : vector<16xf32> to vector<1x16xf32>
      tpu.vector_store %arg9[%swap3A_2363, %swap3A_2364], %swap3A_2367 {strides = array<i32>} : memref<32x512xf32, #tpu.memory_space<vmem>>, vector<1x16xf32>,
      %swap3A_2368 = arith.constant 27 : i32
      %swap3A_2369 = arith.index_cast %swap3A_2368 : i32 to index
      %swap3A_2370 = arith.index_cast %mul3A_932 : i32 to index
      %swap3A_2371 = tpu.vector_load %arg9[%swap3A_2369, %swap3A_2370] {strides = array<i32>} : memref<32x512xf32, #tpu.memory_space<vmem>>, vector<1x16xf32>,
      %swap3A_2372 = vector.shape_cast %swap3A_2371 : vector<1x16xf32> to vector<16xf32>
      %swap3A_2373 = vector.shape_cast %select_n3A_2269 : vector<16xf32> to vector<1x16xf32>
      tpu.vector_store %arg9[%swap3A_2369, %swap3A_2370], %swap3A_2373 {strides = array<i32>} : memref<32x512xf32, #tpu.memory_space<vmem>>, vector<1x16xf32>,
      %swap3A_2374 = arith.constant 28 : i32
      %swap3A_2375 = arith.index_cast %swap3A_2374 : i32 to index
      %swap3A_2376 = arith.index_cast %mul3A_932 : i32 to index
      %swap3A_2377 = tpu.vector_load %arg9[%swap3A_2375, %swap3A_2376] {strides = array<i32>} : memref<32x512xf32, #tpu.memory_space<vmem>>, vector<1x16xf32>,
      %swap3A_2378 = vector.shape_cast %swap3A_2377 : vector<1x16xf32> to vector<16xf32>
      %swap3A_2379 = vector.shape_cast %select_n3A_2277 : vector<16xf32> to vector<1x16xf32>
      tpu.vector_store %arg9[%swap3A_2375, %swap3A_2376], %swap3A_2379 {strides = array<i32>} : memref<32x512xf32, #tpu.memory_space<vmem>>, vector<1x16xf32>,
      %swap3A_2380 = arith.constant 29 : i32
      %swap3A_2381 = arith.index_cast %swap3A_2380 : i32 to index
      %swap3A_2382 = arith.index_cast %mul3A_932 : i32 to index
      %swap3A_2383 = tpu.vector_load %arg9[%swap3A_2381, %swap3A_2382] {strides = array<i32>} : memref<32x512xf32, #tpu.memory_space<vmem>>, vector<1x16xf32>,
      %swap3A_2384 = vector.shape_cast %swap3A_2383 : vector<1x16xf32> to vector<16xf32>
      %swap3A_2385 = vector.shape_cast %select_n3A_2285 : vector<16xf32> to vector<1x16xf32>
      tpu.vector_store %arg9[%swap3A_2381, %swap3A_2382], %swap3A_2385 {strides = array<i32>} : memref<32x512xf32, #tpu.memory_space<vmem>>, vector<1x16xf32>,
      %swap3A_2386 = arith.constant 30 : i32
      %swap3A_2387 = arith.index_cast %swap3A_2386 : i32 to index
      %swap3A_2388 = arith.index_cast %mul3A_932 : i32 to index
      %swap3A_2389 = tpu.vector_load %arg9[%swap3A_2387, %swap3A_2388] {strides = array<i32>} : memref<32x512xf32, #tpu.memory_space<vmem>>, vector<1x16xf32>,
      %swap3A_2390 = vector.shape_cast %swap3A_2389 : vector<1x16xf32> to vector<16xf32>
      %swap3A_2391 = vector.shape_cast %select_n3A_2293 : vector<16xf32> to vector<1x16xf32>
      tpu.vector_store %arg9[%swap3A_2387, %swap3A_2388], %swap3A_2391 {strides = array<i32>} : memref<32x512xf32, #tpu.memory_space<vmem>>, vector<1x16xf32>,
      %swap3A_2392 = arith.constant 31 : i32
      %swap3A_2393 = arith.index_cast %swap3A_2392 : i32 to index
      %swap3A_2394 = arith.index_cast %mul3A_932 : i32 to index
      %swap3A_2395 = tpu.vector_load %arg9[%swap3A_2393, %swap3A_2394] {strides = array<i32>} : memref<32x512xf32, #tpu.memory_space<vmem>>, vector<1x16xf32>,
      %swap3A_2396 = vector.shape_cast %swap3A_2395 : vector<1x16xf32> to vector<16xf32>
      %swap3A_2397 = vector.shape_cast %select_n3A_2301 : vector<16xf32> to vector<1x16xf32>
      tpu.vector_store %arg9[%swap3A_2393, %swap3A_2394], %swap3A_2397 {strides = array<i32>} : memref<32x512xf32, #tpu.memory_space<vmem>>, vector<1x16xf32>,
      %scan3A_2398 = arith.constant 0 : i32
      scf.yield %scan3A_2398 : i32
    }
    %scan3A_849 = arith.constant 32 : i32
    %mul3A_850 = arith.constant 4 : i32
    %mul3A_851 = arith.muli %add3A, %mul3A_850 : i32
    %add3A_852 = arith.constant 0 : i32
    %add3A_853 = arith.addi %mul3A_851, %add3A_852 : i32
    %run_scoped3A = arith.constant 0 : i32
    "tpu.region"() ({
      %run_scoped3A_929 = tpu.sem_alloc : memref<!tpu.dma_semaphore, #tpu.memory_space<semaphore_mem>>
      %dma_start3A_930 = arith.constant 0 : i32
      %dma_start3A_931 = arith.constant 0 : i32
      %dma_start3A_932 = tpu.memref_slice %arg9[%dma_start3A_930, %dma_start3A_931] : memref<32x512xf32, #tpu.memory_space<vmem>> -> memref<8x128xf32, #tpu.memory_space<vmem>>
      %dma_start3A_933 = arith.constant 0 : i32
      %dma_start3A_934 = arith.constant 0 : i32
      %dma_start3A_935 = tpu.memref_slice %arg4[%run_scoped3A, %add3A_853, %dma_start3A_933, %dma_start3A_934] : memref<4x128x8x128xf32, #tpu.memory_space<hbm>> -> memref<1x1x8x128xf32, #tpu.memory_space<hbm>>
      %dma_start3A_936 = tpu.memref_squeeze %dma_start3A_935 : memref<1x1x8x128xf32, #tpu.memory_space<hbm>> -> memref<8x128xf32, #tpu.memory_space<hbm>>
      %dma_start3A_937 = arith.constant 0 : i32
      %dma_start3A_938 = arith.constant 0 : i32
      %dma_start3A_939 = tpu.memref_slice %arg4[%run_scoped3A, %add3A_853, %dma_start3A_937, %dma_start3A_938] : memref<4x128x8x128xf32, #tpu.memory_space<hbm>> -> memref<1x1x8x128xf32, #tpu.memory_space<hbm>>
      %dma_start3A_940 = tpu.memref_squeeze %dma_start3A_939 : memref<1x1x8x128xf32, #tpu.memory_space<hbm>> -> memref<8x128xf32, #tpu.memory_space<hbm>>
      %dma_start3A_941 = arith.constant 0 : i32
      %dma_start3A_942 = arith.constant 0 : i32
      %dma_start3A_943 = tpu.memref_slice %arg9[%dma_start3A_941, %dma_start3A_942] : memref<32x512xf32, #tpu.memory_space<vmem>> -> memref<8x128xf32, #tpu.memory_space<vmem>>
      tpu.enqueue_dma source(%dma_start3A_943 : memref<8x128xf32, #tpu.memory_space<vmem>>) target(%dma_start3A_940 : memref<8x128xf32, #tpu.memory_space<hbm>>) target_semaphore(%run_scoped3A_929 : memref<!tpu.dma_semaphore, #tpu.memory_space<semaphore_mem>>)
      %dma_wait3A_944 = arith.constant 0 : i32
      %dma_wait3A_945 = arith.constant 0 : i32
      %dma_wait3A_946 = tpu.memref_slice %arg9[%dma_wait3A_944, %dma_wait3A_945] : memref<32x512xf32, #tpu.memory_space<vmem>> -> memref<8x128xf32, #tpu.memory_space<vmem>>
      %dma_wait3A_947 = arith.constant 0 : i32
      %dma_wait3A_948 = arith.constant 0 : i32
      %dma_wait3A_949 = tpu.memref_slice %arg4[%run_scoped3A, %add3A_853, %dma_wait3A_947, %dma_wait3A_948] : memref<4x128x8x128xf32, #tpu.memory_space<hbm>> -> memref<1x1x8x128xf32, #tpu.memory_space<hbm>>
      %dma_wait3A_950 = tpu.memref_squeeze %dma_wait3A_949 : memref<1x1x8x128xf32, #tpu.memory_space<hbm>> -> memref<8x128xf32, #tpu.memory_space<hbm>>
      %dma_wait3A_951 = arith.constant 0 : i32
      %dma_wait3A_952 = arith.constant 0 : i32
      %dma_wait3A_953 = tpu.memref_slice %arg4[%run_scoped3A, %add3A_853, %dma_wait3A_951, %dma_wait3A_952] : memref<4x128x8x128xf32, #tpu.memory_space<hbm>> -> memref<1x1x8x128xf32, #tpu.memory_space<hbm>>
      %dma_wait3A_954 = tpu.memref_squeeze %dma_wait3A_953 : memref<1x1x8x128xf32, #tpu.memory_space<hbm>> -> memref<8x128xf32, #tpu.memory_space<hbm>>
      %dma_wait3A_955 = arith.constant 0 : i32
      %dma_wait3A_956 = arith.constant 0 : i32
      %dma_wait3A_957 = tpu.memref_slice %arg9[%dma_wait3A_955, %dma_wait3A_956] : memref<32x512xf32, #tpu.memory_space<vmem>> -> memref<8x128xf32, #tpu.memory_space<vmem>>
      tpu.wait_dma2 semaphore(%run_scoped3A_929 : memref<!tpu.dma_semaphore, #tpu.memory_space<semaphore_mem>>) src(%dma_wait3A_957 : memref<8x128xf32, #tpu.memory_space<vmem>>) dst(%dma_wait3A_954 : memref<8x128xf32, #tpu.memory_space<hbm>>)
      tpu.yield
    }) : () -> ()
    %mul3A_854 = arith.constant 4 : i32
    %mul3A_855 = arith.muli %add3A, %mul3A_854 : i32
    %add3A_856 = arith.constant 1 : i32
    %add3A_857 = arith.addi %mul3A_855, %add3A_856 : i32
    %run_scoped3A_858 = arith.constant 0 : i32
    "tpu.region"() ({
      %run_scoped3A_929 = tpu.sem_alloc : memref<!tpu.dma_semaphore, #tpu.memory_space<semaphore_mem>>
      %dma_start3A_930 = arith.constant 0 : i32
      %dma_start3A_931 = arith.constant 128 : i32
      %dma_start3A_932 = tpu.memref_slice %arg9[%dma_start3A_930, %dma_start3A_931] : memref<32x512xf32, #tpu.memory_space<vmem>> -> memref<8x128xf32, #tpu.memory_space<vmem>>
      %dma_start3A_933 = arith.constant 0 : i32
      %dma_start3A_934 = arith.constant 0 : i32
      %dma_start3A_935 = tpu.memref_slice %arg4[%run_scoped3A_858, %add3A_857, %dma_start3A_933, %dma_start3A_934] : memref<4x128x8x128xf32, #tpu.memory_space<hbm>> -> memref<1x1x8x128xf32, #tpu.memory_space<hbm>>
      %dma_start3A_936 = tpu.memref_squeeze %dma_start3A_935 : memref<1x1x8x128xf32, #tpu.memory_space<hbm>> -> memref<8x128xf32, #tpu.memory_space<hbm>>
      %dma_start3A_937 = arith.constant 0 : i32
      %dma_start3A_938 = arith.constant 0 : i32
      %dma_start3A_939 = tpu.memref_slice %arg4[%run_scoped3A_858, %add3A_857, %dma_start3A_937, %dma_start3A_938] : memref<4x128x8x128xf32, #tpu.memory_space<hbm>> -> memref<1x1x8x128xf32, #tpu.memory_space<hbm>>
      %dma_start3A_940 = tpu.memref_squeeze %dma_start3A_939 : memref<1x1x8x128xf32, #tpu.memory_space<hbm>> -> memref<8x128xf32, #tpu.memory_space<hbm>>
      %dma_start3A_941 = arith.constant 0 : i32
      %dma_start3A_942 = arith.constant 128 : i32
      %dma_start3A_943 = tpu.memref_slice %arg9[%dma_start3A_941, %dma_start3A_942] : memref<32x512xf32, #tpu.memory_space<vmem>> -> memref<8x128xf32, #tpu.memory_space<vmem>>
      tpu.enqueue_dma source(%dma_start3A_943 : memref<8x128xf32, #tpu.memory_space<vmem>>) target(%dma_start3A_940 : memref<8x128xf32, #tpu.memory_space<hbm>>) target_semaphore(%run_scoped3A_929 : memref<!tpu.dma_semaphore, #tpu.memory_space<semaphore_mem>>)
      %dma_wait3A_944 = arith.constant 0 : i32
      %dma_wait3A_945 = arith.constant 128 : i32
      %dma_wait3A_946 = tpu.memref_slice %arg9[%dma_wait3A_944, %dma_wait3A_945] : memref<32x512xf32, #tpu.memory_space<vmem>> -> memref<8x128xf32, #tpu.memory_space<vmem>>
      %dma_wait3A_947 = arith.constant 0 : i32
      %dma_wait3A_948 = arith.constant 0 : i32
      %dma_wait3A_949 = tpu.memref_slice %arg4[%run_scoped3A_858, %add3A_857, %dma_wait3A_947, %dma_wait3A_948] : memref<4x128x8x128xf32, #tpu.memory_space<hbm>> -> memref<1x1x8x128xf32, #tpu.memory_space<hbm>>
      %dma_wait3A_950 = tpu.memref_squeeze %dma_wait3A_949 : memref<1x1x8x128xf32, #tpu.memory_space<hbm>> -> memref<8x128xf32, #tpu.memory_space<hbm>>
      %dma_wait3A_951 = arith.constant 0 : i32
      %dma_wait3A_952 = arith.constant 0 : i32
      %dma_wait3A_953 = tpu.memref_slice %arg4[%run_scoped3A_858, %add3A_857, %dma_wait3A_951, %dma_wait3A_952] : memref<4x128x8x128xf32, #tpu.memory_space<hbm>> -> memref<1x1x8x128xf32, #tpu.memory_space<hbm>>
      %dma_wait3A_954 = tpu.memref_squeeze %dma_wait3A_953 : memref<1x1x8x128xf32, #tpu.memory_space<hbm>> -> memref<8x128xf32, #tpu.memory_space<hbm>>
      %dma_wait3A_955 = arith.constant 0 : i32
      %dma_wait3A_956 = arith.constant 128 : i32
      %dma_wait3A_957 = tpu.memref_slice %arg9[%dma_wait3A_955, %dma_wait3A_956] : memref<32x512xf32, #tpu.memory_space<vmem>> -> memref<8x128xf32, #tpu.memory_space<vmem>>
      tpu.wait_dma2 semaphore(%run_scoped3A_929 : memref<!tpu.dma_semaphore, #tpu.memory_space<semaphore_mem>>) src(%dma_wait3A_957 : memref<8x128xf32, #tpu.memory_space<vmem>>) dst(%dma_wait3A_954 : memref<8x128xf32, #tpu.memory_space<hbm>>)
      tpu.yield
    }) : () -> ()
    %mul3A_859 = arith.constant 4 : i32
    %mul3A_860 = arith.muli %add3A, %mul3A_859 : i32
    %add3A_861 = arith.constant 2 : i32
    %add3A_862 = arith.addi %mul3A_860, %add3A_861 : i32
    %run_scoped3A_863 = arith.constant 0 : i32
    "tpu.region"() ({
      %run_scoped3A_929 = tpu.sem_alloc : memref<!tpu.dma_semaphore, #tpu.memory_space<semaphore_mem>>
      %dma_start3A_930 = arith.constant 0 : i32
      %dma_start3A_931 = arith.constant 256 : i32
      %dma_start3A_932 = tpu.memref_slice %arg9[%dma_start3A_930, %dma_start3A_931] : memref<32x512xf32, #tpu.memory_space<vmem>> -> memref<8x128xf32, #tpu.memory_space<vmem>>
      %dma_start3A_933 = arith.constant 0 : i32
      %dma_start3A_934 = arith.constant 0 : i32
      %dma_start3A_935 = tpu.memref_slice %arg4[%run_scoped3A_863, %add3A_862, %dma_start3A_933, %dma_start3A_934] : memref<4x128x8x128xf32, #tpu.memory_space<hbm>> -> memref<1x1x8x128xf32, #tpu.memory_space<hbm>>
      %dma_start3A_936 = tpu.memref_squeeze %dma_start3A_935 : memref<1x1x8x128xf32, #tpu.memory_space<hbm>> -> memref<8x128xf32, #tpu.memory_space<hbm>>
      %dma_start3A_937 = arith.constant 0 : i32
      %dma_start3A_938 = arith.constant 0 : i32
      %dma_start3A_939 = tpu.memref_slice %arg4[%run_scoped3A_863, %add3A_862, %dma_start3A_937, %dma_start3A_938] : memref<4x128x8x128xf32, #tpu.memory_space<hbm>> -> memref<1x1x8x128xf32, #tpu.memory_space<hbm>>
      %dma_start3A_940 = tpu.memref_squeeze %dma_start3A_939 : memref<1x1x8x128xf32, #tpu.memory_space<hbm>> -> memref<8x128xf32, #tpu.memory_space<hbm>>
      %dma_start3A_941 = arith.constant 0 : i32
      %dma_start3A_942 = arith.constant 256 : i32
      %dma_start3A_943 = tpu.memref_slice %arg9[%dma_start3A_941, %dma_start3A_942] : memref<32x512xf32, #tpu.memory_space<vmem>> -> memref<8x128xf32, #tpu.memory_space<vmem>>
      tpu.enqueue_dma source(%dma_start3A_943 : memref<8x128xf32, #tpu.memory_space<vmem>>) target(%dma_start3A_940 : memref<8x128xf32, #tpu.memory_space<hbm>>) target_semaphore(%run_scoped3A_929 : memref<!tpu.dma_semaphore, #tpu.memory_space<semaphore_mem>>)
      %dma_wait3A_944 = arith.constant 0 : i32
      %dma_wait3A_945 = arith.constant 256 : i32
      %dma_wait3A_946 = tpu.memref_slice %arg9[%dma_wait3A_944, %dma_wait3A_945] : memref<32x512xf32, #tpu.memory_space<vmem>> -> memref<8x128xf32, #tpu.memory_space<vmem>>
      %dma_wait3A_947 = arith.constant 0 : i32
      %dma_wait3A_948 = arith.constant 0 : i32
      %dma_wait3A_949 = tpu.memref_slice %arg4[%run_scoped3A_863, %add3A_862, %dma_wait3A_947, %dma_wait3A_948] : memref<4x128x8x128xf32, #tpu.memory_space<hbm>> -> memref<1x1x8x128xf32, #tpu.memory_space<hbm>>
      %dma_wait3A_950 = tpu.memref_squeeze %dma_wait3A_949 : memref<1x1x8x128xf32, #tpu.memory_space<hbm>> -> memref<8x128xf32, #tpu.memory_space<hbm>>
      %dma_wait3A_951 = arith.constant 0 : i32
      %dma_wait3A_952 = arith.constant 0 : i32
      %dma_wait3A_953 = tpu.memref_slice %arg4[%run_scoped3A_863, %add3A_862, %dma_wait3A_951, %dma_wait3A_952] : memref<4x128x8x128xf32, #tpu.memory_space<hbm>> -> memref<1x1x8x128xf32, #tpu.memory_space<hbm>>
      %dma_wait3A_954 = tpu.memref_squeeze %dma_wait3A_953 : memref<1x1x8x128xf32, #tpu.memory_space<hbm>> -> memref<8x128xf32, #tpu.memory_space<hbm>>
      %dma_wait3A_955 = arith.constant 0 : i32
      %dma_wait3A_956 = arith.constant 256 : i32
      %dma_wait3A_957 = tpu.memref_slice %arg9[%dma_wait3A_955, %dma_wait3A_956] : memref<32x512xf32, #tpu.memory_space<vmem>> -> memref<8x128xf32, #tpu.memory_space<vmem>>
      tpu.wait_dma2 semaphore(%run_scoped3A_929 : memref<!tpu.dma_semaphore, #tpu.memory_space<semaphore_mem>>) src(%dma_wait3A_957 : memref<8x128xf32, #tpu.memory_space<vmem>>) dst(%dma_wait3A_954 : memref<8x128xf32, #tpu.memory_space<hbm>>)
      tpu.yield
    }) : () -> ()
    %mul3A_864 = arith.constant 4 : i32
    %mul3A_865 = arith.muli %add3A, %mul3A_864 : i32
    %add3A_866 = arith.constant 3 : i32
    %add3A_867 = arith.addi %mul3A_865, %add3A_866 : i32
    %run_scoped3A_868 = arith.constant 0 : i32
    "tpu.region"() ({
      %run_scoped3A_929 = tpu.sem_alloc : memref<!tpu.dma_semaphore, #tpu.memory_space<semaphore_mem>>
      %dma_start3A_930 = arith.constant 0 : i32
      %dma_start3A_931 = arith.constant 384 : i32
      %dma_start3A_932 = tpu.memref_slice %arg9[%dma_start3A_930, %dma_start3A_931] : memref<32x512xf32, #tpu.memory_space<vmem>> -> memref<8x128xf32, #tpu.memory_space<vmem>>
      %dma_start3A_933 = arith.constant 0 : i32
      %dma_start3A_934 = arith.constant 0 : i32
      %dma_start3A_935 = tpu.memref_slice %arg4[%run_scoped3A_868, %add3A_867, %dma_start3A_933, %dma_start3A_934] : memref<4x128x8x128xf32, #tpu.memory_space<hbm>> -> memref<1x1x8x128xf32, #tpu.memory_space<hbm>>
      %dma_start3A_936 = tpu.memref_squeeze %dma_start3A_935 : memref<1x1x8x128xf32, #tpu.memory_space<hbm>> -> memref<8x128xf32, #tpu.memory_space<hbm>>
      %dma_start3A_937 = arith.constant 0 : i32
      %dma_start3A_938 = arith.constant 0 : i32
      %dma_start3A_939 = tpu.memref_slice %arg4[%run_scoped3A_868, %add3A_867, %dma_start3A_937, %dma_start3A_938] : memref<4x128x8x128xf32, #tpu.memory_space<hbm>> -> memref<1x1x8x128xf32, #tpu.memory_space<hbm>>
      %dma_start3A_940 = tpu.memref_squeeze %dma_start3A_939 : memref<1x1x8x128xf32, #tpu.memory_space<hbm>> -> memref<8x128xf32, #tpu.memory_space<hbm>>
      %dma_start3A_941 = arith.constant 0 : i32
      %dma_start3A_942 = arith.constant 384 : i32
      %dma_start3A_943 = tpu.memref_slice %arg9[%dma_start3A_941, %dma_start3A_942] : memref<32x512xf32, #tpu.memory_space<vmem>> -> memref<8x128xf32, #tpu.memory_space<vmem>>
      tpu.enqueue_dma source(%dma_start3A_943 : memref<8x128xf32, #tpu.memory_space<vmem>>) target(%dma_start3A_940 : memref<8x128xf32, #tpu.memory_space<hbm>>) target_semaphore(%run_scoped3A_929 : memref<!tpu.dma_semaphore, #tpu.memory_space<semaphore_mem>>)
      %dma_wait3A_944 = arith.constant 0 : i32
      %dma_wait3A_945 = arith.constant 384 : i32
      %dma_wait3A_946 = tpu.memref_slice %arg9[%dma_wait3A_944, %dma_wait3A_945] : memref<32x512xf32, #tpu.memory_space<vmem>> -> memref<8x128xf32, #tpu.memory_space<vmem>>
      %dma_wait3A_947 = arith.constant 0 : i32
      %dma_wait3A_948 = arith.constant 0 : i32
      %dma_wait3A_949 = tpu.memref_slice %arg4[%run_scoped3A_868, %add3A_867, %dma_wait3A_947, %dma_wait3A_948] : memref<4x128x8x128xf32, #tpu.memory_space<hbm>> -> memref<1x1x8x128xf32, #tpu.memory_space<hbm>>
      %dma_wait3A_950 = tpu.memref_squeeze %dma_wait3A_949 : memref<1x1x8x128xf32, #tpu.memory_space<hbm>> -> memref<8x128xf32, #tpu.memory_space<hbm>>
      %dma_wait3A_951 = arith.constant 0 : i32
      %dma_wait3A_952 = arith.constant 0 : i32
      %dma_wait3A_953 = tpu.memref_slice %arg4[%run_scoped3A_868, %add3A_867, %dma_wait3A_951, %dma_wait3A_952] : memref<4x128x8x128xf32, #tpu.memory_space<hbm>> -> memref<1x1x8x128xf32, #tpu.memory_space<hbm>>
      %dma_wait3A_954 = tpu.memref_squeeze %dma_wait3A_953 : memref<1x1x8x128xf32, #tpu.memory_space<hbm>> -> memref<8x128xf32, #tpu.memory_space<hbm>>
      %dma_wait3A_955 = arith.constant 0 : i32
      %dma_wait3A_956 = arith.constant 384 : i32
      %dma_wait3A_957 = tpu.memref_slice %arg9[%dma_wait3A_955, %dma_wait3A_956] : memref<32x512xf32, #tpu.memory_space<vmem>> -> memref<8x128xf32, #tpu.memory_space<vmem>>
      tpu.wait_dma2 semaphore(%run_scoped3A_929 : memref<!tpu.dma_semaphore, #tpu.memory_space<semaphore_mem>>) src(%dma_wait3A_957 : memref<8x128xf32, #tpu.memory_space<vmem>>) dst(%dma_wait3A_954 : memref<8x128xf32, #tpu.memory_space<hbm>>)
      tpu.yield
    }) : () -> ()
    %mul3A_869 = arith.constant 4 : i32
    %mul3A_870 = arith.muli %add3A, %mul3A_869 : i32
    %add3A_871 = arith.constant 0 : i32
    %add3A_872 = arith.addi %mul3A_870, %add3A_871 : i32
    %run_scoped3A_873 = arith.constant 1 : i32
    "tpu.region"() ({
      %run_scoped3A_929 = tpu.sem_alloc : memref<!tpu.dma_semaphore, #tpu.memory_space<semaphore_mem>>
      %dma_start3A_930 = arith.constant 8 : i32
      %dma_start3A_931 = arith.constant 0 : i32
      %dma_start3A_932 = tpu.memref_slice %arg9[%dma_start3A_930, %dma_start3A_931] : memref<32x512xf32, #tpu.memory_space<vmem>> -> memref<8x128xf32, #tpu.memory_space<vmem>>
      %dma_start3A_933 = arith.constant 0 : i32
      %dma_start3A_934 = arith.constant 0 : i32
      %dma_start3A_935 = tpu.memref_slice %arg4[%run_scoped3A_873, %add3A_872, %dma_start3A_933, %dma_start3A_934] : memref<4x128x8x128xf32, #tpu.memory_space<hbm>> -> memref<1x1x8x128xf32, #tpu.memory_space<hbm>>
      %dma_start3A_936 = tpu.memref_squeeze %dma_start3A_935 : memref<1x1x8x128xf32, #tpu.memory_space<hbm>> -> memref<8x128xf32, #tpu.memory_space<hbm>>
      %dma_start3A_937 = arith.constant 0 : i32
      %dma_start3A_938 = arith.constant 0 : i32
      %dma_start3A_939 = tpu.memref_slice %arg4[%run_scoped3A_873, %add3A_872, %dma_start3A_937, %dma_start3A_938] : memref<4x128x8x128xf32, #tpu.memory_space<hbm>> -> memref<1x1x8x128xf32, #tpu.memory_space<hbm>>
      %dma_start3A_940 = tpu.memref_squeeze %dma_start3A_939 : memref<1x1x8x128xf32, #tpu.memory_space<hbm>> -> memref<8x128xf32, #tpu.memory_space<hbm>>
      %dma_start3A_941 = arith.constant 8 : i32
      %dma_start3A_942 = arith.constant 0 : i32
      %dma_start3A_943 = tpu.memref_slice %arg9[%dma_start3A_941, %dma_start3A_942] : memref<32x512xf32, #tpu.memory_space<vmem>> -> memref<8x128xf32, #tpu.memory_space<vmem>>
      tpu.enqueue_dma source(%dma_start3A_943 : memref<8x128xf32, #tpu.memory_space<vmem>>) target(%dma_start3A_940 : memref<8x128xf32, #tpu.memory_space<hbm>>) target_semaphore(%run_scoped3A_929 : memref<!tpu.dma_semaphore, #tpu.memory_space<semaphore_mem>>)
      %dma_wait3A_944 = arith.constant 8 : i32
      %dma_wait3A_945 = arith.constant 0 : i32
      %dma_wait3A_946 = tpu.memref_slice %arg9[%dma_wait3A_944, %dma_wait3A_945] : memref<32x512xf32, #tpu.memory_space<vmem>> -> memref<8x128xf32, #tpu.memory_space<vmem>>
      %dma_wait3A_947 = arith.constant 0 : i32
      %dma_wait3A_948 = arith.constant 0 : i32
      %dma_wait3A_949 = tpu.memref_slice %arg4[%run_scoped3A_873, %add3A_872, %dma_wait3A_947, %dma_wait3A_948] : memref<4x128x8x128xf32, #tpu.memory_space<hbm>> -> memref<1x1x8x128xf32, #tpu.memory_space<hbm>>
      %dma_wait3A_950 = tpu.memref_squeeze %dma_wait3A_949 : memref<1x1x8x128xf32, #tpu.memory_space<hbm>> -> memref<8x128xf32, #tpu.memory_space<hbm>>
      %dma_wait3A_951 = arith.constant 0 : i32
      %dma_wait3A_952 = arith.constant 0 : i32
      %dma_wait3A_953 = tpu.memref_slice %arg4[%run_scoped3A_873, %add3A_872, %dma_wait3A_951, %dma_wait3A_952] : memref<4x128x8x128xf32, #tpu.memory_space<hbm>> -> memref<1x1x8x128xf32, #tpu.memory_space<hbm>>
      %dma_wait3A_954 = tpu.memref_squeeze %dma_wait3A_953 : memref<1x1x8x128xf32, #tpu.memory_space<hbm>> -> memref<8x128xf32, #tpu.memory_space<hbm>>
      %dma_wait3A_955 = arith.constant 8 : i32
      %dma_wait3A_956 = arith.constant 0 : i32
      %dma_wait3A_957 = tpu.memref_slice %arg9[%dma_wait3A_955, %dma_wait3A_956] : memref<32x512xf32, #tpu.memory_space<vmem>> -> memref<8x128xf32, #tpu.memory_space<vmem>>
      tpu.wait_dma2 semaphore(%run_scoped3A_929 : memref<!tpu.dma_semaphore, #tpu.memory_space<semaphore_mem>>) src(%dma_wait3A_957 : memref<8x128xf32, #tpu.memory_space<vmem>>) dst(%dma_wait3A_954 : memref<8x128xf32, #tpu.memory_space<hbm>>)
      tpu.yield
    }) : () -> ()
    %mul3A_874 = arith.constant 4 : i32
    %mul3A_875 = arith.muli %add3A, %mul3A_874 : i32
    %add3A_876 = arith.constant 1 : i32
    %add3A_877 = arith.addi %mul3A_875, %add3A_876 : i32
    %run_scoped3A_878 = arith.constant 1 : i32
    "tpu.region"() ({
      %run_scoped3A_929 = tpu.sem_alloc : memref<!tpu.dma_semaphore, #tpu.memory_space<semaphore_mem>>
      %dma_start3A_930 = arith.constant 8 : i32
      %dma_start3A_931 = arith.constant 128 : i32
      %dma_start3A_932 = tpu.memref_slice %arg9[%dma_start3A_930, %dma_start3A_931] : memref<32x512xf32, #tpu.memory_space<vmem>> -> memref<8x128xf32, #tpu.memory_space<vmem>>
      %dma_start3A_933 = arith.constant 0 : i32
      %dma_start3A_934 = arith.constant 0 : i32
      %dma_start3A_935 = tpu.memref_slice %arg4[%run_scoped3A_878, %add3A_877, %dma_start3A_933, %dma_start3A_934] : memref<4x128x8x128xf32, #tpu.memory_space<hbm>> -> memref<1x1x8x128xf32, #tpu.memory_space<hbm>>
      %dma_start3A_936 = tpu.memref_squeeze %dma_start3A_935 : memref<1x1x8x128xf32, #tpu.memory_space<hbm>> -> memref<8x128xf32, #tpu.memory_space<hbm>>
      %dma_start3A_937 = arith.constant 0 : i32
      %dma_start3A_938 = arith.constant 0 : i32
      %dma_start3A_939 = tpu.memref_slice %arg4[%run_scoped3A_878, %add3A_877, %dma_start3A_937, %dma_start3A_938] : memref<4x128x8x128xf32, #tpu.memory_space<hbm>> -> memref<1x1x8x128xf32, #tpu.memory_space<hbm>>
      %dma_start3A_940 = tpu.memref_squeeze %dma_start3A_939 : memref<1x1x8x128xf32, #tpu.memory_space<hbm>> -> memref<8x128xf32, #tpu.memory_space<hbm>>
      %dma_start3A_941 = arith.constant 8 : i32
      %dma_start3A_942 = arith.constant 128 : i32
      %dma_start3A_943 = tpu.memref_slice %arg9[%dma_start3A_941, %dma_start3A_942] : memref<32x512xf32, #tpu.memory_space<vmem>> -> memref<8x128xf32, #tpu.memory_space<vmem>>
      tpu.enqueue_dma source(%dma_start3A_943 : memref<8x128xf32, #tpu.memory_space<vmem>>) target(%dma_start3A_940 : memref<8x128xf32, #tpu.memory_space<hbm>>) target_semaphore(%run_scoped3A_929 : memref<!tpu.dma_semaphore, #tpu.memory_space<semaphore_mem>>)
      %dma_wait3A_944 = arith.constant 8 : i32
      %dma_wait3A_945 = arith.constant 128 : i32
      %dma_wait3A_946 = tpu.memref_slice %arg9[%dma_wait3A_944, %dma_wait3A_945] : memref<32x512xf32, #tpu.memory_space<vmem>> -> memref<8x128xf32, #tpu.memory_space<vmem>>
      %dma_wait3A_947 = arith.constant 0 : i32
      %dma_wait3A_948 = arith.constant 0 : i32
      %dma_wait3A_949 = tpu.memref_slice %arg4[%run_scoped3A_878, %add3A_877, %dma_wait3A_947, %dma_wait3A_948] : memref<4x128x8x128xf32, #tpu.memory_space<hbm>> -> memref<1x1x8x128xf32, #tpu.memory_space<hbm>>
      %dma_wait3A_950 = tpu.memref_squeeze %dma_wait3A_949 : memref<1x1x8x128xf32, #tpu.memory_space<hbm>> -> memref<8x128xf32, #tpu.memory_space<hbm>>
      %dma_wait3A_951 = arith.constant 0 : i32
      %dma_wait3A_952 = arith.constant 0 : i32
      %dma_wait3A_953 = tpu.memref_slice %arg4[%run_scoped3A_878, %add3A_877, %dma_wait3A_951, %dma_wait3A_952] : memref<4x128x8x128xf32, #tpu.memory_space<hbm>> -> memref<1x1x8x128xf32, #tpu.memory_space<hbm>>
      %dma_wait3A_954 = tpu.memref_squeeze %dma_wait3A_953 : memref<1x1x8x128xf32, #tpu.memory_space<hbm>> -> memref<8x128xf32, #tpu.memory_space<hbm>>
      %dma_wait3A_955 = arith.constant 8 : i32
      %dma_wait3A_956 = arith.constant 128 : i32
      %dma_wait3A_957 = tpu.memref_slice %arg9[%dma_wait3A_955, %dma_wait3A_956] : memref<32x512xf32, #tpu.memory_space<vmem>> -> memref<8x128xf32, #tpu.memory_space<vmem>>
      tpu.wait_dma2 semaphore(%run_scoped3A_929 : memref<!tpu.dma_semaphore, #tpu.memory_space<semaphore_mem>>) src(%dma_wait3A_957 : memref<8x128xf32, #tpu.memory_space<vmem>>) dst(%dma_wait3A_954 : memref<8x128xf32, #tpu.memory_space<hbm>>)
      tpu.yield
    }) : () -> ()
    %mul3A_879 = arith.constant 4 : i32
    %mul3A_880 = arith.muli %add3A, %mul3A_879 : i32
    %add3A_881 = arith.constant 2 : i32
    %add3A_882 = arith.addi %mul3A_880, %add3A_881 : i32
    %run_scoped3A_883 = arith.constant 1 : i32
    "tpu.region"() ({
      %run_scoped3A_929 = tpu.sem_alloc : memref<!tpu.dma_semaphore, #tpu.memory_space<semaphore_mem>>
      %dma_start3A_930 = arith.constant 8 : i32
      %dma_start3A_931 = arith.constant 256 : i32
      %dma_start3A_932 = tpu.memref_slice %arg9[%dma_start3A_930, %dma_start3A_931] : memref<32x512xf32, #tpu.memory_space<vmem>> -> memref<8x128xf32, #tpu.memory_space<vmem>>
      %dma_start3A_933 = arith.constant 0 : i32
      %dma_start3A_934 = arith.constant 0 : i32
      %dma_start3A_935 = tpu.memref_slice %arg4[%run_scoped3A_883, %add3A_882, %dma_start3A_933, %dma_start3A_934] : memref<4x128x8x128xf32, #tpu.memory_space<hbm>> -> memref<1x1x8x128xf32, #tpu.memory_space<hbm>>
      %dma_start3A_936 = tpu.memref_squeeze %dma_start3A_935 : memref<1x1x8x128xf32, #tpu.memory_space<hbm>> -> memref<8x128xf32, #tpu.memory_space<hbm>>
      %dma_start3A_937 = arith.constant 0 : i32
      %dma_start3A_938 = arith.constant 0 : i32
      %dma_start3A_939 = tpu.memref_slice %arg4[%run_scoped3A_883, %add3A_882, %dma_start3A_937, %dma_start3A_938] : memref<4x128x8x128xf32, #tpu.memory_space<hbm>> -> memref<1x1x8x128xf32, #tpu.memory_space<hbm>>
      %dma_start3A_940 = tpu.memref_squeeze %dma_start3A_939 : memref<1x1x8x128xf32, #tpu.memory_space<hbm>> -> memref<8x128xf32, #tpu.memory_space<hbm>>
      %dma_start3A_941 = arith.constant 8 : i32
      %dma_start3A_942 = arith.constant 256 : i32
      %dma_start3A_943 = tpu.memref_slice %arg9[%dma_start3A_941, %dma_start3A_942] : memref<32x512xf32, #tpu.memory_space<vmem>> -> memref<8x128xf32, #tpu.memory_space<vmem>>
      tpu.enqueue_dma source(%dma_start3A_943 : memref<8x128xf32, #tpu.memory_space<vmem>>) target(%dma_start3A_940 : memref<8x128xf32, #tpu.memory_space<hbm>>) target_semaphore(%run_scoped3A_929 : memref<!tpu.dma_semaphore, #tpu.memory_space<semaphore_mem>>)
      %dma_wait3A_944 = arith.constant 8 : i32
      %dma_wait3A_945 = arith.constant 256 : i32
      %dma_wait3A_946 = tpu.memref_slice %arg9[%dma_wait3A_944, %dma_wait3A_945] : memref<32x512xf32, #tpu.memory_space<vmem>> -> memref<8x128xf32, #tpu.memory_space<vmem>>
      %dma_wait3A_947 = arith.constant 0 : i32
      %dma_wait3A_948 = arith.constant 0 : i32
      %dma_wait3A_949 = tpu.memref_slice %arg4[%run_scoped3A_883, %add3A_882, %dma_wait3A_947, %dma_wait3A_948] : memref<4x128x8x128xf32, #tpu.memory_space<hbm>> -> memref<1x1x8x128xf32, #tpu.memory_space<hbm>>
      %dma_wait3A_950 = tpu.memref_squeeze %dma_wait3A_949 : memref<1x1x8x128xf32, #tpu.memory_space<hbm>> -> memref<8x128xf32, #tpu.memory_space<hbm>>
      %dma_wait3A_951 = arith.constant 0 : i32
      %dma_wait3A_952 = arith.constant 0 : i32
      %dma_wait3A_953 = tpu.memref_slice %arg4[%run_scoped3A_883, %add3A_882, %dma_wait3A_951, %dma_wait3A_952] : memref<4x128x8x128xf32, #tpu.memory_space<hbm>> -> memref<1x1x8x128xf32, #tpu.memory_space<hbm>>
      %dma_wait3A_954 = tpu.memref_squeeze %dma_wait3A_953 : memref<1x1x8x128xf32, #tpu.memory_space<hbm>> -> memref<8x128xf32, #tpu.memory_space<hbm>>
      %dma_wait3A_955 = arith.constant 8 : i32
      %dma_wait3A_956 = arith.constant 256 : i32
      %dma_wait3A_957 = tpu.memref_slice %arg9[%dma_wait3A_955, %dma_wait3A_956] : memref<32x512xf32, #tpu.memory_space<vmem>> -> memref<8x128xf32, #tpu.memory_space<vmem>>
      tpu.wait_dma2 semaphore(%run_scoped3A_929 : memref<!tpu.dma_semaphore, #tpu.memory_space<semaphore_mem>>) src(%dma_wait3A_957 : memref<8x128xf32, #tpu.memory_space<vmem>>) dst(%dma_wait3A_954 : memref<8x128xf32, #tpu.memory_space<hbm>>)
      tpu.yield
    }) : () -> ()
    %mul3A_884 = arith.constant 4 : i32
    %mul3A_885 = arith.muli %add3A, %mul3A_884 : i32
    %add3A_886 = arith.constant 3 : i32
    %add3A_887 = arith.addi %mul3A_885, %add3A_886 : i32
    %run_scoped3A_888 = arith.constant 1 : i32
    "tpu.region"() ({
      %run_scoped3A_929 = tpu.sem_alloc : memref<!tpu.dma_semaphore, #tpu.memory_space<semaphore_mem>>
      %dma_start3A_930 = arith.constant 8 : i32
      %dma_start3A_931 = arith.constant 384 : i32
      %dma_start3A_932 = tpu.memref_slice %arg9[%dma_start3A_930, %dma_start3A_931] : memref<32x512xf32, #tpu.memory_space<vmem>> -> memref<8x128xf32, #tpu.memory_space<vmem>>
      %dma_start3A_933 = arith.constant 0 : i32
      %dma_start3A_934 = arith.constant 0 : i32
      %dma_start3A_935 = tpu.memref_slice %arg4[%run_scoped3A_888, %add3A_887, %dma_start3A_933, %dma_start3A_934] : memref<4x128x8x128xf32, #tpu.memory_space<hbm>> -> memref<1x1x8x128xf32, #tpu.memory_space<hbm>>
      %dma_start3A_936 = tpu.memref_squeeze %dma_start3A_935 : memref<1x1x8x128xf32, #tpu.memory_space<hbm>> -> memref<8x128xf32, #tpu.memory_space<hbm>>
      %dma_start3A_937 = arith.constant 0 : i32
      %dma_start3A_938 = arith.constant 0 : i32
      %dma_start3A_939 = tpu.memref_slice %arg4[%run_scoped3A_888, %add3A_887, %dma_start3A_937, %dma_start3A_938] : memref<4x128x8x128xf32, #tpu.memory_space<hbm>> -> memref<1x1x8x128xf32, #tpu.memory_space<hbm>>
      %dma_start3A_940 = tpu.memref_squeeze %dma_start3A_939 : memref<1x1x8x128xf32, #tpu.memory_space<hbm>> -> memref<8x128xf32, #tpu.memory_space<hbm>>
      %dma_start3A_941 = arith.constant 8 : i32
      %dma_start3A_942 = arith.constant 384 : i32
      %dma_start3A_943 = tpu.memref_slice %arg9[%dma_start3A_941, %dma_start3A_942] : memref<32x512xf32, #tpu.memory_space<vmem>> -> memref<8x128xf32, #tpu.memory_space<vmem>>
      tpu.enqueue_dma source(%dma_start3A_943 : memref<8x128xf32, #tpu.memory_space<vmem>>) target(%dma_start3A_940 : memref<8x128xf32, #tpu.memory_space<hbm>>) target_semaphore(%run_scoped3A_929 : memref<!tpu.dma_semaphore, #tpu.memory_space<semaphore_mem>>)
      %dma_wait3A_944 = arith.constant 8 : i32
      %dma_wait3A_945 = arith.constant 384 : i32
      %dma_wait3A_946 = tpu.memref_slice %arg9[%dma_wait3A_944, %dma_wait3A_945] : memref<32x512xf32, #tpu.memory_space<vmem>> -> memref<8x128xf32, #tpu.memory_space<vmem>>
      %dma_wait3A_947 = arith.constant 0 : i32
      %dma_wait3A_948 = arith.constant 0 : i32
      %dma_wait3A_949 = tpu.memref_slice %arg4[%run_scoped3A_888, %add3A_887, %dma_wait3A_947, %dma_wait3A_948] : memref<4x128x8x128xf32, #tpu.memory_space<hbm>> -> memref<1x1x8x128xf32, #tpu.memory_space<hbm>>
      %dma_wait3A_950 = tpu.memref_squeeze %dma_wait3A_949 : memref<1x1x8x128xf32, #tpu.memory_space<hbm>> -> memref<8x128xf32, #tpu.memory_space<hbm>>
      %dma_wait3A_951 = arith.constant 0 : i32
      %dma_wait3A_952 = arith.constant 0 : i32
      %dma_wait3A_953 = tpu.memref_slice %arg4[%run_scoped3A_888, %add3A_887, %dma_wait3A_951, %dma_wait3A_952] : memref<4x128x8x128xf32, #tpu.memory_space<hbm>> -> memref<1x1x8x128xf32, #tpu.memory_space<hbm>>
      %dma_wait3A_954 = tpu.memref_squeeze %dma_wait3A_953 : memref<1x1x8x128xf32, #tpu.memory_space<hbm>> -> memref<8x128xf32, #tpu.memory_space<hbm>>
      %dma_wait3A_955 = arith.constant 8 : i32
      %dma_wait3A_956 = arith.constant 384 : i32
      %dma_wait3A_957 = tpu.memref_slice %arg9[%dma_wait3A_955, %dma_wait3A_956] : memref<32x512xf32, #tpu.memory_space<vmem>> -> memref<8x128xf32, #tpu.memory_space<vmem>>
      tpu.wait_dma2 semaphore(%run_scoped3A_929 : memref<!tpu.dma_semaphore, #tpu.memory_space<semaphore_mem>>) src(%dma_wait3A_957 : memref<8x128xf32, #tpu.memory_space<vmem>>) dst(%dma_wait3A_954 : memref<8x128xf32, #tpu.memory_space<hbm>>)
      tpu.yield
    }) : () -> ()
    %mul3A_889 = arith.constant 4 : i32
    %mul3A_890 = arith.muli %add3A, %mul3A_889 : i32
    %add3A_891 = arith.constant 0 : i32
    %add3A_892 = arith.addi %mul3A_890, %add3A_891 : i32
    %run_scoped3A_893 = arith.constant 2 : i32
    "tpu.region"() ({
      %run_scoped3A_929 = tpu.sem_alloc : memref<!tpu.dma_semaphore, #tpu.memory_space<semaphore_mem>>
      %dma_start3A_930 = arith.constant 16 : i32
      %dma_start3A_931 = arith.constant 0 : i32
      %dma_start3A_932 = tpu.memref_slice %arg9[%dma_start3A_930, %dma_start3A_931] : memref<32x512xf32, #tpu.memory_space<vmem>> -> memref<8x128xf32, #tpu.memory_space<vmem>>
      %dma_start3A_933 = arith.constant 0 : i32
      %dma_start3A_934 = arith.constant 0 : i32
      %dma_start3A_935 = tpu.memref_slice %arg4[%run_scoped3A_893, %add3A_892, %dma_start3A_933, %dma_start3A_934] : memref<4x128x8x128xf32, #tpu.memory_space<hbm>> -> memref<1x1x8x128xf32, #tpu.memory_space<hbm>>
      %dma_start3A_936 = tpu.memref_squeeze %dma_start3A_935 : memref<1x1x8x128xf32, #tpu.memory_space<hbm>> -> memref<8x128xf32, #tpu.memory_space<hbm>>
      %dma_start3A_937 = arith.constant 0 : i32
      %dma_start3A_938 = arith.constant 0 : i32
      %dma_start3A_939 = tpu.memref_slice %arg4[%run_scoped3A_893, %add3A_892, %dma_start3A_937, %dma_start3A_938] : memref<4x128x8x128xf32, #tpu.memory_space<hbm>> -> memref<1x1x8x128xf32, #tpu.memory_space<hbm>>
      %dma_start3A_940 = tpu.memref_squeeze %dma_start3A_939 : memref<1x1x8x128xf32, #tpu.memory_space<hbm>> -> memref<8x128xf32, #tpu.memory_space<hbm>>
      %dma_start3A_941 = arith.constant 16 : i32
      %dma_start3A_942 = arith.constant 0 : i32
      %dma_start3A_943 = tpu.memref_slice %arg9[%dma_start3A_941, %dma_start3A_942] : memref<32x512xf32, #tpu.memory_space<vmem>> -> memref<8x128xf32, #tpu.memory_space<vmem>>
      tpu.enqueue_dma source(%dma_start3A_943 : memref<8x128xf32, #tpu.memory_space<vmem>>) target(%dma_start3A_940 : memref<8x128xf32, #tpu.memory_space<hbm>>) target_semaphore(%run_scoped3A_929 : memref<!tpu.dma_semaphore, #tpu.memory_space<semaphore_mem>>)
      %dma_wait3A_944 = arith.constant 16 : i32
      %dma_wait3A_945 = arith.constant 0 : i32
      %dma_wait3A_946 = tpu.memref_slice %arg9[%dma_wait3A_944, %dma_wait3A_945] : memref<32x512xf32, #tpu.memory_space<vmem>> -> memref<8x128xf32, #tpu.memory_space<vmem>>
      %dma_wait3A_947 = arith.constant 0 : i32
      %dma_wait3A_948 = arith.constant 0 : i32
      %dma_wait3A_949 = tpu.memref_slice %arg4[%run_scoped3A_893, %add3A_892, %dma_wait3A_947, %dma_wait3A_948] : memref<4x128x8x128xf32, #tpu.memory_space<hbm>> -> memref<1x1x8x128xf32, #tpu.memory_space<hbm>>
      %dma_wait3A_950 = tpu.memref_squeeze %dma_wait3A_949 : memref<1x1x8x128xf32, #tpu.memory_space<hbm>> -> memref<8x128xf32, #tpu.memory_space<hbm>>
      %dma_wait3A_951 = arith.constant 0 : i32
      %dma_wait3A_952 = arith.constant 0 : i32
      %dma_wait3A_953 = tpu.memref_slice %arg4[%run_scoped3A_893, %add3A_892, %dma_wait3A_951, %dma_wait3A_952] : memref<4x128x8x128xf32, #tpu.memory_space<hbm>> -> memref<1x1x8x128xf32, #tpu.memory_space<hbm>>
      %dma_wait3A_954 = tpu.memref_squeeze %dma_wait3A_953 : memref<1x1x8x128xf32, #tpu.memory_space<hbm>> -> memref<8x128xf32, #tpu.memory_space<hbm>>
      %dma_wait3A_955 = arith.constant 16 : i32
      %dma_wait3A_956 = arith.constant 0 : i32
      %dma_wait3A_957 = tpu.memref_slice %arg9[%dma_wait3A_955, %dma_wait3A_956] : memref<32x512xf32, #tpu.memory_space<vmem>> -> memref<8x128xf32, #tpu.memory_space<vmem>>
      tpu.wait_dma2 semaphore(%run_scoped3A_929 : memref<!tpu.dma_semaphore, #tpu.memory_space<semaphore_mem>>) src(%dma_wait3A_957 : memref<8x128xf32, #tpu.memory_space<vmem>>) dst(%dma_wait3A_954 : memref<8x128xf32, #tpu.memory_space<hbm>>)
      tpu.yield
    }) : () -> ()
    %mul3A_894 = arith.constant 4 : i32
    %mul3A_895 = arith.muli %add3A, %mul3A_894 : i32
    %add3A_896 = arith.constant 1 : i32
    %add3A_897 = arith.addi %mul3A_895, %add3A_896 : i32
    %run_scoped3A_898 = arith.constant 2 : i32
    "tpu.region"() ({
      %run_scoped3A_929 = tpu.sem_alloc : memref<!tpu.dma_semaphore, #tpu.memory_space<semaphore_mem>>
      %dma_start3A_930 = arith.constant 16 : i32
      %dma_start3A_931 = arith.constant 128 : i32
      %dma_start3A_932 = tpu.memref_slice %arg9[%dma_start3A_930, %dma_start3A_931] : memref<32x512xf32, #tpu.memory_space<vmem>> -> memref<8x128xf32, #tpu.memory_space<vmem>>
      %dma_start3A_933 = arith.constant 0 : i32
      %dma_start3A_934 = arith.constant 0 : i32
      %dma_start3A_935 = tpu.memref_slice %arg4[%run_scoped3A_898, %add3A_897, %dma_start3A_933, %dma_start3A_934] : memref<4x128x8x128xf32, #tpu.memory_space<hbm>> -> memref<1x1x8x128xf32, #tpu.memory_space<hbm>>
      %dma_start3A_936 = tpu.memref_squeeze %dma_start3A_935 : memref<1x1x8x128xf32, #tpu.memory_space<hbm>> -> memref<8x128xf32, #tpu.memory_space<hbm>>
      %dma_start3A_937 = arith.constant 0 : i32
      %dma_start3A_938 = arith.constant 0 : i32
      %dma_start3A_939 = tpu.memref_slice %arg4[%run_scoped3A_898, %add3A_897, %dma_start3A_937, %dma_start3A_938] : memref<4x128x8x128xf32, #tpu.memory_space<hbm>> -> memref<1x1x8x128xf32, #tpu.memory_space<hbm>>
      %dma_start3A_940 = tpu.memref_squeeze %dma_start3A_939 : memref<1x1x8x128xf32, #tpu.memory_space<hbm>> -> memref<8x128xf32, #tpu.memory_space<hbm>>
      %dma_start3A_941 = arith.constant 16 : i32
      %dma_start3A_942 = arith.constant 128 : i32
      %dma_start3A_943 = tpu.memref_slice %arg9[%dma_start3A_941, %dma_start3A_942] : memref<32x512xf32, #tpu.memory_space<vmem>> -> memref<8x128xf32, #tpu.memory_space<vmem>>
      tpu.enqueue_dma source(%dma_start3A_943 : memref<8x128xf32, #tpu.memory_space<vmem>>) target(%dma_start3A_940 : memref<8x128xf32, #tpu.memory_space<hbm>>) target_semaphore(%run_scoped3A_929 : memref<!tpu.dma_semaphore, #tpu.memory_space<semaphore_mem>>)
      %dma_wait3A_944 = arith.constant 16 : i32
      %dma_wait3A_945 = arith.constant 128 : i32
      %dma_wait3A_946 = tpu.memref_slice %arg9[%dma_wait3A_944, %dma_wait3A_945] : memref<32x512xf32, #tpu.memory_space<vmem>> -> memref<8x128xf32, #tpu.memory_space<vmem>>
      %dma_wait3A_947 = arith.constant 0 : i32
      %dma_wait3A_948 = arith.constant 0 : i32
      %dma_wait3A_949 = tpu.memref_slice %arg4[%run_scoped3A_898, %add3A_897, %dma_wait3A_947, %dma_wait3A_948] : memref<4x128x8x128xf32, #tpu.memory_space<hbm>> -> memref<1x1x8x128xf32, #tpu.memory_space<hbm>>
      %dma_wait3A_950 = tpu.memref_squeeze %dma_wait3A_949 : memref<1x1x8x128xf32, #tpu.memory_space<hbm>> -> memref<8x128xf32, #tpu.memory_space<hbm>>
      %dma_wait3A_951 = arith.constant 0 : i32
      %dma_wait3A_952 = arith.constant 0 : i32
      %dma_wait3A_953 = tpu.memref_slice %arg4[%run_scoped3A_898, %add3A_897, %dma_wait3A_951, %dma_wait3A_952] : memref<4x128x8x128xf32, #tpu.memory_space<hbm>> -> memref<1x1x8x128xf32, #tpu.memory_space<hbm>>
      %dma_wait3A_954 = tpu.memref_squeeze %dma_wait3A_953 : memref<1x1x8x128xf32, #tpu.memory_space<hbm>> -> memref<8x128xf32, #tpu.memory_space<hbm>>
      %dma_wait3A_955 = arith.constant 16 : i32
      %dma_wait3A_956 = arith.constant 128 : i32
      %dma_wait3A_957 = tpu.memref_slice %arg9[%dma_wait3A_955, %dma_wait3A_956] : memref<32x512xf32, #tpu.memory_space<vmem>> -> memref<8x128xf32, #tpu.memory_space<vmem>>
      tpu.wait_dma2 semaphore(%run_scoped3A_929 : memref<!tpu.dma_semaphore, #tpu.memory_space<semaphore_mem>>) src(%dma_wait3A_957 : memref<8x128xf32, #tpu.memory_space<vmem>>) dst(%dma_wait3A_954 : memref<8x128xf32, #tpu.memory_space<hbm>>)
      tpu.yield
    }) : () -> ()
    %mul3A_899 = arith.constant 4 : i32
    %mul3A_900 = arith.muli %add3A, %mul3A_899 : i32
    %add3A_901 = arith.constant 2 : i32
    %add3A_902 = arith.addi %mul3A_900, %add3A_901 : i32
    %run_scoped3A_903 = arith.constant 2 : i32
    "tpu.region"() ({
      %run_scoped3A_929 = tpu.sem_alloc : memref<!tpu.dma_semaphore, #tpu.memory_space<semaphore_mem>>
      %dma_start3A_930 = arith.constant 16 : i32
      %dma_start3A_931 = arith.constant 256 : i32
      %dma_start3A_932 = tpu.memref_slice %arg9[%dma_start3A_930, %dma_start3A_931] : memref<32x512xf32, #tpu.memory_space<vmem>> -> memref<8x128xf32, #tpu.memory_space<vmem>>
      %dma_start3A_933 = arith.constant 0 : i32
      %dma_start3A_934 = arith.constant 0 : i32
      %dma_start3A_935 = tpu.memref_slice %arg4[%run_scoped3A_903, %add3A_902, %dma_start3A_933, %dma_start3A_934] : memref<4x128x8x128xf32, #tpu.memory_space<hbm>> -> memref<1x1x8x128xf32, #tpu.memory_space<hbm>>
      %dma_start3A_936 = tpu.memref_squeeze %dma_start3A_935 : memref<1x1x8x128xf32, #tpu.memory_space<hbm>> -> memref<8x128xf32, #tpu.memory_space<hbm>>
      %dma_start3A_937 = arith.constant 0 : i32
      %dma_start3A_938 = arith.constant 0 : i32
      %dma_start3A_939 = tpu.memref_slice %arg4[%run_scoped3A_903, %add3A_902, %dma_start3A_937, %dma_start3A_938] : memref<4x128x8x128xf32, #tpu.memory_space<hbm>> -> memref<1x1x8x128xf32, #tpu.memory_space<hbm>>
      %dma_start3A_940 = tpu.memref_squeeze %dma_start3A_939 : memref<1x1x8x128xf32, #tpu.memory_space<hbm>> -> memref<8x128xf32, #tpu.memory_space<hbm>>
      %dma_start3A_941 = arith.constant 16 : i32
      %dma_start3A_942 = arith.constant 256 : i32
      %dma_start3A_943 = tpu.memref_slice %arg9[%dma_start3A_941, %dma_start3A_942] : memref<32x512xf32, #tpu.memory_space<vmem>> -> memref<8x128xf32, #tpu.memory_space<vmem>>
      tpu.enqueue_dma source(%dma_start3A_943 : memref<8x128xf32, #tpu.memory_space<vmem>>) target(%dma_start3A_940 : memref<8x128xf32, #tpu.memory_space<hbm>>) target_semaphore(%run_scoped3A_929 : memref<!tpu.dma_semaphore, #tpu.memory_space<semaphore_mem>>)
      %dma_wait3A_944 = arith.constant 16 : i32
      %dma_wait3A_945 = arith.constant 256 : i32
      %dma_wait3A_946 = tpu.memref_slice %arg9[%dma_wait3A_944, %dma_wait3A_945] : memref<32x512xf32, #tpu.memory_space<vmem>> -> memref<8x128xf32, #tpu.memory_space<vmem>>
      %dma_wait3A_947 = arith.constant 0 : i32
      %dma_wait3A_948 = arith.constant 0 : i32
      %dma_wait3A_949 = tpu.memref_slice %arg4[%run_scoped3A_903, %add3A_902, %dma_wait3A_947, %dma_wait3A_948] : memref<4x128x8x128xf32, #tpu.memory_space<hbm>> -> memref<1x1x8x128xf32, #tpu.memory_space<hbm>>
      %dma_wait3A_950 = tpu.memref_squeeze %dma_wait3A_949 : memref<1x1x8x128xf32, #tpu.memory_space<hbm>> -> memref<8x128xf32, #tpu.memory_space<hbm>>
      %dma_wait3A_951 = arith.constant 0 : i32
      %dma_wait3A_952 = arith.constant 0 : i32
      %dma_wait3A_953 = tpu.memref_slice %arg4[%run_scoped3A_903, %add3A_902, %dma_wait3A_951, %dma_wait3A_952] : memref<4x128x8x128xf32, #tpu.memory_space<hbm>> -> memref<1x1x8x128xf32, #tpu.memory_space<hbm>>
      %dma_wait3A_954 = tpu.memref_squeeze %dma_wait3A_953 : memref<1x1x8x128xf32, #tpu.memory_space<hbm>> -> memref<8x128xf32, #tpu.memory_space<hbm>>
      %dma_wait3A_955 = arith.constant 16 : i32
      %dma_wait3A_956 = arith.constant 256 : i32
      %dma_wait3A_957 = tpu.memref_slice %arg9[%dma_wait3A_955, %dma_wait3A_956] : memref<32x512xf32, #tpu.memory_space<vmem>> -> memref<8x128xf32, #tpu.memory_space<vmem>>
      tpu.wait_dma2 semaphore(%run_scoped3A_929 : memref<!tpu.dma_semaphore, #tpu.memory_space<semaphore_mem>>) src(%dma_wait3A_957 : memref<8x128xf32, #tpu.memory_space<vmem>>) dst(%dma_wait3A_954 : memref<8x128xf32, #tpu.memory_space<hbm>>)
      tpu.yield
    }) : () -> ()
    %mul3A_904 = arith.constant 4 : i32
    %mul3A_905 = arith.muli %add3A, %mul3A_904 : i32
    %add3A_906 = arith.constant 3 : i32
    %add3A_907 = arith.addi %mul3A_905, %add3A_906 : i32
    %run_scoped3A_908 = arith.constant 2 : i32
    "tpu.region"() ({
      %run_scoped3A_929 = tpu.sem_alloc : memref<!tpu.dma_semaphore, #tpu.memory_space<semaphore_mem>>
      %dma_start3A_930 = arith.constant 16 : i32
      %dma_start3A_931 = arith.constant 384 : i32
      %dma_start3A_932 = tpu.memref_slice %arg9[%dma_start3A_930, %dma_start3A_931] : memref<32x512xf32, #tpu.memory_space<vmem>> -> memref<8x128xf32, #tpu.memory_space<vmem>>
      %dma_start3A_933 = arith.constant 0 : i32
      %dma_start3A_934 = arith.constant 0 : i32
      %dma_start3A_935 = tpu.memref_slice %arg4[%run_scoped3A_908, %add3A_907, %dma_start3A_933, %dma_start3A_934] : memref<4x128x8x128xf32, #tpu.memory_space<hbm>> -> memref<1x1x8x128xf32, #tpu.memory_space<hbm>>
      %dma_start3A_936 = tpu.memref_squeeze %dma_start3A_935 : memref<1x1x8x128xf32, #tpu.memory_space<hbm>> -> memref<8x128xf32, #tpu.memory_space<hbm>>
      %dma_start3A_937 = arith.constant 0 : i32
      %dma_start3A_938 = arith.constant 0 : i32
      %dma_start3A_939 = tpu.memref_slice %arg4[%run_scoped3A_908, %add3A_907, %dma_start3A_937, %dma_start3A_938] : memref<4x128x8x128xf32, #tpu.memory_space<hbm>> -> memref<1x1x8x128xf32, #tpu.memory_space<hbm>>
      %dma_start3A_940 = tpu.memref_squeeze %dma_start3A_939 : memref<1x1x8x128xf32, #tpu.memory_space<hbm>> -> memref<8x128xf32, #tpu.memory_space<hbm>>
      %dma_start3A_941 = arith.constant 16 : i32
      %dma_start3A_942 = arith.constant 384 : i32
      %dma_start3A_943 = tpu.memref_slice %arg9[%dma_start3A_941, %dma_start3A_942] : memref<32x512xf32, #tpu.memory_space<vmem>> -> memref<8x128xf32, #tpu.memory_space<vmem>>
      tpu.enqueue_dma source(%dma_start3A_943 : memref<8x128xf32, #tpu.memory_space<vmem>>) target(%dma_start3A_940 : memref<8x128xf32, #tpu.memory_space<hbm>>) target_semaphore(%run_scoped3A_929 : memref<!tpu.dma_semaphore, #tpu.memory_space<semaphore_mem>>)
      %dma_wait3A_944 = arith.constant 16 : i32
      %dma_wait3A_945 = arith.constant 384 : i32
      %dma_wait3A_946 = tpu.memref_slice %arg9[%dma_wait3A_944, %dma_wait3A_945] : memref<32x512xf32, #tpu.memory_space<vmem>> -> memref<8x128xf32, #tpu.memory_space<vmem>>
      %dma_wait3A_947 = arith.constant 0 : i32
      %dma_wait3A_948 = arith.constant 0 : i32
      %dma_wait3A_949 = tpu.memref_slice %arg4[%run_scoped3A_908, %add3A_907, %dma_wait3A_947, %dma_wait3A_948] : memref<4x128x8x128xf32, #tpu.memory_space<hbm>> -> memref<1x1x8x128xf32, #tpu.memory_space<hbm>>
      %dma_wait3A_950 = tpu.memref_squeeze %dma_wait3A_949 : memref<1x1x8x128xf32, #tpu.memory_space<hbm>> -> memref<8x128xf32, #tpu.memory_space<hbm>>
      %dma_wait3A_951 = arith.constant 0 : i32
      %dma_wait3A_952 = arith.constant 0 : i32
      %dma_wait3A_953 = tpu.memref_slice %arg4[%run_scoped3A_908, %add3A_907, %dma_wait3A_951, %dma_wait3A_952] : memref<4x128x8x128xf32, #tpu.memory_space<hbm>> -> memref<1x1x8x128xf32, #tpu.memory_space<hbm>>
      %dma_wait3A_954 = tpu.memref_squeeze %dma_wait3A_953 : memref<1x1x8x128xf32, #tpu.memory_space<hbm>> -> memref<8x128xf32, #tpu.memory_space<hbm>>
      %dma_wait3A_955 = arith.constant 16 : i32
      %dma_wait3A_956 = arith.constant 384 : i32
      %dma_wait3A_957 = tpu.memref_slice %arg9[%dma_wait3A_955, %dma_wait3A_956] : memref<32x512xf32, #tpu.memory_space<vmem>> -> memref<8x128xf32, #tpu.memory_space<vmem>>
      tpu.wait_dma2 semaphore(%run_scoped3A_929 : memref<!tpu.dma_semaphore, #tpu.memory_space<semaphore_mem>>) src(%dma_wait3A_957 : memref<8x128xf32, #tpu.memory_space<vmem>>) dst(%dma_wait3A_954 : memref<8x128xf32, #tpu.memory_space<hbm>>)
      tpu.yield
    }) : () -> ()
    %mul3A_909 = arith.constant 4 : i32
    %mul3A_910 = arith.muli %add3A, %mul3A_909 : i32
    %add3A_911 = arith.constant 0 : i32
    %add3A_912 = arith.addi %mul3A_910, %add3A_911 : i32
    %run_scoped3A_913 = arith.constant 3 : i32
    "tpu.region"() ({
      %run_scoped3A_929 = tpu.sem_alloc : memref<!tpu.dma_semaphore, #tpu.memory_space<semaphore_mem>>
      %dma_start3A_930 = arith.constant 24 : i32
      %dma_start3A_931 = arith.constant 0 : i32
      %dma_start3A_932 = tpu.memref_slice %arg9[%dma_start3A_930, %dma_start3A_931] : memref<32x512xf32, #tpu.memory_space<vmem>> -> memref<8x128xf32, #tpu.memory_space<vmem>>
      %dma_start3A_933 = arith.constant 0 : i32
      %dma_start3A_934 = arith.constant 0 : i32
      %dma_start3A_935 = tpu.memref_slice %arg4[%run_scoped3A_913, %add3A_912, %dma_start3A_933, %dma_start3A_934] : memref<4x128x8x128xf32, #tpu.memory_space<hbm>> -> memref<1x1x8x128xf32, #tpu.memory_space<hbm>>
      %dma_start3A_936 = tpu.memref_squeeze %dma_start3A_935 : memref<1x1x8x128xf32, #tpu.memory_space<hbm>> -> memref<8x128xf32, #tpu.memory_space<hbm>>
      %dma_start3A_937 = arith.constant 0 : i32
      %dma_start3A_938 = arith.constant 0 : i32
      %dma_start3A_939 = tpu.memref_slice %arg4[%run_scoped3A_913, %add3A_912, %dma_start3A_937, %dma_start3A_938] : memref<4x128x8x128xf32, #tpu.memory_space<hbm>> -> memref<1x1x8x128xf32, #tpu.memory_space<hbm>>
      %dma_start3A_940 = tpu.memref_squeeze %dma_start3A_939 : memref<1x1x8x128xf32, #tpu.memory_space<hbm>> -> memref<8x128xf32, #tpu.memory_space<hbm>>
      %dma_start3A_941 = arith.constant 24 : i32
      %dma_start3A_942 = arith.constant 0 : i32
      %dma_start3A_943 = tpu.memref_slice %arg9[%dma_start3A_941, %dma_start3A_942] : memref<32x512xf32, #tpu.memory_space<vmem>> -> memref<8x128xf32, #tpu.memory_space<vmem>>
      tpu.enqueue_dma source(%dma_start3A_943 : memref<8x128xf32, #tpu.memory_space<vmem>>) target(%dma_start3A_940 : memref<8x128xf32, #tpu.memory_space<hbm>>) target_semaphore(%run_scoped3A_929 : memref<!tpu.dma_semaphore, #tpu.memory_space<semaphore_mem>>)
      %dma_wait3A_944 = arith.constant 24 : i32
      %dma_wait3A_945 = arith.constant 0 : i32
      %dma_wait3A_946 = tpu.memref_slice %arg9[%dma_wait3A_944, %dma_wait3A_945] : memref<32x512xf32, #tpu.memory_space<vmem>> -> memref<8x128xf32, #tpu.memory_space<vmem>>
      %dma_wait3A_947 = arith.constant 0 : i32
      %dma_wait3A_948 = arith.constant 0 : i32
      %dma_wait3A_949 = tpu.memref_slice %arg4[%run_scoped3A_913, %add3A_912, %dma_wait3A_947, %dma_wait3A_948] : memref<4x128x8x128xf32, #tpu.memory_space<hbm>> -> memref<1x1x8x128xf32, #tpu.memory_space<hbm>>
      %dma_wait3A_950 = tpu.memref_squeeze %dma_wait3A_949 : memref<1x1x8x128xf32, #tpu.memory_space<hbm>> -> memref<8x128xf32, #tpu.memory_space<hbm>>
      %dma_wait3A_951 = arith.constant 0 : i32
      %dma_wait3A_952 = arith.constant 0 : i32
      %dma_wait3A_953 = tpu.memref_slice %arg4[%run_scoped3A_913, %add3A_912, %dma_wait3A_951, %dma_wait3A_952] : memref<4x128x8x128xf32, #tpu.memory_space<hbm>> -> memref<1x1x8x128xf32, #tpu.memory_space<hbm>>
      %dma_wait3A_954 = tpu.memref_squeeze %dma_wait3A_953 : memref<1x1x8x128xf32, #tpu.memory_space<hbm>> -> memref<8x128xf32, #tpu.memory_space<hbm>>
      %dma_wait3A_955 = arith.constant 24 : i32
      %dma_wait3A_956 = arith.constant 0 : i32
      %dma_wait3A_957 = tpu.memref_slice %arg9[%dma_wait3A_955, %dma_wait3A_956] : memref<32x512xf32, #tpu.memory_space<vmem>> -> memref<8x128xf32, #tpu.memory_space<vmem>>
      tpu.wait_dma2 semaphore(%run_scoped3A_929 : memref<!tpu.dma_semaphore, #tpu.memory_space<semaphore_mem>>) src(%dma_wait3A_957 : memref<8x128xf32, #tpu.memory_space<vmem>>) dst(%dma_wait3A_954 : memref<8x128xf32, #tpu.memory_space<hbm>>)
      tpu.yield
    }) : () -> ()
    %mul3A_914 = arith.constant 4 : i32
    %mul3A_915 = arith.muli %add3A, %mul3A_914 : i32
    %add3A_916 = arith.constant 1 : i32
    %add3A_917 = arith.addi %mul3A_915, %add3A_916 : i32
    %run_scoped3A_918 = arith.constant 3 : i32
    "tpu.region"() ({
      %run_scoped3A_929 = tpu.sem_alloc : memref<!tpu.dma_semaphore, #tpu.memory_space<semaphore_mem>>
      %dma_start3A_930 = arith.constant 24 : i32
      %dma_start3A_931 = arith.constant 128 : i32
      %dma_start3A_932 = tpu.memref_slice %arg9[%dma_start3A_930, %dma_start3A_931] : memref<32x512xf32, #tpu.memory_space<vmem>> -> memref<8x128xf32, #tpu.memory_space<vmem>>
      %dma_start3A_933 = arith.constant 0 : i32
      %dma_start3A_934 = arith.constant 0 : i32
      %dma_start3A_935 = tpu.memref_slice %arg4[%run_scoped3A_918, %add3A_917, %dma_start3A_933, %dma_start3A_934] : memref<4x128x8x128xf32, #tpu.memory_space<hbm>> -> memref<1x1x8x128xf32, #tpu.memory_space<hbm>>
      %dma_start3A_936 = tpu.memref_squeeze %dma_start3A_935 : memref<1x1x8x128xf32, #tpu.memory_space<hbm>> -> memref<8x128xf32, #tpu.memory_space<hbm>>
      %dma_start3A_937 = arith.constant 0 : i32
      %dma_start3A_938 = arith.constant 0 : i32
      %dma_start3A_939 = tpu.memref_slice %arg4[%run_scoped3A_918, %add3A_917, %dma_start3A_937, %dma_start3A_938] : memref<4x128x8x128xf32, #tpu.memory_space<hbm>> -> memref<1x1x8x128xf32, #tpu.memory_space<hbm>>
      %dma_start3A_940 = tpu.memref_squeeze %dma_start3A_939 : memref<1x1x8x128xf32, #tpu.memory_space<hbm>> -> memref<8x128xf32, #tpu.memory_space<hbm>>
      %dma_start3A_941 = arith.constant 24 : i32
      %dma_start3A_942 = arith.constant 128 : i32
      %dma_start3A_943 = tpu.memref_slice %arg9[%dma_start3A_941, %dma_start3A_942] : memref<32x512xf32, #tpu.memory_space<vmem>> -> memref<8x128xf32, #tpu.memory_space<vmem>>
      tpu.enqueue_dma source(%dma_start3A_943 : memref<8x128xf32, #tpu.memory_space<vmem>>) target(%dma_start3A_940 : memref<8x128xf32, #tpu.memory_space<hbm>>) target_semaphore(%run_scoped3A_929 : memref<!tpu.dma_semaphore, #tpu.memory_space<semaphore_mem>>)
      %dma_wait3A_944 = arith.constant 24 : i32
      %dma_wait3A_945 = arith.constant 128 : i32
      %dma_wait3A_946 = tpu.memref_slice %arg9[%dma_wait3A_944, %dma_wait3A_945] : memref<32x512xf32, #tpu.memory_space<vmem>> -> memref<8x128xf32, #tpu.memory_space<vmem>>
      %dma_wait3A_947 = arith.constant 0 : i32
      %dma_wait3A_948 = arith.constant 0 : i32
      %dma_wait3A_949 = tpu.memref_slice %arg4[%run_scoped3A_918, %add3A_917, %dma_wait3A_947, %dma_wait3A_948] : memref<4x128x8x128xf32, #tpu.memory_space<hbm>> -> memref<1x1x8x128xf32, #tpu.memory_space<hbm>>
      %dma_wait3A_950 = tpu.memref_squeeze %dma_wait3A_949 : memref<1x1x8x128xf32, #tpu.memory_space<hbm>> -> memref<8x128xf32, #tpu.memory_space<hbm>>
      %dma_wait3A_951 = arith.constant 0 : i32
      %dma_wait3A_952 = arith.constant 0 : i32
      %dma_wait3A_953 = tpu.memref_slice %arg4[%run_scoped3A_918, %add3A_917, %dma_wait3A_951, %dma_wait3A_952] : memref<4x128x8x128xf32, #tpu.memory_space<hbm>> -> memref<1x1x8x128xf32, #tpu.memory_space<hbm>>
      %dma_wait3A_954 = tpu.memref_squeeze %dma_wait3A_953 : memref<1x1x8x128xf32, #tpu.memory_space<hbm>> -> memref<8x128xf32, #tpu.memory_space<hbm>>
      %dma_wait3A_955 = arith.constant 24 : i32
      %dma_wait3A_956 = arith.constant 128 : i32
      %dma_wait3A_957 = tpu.memref_slice %arg9[%dma_wait3A_955, %dma_wait3A_956] : memref<32x512xf32, #tpu.memory_space<vmem>> -> memref<8x128xf32, #tpu.memory_space<vmem>>
      tpu.wait_dma2 semaphore(%run_scoped3A_929 : memref<!tpu.dma_semaphore, #tpu.memory_space<semaphore_mem>>) src(%dma_wait3A_957 : memref<8x128xf32, #tpu.memory_space<vmem>>) dst(%dma_wait3A_954 : memref<8x128xf32, #tpu.memory_space<hbm>>)
      tpu.yield
    }) : () -> ()
    %mul3A_919 = arith.constant 4 : i32
    %mul3A_920 = arith.muli %add3A, %mul3A_919 : i32
    %add3A_921 = arith.constant 2 : i32
    %add3A_922 = arith.addi %mul3A_920, %add3A_921 : i32
    %run_scoped3A_923 = arith.constant 3 : i32
    "tpu.region"() ({
      %run_scoped3A_929 = tpu.sem_alloc : memref<!tpu.dma_semaphore, #tpu.memory_space<semaphore_mem>>
      %dma_start3A_930 = arith.constant 24 : i32
      %dma_start3A_931 = arith.constant 256 : i32
      %dma_start3A_932 = tpu.memref_slice %arg9[%dma_start3A_930, %dma_start3A_931] : memref<32x512xf32, #tpu.memory_space<vmem>> -> memref<8x128xf32, #tpu.memory_space<vmem>>
      %dma_start3A_933 = arith.constant 0 : i32
      %dma_start3A_934 = arith.constant 0 : i32
      %dma_start3A_935 = tpu.memref_slice %arg4[%run_scoped3A_923, %add3A_922, %dma_start3A_933, %dma_start3A_934] : memref<4x128x8x128xf32, #tpu.memory_space<hbm>> -> memref<1x1x8x128xf32, #tpu.memory_space<hbm>>
      %dma_start3A_936 = tpu.memref_squeeze %dma_start3A_935 : memref<1x1x8x128xf32, #tpu.memory_space<hbm>> -> memref<8x128xf32, #tpu.memory_space<hbm>>
      %dma_start3A_937 = arith.constant 0 : i32
      %dma_start3A_938 = arith.constant 0 : i32
      %dma_start3A_939 = tpu.memref_slice %arg4[%run_scoped3A_923, %add3A_922, %dma_start3A_937, %dma_start3A_938] : memref<4x128x8x128xf32, #tpu.memory_space<hbm>> -> memref<1x1x8x128xf32, #tpu.memory_space<hbm>>
      %dma_start3A_940 = tpu.memref_squeeze %dma_start3A_939 : memref<1x1x8x128xf32, #tpu.memory_space<hbm>> -> memref<8x128xf32, #tpu.memory_space<hbm>>
      %dma_start3A_941 = arith.constant 24 : i32
      %dma_start3A_942 = arith.constant 256 : i32
      %dma_start3A_943 = tpu.memref_slice %arg9[%dma_start3A_941, %dma_start3A_942] : memref<32x512xf32, #tpu.memory_space<vmem>> -> memref<8x128xf32, #tpu.memory_space<vmem>>
      tpu.enqueue_dma source(%dma_start3A_943 : memref<8x128xf32, #tpu.memory_space<vmem>>) target(%dma_start3A_940 : memref<8x128xf32, #tpu.memory_space<hbm>>) target_semaphore(%run_scoped3A_929 : memref<!tpu.dma_semaphore, #tpu.memory_space<semaphore_mem>>)
      %dma_wait3A_944 = arith.constant 24 : i32
      %dma_wait3A_945 = arith.constant 256 : i32
      %dma_wait3A_946 = tpu.memref_slice %arg9[%dma_wait3A_944, %dma_wait3A_945] : memref<32x512xf32, #tpu.memory_space<vmem>> -> memref<8x128xf32, #tpu.memory_space<vmem>>
      %dma_wait3A_947 = arith.constant 0 : i32
      %dma_wait3A_948 = arith.constant 0 : i32
      %dma_wait3A_949 = tpu.memref_slice %arg4[%run_scoped3A_923, %add3A_922, %dma_wait3A_947, %dma_wait3A_948] : memref<4x128x8x128xf32, #tpu.memory_space<hbm>> -> memref<1x1x8x128xf32, #tpu.memory_space<hbm>>
      %dma_wait3A_950 = tpu.memref_squeeze %dma_wait3A_949 : memref<1x1x8x128xf32, #tpu.memory_space<hbm>> -> memref<8x128xf32, #tpu.memory_space<hbm>>
      %dma_wait3A_951 = arith.constant 0 : i32
      %dma_wait3A_952 = arith.constant 0 : i32
      %dma_wait3A_953 = tpu.memref_slice %arg4[%run_scoped3A_923, %add3A_922, %dma_wait3A_951, %dma_wait3A_952] : memref<4x128x8x128xf32, #tpu.memory_space<hbm>> -> memref<1x1x8x128xf32, #tpu.memory_space<hbm>>
      %dma_wait3A_954 = tpu.memref_squeeze %dma_wait3A_953 : memref<1x1x8x128xf32, #tpu.memory_space<hbm>> -> memref<8x128xf32, #tpu.memory_space<hbm>>
      %dma_wait3A_955 = arith.constant 24 : i32
      %dma_wait3A_956 = arith.constant 256 : i32
      %dma_wait3A_957 = tpu.memref_slice %arg9[%dma_wait3A_955, %dma_wait3A_956] : memref<32x512xf32, #tpu.memory_space<vmem>> -> memref<8x128xf32, #tpu.memory_space<vmem>>
      tpu.wait_dma2 semaphore(%run_scoped3A_929 : memref<!tpu.dma_semaphore, #tpu.memory_space<semaphore_mem>>) src(%dma_wait3A_957 : memref<8x128xf32, #tpu.memory_space<vmem>>) dst(%dma_wait3A_954 : memref<8x128xf32, #tpu.memory_space<hbm>>)
      tpu.yield
    }) : () -> ()
    %mul3A_924 = arith.constant 4 : i32
    %mul3A_925 = arith.muli %add3A, %mul3A_924 : i32
    %add3A_926 = arith.constant 3 : i32
    %add3A_927 = arith.addi %mul3A_925, %add3A_926 : i32
    %run_scoped3A_928 = arith.constant 3 : i32
    "tpu.region"() ({
      %run_scoped3A_929 = tpu.sem_alloc : memref<!tpu.dma_semaphore, #tpu.memory_space<semaphore_mem>>
      %dma_start3A_930 = arith.constant 24 : i32
      %dma_start3A_931 = arith.constant 384 : i32
      %dma_start3A_932 = tpu.memref_slice %arg9[%dma_start3A_930, %dma_start3A_931] : memref<32x512xf32, #tpu.memory_space<vmem>> -> memref<8x128xf32, #tpu.memory_space<vmem>>
      %dma_start3A_933 = arith.constant 0 : i32
      %dma_start3A_934 = arith.constant 0 : i32
      %dma_start3A_935 = tpu.memref_slice %arg4[%run_scoped3A_928, %add3A_927, %dma_start3A_933, %dma_start3A_934] : memref<4x128x8x128xf32, #tpu.memory_space<hbm>> -> memref<1x1x8x128xf32, #tpu.memory_space<hbm>>
      %dma_start3A_936 = tpu.memref_squeeze %dma_start3A_935 : memref<1x1x8x128xf32, #tpu.memory_space<hbm>> -> memref<8x128xf32, #tpu.memory_space<hbm>>
      %dma_start3A_937 = arith.constant 0 : i32
      %dma_start3A_938 = arith.constant 0 : i32
      %dma_start3A_939 = tpu.memref_slice %arg4[%run_scoped3A_928, %add3A_927, %dma_start3A_937, %dma_start3A_938] : memref<4x128x8x128xf32, #tpu.memory_space<hbm>> -> memref<1x1x8x128xf32, #tpu.memory_space<hbm>>
      %dma_start3A_940 = tpu.memref_squeeze %dma_start3A_939 : memref<1x1x8x128xf32, #tpu.memory_space<hbm>> -> memref<8x128xf32, #tpu.memory_space<hbm>>
      %dma_start3A_941 = arith.constant 24 : i32
      %dma_start3A_942 = arith.constant 384 : i32
      %dma_start3A_943 = tpu.memref_slice %arg9[%dma_start3A_941, %dma_start3A_942] : memref<32x512xf32, #tpu.memory_space<vmem>> -> memref<8x128xf32, #tpu.memory_space<vmem>>
      tpu.enqueue_dma source(%dma_start3A_943 : memref<8x128xf32, #tpu.memory_space<vmem>>) target(%dma_start3A_940 : memref<8x128xf32, #tpu.memory_space<hbm>>) target_semaphore(%run_scoped3A_929 : memref<!tpu.dma_semaphore, #tpu.memory_space<semaphore_mem>>)
      %dma_wait3A_944 = arith.constant 24 : i32
      %dma_wait3A_945 = arith.constant 384 : i32
      %dma_wait3A_946 = tpu.memref_slice %arg9[%dma_wait3A_944, %dma_wait3A_945] : memref<32x512xf32, #tpu.memory_space<vmem>> -> memref<8x128xf32, #tpu.memory_space<vmem>>
      %dma_wait3A_947 = arith.constant 0 : i32
      %dma_wait3A_948 = arith.constant 0 : i32
      %dma_wait3A_949 = tpu.memref_slice %arg4[%run_scoped3A_928, %add3A_927, %dma_wait3A_947, %dma_wait3A_948] : memref<4x128x8x128xf32, #tpu.memory_space<hbm>> -> memref<1x1x8x128xf32, #tpu.memory_space<hbm>>
      %dma_wait3A_950 = tpu.memref_squeeze %dma_wait3A_949 : memref<1x1x8x128xf32, #tpu.memory_space<hbm>> -> memref<8x128xf32, #tpu.memory_space<hbm>>
      %dma_wait3A_951 = arith.constant 0 : i32
      %dma_wait3A_952 = arith.constant 0 : i32
      %dma_wait3A_953 = tpu.memref_slice %arg4[%run_scoped3A_928, %add3A_927, %dma_wait3A_951, %dma_wait3A_952] : memref<4x128x8x128xf32, #tpu.memory_space<hbm>> -> memref<1x1x8x128xf32, #tpu.memory_space<hbm>>
      %dma_wait3A_954 = tpu.memref_squeeze %dma_wait3A_953 : memref<1x1x8x128xf32, #tpu.memory_space<hbm>> -> memref<8x128xf32, #tpu.memory_space<hbm>>
      %dma_wait3A_955 = arith.constant 24 : i32
      %dma_wait3A_956 = arith.constant 384 : i32
      %dma_wait3A_957 = tpu.memref_slice %arg9[%dma_wait3A_955, %dma_wait3A_956] : memref<32x512xf32, #tpu.memory_space<vmem>> -> memref<8x128xf32, #tpu.memory_space<vmem>>
      tpu.wait_dma2 semaphore(%run_scoped3A_929 : memref<!tpu.dma_semaphore, #tpu.memory_space<semaphore_mem>>) src(%dma_wait3A_957 : memref<8x128xf32, #tpu.memory_space<vmem>>) dst(%dma_wait3A_954 : memref<8x128xf32, #tpu.memory_space<hbm>>)
      tpu.yield
    }) : () -> ()
    return
  }
}

</mosaic_0001>

<sc_bundles>
// kernel: kernel.3.cloned.1.call-start
scs
__scs_entry_jumppad:
0x0: {  	(pc) =	sbr.rel $0x88, $3  }
0x1: {  	(tag) =	ssettag $0x0;
	lr =	simm.s32 $0x1  }
0x2: {  	[smem:$0x3F9F] =	sst lr;
	_ =	strace $0xD0000000  }
0x3: {  	_ = 	snop  }
0x4: {  	_ = 	snop  }
0x5: {  	_ = 	snop  }
0x6: {  	_ = 	snop  }
0x7: {  	_ = 	snop  }
__scs_overlays_trampoline_lowered:
0x8: {  	[smem:$0x3FAE] =	sst s0  }
0x9: {  	[smem:$0x3FAF] =	sst s1  }
0xa: {  	[smem:$0x3FB0] =	sst s2  }
0xb: {  	[smem:$0x3FB1] =	sst s3  }
0xc: {  	[smem:$0x3FB2] =	sst s4  }
0xd: {  	[smem:$0x3FB3] =	sst s5  }
0xe: {  	[smem:$0x3FB4] =	sst s6  }
0xf: {  	[smem:$0x3FB5] =	sst s7  }
0x10: {  	[smem:$0x3FB6] =	sst s8  }
0x11: {  	[smem:$0x3FB7] =	sst s9;
	s0 =	simm.s32 @!p0 $0x0  }
0x12: {  	s1 =	sld [smem:$0x3F9D];
	s0 =	simm.s32 @p0 $0x1  }
0x13: {  	[smem:$0x3FB8] =	sst s0;
	s0 =	simm.s32 @!p1 $0x0  }
0x14: {  	s2 =	sld [smem:$0x3F9C];
	s0 =	simm.s32 @p1 $0x1  }
0x15: {  	[smem:$0x3FB9] =	sst s0;
	s0 =	simm.s32 @!p2 $0x0  }
0x16: {  	s3 =	sld [smem:$0x3FDB];
	s0 =	simm.s32 @p2 $0x1  }
0x17: {  	s4 =	simm.s32 $0x1BF5;
	[smem:$0x3FBB] =	sst s0  }
0x18: {  	s0 =	sld [smem:$0x3F9E];
	_ =	swait.ge [sflag:s4], $0x0  }
0x19: {  	s7 =	sld [smem:$0x3F9F]  }
0x1a: {  	s8 =	sadd.s32 $0xFFFFE003, lr  }
0x1b: {  	s9 =	sadd.s32 $0xFFFFFEF7, lr;
	s5 =	simm.s32 $0xFFFFFFFF;
	p2 =	slt.u32 s8, $0xFFFFF086  }
0x1c: {  	p1 =	slt.u32 s9, $0xF7A;
	s5 =	simm.s32 @!p2 $0x0  }
0x1d: {  	s5 =	simm.s32 @p1 $0x1;
	p0 =	seq.s32 s7, s2  }
0x1e: {  	s7 =	smul.u32 @!p0 $0xF7A, s2;
	p2 =	seq.s32 @!p0 s5, $0x0  }
0x1f: {  	s9 =	smul.u32 $0xF7A, s1;
	s8 =	simm.s32 @!p0 $0x1BF5;
	p2 =	por !p2, p0  }
0x20: {  	[sflag:s8] =	ssyncset.s32 @!p0 $0xFFFFF086;
	s6 =	sadd.s32 @!p0 s3, s7;
	s7 =	simm.s32 @!p0 $0x108  }
0x21: {  	s3 =	sadd.s32 s3, s9;
	s6 =	sadd.s32 @!p0 $0x88, s6;
	s7 =	simm.s32 @p2 $0x1082  }
0x22: {  	[simem:s7], [sflag:s8] =	dma.local @!p0 [hbm:s6], $0xF7A  }
0x23: {  	s9 =	sor.u32 $0xD0000000, s2;
	s6 =	simm.s32 $0x108;
	_ =	swait.ge @!p0 [sflag:s8], $0x0  }
0x24: {  	s3 =	sadd.s32 $0x88, s3;
	s6 =	simm.s32 @!p1 $0x1082;
	[sflag:s4] =	ssyncset.s32 $0xFFFFF086  }
0x25: {  	[simem:s6], [sflag:s4] =	dma.local [hbm:s3], $0xF7A  }
0x26: {  	[smem:$0x3F9F] =	sst s1;
	(tag) =	ssettag s2;
	_ =	strace s9  }
0x27: {  	s1 =	sld [smem:$0x3FAF]  }
0x28: {  	s2 =	sld [smem:$0x3FB0]  }
0x29: {  	s4 =	sld [smem:$0x3FB2]  }
0x2a: {  	p0 =	seq.s32 s5, $0x0;
	s5 =	sld [smem:$0x3FB3]  }
0x2b: {  	s6 =	sld [smem:$0x3FB4]  }
0x2c: {  	s7 =	sld [smem:$0x3FB5]  }
0x2d: {  	s3 =	simm.s32 $0x108;
	s8 =	sld [smem:$0x3FB6]  }
0x2e: {  	s3 =	simm.s32 @!p0 $0x1082;
	s9 =	sld [smem:$0x3FB7]  }
0x2f: {  	lr =	sadd.s32 s0, s3;
	s0 =	sld [smem:$0x3FAE]  }
0x30: {  	s3 =	sld [smem:$0x3FB1]  }
0x31: {  	[smem:$0x3FBA] =	sst s10  }
0x32: {  	s10 =	sld [smem:$0x3FB8];
	_ =	sdelay $0x3  }
0x33: {  	p0 =	seq.s32 s10, $0x1;
	s10 =	sld [smem:$0x3FBA];
	_ =	sdelay $0x3  }
0x34: {  	[smem:$0x3FBA] =	sst s10  }
0x35: {  	s10 =	sld [smem:$0x3FB9];
	_ =	sdelay $0x3  }
0x36: {  	p1 =	seq.s32 s10, $0x1;
	s10 =	sld [smem:$0x3FBA];
	_ =	sdelay $0x3  }
0x37: {  	[smem:$0x3FBA] =	sst s10  }
0x38: {  	s10 =	sld [smem:$0x3FBB]  }
0x39: {  	_ = 	snop;
	(pc) =	sbr.ind lr, $3  }
0x3a: {  	_ = 	snop  }
0x3b: {  	_ = 	snop  }
0x3c: {  	p2 =	seq.s32 s10, $0x1;
	s10 =	sld [smem:$0x3FBA]  }
0x3d: {  	_ =	shalt  }
0x3e: {  	_ =	shalt  }
0x3f: {  	_ =	shalt  }
0x40: {  	_ =	shalt  }
0x41: {  	_ =	shalt  }
0x42: {  	_ =	shalt  }
0x43: {  	_ =	shalt  }
0x44: {  	_ =	shalt  }
0x45: {  	_ =	shalt  }
0x46: {  	_ =	shalt  }
0x47: {  	_ =	shalt  }
0x48: {  	_ =	shalt  }
0x49: {  	_ =	shalt  }
0x4a: {  	_ =	shalt  }
0x4b: {  	_ =	shalt  }
0x4c: {  	_ =	shalt  }
0x4d: {  	_ =	shalt  }
0x4e: {  	_ =	shalt  }
0x4f: {  	_ =	shalt  }
0x50: {  	_ =	shalt  }
0x51: {  	_ =	shalt  }
0x52: {  	_ =	shalt  }
0x53: {  	_ =	shalt  }
0x54: {  	_ =	shalt  }
0x55: {  	_ =	shalt  }
0x56: {  	_ =	shalt  }
0x57: {  	_ =	shalt  }
0x58: {  	_ =	shalt  }
0x59: {  	_ =	shalt  }
0x5a: {  	_ =	shalt  }
0x5b: {  	_ =	shalt  }
0x5c: {  	_ =	shalt  }
0x5d: {  	_ =	shalt  }
0x5e: {  	_ =	shalt  }
0x5f: {  	_ =	shalt  }
0x60: {  	_ =	shalt  }
0x61: {  	_ =	shalt  }
0x62: {  	_ =	shalt  }
0x63: {  	_ =	shalt  }
0x64: {  	_ =	shalt  }
0x65: {  	_ =	shalt  }
0x66: {  	_ =	shalt  }
0x67: {  	_ =	shalt  }
0x68: {  	_ =	shalt  }
0x69: {  	_ =	shalt  }
0x6a: {  	_ =	shalt  }
0x6b: {  	_ =	shalt  }
0x6c: {  	_ =	shalt  }
0x6d: {  	_ =	shalt  }
0x6e: {  	_ =	shalt  }
0x6f: {  	_ =	shalt  }
0x70: {  	_ =	shalt  }
0x71: {  	_ =	shalt  }
0x72: {  	_ =	shalt  }
0x73: {  	_ =	shalt  }
0x74: {  	_ =	shalt  }
0x75: {  	_ =	shalt  }
0x76: {  	_ =	shalt  }
0x77: {  	_ =	shalt  }
0x78: {  	_ =	shalt  }
0x79: {  	_ =	shalt  }
0x7a: {  	_ =	shalt  }
0x7b: {  	_ =	shalt  }
0x7c: {  	_ =	shalt  }
0x7d: {  	_ =	shalt  }
0x7e: {  	_ =	shalt  }
0x7f: {  	_ =	shalt  }
0x80: {  	_ =	shalt  }
0x81: {  	_ =	shalt  }
0x82: {  	_ =	shalt  }
0x83: {  	_ =	shalt  }
0x84: {  	_ =	shalt  }
0x85: {  	_ =	shalt  }
0x86: {  	_ =	shalt  }
0x87: {  	_ =	shalt  }
.Lfunc_end0:
.L_simem_size_0:
called_computation_lowered:
.L_overlay_start_0:
0x88: {  	s2 =	sld [smem:$0x3FD9]  }
0x89: {  	s3 =	sld [smem:$0x3FFE];
	_ =	sdelay $0x1  }
0x8a: {  	s1 =	srdreg.scid  }
0x8b: {  	s0 =	sand.u32 $0x1, s1  }
0x8c: {  	s17 =	sshll.u32 s0, $0xA;
	s2 =	sadd.s32 s3, s2  }
0x8d: {  	s2 =	sadd.s32 s2, s17  }
0x8e: {  	[smem:$0x3FC6] =	sst s2  }
0x8f: {  	_ = 	snop  }
0x90: {  	s2 =	sld [smem:$0x3FC9]  }
0x91: {  	s18 =	sld [smem:$0x3FD0];
	(tm) =	ssettm $0x1  }
0x92: {  	s4 =	sld [smem:$0x3FFB];
	_ =	sdelay $0x3  }
0x93: {  	_ =	strace s4  }
0x94: {  	s4 =	sld [smem:$0x3FFC];
	_ =	sdelay $0x3  }
0x95: {  	_ =	strace s4  }
0x96: {  	s4 =	sld [smem:$0x3FFD];
	_ =	sdelay $0x3  }
0x97: {  	_ =	strace s4  }
0x98: {  	_ =	strace $0x8FFFFFFF  }
0x99: {  	s19 =	sld [smem:$0x3FDB];
	_ =	sdelay $0x1  }
0x9a: {  	s5 =	simm.s32 $_scs_section_size  }
0x9b: {  	s6 =	simm.s32 $_size__tile_overlayer_lowered;
	s7 =	simm.s32 $_tile_overlayer_lowered  }
0x9c: {  	s22 =	simm.s32 $0x1BFF;
	s21 =	sshll.u32 s7, $0x1;
	s4 =	sadd.s32 s5, s19  }
0x9d: {  	s8 =	simm.s32 $0x0;
	s20 =	sshll.u32 s6, $0x1;
	s6 =	sadd.s32 s21, s4  }
0x9e: {  	[timem:s8], [sflag:s22] =	dma.local [hbm:s6], s20  }
0x9f: {  	_ =	swait.ge [sflag:s22], s20  }
0xa0: {  	s5 =	ssub.s32 $0x0, s20;
	[sflag:s22] =	ssyncset.done $0x0  }
0xa1: {  	[sflag:s22] =	ssyncadd.s32 s5;
	_ =	sdelay $0x1  }
0xa2: {  	s23 =	simm.s32 $0x1B8B  }
0xa3: {  	_ =	swait.ge [sflag:s23], $0x1  }
0xa4: {  	[sflag:s23] =	ssyncset.done $0x0  }
0xa5: {  	s25 =	simm.s32 $0x1B8E;
	s24 =	sld [smem:$0x3FFE];
	[sflag:s23] =	ssyncadd.s32 $0xFFFFFFFF  }
0xa6: {  	s26 =	simm.s32 $execute0_lowered;
	[smem:$0x3FD2] =	sst s25  }
0xa7: {  	s6 =	sshll.u32 s26, $0x1;
	_ =	strace $0x80000046;
	[dreg:$0x1] =	wrdreg $0xFFFFFFFF  }
0xa8: {  	s28 =	simm.s32 $_size_execute0_lowered;
	s4 =	sadd.s32 s4, s6;
	[dreg:$0x0] =	wrdreg $0x0  }
0xa9: {  	s6 =	sshll.u32 s28, $0x1;
	[dreg:$0x2] =	wrdreg s4  }
0xaa: {  	[dreg:$0x3] =	wrdreg s6  }
0xab: {  	[dreg:$0x4] =	wrdreg $0xC0  }
0xac: {  	_ =	task [dreg:s8], $0x5FFFF  }
0xad: {  	[dreg:$0x1] =	wrdreg $0xFFFFFFFF  }
0xae: {  	[dreg:$0x0] =	wrdreg $0x60  }
0xaf: {  	[dreg:$0x2] =	wrdreg s2  }
0xb0: {  	[dreg:$0x3] =	wrdreg s24  }
0xb1: {  	[dreg:$0x4] =	wrdreg s18  }
0xb2: {  	[dreg:$0x5] =	wrdreg $0x9  }
0xb3: {  	_ =	task.clear_ibuf [dreg:s8], $0x6FFFF;
	_ =	strace $0x90000046  }
0xb4: {  	s29 =	simm.s32 $0x9;
	_ =	strace $0x80000048  }
0xb5: {  	_ =	swait.ge [sflag:s29], $0x1  }
0xb6: {  	[sflag:s29] =	ssyncadd.s32 $0xFFFFFFFF  }
0xb7: {  	_ =	strace $0x90000048  }
0xb8: {  	_ =	sfence  }
0xb9: {  	s30 =	sld [smem:$0x0];
	_ =	sdelay $0x2  }
0xba: {  	s31 =	sshll.u32 s1, $0xD;
	s1 =	sshrl.u32 s1, $0x2  }
0xbb: {  	s3 =	sand.u32 $0x4000, s31;
	s1 =	sadd.s32 s1, s30  }
0xbc: {  	s0 =	sor.u32 s3, s0;
	s1 =	sshll.u32 s1, $0x11  }
0xbd: {  	s0 =	sor.u32 s1, s0  }
0xbe: {  	s0 =	sadd.s32 $0x8F2B, s0  }
0xbf: {  	[sflag:s0] =	ssyncadd.remote.s32 $0x1  }
0xc0: {  	_ =	sfence.sel $0xFFFF  }
0xc1: {  	[dreg:$0x0] =	wrdreg $0xFFFFFFFF;
	(pc) =	sbr.abs _section_cstart, $3  }
0xc2: {  	[dreg:$0x1] =	wrdreg $0xFFFFFFFF  }
0xc3: {  	_ =	task.clear_ibuf [dreg:s8], $0x2FFFF;
	_ =	strace $0x9FFFFFFF  }
0xc4: {  	(tm) =	ssettm $0x7FFFFFFF  }
0xc5: {  	_ =	shalt  }
tec
execute0_lowered:
.L_overlay_start_1:
0x0: {  	(tag) =	ssettag $0x1  }
0x1: {  	v0 =	vimm.s32 $0xEDCBA987  }
0x2: {  	v1 =	vimm.s32 $0x6543210F;
	vm0 =	vcmask $0xB08;
	vm1 =	vcmask $0x300  }
0x3: {  	v2 =	vimm.s32 $0xFEDCBA9;
	v3 =	vimm.s32 $0x87654321;
	vm2 =	vcmask $0x1710  }
0x4: {  	v4 =	vimm.s32 $0x10FEDCBA;
	vm3 =	vcmask $0x700;
	v5 =	vimm.s32 $0x98765432  }
0x5: {  	v6 =	vimm.s32 $0xBA987654;
	v7 =	vimm.s32 $0x3210FEDC;
	v0 =	vunpack.c.l.s4.s8 v0  }
0x6: {  	s0 =	rddreg [dreg:$0x0];
	vm0 =	vmor vm1, vm0;
	vm1 =	vcmask $0x1310;
	v1 =	vunpack.c.l.s4.s8 v1  }
0x7: {  	s1 =	rddreg [dreg:$0x1];
	v2 =	vunpack.c.l.s4.s8 v2;
	v3 =	vunpack.c.l.s4.s8 v3;
	vm2 =	vmor vm3, vm2  }
0x8: {  	s3 =	rddreg [dreg:$0x2];
	s2 =	simm.s32 $0x0;
	s4 =	srdreg.scid;
	vm3 =	vcmask $0x2720;
	v4 =	vunpack.c.l.s4.s8 v4;
	v5 =	vunpack.c.l.s4.s8 v5  }
0x9: {  	s5 =	stileid.u32;
	[smem:$0x7FF] =	sst s2;
	s4 =	sand.u32 $0x1, s4;
	v6 =	vunpack.c.l.s4.s8 v6;
	v7 =	vunpack.c.l.s4.s8 v7;
	vm0 =	vmor vm0, vm1  }
0xa: {  	s5 =	sshll.u32 s5, $0x3;
	s1 =	sadd.s32 $0xF42800, s1;
	s6 =	sshll.u32 s4, $0x2;
	vm1 =	vcmask $0x1B18;
	v0 =	vunpack.c.0.s8.s32 v0;
	v1 =	vunpack.c.0.s8.s32 v1  }
0xb: {  	_ =	strace $0x80000047;
	s17 =	ssub.s32 $0x2, s4;
	vm2 =	vmor vm2, vm3;
	vm3 =	vcmask $0x3730;
	s18 =	sor.u32 s6, s5;
	vm0 =	vmor vm0, vm1  }
0xc: {  	[dreg:$0x4] =	wrdreg s1;
	s19 =	sshrl.u32 s17, $0x1;
	s6 =	sshll.u32 s18, $0x4;
	v0 =	vcombine.low v1, v0;
	v1 =	vunpack.c.0.s8.s32 v2;
	v2 =	vunpack.c.0.s8.s32 v3  }
0xd: {  	vm1 =	vcmask $0x2320;
	v4 =	vunpack.c.0.s8.s32 v4;
	s4 =	sshll.u32 s18, $0x7;
	s1 =	ssub.s32 s17, s19;
	s0 =	sadd.s32 s0, s6;
	v3 =	vimm.s32 $0xDCBA9876  }
0xe: {  	s5 =	sadd.s32 s3, s4;
	s31 =	smax.u32 s1, $0x1;
	[dreg:$0x5] =	wrdreg s0;
	v1 =	vcombine.low v2, v1;
	v2 =	vunpack.c.l.s4.s8 v3;
	v3 =	vimm.s32 $0x543210FE  }
0xf: {  	vm0 =	vmor vm0, vm1;
	vm1 =	vcmask $0x2B28;
	s20 =	sadd.s32 $0x80, s5;
	[dreg:$0x10] =	wrdreg s31;
	v3 =	vunpack.c.l.s4.s8 v3  }
0x10: {  	v5 =	vunpack.c.0.s8.s32 v5;
	v6 =	vunpack.c.0.s8.s32 v6;
	vm0 =	vmor vm0, vm1;
	s21 =	sadd.s32 $0x100, s5;
	[dreg:$0x6] =	wrdreg s20  }
0x11: {  	vm1 =	vcmask $0x3330;
	s22 =	sadd.s32 $0x180, s5;
	[dreg:$0x7] =	wrdreg s21;
	v2 =	vunpack.c.0.s8.s32 v2;
	v3 =	vunpack.c.0.s8.s32 v3  }
0x12: {  	v7 =	vunpack.c.0.s8.s32 v7;
	s23 =	sadd.s32 $0x4000, s5;
	vm0 =	vmor vm0, vm1;
	vm1 =	vcmask $0x3B38;
	[dreg:$0x8] =	wrdreg s22  }
0x13: {  	s24 =	sadd.s32 $0x4080, s5;
	[dreg:$0x9] =	wrdreg s23;
	vm0 =	vmor vm0, vm1;
	vm1 =	vmor vm2, vm3;
	v2 =	vcombine.low v3, v2  }
0x14: {  	s25 =	sadd.s32 $0x4100, s5;
	[dreg:$0xa] =	wrdreg s24;
	v3 =	vcombine.low v5, v4;
	v4 =	vcombine.low v7, v6;
	v5 =	vimm.s32 $0xFEDCBA98  }
0x15: {  	s26 =	sadd.s32 $0x4180, s5;
	[dreg:$0xb] =	wrdreg s25;
	v6 =	vcombine.low v6, v7;
	v7 =	vimm.s32 $0x76543210;
	v5 =	vunpack.c.l.s4.s8 v5  }
0x16: {  	s28 =	sadd.s32 $0x8000, s5;
	[dreg:$0xc] =	wrdreg s26;
	vm2 =	vcmask $0x2F20;
	vm3 =	vcmask $0xF00;
	v7 =	vunpack.c.l.s4.s8 v7  }
0x17: {  	s29 =	sadd.s32 $0x8080, s5;
	s30 =	sadd.s32 $0x8100, s5;
	[dreg:$0xd] =	wrdreg s28;
	v0 =	vand.u32 $0xF, v0;
	vm2 =	vmor vm3, vm2;
	v5 =	vunpack.c.0.s8.s32 v5  }
0x18: {  	s16 =	sadd.s32 $0x8180, s5;
	s17 =	sadd.s32 $0xC000, s5;
	[dreg:$0xe] =	wrdreg s29;
	vm3 =	vmmov $0xff;
	v1 =	vand.u32 $0xF, v1;
	v7 =	vunpack.c.0.s8.s32 v7  }
0x19: {  	s18 =	sadd.s32 $0xC080, s5;
	s19 =	sadd.s32 $0xC100, s5;
	[dreg:$0xf] =	wrdreg s30;
	v2 =	vand.u32 $0xF, v2;
	v3 =	vand.u32 $0xF, v3;
	v8 =	vand.u32 $0xF, v5  }
0x1a: {  	s20 =	sadd.s32 $0xC180, s5;
	s22 =	simm.s32 $0x2;
	s24 =	simm.s32 $0x0;
	v4 =	vand.u32 $0xF, v4;
	v5 =	vand.u32 $0xF, v6;
	v6 =	vcombine.low v8, v7  }
.LBB2_1:
0x1b: {  	s0 =	rddreg [dreg:$0x5]  }
0x1c: {  	[tilespmem:s2], [sflag:$0x2] =	stream.linear.gather [hbm4b:s0+s2], $0x200, $0x38;
	[tilespmem:$0x14600] =	vst v63  }
0x1d: {  	_ =	swait.ge [sflag:s22], $0x200  }
0x1e: {  	[sflag:s22] =	ssyncset.done $0x0  }
0x1f: {  	[sflag:s22] =	ssyncadd.s32 $0xFFFFFE00  }
0x20: {  	v7 =	vld [tilespmem:$0x0];
	_ =	sdelay $0x1  }
0x21: {  	v8 =	vld [tilespmem:$0x10];
	_ =	sdelay $0x1  }
0x22: {  	v9 =	vld [tilespmem:$0x20]  }
0x23: {  	v10 =	vshrl.u32 v7, $0x2;
	v7 =	vshll.u32 v7, $0x5  }
0x24: {  	v44 =	vld [tilespmem:$0x30];
	[tilespmem:$0x200] =	vst v10;
	v7 =	vand.u32 $0x60, v7  }
0x25: {  	[tilespmem:$0x400] =	vst v7;
	v7 =	vshrl.u32 v8, $0x2;
	v8 =	vshll.u32 v8, $0x5  }
0x26: {  	[tilespmem:$0x210] =	vst v7;
	v7 =	vand.u32 $0x60, v8;
	v8 =	vld [tilespmem:$0x40]  }
0x27: {  	[tilespmem:$0x410] =	vst v7;
	v7 =	vshrl.u32 v9, $0x2;
	v9 =	vshll.u32 v9, $0x5  }
0x28: {  	v45 =	vld [tilespmem:$0x50];
	[tilespmem:$0x220] =	vst v7;
	v7 =	vand.u32 $0x60, v9  }
0x29: {  	v10 =	vshll.u32 v44, $0x5;
	[tilespmem:$0x420] =	vst v7;
	v7 =	vshrl.u32 v44, $0x2  }
0x2a: {  	v46 =	vld [tilespmem:$0x60];
	[tilespmem:$0x230] =	vst v7;
	v7 =	vand.u32 $0x60, v10  }
0x2b: {  	[tilespmem:$0x430] =	vst v7;
	v7 =	vshrl.u32 v8, $0x2;
	v8 =	vshll.u32 v8, $0x5  }
0x2c: {  	[tilespmem:$0x240] =	vst v7;
	v7 =	vand.u32 $0x60, v8;
	v8 =	vld [tilespmem:$0x70]  }
0x2d: {  	v9 =	vshll.u32 v45, $0x5;
	[tilespmem:$0x440] =	vst v7;
	v7 =	vshrl.u32 v45, $0x2  }
0x2e: {  	v47 =	vld [tilespmem:$0x80];
	[tilespmem:$0x250] =	vst v7;
	v7 =	vand.u32 $0x60, v9  }
0x2f: {  	v10 =	vshll.u32 v46, $0x5;
	[tilespmem:$0x450] =	vst v7;
	v7 =	vshrl.u32 v46, $0x2  }
0x30: {  	v48 =	vld [tilespmem:$0x90];
	[tilespmem:$0x260] =	vst v7;
	v7 =	vand.u32 $0x60, v10  }
0x31: {  	[tilespmem:$0x460] =	vst v7;
	v7 =	vshrl.u32 v8, $0x2;
	v8 =	vshll.u32 v8, $0x5  }
0x32: {  	[tilespmem:$0x270] =	vst v7;
	v7 =	vand.u32 $0x60, v8;
	v8 =	vld [tilespmem:$0xA0]  }
0x33: {  	v9 =	vshll.u32 v47, $0x5;
	[tilespmem:$0x470] =	vst v7;
	v7 =	vshrl.u32 v47, $0x2  }
0x34: {  	v49 =	vld [tilespmem:$0xB0];
	[tilespmem:$0x280] =	vst v7;
	v7 =	vand.u32 $0x60, v9  }
0x35: {  	v10 =	vshll.u32 v48, $0x5;
	[tilespmem:$0x480] =	vst v7;
	v7 =	vshrl.u32 v48, $0x2  }
0x36: {  	v50 =	vld [tilespmem:$0xC0];
	[tilespmem:$0x290] =	vst v7;
	v7 =	vand.u32 $0x60, v10  }
0x37: {  	[tilespmem:$0x490] =	vst v7;
	v7 =	vshrl.u32 v8, $0x2;
	v8 =	vshll.u32 v8, $0x5  }
0x38: {  	[tilespmem:$0x2A0] =	vst v7;
	v7 =	vand.u32 $0x60, v8;
	v8 =	vld [tilespmem:$0xD0]  }
0x39: {  	v9 =	vshll.u32 v49, $0x5;
	[tilespmem:$0x4A0] =	vst v7;
	v7 =	vshrl.u32 v49, $0x2  }
0x3a: {  	v51 =	vld [tilespmem:$0xE0];
	[tilespmem:$0x2B0] =	vst v7;
	v7 =	vand.u32 $0x60, v9  }
0x3b: {  	v10 =	vshll.u32 v50, $0x5;
	[tilespmem:$0x4B0] =	vst v7;
	v7 =	vshrl.u32 v50, $0x2  }
0x3c: {  	v52 =	vld [tilespmem:$0xF0];
	[tilespmem:$0x2C0] =	vst v7;
	v7 =	vand.u32 $0x60, v10  }
0x3d: {  	[tilespmem:$0x4C0] =	vst v7;
	v7 =	vshrl.u32 v8, $0x2;
	v8 =	vshll.u32 v8, $0x5  }
0x3e: {  	[tilespmem:$0x2D0] =	vst v7;
	v7 =	vand.u32 $0x60, v8;
	v8 =	vld [tilespmem:$0x100]  }
0x3f: {  	v9 =	vshll.u32 v51, $0x5;
	[tilespmem:$0x4D0] =	vst v7;
	v7 =	vshrl.u32 v51, $0x2  }
0x40: {  	v53 =	vld [tilespmem:$0x110];
	[tilespmem:$0x2E0] =	vst v7;
	v7 =	vand.u32 $0x60, v9  }
0x41: {  	v10 =	vshll.u32 v52, $0x5;
	[tilespmem:$0x4E0] =	vst v7;
	v7 =	vshrl.u32 v52, $0x2  }
0x42: {  	v54 =	vld [tilespmem:$0x120];
	[tilespmem:$0x2F0] =	vst v7;
	v7 =	vand.u32 $0x60, v10  }
0x43: {  	[tilespmem:$0x4F0] =	vst v7;
	v7 =	vshrl.u32 v8, $0x2;
	v8 =	vshll.u32 v8, $0x5  }
0x44: {  	[tilespmem:$0x300] =	vst v7;
	v7 =	vand.u32 $0x60, v8;
	v8 =	vld [tilespmem:$0x130]  }
0x45: {  	v9 =	vshll.u32 v53, $0x5;
	[tilespmem:$0x500] =	vst v7;
	v7 =	vshrl.u32 v53, $0x2  }
0x46: {  	v55 =	vld [tilespmem:$0x140];
	[tilespmem:$0x310] =	vst v7;
	v7 =	vand.u32 $0x60, v9  }
0x47: {  	v10 =	vshll.u32 v54, $0x5;
	[tilespmem:$0x510] =	vst v7;
	v7 =	vshrl.u32 v54, $0x2  }
0x48: {  	v56 =	vld [tilespmem:$0x150];
	[tilespmem:$0x320] =	vst v7;
	v7 =	vand.u32 $0x60, v10  }
0x49: {  	[tilespmem:$0x520] =	vst v7;
	v7 =	vshrl.u32 v8, $0x2;
	v8 =	vshll.u32 v8, $0x5  }
0x4a: {  	[tilespmem:$0x330] =	vst v7;
	v7 =	vand.u32 $0x60, v8;
	v8 =	vld [tilespmem:$0x160]  }
0x4b: {  	v9 =	vshll.u32 v55, $0x5;
	[tilespmem:$0x530] =	vst v7;
	v7 =	vshrl.u32 v55, $0x2  }
0x4c: {  	v57 =	vld [tilespmem:$0x170];
	[tilespmem:$0x340] =	vst v7;
	v7 =	vand.u32 $0x60, v9  }
0x4d: {  	v10 =	vshll.u32 v56, $0x5;
	[tilespmem:$0x540] =	vst v7;
	v7 =	vshrl.u32 v56, $0x2  }
0x4e: {  	v58 =	vld [tilespmem:$0x180];
	[tilespmem:$0x350] =	vst v7;
	v7 =	vand.u32 $0x60, v10  }
0x4f: {  	[tilespmem:$0x550] =	vst v7;
	v7 =	vshrl.u32 v8, $0x2;
	v8 =	vshll.u32 v8, $0x5  }
0x50: {  	[tilespmem:$0x360] =	vst v7;
	v7 =	vand.u32 $0x60, v8;
	v8 =	vld [tilespmem:$0x190]  }
0x51: {  	v9 =	vshll.u32 v57, $0x5;
	[tilespmem:$0x560] =	vst v7;
	v7 =	vshrl.u32 v57, $0x2  }
0x52: {  	v59 =	vld [tilespmem:$0x1A0];
	[tilespmem:$0x370] =	vst v7;
	v7 =	vand.u32 $0x60, v9  }
0x53: {  	v10 =	vshll.u32 v58, $0x5;
	[tilespmem:$0x570] =	vst v7;
	v7 =	vshrl.u32 v58, $0x2  }
0x54: {  	v60 =	vld [tilespmem:$0x1B0];
	[tilespmem:$0x380] =	vst v7;
	v7 =	vand.u32 $0x60, v10  }
0x55: {  	[tilespmem:$0x580] =	vst v7;
	v7 =	vshrl.u32 v8, $0x2;
	v8 =	vshll.u32 v8, $0x5  }
0x56: {  	[tilespmem:$0x390] =	vst v7;
	v7 =	vand.u32 $0x60, v8;
	v8 =	vld [tilespmem:$0x1C0]  }
0x57: {  	v9 =	vshll.u32 v59, $0x5;
	[tilespmem:$0x590] =	vst v7;
	v7 =	vshrl.u32 v59, $0x2  }
0x58: {  	v61 =	vld [tilespmem:$0x1D0];
	[tilespmem:$0x3A0] =	vst v7;
	v7 =	vand.u32 $0x60, v9  }
0x59: {  	v10 =	vshll.u32 v60, $0x5;
	[tilespmem:$0x5A0] =	vst v7;
	v7 =	vshrl.u32 v60, $0x2  }
0x5a: {  	v62 =	vld [tilespmem:$0x1E0];
	[tilespmem:$0x3B0] =	vst v7;
	v7 =	vand.u32 $0x60, v10  }
0x5b: {  	[tilespmem:$0x5B0] =	vst v7;
	v7 =	vshrl.u32 v8, $0x2;
	v8 =	vshll.u32 v8, $0x5  }
0x5c: {  	[tilespmem:$0x3C0] =	vst v7;
	v7 =	vand.u32 $0x60, v8;
	v8 =	vld [tilespmem:$0x1F0]  }
0x5d: {  	v9 =	vshll.u32 v61, $0x5;
	[tilespmem:$0x5C0] =	vst v7;
	v7 =	vshrl.u32 v61, $0x2  }
0x5e: {  	[tilespmem:$0x3D0] =	vst v7;
	v7 =	vand.u32 $0x60, v9  }
0x5f: {  	v63 =	vshll.u32 v62, $0x5;
	[tilespmem:$0x5D0] =	vst v7;
	v7 =	vshrl.u32 v62, $0x2  }
0x60: {  	[tilespmem:$0x3E0] =	vst v7;
	v7 =	vand.u32 $0x60, v63  }
0x61: {  	[tilespmem:$0x5E0] =	vst v7;
	v7 =	vshrl.u32 v8, $0x2;
	v8 =	vshll.u32 v8, $0x5  }
0x62: {  	s1 =	simm.s32 $0x80;
	[tilespmem:$0x3F0] =	vst v7;
	v7 =	vand.u32 $0x60, v8  }
0x63: {  	s3 =	simm.s32 $0x200;
	s4 =	simm.s32 $0x600;
	s15 =	rddreg [dreg:$0x4];
	[tilespmem:$0x5F0] =	vst v7  }
0x64: {  	[tilespmem:s4], [sflag:$0x1] =	stream.indirect.gather [hbm4b:s15+s1], $0x80, s3, s1, $0xb8;
	[tilespmem:$0x14600] =	vst v63  }
0x65: {  	s21 =	simm.s32 $0x280;
	s23 =	simm.s32 $0x4600  }
0x66: {  	[tilespmem:s23], [sflag:$0x1] =	stream.indirect.gather [hbm4b:s15+s1], $0x80, s21, s1, $0xb8;
	[tilespmem:$0x14600] =	vst v63  }
0x67: {  	s25 =	simm.s32 $0x300;
	s26 =	simm.s32 $0x8600  }
0x68: {  	[tilespmem:s26], [sflag:$0x1] =	stream.indirect.gather [hbm4b:s15+s1], $0x80, s25, s1, $0xb8;
	[tilespmem:$0x14600] =	vst v63  }
0x69: {  	s29 =	simm.s32 $0x380;
	s30 =	simm.s32 $0xC600;
	s31 =	simm.s32 $0x1  }
0x6a: {  	[tilespmem:s30], [sflag:$0x1] =	stream.indirect.gather [hbm4b:s15+s1], $0x80, s29, s1, $0xb8;
	[tilespmem:$0x14600] =	vst v63  }
0x6b: {  	_ =	swait.ge [sflag:s31], $0x4000  }
0x6c: {  	[sflag:s31] =	ssyncset.done $0x0  }
0x6d: {  	[sflag:s31] =	ssyncadd.s32 $0xFFFFC000  }
0x6e: {  	_ =	swait.ge [sflag:s31], $0x4000  }
0x6f: {  	[sflag:s31] =	ssyncset.done $0x0  }
0x70: {  	[sflag:s31] =	ssyncadd.s32 $0xFFFFC000  }
0x71: {  	_ =	swait.ge [sflag:s31], $0x4000  }
0x72: {  	[sflag:s31] =	ssyncset.done $0x0  }
0x73: {  	[sflag:s31] =	ssyncadd.s32 $0xFFFFC000  }
0x74: {  	_ =	swait.ge [sflag:s31], $0x4000  }
0x75: {  	s28 =	simm.s32 $0x0;
	[sflag:s31] =	ssyncset.done $0x0  }
0x76: {  	s25 =	simm.s32 $0x400;
	s26 =	simm.s32 $0x12600;
	[sflag:s31] =	ssyncadd.s32 $0xFFFFC000  }
.LBB2_2:
0x77: {  	v7 =	vld [tilespmem:s25+$0x0];
	_ =	sdelay $0x4  }
0x78: {  	(v2sf) =	vpush v7, $0x0;
	_ =	sdelay $0x2  }
0x79: {  	(v2sf) =	vpush v7, $0x1  }
0x7a: {  	(v2sf) =	vpush v7, $0x2  }
0x7b: {  	(v2sf) =	vpush v7, $0x3  }
0x7c: {  	(v2sf) =	vpush v7, $0x4  }
0x7d: {  	(v2sf) =	vpush v7, $0x5  }
0x7e: {  	(v2sf) =	vpush v7, $0x6  }
0x7f: {  	(v2sf) =	vpush v7, $0x7  }
0x80: {  	(v2sf) =	vpush v7, $0x8  }
0x81: {  	(v2sf) =	vpush v7, $0x9  }
0x82: {  	(v2sf) =	vpush v7, $0xA  }
0x83: {  	(v2sf) =	vpush v7, $0xB  }
0x84: {  	(v2sf) =	vpush v7, $0xC  }
0x85: {  	s0 =	spop (v2sf);
	(v2sf) =	vpush v7, $0xD;
	_ =	sdelay $0x1  }
0x86: {  	s12 =	sshra.s32 s28, $0x2  }
0x87: {  	s4 =	spop (v2sf);
	s7 =	sand.u32 $0x7, s0;
	s0 =	sshll.u32 s0, $0x2  }
0x88: {  	s10 =	spop (v2sf);
	s0 =	sand.u32 $0xFFFFFFE0, s0;
	s9 =	sshll.u32 s7, $0x2  }
0x89: {  	s29 =	sand.u32 $0x7, s4;
	s4 =	sshll.u32 s4, $0x2;
	s11 =	spop (v2sf)  }
0x8a: {  	s0 =	sor.u32 s9, s0;
	s4 =	sand.u32 $0xFFFFFFE0, s4;
	s21 =	spop (v2sf)  }
0x8b: {  	s9 =	sshll.u32 s29, $0x2;
	s31 =	sand.u32 $0x7, s10;
	s23 =	spop (v2sf)  }
0x8c: {  	s10 =	sshll.u32 s10, $0x2;
	s0 =	sshra.s32 s0, $0x2;
	s13 =	spop (v2sf)  }
0x8d: {  	s30 =	sor.u32 s9, s4;
	s15 =	sand.u32 $0xFFFFFFE0, s10;
	s14 =	spop (v2sf)  }
0x8e: {  	s4 =	sshll.u32 s31, $0x2;
	s31 =	sand.u32 $0x7, s11;
	s3 =	spop (v2sf)  }
0x8f: {  	s11 =	sshll.u32 s11, $0x2;
	s29 =	sadd.s32 s12, s0;
	s1 =	spop (v2sf)  }
0x90: {  	s0 =	sshra.s32 s30, $0x2;
	s10 =	sand.u32 $0xFFFFFFE0, s11;
	s6 =	spop (v2sf)  }
0x91: {  	s30 =	sadd.s32 s12, s0;
	s0 =	sor.u32 s4, s15;
	s8 =	spop (v2sf)  }
0x92: {  	s4 =	sshll.u32 s31, $0x2;
	s15 =	sand.u32 $0x7, s21;
	s7 =	spop (v2sf)  }
0x93: {  	s31 =	sshll.u32 s21, $0x2;
	s21 =	sand.u32 $0x7, s23;
	s9 =	spop (v2sf);
	(v2sf) =	vpush v7, $0xE  }
0x94: {  	s0 =	sshra.s32 s0, $0x2;
	s4 =	sor.u32 s4, s10;
	s11 =	sand.u32 $0xFFFFFFE0, s31  }
0x95: {  	s10 =	sshll.u32 s15, $0x2;
	s4 =	sshra.s32 s4, $0x2;
	s31 =	sadd.s32 s12, s0  }
0x96: {  	s15 =	sor.u32 s10, s11;
	s10 =	sshll.u32 s21, $0x2;
	s21 =	sand.u32 $0x7, s13  }
0x97: {  	s13 =	sshll.u32 s13, $0x2;
	s0 =	sadd.s32 s12, s4;
	s4 =	sshra.s32 s15, $0x2  }
0x98: {  	s15 =	sshll.u32 s23, $0x2;
	s13 =	sand.u32 $0xFFFFFFE0, s13;
	s23 =	sand.u32 $0x7, s14  }
0x99: {  	s14 =	sshll.u32 s14, $0x2;
	s4 =	sadd.s32 s12, s4;
	s11 =	sand.u32 $0xFFFFFFE0, s15  }
0x9a: {  	s14 =	sand.u32 $0xFFFFFFE0, s14;
	s15 =	sand.u32 $0x7, s3;
	s3 =	sshll.u32 s3, $0x2  }
0x9b: {  	s10 =	sor.u32 s10, s11;
	s11 =	sshll.u32 s21, $0x2;
	s3 =	sand.u32 $0xFFFFFFE0, s3  }
0x9c: {  	s10 =	sshra.s32 s10, $0x2;
	s11 =	sor.u32 s11, s13;
	s13 =	sshll.u32 s23, $0x2  }
0x9d: {  	s11 =	sshra.s32 s11, $0x2;
	s21 =	sadd.s32 s12, s10;
	s14 =	sor.u32 s13, s14  }
0x9e: {  	v9 =	vld [tilespmem:s31+$0x700];
	s23 =	sadd.s32 s12, s11;
	s10 =	sshra.s32 s14, $0x2;
	s11 =	sshll.u32 s15, $0x2  }
0x9f: {  	v10 =	vld [tilespmem:s0+$0x780];
	s3 =	sor.u32 s11, s3;
	s11 =	sand.u32 $0x7, s1;
	s1 =	sshll.u32 s1, $0x2  }
0xa0: {  	v8 =	vld [tilespmem:s30+$0x680];
	s14 =	sshra.s32 s3, $0x2;
	s15 =	sand.u32 $0xFFFFFFE0, s1;
	s11 =	sshll.u32 s11, $0x2  }
0xa1: {  	v11 =	vld [tilespmem:s4+$0x800];
	s3 =	sadd.s32 s12, s10;
	s1 =	sadd.s32 s12, s14;
	s14 =	sor.u32 s11, s15  }
0xa2: {  	v12 =	vld [tilespmem:s21+$0x880];
	s11 =	sand.u32 $0x7, s6;
	s15 =	sshll.u32 s6, $0x2;
	s13 =	spop (v2sf);
	(v2sf) =	vpush v7, $0xF  }
0xa3: {  	v13 =	vld [tilespmem:s23+$0x900];
	s10 =	sshra.s32 s14, $0x2;
	s14 =	sand.u32 $0xFFFFFFE0, s15;
	s11 =	sshll.u32 s11, $0x2  }
0xa4: {  	v23 =	vperm.xlane v9, v1;
	v22 =	vperm.xlane v10, v0;
	v14 =	vld [tilespmem:s3+$0x980];
	s15 =	sand.u32 $0x7, s8;
	s8 =	sshll.u32 s8, $0x2;
	s6 =	sadd.s32 s12, s10  }
0xa5: {  	v19 =	vperm.xlane v8, v0;
	v15 =	vld [tilespmem:s1+$0xA00];
	s10 =	sor.u32 s11, s14;
	s8 =	sand.u32 $0xFFFFFFE0, s8;
	s11 =	sshll.u32 s15, $0x2  }
0xa6: {  	v10 =	vsel vm0, v23, v10;
	v41 =	vperm.xlane v11, v1;
	v9 =	vsel vm0, v9, v22;
	s14 =	sand.u32 $0x7, s7;
	s7 =	sshll.u32 s7, $0x2;
	s10 =	sshra.s32 s10, $0x2  }
0xa7: {  	v55 =	vperm.xlane v10, v2;
	v52 =	vperm.xlane v9, v2;
	s8 =	sor.u32 s11, s8;
	s15 =	sand.u32 $0xFFFFFFE0, s7;
	s11 =	sshll.u32 s14, $0x2;
	v16 =	vld [tilespmem:s6+$0xA80]  }
0xa8: {  	v39 =	vperm.xlane v12, v0;
	v12 =	vsel vm0, v41, v12;
	v25 =	vperm.xlane v13, v1;
	s8 =	sshra.s32 s8, $0x2;
	s7 =	sadd.s32 s12, s10;
	s14 =	sor.u32 s11, s15  }
0xa9: {  	v60 =	vperm.xlane v12, v3;
	s11 =	sand.u32 $0x7, s9;
	s15 =	sshll.u32 s9, $0x2;
	s8 =	sadd.s32 s12, s8;
	v17 =	vld [tilespmem:s7+$0xB00];
	v43 =	vperm.xlane v14, v0  }
0xaa: {  	v11 =	vsel vm0, v11, v39;
	s10 =	sshra.s32 s14, $0x2;
	s15 =	sand.u32 $0xFFFFFFE0, s15;
	s11 =	sshll.u32 s11, $0x2;
	v14 =	vsel vm0, v25, v14;
	v18 =	vld [tilespmem:s8+$0xB80];
	v26 =	vperm.xlane v15, v1  }
0xab: {  	v58 =	vperm.xlane v11, v3;
	s9 =	sadd.s32 s12, s10;
	s10 =	sor.u32 s11, s15;
	v59 =	vperm.xlane v14, v2;
	v13 =	vsel vm0, v13, v43  }
0xac: {  	s10 =	sshra.s32 s10, $0x2;
	v21 =	vld [tilespmem:s9+$0xC00];
	v44 =	vperm.xlane v16, v0;
	v16 =	vsel vm0, v26, v16;
	v57 =	vperm.xlane v13, v2  }
0xad: {  	s10 =	sadd.s32 s12, s10;
	v13 =	vsel vm1, v58, v13;
	v12 =	vsel vm1, v12, v59;
	v28 =	vperm.xlane v16, v3  }
0xae: {  	v24 =	vld [tilespmem:s10+$0xC80];
	v35 =	vperm.xlane v12, v4;
	v37 =	vperm.xlane v13, v4;
	v15 =	vsel vm0, v15, v44  }
0xaf: {  	v46 =	vperm.xlane v17, v1;
	v11 =	vsel vm1, v11, v57;
	v45 =	vperm.xlane v18, v0  }
0xb0: {  	v14 =	vsel vm1, v60, v14;
	v62 =	vperm.xlane v15, v3;
	v33 =	vperm.xlane v11, v4;
	s14 =	sand.u32 $0x7, s13;
	s13 =	sshll.u32 s13, $0x2  }
0xb1: {  	v48 =	vperm.xlane v21, v1;
	v18 =	vsel vm0, v46, v18;
	v46 =	vperm.xlane v14, v4;
	v7 =	vld [tilespmem:s29+$0x600];
	s13 =	sand.u32 $0xFFFFFFE0, s13;
	s11 =	sshll.u32 s14, $0x2;
	s14 =	spop (v2sf)  }
0xb2: {  	v17 =	vsel vm0, v17, v45;
	v63 =	vperm.xlane v18, v2;
	v18 =	vsel vm1, v28, v18;
	s11 =	sor.u32 s11, s13;
	s15 =	sand.u32 $0x7, s14;
	s14 =	sshll.u32 s14, $0x2  }
0xb3: {  	v47 =	vperm.xlane v24, v0;
	v51 =	vsel vm0, v48, v24;
	v61 =	vperm.xlane v17, v2;
	s11 =	sshra.s32 s11, $0x2;
	s14 =	sand.u32 $0xFFFFFFE0, s14;
	s13 =	sshll.u32 s15, $0x2  }
0xb4: {  	v17 =	vsel vm1, v62, v17;
	v44 =	vperm.xlane v18, v5;
	v16 =	vsel vm1, v16, v63;
	s11 =	sadd.s32 s12, s11;
	s13 =	sor.u32 s13, s14  }
0xb5: {  	v32 =	vperm.xlane v51, v3;
	v15 =	vsel vm1, v15, v61;
	v41 =	vperm.xlane v16, v5;
	v40 =	vld [tilespmem:s11+$0xD00];
	s13 =	sshra.s32 s13, $0x2  }
0xb6: {  	v39 =	vperm.xlane v15, v5;
	v20 =	vperm.xlane v7, v1;
	v7 =	vsel vm0, v7, v19;
	s12 =	sadd.s32 s12, s13  }
0xb7: {  	v19 =	vsel vm0, v21, v47;
	v54 =	vperm.xlane v7, v3;
	v7 =	vsel vm1, v7, v52;
	v42 =	vld [tilespmem:s12+$0xD80]  }
0xb8: {  	v30 =	vperm.xlane v19, v3;
	v8 =	vsel vm0, v20, v8;
	v34 =	vperm.xlane v7, v5  }
0xb9: {  	v56 =	vperm.xlane v8, v3;
	v9 =	vsel vm1, v54, v9;
	v8 =	vsel vm1, v8, v55  }
0xba: {  	v36 =	vperm.xlane v8, v5;
	v8 =	vsel vm2, v8, v35;
	v50 =	vperm.xlane v40, v1  }
0xbb: {  	v24 =	vsel vm2, v9, v37;
	v9 =	vperm.xlane v9, v5;
	v10 =	vsel vm1, v56, v10  }
0xbc: {  	v12 =	vsel vm2, v36, v12;
	v49 =	vperm.xlane v42, v0;
	v53 =	vsel vm0, v50, v42  }
0xbd: {  	v9 =	vsel vm2, v9, v13;
	v31 =	vperm.xlane v53, v2;
	v22 =	vsel vm1, v32, v53  }
0xbe: {  	v42 =	vperm.xlane v17, v5;
	v20 =	vsel vm0, v40, v49;
	v43 =	vperm.xlane v22, v4  }
0xbf: {  	v29 =	vperm.xlane v20, v2;
	v20 =	vsel vm1, v30, v20;
	v21 =	vsel vm1, v51, v31  }
0xc0: {  	v22 =	vsel vm2, v44, v22;
	v40 =	vperm.xlane v21, v4;
	v27 =	vperm.xlane v20, v4  }
0xc1: {  	v21 =	vsel vm2, v41, v21;
	v20 =	vsel vm2, v42, v20;
	v18 =	vsel vm2, v18, v43  }
0xc2: {  	v19 =	vsel vm1, v19, v29;
	v50 =	vperm.xlane v18, v6;
	v52 =	vperm.xlane v21, v6  }
0xc3: {  	v53 =	vperm.xlane v20, v6;
	v17 =	vsel vm2, v17, v27;
	v27 =	vsel vm2, v10, v46  }
0xc4: {  	v38 =	vperm.xlane v19, v4;
	v16 =	vsel vm2, v16, v40;
	v23 =	vsel vm3, v27, v50  }
0xc5: {  	v19 =	vsel vm2, v39, v19;
	v47 =	vperm.xlane v16, v6;
	v54 =	vsel vm3, v12, v52;
	[tilespmem:s26+$0xFFFFE600] =	vst v23  }
0xc6: {  	v10 =	vperm.xlane v10, v5;
	v49 =	vperm.xlane v17, v6;
	v56 =	vsel vm3, v9, v53;
	[tilespmem:s26+$0xFFFFEA00] =	vst v54  }
0xc7: {  	v55 =	vperm.xlane v22, v6;
	v51 =	vperm.xlane v19, v6;
	[tilespmem:s26+$0xFFFFEC00] =	vst v56;
	v25 =	vsel vm3, v8, v47  }
0xc8: {  	v15 =	vsel vm2, v15, v38;
	v10 =	vsel vm2, v10, v14;
	v26 =	vsel vm3, v24, v49;
	[tilespmem:s26+$0xFFFFE200] =	vst v25  }
0xc9: {  	v11 =	vsel vm2, v34, v11;
	v45 =	vperm.xlane v15, v6;
	v57 =	vsel vm3, v10, v55;
	[tilespmem:s26+$0xFFFFE400] =	vst v26  }
0xca: {  	v7 =	vsel vm2, v7, v33;
	v8 =	vperm.xlane v8, v6;
	v25 =	vsel vm3, v11, v51;
	[tilespmem:s26+$0xFFFFEE00] =	vst v57  }
0xcb: {  	v59 =	vperm.xlane v27, v6;
	v48 =	vsel vm3, v7, v45;
	[tilespmem:s26+$0xFFFFE800] =	vst v25  }
0xcc: {  	v7 =	vperm.xlane v7, v6;
	v8 =	vsel vm3, v8, v16;
	[tilespmem:s26+$0xFFFFE000] =	vst v48  }
0xcd: {  	v12 =	vperm.xlane v12, v6;
	[tilespmem:s26+$0xFFFFF200] =	vst v8;
	v8 =	vsel vm3, v59, v18  }
0xce: {  	v58 =	vperm.xlane v24, v6;
	v7 =	vsel vm3, v7, v15;
	[tilespmem:s26+$0xFFFFF600] =	vst v8  }
0xcf: {  	v10 =	vperm.xlane v10, v6;
	v8 =	vsel vm3, v12, v21;
	[tilespmem:s26+$0xFFFFF000] =	vst v7  }
0xd0: {  	v11 =	vperm.xlane v11, v6;
	v7 =	vsel vm3, v58, v17;
	[tilespmem:s26+$0xFFFFFA00] =	vst v8  }
0xd1: {  	v9 =	vperm.xlane v9, v6;
	v8 =	vsel vm3, v10, v22;
	[tilespmem:s26+$0xFFFFF400] =	vst v7  }
0xd2: {  	v7 =	vsel vm3, v11, v19;
	[tilespmem:s26+$0xFFFFFE00] =	vst v8  }
0xd3: {  	[tilespmem:s26+$0xFFFFF800] =	vst v7;
	v7 =	vsel vm3, v9, v20  }
0xd4: {  	[tilespmem:s26+$0xFFFFFC00] =	vst v7  }
0xd5: {  	v7 =	vld [tilespmem:s29+$0x610]  }
0xd6: {  	v8 =	vld [tilespmem:s30+$0x690]  }
0xd7: {  	v60 =	vld [tilespmem:s31+$0x710]  }
0xd8: {  	v61 =	vld [tilespmem:s0+$0x790]  }
0xd9: {  	v62 =	vld [tilespmem:s4+$0x810]  }
0xda: {  	v63 =	vld [tilespmem:s21+$0x890]  }
0xdb: {  	v28 =	vld [tilespmem:s23+$0x910]  }
0xdc: {  	v29 =	vld [tilespmem:s3+$0x990]  }
0xdd: {  	v30 =	vld [tilespmem:s1+$0xA10]  }
0xde: {  	v31 =	vld [tilespmem:s6+$0xA90]  }
0xdf: {  	v32 =	vld [tilespmem:s7+$0xB10]  }
0xe0: {  	v33 =	vld [tilespmem:s8+$0xB90]  }
0xe1: {  	v36 =	vld [tilespmem:s9+$0xC10]  }
0xe2: {  	v39 =	vld [tilespmem:s10+$0xC90];
	v34 =	vperm.xlane v8, v0;
	v35 =	vperm.xlane v7, v1  }
0xe3: {  	v41 =	vld [tilespmem:s11+$0xD10];
	v37 =	vperm.xlane v61, v0;
	v38 =	vperm.xlane v60, v1  }
0xe4: {  	v43 =	vld [tilespmem:s12+$0xD90];
	v40 =	vperm.xlane v63, v0;
	v42 =	vperm.xlane v62, v1  }
0xe5: {  	v44 =	vperm.xlane v29, v0;
	v45 =	vperm.xlane v28, v1  }
0xe6: {  	v46 =	vperm.xlane v31, v0;
	v47 =	vperm.xlane v30, v1  }
0xe7: {  	v48 =	vperm.xlane v33, v0;
	v49 =	vperm.xlane v32, v1  }
0xe8: {  	v50 =	vperm.xlane v39, v0;
	v51 =	vperm.xlane v36, v1  }
0xe9: {  	v52 =	vperm.xlane v43, v0;
	v53 =	vperm.xlane v41, v1  }
0xea: {  	v7 =	vsel vm0, v7, v34;
	v8 =	vsel vm0, v35, v8;
	v9 =	vsel vm0, v60, v37  }
0xeb: {  	v10 =	vsel vm0, v38, v61;
	v11 =	vsel vm0, v62, v40;
	v12 =	vsel vm0, v42, v63  }
0xec: {  	v13 =	vsel vm0, v28, v44;
	v14 =	vsel vm0, v45, v29;
	v15 =	vsel vm0, v30, v46  }
0xed: {  	v16 =	vsel vm0, v47, v31;
	v55 =	vperm.xlane v9, v2;
	v57 =	vperm.xlane v7, v3  }
0xee: {  	v17 =	vsel vm0, v32, v48;
	v58 =	vperm.xlane v10, v2;
	v59 =	vperm.xlane v8, v3  }
0xef: {  	v18 =	vsel vm0, v49, v33;
	v60 =	vperm.xlane v13, v2;
	v61 =	vperm.xlane v11, v3  }
0xf0: {  	v19 =	vsel vm0, v36, v50;
	v62 =	vperm.xlane v14, v2;
	v63 =	vperm.xlane v12, v3  }
0xf1: {  	v54 =	vsel vm0, v51, v39;
	v28 =	vperm.xlane v17, v2;
	v29 =	vperm.xlane v15, v3  }
0xf2: {  	v20 =	vsel vm0, v41, v52;
	v30 =	vperm.xlane v18, v2;
	v31 =	vperm.xlane v16, v3  }
0xf3: {  	v56 =	vsel vm0, v53, v43;
	v32 =	vperm.xlane v20, v2;
	v33 =	vperm.xlane v19, v3  }
0xf4: {  	v34 =	vperm.xlane v56, v2;
	v35 =	vperm.xlane v54, v3;
	v7 =	vsel vm1, v7, v55  }
0xf5: {  	v9 =	vsel vm1, v57, v9;
	v8 =	vsel vm1, v8, v58;
	v10 =	vsel vm1, v59, v10  }
0xf6: {  	v11 =	vsel vm1, v11, v60;
	v13 =	vsel vm1, v61, v13;
	v12 =	vsel vm1, v12, v62  }
0xf7: {  	v14 =	vsel vm1, v63, v14;
	v15 =	vsel vm1, v15, v28;
	v17 =	vsel vm1, v29, v17  }
0xf8: {  	v16 =	vsel vm1, v16, v30;
	v36 =	vperm.xlane v11, v4;
	v37 =	vperm.xlane v7, v5  }
0xf9: {  	v19 =	vsel vm1, v19, v32;
	v38 =	vperm.xlane v12, v4;
	v39 =	vperm.xlane v8, v5  }
0xfa: {  	v21 =	vsel vm1, v54, v34;
	v40 =	vperm.xlane v13, v4;
	v41 =	vperm.xlane v19, v4  }
0xfb: {  	v20 =	vsel vm1, v33, v20;
	v42 =	vperm.xlane v15, v5;
	v43 =	vperm.xlane v21, v4  }
0xfc: {  	v22 =	vsel vm1, v35, v56;
	v44 =	vperm.xlane v16, v5;
	v45 =	vperm.xlane v20, v4  }
0xfd: {  	v18 =	vsel vm1, v31, v18;
	v46 =	vperm.xlane v17, v5;
	v47 =	vperm.xlane v22, v4  }
0xfe: {  	v48 =	vperm.xlane v18, v5;
	v50 =	vperm.xlane v14, v4;
	v7 =	vsel vm2, v7, v36  }
0xff: {  	v8 =	vsel vm2, v8, v38;
	v12 =	vsel vm2, v39, v12;
	v15 =	vsel vm2, v15, v41  }
0x100: {  	v19 =	vsel vm2, v42, v19;
	v16 =	vsel vm2, v16, v43;
	v21 =	vsel vm2, v44, v21  }
0x101: {  	v17 =	vsel vm2, v17, v45;
	v20 =	vsel vm2, v46, v20;
	v49 =	vperm.xlane v15, v6  }
0x102: {  	v18 =	vsel vm2, v18, v47;
	v22 =	vsel vm2, v48, v22;
	v51 =	vperm.xlane v16, v6  }
0x103: {  	v24 =	vsel vm2, v9, v40;
	v53 =	vperm.xlane v17, v6;
	v52 =	vsel vm3, v7, v49  }
0x104: {  	v27 =	vsel vm2, v10, v50;
	v54 =	vperm.xlane v18, v6;
	v25 =	vsel vm3, v8, v51;
	[tilespmem:s26+$0x0] =	vst v52  }
0x105: {  	v9 =	vperm.xlane v9, v5;
	v56 =	vperm.xlane v21, v6;
	v26 =	vsel vm3, v24, v53;
	[tilespmem:s26+$0x200] =	vst v25  }
0x106: {  	v10 =	vperm.xlane v10, v5;
	v57 =	vperm.xlane v20, v6;
	v23 =	vsel vm3, v27, v54;
	[tilespmem:s26+$0x400] =	vst v26  }
0x107: {  	v59 =	vperm.xlane v22, v6;
	v9 =	vsel vm2, v9, v13;
	v58 =	vsel vm3, v12, v56;
	[tilespmem:s26+$0x600] =	vst v23  }
0x108: {  	v55 =	vperm.xlane v19, v6;
	v10 =	vsel vm2, v10, v14;
	v60 =	vsel vm3, v9, v57;
	[tilespmem:s26+$0xA00] =	vst v58  }
0x109: {  	v11 =	vsel vm2, v37, v11;
	v7 =	vperm.xlane v7, v6;
	v61 =	vsel vm3, v10, v59;
	[tilespmem:s26+$0xC00] =	vst v60  }
0x10a: {  	v8 =	vperm.xlane v8, v6;
	v25 =	vsel vm3, v11, v55;
	[tilespmem:s26+$0xE00] =	vst v61  }
0x10b: {  	v62 =	vperm.xlane v24, v6;
	[tilespmem:s26+$0x800] =	vst v25;
	v7 =	vsel vm3, v7, v15  }
0x10c: {  	v63 =	vperm.xlane v27, v6;
	v8 =	vsel vm3, v8, v16;
	[tilespmem:s26+$0x1000] =	vst v7  }
0x10d: {  	v11 =	vperm.xlane v11, v6;
	v7 =	vsel vm3, v62, v17;
	[tilespmem:s26+$0x1200] =	vst v8  }
0x10e: {  	p0 =	sne.s32 s28, $0x3E000;
	v12 =	vperm.xlane v12, v6;
	v8 =	vsel vm3, v63, v18;
	[tilespmem:s26+$0x1400] =	vst v7  }
.Ltmp0:
0x10f: {  	v9 =	vperm.xlane v9, v6;
	v7 =	vsel vm3, v11, v19;
	[tilespmem:s26+$0x1600] =	vst v8;
	(pc) =	sbr.rel @p0 .LBB2_2-.Ltmp0, $4  }
0x110: {  	v10 =	vperm.xlane v10, v6;
	v8 =	vsel vm3, v12, v21;
	[tilespmem:s26+$0x1800] =	vst v7  }
0x111: {  	v7 =	vsel vm3, v9, v20;
	[tilespmem:s26+$0x1A00] =	vst v8  }
0x112: {  	v8 =	vsel vm3, v10, v22;
	[tilespmem:s26+$0x1C00] =	vst v7  }
0x113: {  	s25 =	sadd.s32 $0x10, s25;
	s28 =	sadd.s32 $0x2000, s28;
	[tilespmem:s26+$0x1E00] =	vst v8;
	s26 =	sadd.s32 $0x10, s26  }
0x114: {  	s0 =	simm.s32 $0x10600  }
0x115: {  	[hbm4b:s5+s2] =	stream.linear.scatter [tilespmem:s0], [sflag:$0x2], $0x80, $0x38;
	[tilespmem:$0x14600] =	vst v63  }
0x116: {  	s15 =	sadd.s32 $0x10, s5;
	s1 =	simm.s32 $0x10800  }
0x117: {  	[hbm4b:s15+s2] =	stream.linear.scatter [tilespmem:s1], [sflag:$0x2], $0x80, $0x38;
	[tilespmem:$0x14600] =	vst v63  }
0x118: {  	s21 =	sadd.s32 $0x20, s5;
	s23 =	simm.s32 $0x10A00  }
0x119: {  	[hbm4b:s21+s2] =	stream.linear.scatter [tilespmem:s23], [sflag:$0x2], $0x80, $0x38;
	[tilespmem:$0x14600] =	vst v63  }
0x11a: {  	s25 =	sadd.s32 $0x30, s5;
	s26 =	simm.s32 $0x10C00  }
0x11b: {  	[hbm4b:s25+s2] =	stream.linear.scatter [tilespmem:s26], [sflag:$0x2], $0x80, $0x38;
	[tilespmem:$0x14600] =	vst v63  }
0x11c: {  	s28 =	sadd.s32 $0x40, s5;
	s29 =	simm.s32 $0x10E00  }
0x11d: {  	[hbm4b:s28+s2] =	stream.linear.scatter [tilespmem:s29], [sflag:$0x2], $0x80, $0x38;
	[tilespmem:$0x14600] =	vst v63  }
0x11e: {  	s30 =	sadd.s32 $0x50, s5;
	s31 =	simm.s32 $0x11000  }
0x11f: {  	[hbm4b:s30+s2] =	stream.linear.scatter [tilespmem:s31], [sflag:$0x2], $0x80, $0x38;
	[tilespmem:$0x14600] =	vst v63  }
0x120: {  	s3 =	simm.s32 $0x11200;
	s1 =	sadd.s32 $0x60, s5  }
0x121: {  	[hbm4b:s1+s2] =	stream.linear.scatter [tilespmem:s3], [sflag:$0x2], $0x80, $0x38;
	[tilespmem:$0x14600] =	vst v63  }
0x122: {  	s4 =	sadd.s32 $0x70, s5;
	s6 =	simm.s32 $0x11400  }
0x123: {  	[hbm4b:s4+s2] =	stream.linear.scatter [tilespmem:s6], [sflag:$0x2], $0x80, $0x38;
	[tilespmem:$0x14600] =	vst v63  }
0x124: {  	_ =	swait.ge [sflag:s22], $0x400  }
0x125: {  	[sflag:s22] =	ssyncset.done $0x0  }
0x126: {  	s8 =	simm.s32 $0x10680;
	s7 =	rddreg [dreg:$0x6];
	[sflag:s22] =	ssyncadd.s32 $0xFFFFFC00  }
0x127: {  	[hbm4b:s7+s2] =	stream.linear.scatter [tilespmem:s8], [sflag:$0x2], $0x80, $0x38;
	[tilespmem:$0x14600] =	vst v63  }
0x128: {  	s3 =	simm.s32 $0x10880;
	s9 =	sadd.s32 $0x10, s7  }
0x129: {  	[hbm4b:s9+s2] =	stream.linear.scatter [tilespmem:s3], [sflag:$0x2], $0x80, $0x38;
	[tilespmem:$0x14600] =	vst v63  }
0x12a: {  	s11 =	simm.s32 $0x10A80;
	s10 =	sadd.s32 $0x20, s7  }
0x12b: {  	[hbm4b:s10+s2] =	stream.linear.scatter [tilespmem:s11], [sflag:$0x2], $0x80, $0x38;
	[tilespmem:$0x14600] =	vst v63  }
0x12c: {  	s13 =	simm.s32 $0x10C80;
	s12 =	sadd.s32 $0x30, s7  }
0x12d: {  	[hbm4b:s12+s2] =	stream.linear.scatter [tilespmem:s13], [sflag:$0x2], $0x80, $0x38;
	[tilespmem:$0x14600] =	vst v63  }
0x12e: {  	s15 =	simm.s32 $0x10E80;
	s14 =	sadd.s32 $0x40, s7  }
0x12f: {  	[hbm4b:s14+s2] =	stream.linear.scatter [tilespmem:s15], [sflag:$0x2], $0x80, $0x38;
	[tilespmem:$0x14600] =	vst v63  }
0x130: {  	s23 =	simm.s32 $0x11080;
	s21 =	sadd.s32 $0x50, s7  }
0x131: {  	[hbm4b:s21+s2] =	stream.linear.scatter [tilespmem:s23], [sflag:$0x2], $0x80, $0x38;
	[tilespmem:$0x14600] =	vst v63  }
0x132: {  	s26 =	simm.s32 $0x11280;
	s25 =	sadd.s32 $0x60, s7  }
0x133: {  	[hbm4b:s25+s2] =	stream.linear.scatter [tilespmem:s26], [sflag:$0x2], $0x80, $0x38;
	[tilespmem:$0x14600] =	vst v63  }
0x134: {  	s29 =	simm.s32 $0x11480;
	s28 =	sadd.s32 $0x70, s7  }
0x135: {  	[hbm4b:s28+s2] =	stream.linear.scatter [tilespmem:s29], [sflag:$0x2], $0x80, $0x38;
	[tilespmem:$0x14600] =	vst v63  }
0x136: {  	_ =	swait.ge [sflag:s22], $0x400  }
0x137: {  	[sflag:s22] =	ssyncset.done $0x0  }
0x138: {  	s31 =	simm.s32 $0x10700;
	s30 =	rddreg [dreg:$0x7];
	[sflag:s22] =	ssyncadd.s32 $0xFFFFFC00  }
0x139: {  	[hbm4b:s30+s2] =	stream.linear.scatter [tilespmem:s31], [sflag:$0x2], $0x80, $0x38;
	[tilespmem:$0x14600] =	vst v63  }
0x13a: {  	s4 =	simm.s32 $0x10900;
	s3 =	sadd.s32 $0x10, s30  }
0x13b: {  	[hbm4b:s3+s2] =	stream.linear.scatter [tilespmem:s4], [sflag:$0x2], $0x80, $0x38;
	[tilespmem:$0x14600] =	vst v63  }
0x13c: {  	s7 =	simm.s32 $0x10B00;
	s6 =	sadd.s32 $0x20, s30  }
0x13d: {  	[hbm4b:s6+s2] =	stream.linear.scatter [tilespmem:s7], [sflag:$0x2], $0x80, $0x38;
	[tilespmem:$0x14600] =	vst v63  }
0x13e: {  	s9 =	simm.s32 $0x10D00;
	s8 =	sadd.s32 $0x30, s30  }
0x13f: {  	[hbm4b:s8+s2] =	stream.linear.scatter [tilespmem:s9], [sflag:$0x2], $0x80, $0x38;
	[tilespmem:$0x14600] =	vst v63  }
0x140: {  	s11 =	simm.s32 $0x10F00;
	s10 =	sadd.s32 $0x40, s30  }
0x141: {  	[hbm4b:s10+s2] =	stream.linear.scatter [tilespmem:s11], [sflag:$0x2], $0x80, $0x38;
	[tilespmem:$0x14600] =	vst v63  }
0x142: {  	s13 =	simm.s32 $0x11100;
	s12 =	sadd.s32 $0x50, s30  }
0x143: {  	[hbm4b:s12+s2] =	stream.linear.scatter [tilespmem:s13], [sflag:$0x2], $0x80, $0x38;
	[tilespmem:$0x14600] =	vst v63  }
0x144: {  	s15 =	simm.s32 $0x11300;
	s14 =	sadd.s32 $0x60, s30  }
0x145: {  	[hbm4b:s14+s2] =	stream.linear.scatter [tilespmem:s15], [sflag:$0x2], $0x80, $0x38;
	[tilespmem:$0x14600] =	vst v63  }
0x146: {  	s23 =	simm.s32 $0x11500;
	s21 =	sadd.s32 $0x70, s30  }
0x147: {  	[hbm4b:s21+s2] =	stream.linear.scatter [tilespmem:s23], [sflag:$0x2], $0x80, $0x38;
	[tilespmem:$0x14600] =	vst v63  }
0x148: {  	_ =	swait.ge [sflag:s22], $0x400  }
0x149: {  	[sflag:s22] =	ssyncset.done $0x0  }
0x14a: {  	s26 =	simm.s32 $0x10780;
	s25 =	rddreg [dreg:$0x8];
	[sflag:s22] =	ssyncadd.s32 $0xFFFFFC00  }
0x14b: {  	[hbm4b:s25+s2] =	stream.linear.scatter [tilespmem:s26], [sflag:$0x2], $0x80, $0x38;
	[tilespmem:$0x14600] =	vst v63  }
0x14c: {  	s29 =	simm.s32 $0x10980;
	s28 =	sadd.s32 $0x10, s25  }
0x14d: {  	[hbm4b:s28+s2] =	stream.linear.scatter [tilespmem:s29], [sflag:$0x2], $0x80, $0x38;
	[tilespmem:$0x14600] =	vst v63  }
0x14e: {  	s31 =	simm.s32 $0x10B80;
	s30 =	sadd.s32 $0x20, s25  }
0x14f: {  	[hbm4b:s30+s2] =	stream.linear.scatter [tilespmem:s31], [sflag:$0x2], $0x80, $0x38;
	[tilespmem:$0x14600] =	vst v63  }
0x150: {  	s4 =	simm.s32 $0x10D80;
	s3 =	sadd.s32 $0x30, s25  }
0x151: {  	[hbm4b:s3+s2] =	stream.linear.scatter [tilespmem:s4], [sflag:$0x2], $0x80, $0x38;
	[tilespmem:$0x14600] =	vst v63  }
0x152: {  	s7 =	simm.s32 $0x10F80;
	s6 =	sadd.s32 $0x40, s25  }
0x153: {  	[hbm4b:s6+s2] =	stream.linear.scatter [tilespmem:s7], [sflag:$0x2], $0x80, $0x38;
	[tilespmem:$0x14600] =	vst v63  }
0x154: {  	s9 =	simm.s32 $0x11180;
	s8 =	sadd.s32 $0x50, s25  }
0x155: {  	[hbm4b:s8+s2] =	stream.linear.scatter [tilespmem:s9], [sflag:$0x2], $0x80, $0x38;
	[tilespmem:$0x14600] =	vst v63  }
0x156: {  	s11 =	simm.s32 $0x11380;
	s10 =	sadd.s32 $0x60, s25  }
0x157: {  	[hbm4b:s10+s2] =	stream.linear.scatter [tilespmem:s11], [sflag:$0x2], $0x80, $0x38;
	[tilespmem:$0x14600] =	vst v63  }
0x158: {  	s13 =	simm.s32 $0x11580;
	s12 =	sadd.s32 $0x70, s25  }
0x159: {  	[hbm4b:s12+s2] =	stream.linear.scatter [tilespmem:s13], [sflag:$0x2], $0x80, $0x38;
	[tilespmem:$0x14600] =	vst v63  }
0x15a: {  	_ =	swait.ge [sflag:s22], $0x400  }
0x15b: {  	[sflag:s22] =	ssyncset.done $0x0  }
0x15c: {  	s15 =	simm.s32 $0x11600;
	s14 =	rddreg [dreg:$0x9];
	[sflag:s22] =	ssyncadd.s32 $0xFFFFFC00  }
0x15d: {  	[hbm4b:s14+s2] =	stream.linear.scatter [tilespmem:s15], [sflag:$0x2], $0x80, $0x38;
	[tilespmem:$0x14600] =	vst v63  }
0x15e: {  	s23 =	simm.s32 $0x11800;
	s21 =	sadd.s32 $0x10, s14  }
0x15f: {  	[hbm4b:s21+s2] =	stream.linear.scatter [tilespmem:s23], [sflag:$0x2], $0x80, $0x38;
	[tilespmem:$0x14600] =	vst v63  }
0x160: {  	s26 =	simm.s32 $0x11A00;
	s25 =	sadd.s32 $0x20, s14  }
0x161: {  	[hbm4b:s25+s2] =	stream.linear.scatter [tilespmem:s26], [sflag:$0x2], $0x80, $0x38;
	[tilespmem:$0x14600] =	vst v63  }
0x162: {  	s29 =	simm.s32 $0x11C00;
	s28 =	sadd.s32 $0x30, s14  }
0x163: {  	[hbm4b:s28+s2] =	stream.linear.scatter [tilespmem:s29], [sflag:$0x2], $0x80, $0x38;
	[tilespmem:$0x14600] =	vst v63  }
0x164: {  	s31 =	simm.s32 $0x11E00;
	s30 =	sadd.s32 $0x40, s14  }
0x165: {  	[hbm4b:s30+s2] =	stream.linear.scatter [tilespmem:s31], [sflag:$0x2], $0x80, $0x38;
	[tilespmem:$0x14600] =	vst v63  }
0x166: {  	s4 =	simm.s32 $0x12000;
	s3 =	sadd.s32 $0x50, s14  }
0x167: {  	[hbm4b:s3+s2] =	stream.linear.scatter [tilespmem:s4], [sflag:$0x2], $0x80, $0x38;
	[tilespmem:$0x14600] =	vst v63  }
0x168: {  	s7 =	simm.s32 $0x12200;
	s6 =	sadd.s32 $0x60, s14  }
0x169: {  	[hbm4b:s6+s2] =	stream.linear.scatter [tilespmem:s7], [sflag:$0x2], $0x80, $0x38;
	[tilespmem:$0x14600] =	vst v63  }
0x16a: {  	s9 =	simm.s32 $0x12400;
	s8 =	sadd.s32 $0x70, s14  }
0x16b: {  	[hbm4b:s8+s2] =	stream.linear.scatter [tilespmem:s9], [sflag:$0x2], $0x80, $0x38;
	[tilespmem:$0x14600] =	vst v63  }
0x16c: {  	_ =	swait.ge [sflag:s22], $0x400  }
0x16d: {  	[sflag:s22] =	ssyncset.done $0x0  }
0x16e: {  	s11 =	simm.s32 $0x11680;
	s10 =	rddreg [dreg:$0xa];
	[sflag:s22] =	ssyncadd.s32 $0xFFFFFC00  }
0x16f: {  	[hbm4b:s10+s2] =	stream.linear.scatter [tilespmem:s11], [sflag:$0x2], $0x80, $0x38;
	[tilespmem:$0x14600] =	vst v63  }
0x170: {  	s13 =	simm.s32 $0x11880;
	s12 =	sadd.s32 $0x10, s10  }
0x171: {  	[hbm4b:s12+s2] =	stream.linear.scatter [tilespmem:s13], [sflag:$0x2], $0x80, $0x38;
	[tilespmem:$0x14600] =	vst v63  }
0x172: {  	s15 =	simm.s32 $0x11A80;
	s14 =	sadd.s32 $0x20, s10  }
0x173: {  	[hbm4b:s14+s2] =	stream.linear.scatter [tilespmem:s15], [sflag:$0x2], $0x80, $0x38;
	[tilespmem:$0x14600] =	vst v63  }
0x174: {  	s23 =	simm.s32 $0x11C80;
	s21 =	sadd.s32 $0x30, s10  }
0x175: {  	[hbm4b:s21+s2] =	stream.linear.scatter [tilespmem:s23], [sflag:$0x2], $0x80, $0x38;
	[tilespmem:$0x14600] =	vst v63  }
0x176: {  	s26 =	simm.s32 $0x11E80;
	s25 =	sadd.s32 $0x40, s10  }
0x177: {  	[hbm4b:s25+s2] =	stream.linear.scatter [tilespmem:s26], [sflag:$0x2], $0x80, $0x38;
	[tilespmem:$0x14600] =	vst v63  }
0x178: {  	s29 =	simm.s32 $0x12080;
	s28 =	sadd.s32 $0x50, s10  }
0x179: {  	[hbm4b:s28+s2] =	stream.linear.scatter [tilespmem:s29], [sflag:$0x2], $0x80, $0x38;
	[tilespmem:$0x14600] =	vst v63  }
0x17a: {  	s31 =	simm.s32 $0x12280;
	s30 =	sadd.s32 $0x60, s10  }
0x17b: {  	[hbm4b:s30+s2] =	stream.linear.scatter [tilespmem:s31], [sflag:$0x2], $0x80, $0x38;
	[tilespmem:$0x14600] =	vst v63  }
0x17c: {  	s6 =	simm.s32 $0x12480;
	s4 =	sadd.s32 $0x70, s10  }
0x17d: {  	[hbm4b:s4+s2] =	stream.linear.scatter [tilespmem:s6], [sflag:$0x2], $0x80, $0x38;
	[tilespmem:$0x14600] =	vst v63  }
0x17e: {  	_ =	swait.ge [sflag:s22], $0x400  }
0x17f: {  	[sflag:s22] =	ssyncset.done $0x0  }
0x180: {  	s8 =	simm.s32 $0x11700;
	s7 =	rddreg [dreg:$0xb];
	[sflag:s22] =	ssyncadd.s32 $0xFFFFFC00  }
0x181: {  	[hbm4b:s7+s2] =	stream.linear.scatter [tilespmem:s8], [sflag:$0x2], $0x80, $0x38;
	[tilespmem:$0x14600] =	vst v63  }
0x182: {  	s10 =	simm.s32 $0x11900;
	s9 =	sadd.s32 $0x10, s7  }
0x183: {  	[hbm4b:s9+s2] =	stream.linear.scatter [tilespmem:s10], [sflag:$0x2], $0x80, $0x38;
	[tilespmem:$0x14600] =	vst v63  }
0x184: {  	s12 =	simm.s32 $0x11B00;
	s11 =	sadd.s32 $0x20, s7  }
0x185: {  	[hbm4b:s11+s2] =	stream.linear.scatter [tilespmem:s12], [sflag:$0x2], $0x80, $0x38;
	[tilespmem:$0x14600] =	vst v63  }
0x186: {  	s14 =	simm.s32 $0x11D00;
	s13 =	sadd.s32 $0x30, s7  }
0x187: {  	[hbm4b:s13+s2] =	stream.linear.scatter [tilespmem:s14], [sflag:$0x2], $0x80, $0x38;
	[tilespmem:$0x14600] =	vst v63  }
0x188: {  	s21 =	simm.s32 $0x11F00;
	s15 =	sadd.s32 $0x40, s7  }
0x189: {  	[hbm4b:s15+s2] =	stream.linear.scatter [tilespmem:s21], [sflag:$0x2], $0x80, $0x38;
	[tilespmem:$0x14600] =	vst v63  }
0x18a: {  	s25 =	simm.s32 $0x12100;
	s23 =	sadd.s32 $0x50, s7  }
0x18b: {  	[hbm4b:s23+s2] =	stream.linear.scatter [tilespmem:s25], [sflag:$0x2], $0x80, $0x38;
	[tilespmem:$0x14600] =	vst v63  }
0x18c: {  	s28 =	simm.s32 $0x12300;
	s26 =	sadd.s32 $0x60, s7  }
0x18d: {  	[hbm4b:s26+s2] =	stream.linear.scatter [tilespmem:s28], [sflag:$0x2], $0x80, $0x38;
	[tilespmem:$0x14600] =	vst v63  }
0x18e: {  	s30 =	simm.s32 $0x12500;
	s29 =	sadd.s32 $0x70, s7  }
0x18f: {  	[hbm4b:s29+s2] =	stream.linear.scatter [tilespmem:s30], [sflag:$0x2], $0x80, $0x38;
	[tilespmem:$0x14600] =	vst v63  }
0x190: {  	_ =	swait.ge [sflag:s22], $0x400  }
0x191: {  	[sflag:s22] =	ssyncset.done $0x0  }
0x192: {  	s4 =	simm.s32 $0x11780;
	s31 =	rddreg [dreg:$0xc];
	[sflag:s22] =	ssyncadd.s32 $0xFFFFFC00  }
0x193: {  	[hbm4b:s31+s2] =	stream.linear.scatter [tilespmem:s4], [sflag:$0x2], $0x80, $0x38;
	[tilespmem:$0x14600] =	vst v63  }
0x194: {  	s7 =	simm.s32 $0x11980;
	s6 =	sadd.s32 $0x10, s31  }
0x195: {  	[hbm4b:s6+s2] =	stream.linear.scatter [tilespmem:s7], [sflag:$0x2], $0x80, $0x38;
	[tilespmem:$0x14600] =	vst v63  }
0x196: {  	s9 =	simm.s32 $0x11B80;
	s8 =	sadd.s32 $0x20, s31  }
0x197: {  	[hbm4b:s8+s2] =	stream.linear.scatter [tilespmem:s9], [sflag:$0x2], $0x80, $0x38;
	[tilespmem:$0x14600] =	vst v63  }
0x198: {  	s11 =	simm.s32 $0x11D80;
	s10 =	sadd.s32 $0x30, s31  }
0x199: {  	[hbm4b:s10+s2] =	stream.linear.scatter [tilespmem:s11], [sflag:$0x2], $0x80, $0x38;
	[tilespmem:$0x14600] =	vst v63  }
0x19a: {  	s13 =	simm.s32 $0x11F80;
	s12 =	sadd.s32 $0x40, s31  }
0x19b: {  	[hbm4b:s12+s2] =	stream.linear.scatter [tilespmem:s13], [sflag:$0x2], $0x80, $0x38;
	[tilespmem:$0x14600] =	vst v63  }
0x19c: {  	s15 =	simm.s32 $0x12180;
	s14 =	sadd.s32 $0x50, s31  }
0x19d: {  	[hbm4b:s14+s2] =	stream.linear.scatter [tilespmem:s15], [sflag:$0x2], $0x80, $0x38;
	[tilespmem:$0x14600] =	vst v63  }
0x19e: {  	s23 =	simm.s32 $0x12380;
	s21 =	sadd.s32 $0x60, s31  }
0x19f: {  	[hbm4b:s21+s2] =	stream.linear.scatter [tilespmem:s23], [sflag:$0x2], $0x80, $0x38;
	[tilespmem:$0x14600] =	vst v63  }
0x1a0: {  	s26 =	simm.s32 $0x12580;
	s25 =	sadd.s32 $0x70, s31  }
0x1a1: {  	[hbm4b:s25+s2] =	stream.linear.scatter [tilespmem:s26], [sflag:$0x2], $0x80, $0x38;
	[tilespmem:$0x14600] =	vst v63  }
0x1a2: {  	_ =	swait.ge [sflag:s22], $0x400  }
0x1a3: {  	[sflag:s22] =	ssyncset.done $0x0  }
0x1a4: {  	s29 =	simm.s32 $0x12600;
	s28 =	rddreg [dreg:$0xd];
	[sflag:s22] =	ssyncadd.s32 $0xFFFFFC00  }
0x1a5: {  	[hbm4b:s28+s2] =	stream.linear.scatter [tilespmem:s29], [sflag:$0x2], $0x80, $0x38;
	[tilespmem:$0x14600] =	vst v63  }
0x1a6: {  	s31 =	simm.s32 $0x12800;
	s30 =	sadd.s32 $0x10, s28  }
0x1a7: {  	[hbm4b:s30+s2] =	stream.linear.scatter [tilespmem:s31], [sflag:$0x2], $0x80, $0x38;
	[tilespmem:$0x14600] =	vst v63  }
0x1a8: {  	s4 =	simm.s32 $0x12A00;
	s3 =	sadd.s32 $0x20, s28  }
0x1a9: {  	[hbm4b:s3+s2] =	stream.linear.scatter [tilespmem:s4], [sflag:$0x2], $0x80, $0x38;
	[tilespmem:$0x14600] =	vst v63  }
0x1aa: {  	s7 =	simm.s32 $0x12C00;
	s6 =	sadd.s32 $0x30, s28  }
0x1ab: {  	[hbm4b:s6+s2] =	stream.linear.scatter [tilespmem:s7], [sflag:$0x2], $0x80, $0x38;
	[tilespmem:$0x14600] =	vst v63  }
0x1ac: {  	s9 =	simm.s32 $0x12E00;
	s8 =	sadd.s32 $0x40, s28  }
0x1ad: {  	[hbm4b:s8+s2] =	stream.linear.scatter [tilespmem:s9], [sflag:$0x2], $0x80, $0x38;
	[tilespmem:$0x14600] =	vst v63  }
0x1ae: {  	s11 =	simm.s32 $0x13000;
	s10 =	sadd.s32 $0x50, s28  }
0x1af: {  	[hbm4b:s10+s2] =	stream.linear.scatter [tilespmem:s11], [sflag:$0x2], $0x80, $0x38;
	[tilespmem:$0x14600] =	vst v63  }
0x1b0: {  	s13 =	simm.s32 $0x13200;
	s12 =	sadd.s32 $0x60, s28  }
0x1b1: {  	[hbm4b:s12+s2] =	stream.linear.scatter [tilespmem:s13], [sflag:$0x2], $0x80, $0x38;
	[tilespmem:$0x14600] =	vst v63  }
0x1b2: {  	s15 =	simm.s32 $0x13400;
	s14 =	sadd.s32 $0x70, s28  }
0x1b3: {  	[hbm4b:s14+s2] =	stream.linear.scatter [tilespmem:s15], [sflag:$0x2], $0x80, $0x38;
	[tilespmem:$0x14600] =	vst v63  }
0x1b4: {  	_ =	swait.ge [sflag:s22], $0x400  }
0x1b5: {  	[sflag:s22] =	ssyncset.done $0x0  }
0x1b6: {  	s23 =	simm.s32 $0x12680;
	s21 =	rddreg [dreg:$0xe];
	[sflag:s22] =	ssyncadd.s32 $0xFFFFFC00  }
0x1b7: {  	[hbm4b:s21+s2] =	stream.linear.scatter [tilespmem:s23], [sflag:$0x2], $0x80, $0x38;
	[tilespmem:$0x14600] =	vst v63  }
0x1b8: {  	s26 =	simm.s32 $0x12880;
	s25 =	sadd.s32 $0x10, s21  }
0x1b9: {  	[hbm4b:s25+s2] =	stream.linear.scatter [tilespmem:s26], [sflag:$0x2], $0x80, $0x38;
	[tilespmem:$0x14600] =	vst v63  }
0x1ba: {  	s29 =	simm.s32 $0x12A80;
	s28 =	sadd.s32 $0x20, s21  }
0x1bb: {  	[hbm4b:s28+s2] =	stream.linear.scatter [tilespmem:s29], [sflag:$0x2], $0x80, $0x38;
	[tilespmem:$0x14600] =	vst v63  }
0x1bc: {  	s31 =	simm.s32 $0x12C80;
	s30 =	sadd.s32 $0x30, s21  }
0x1bd: {  	[hbm4b:s30+s2] =	stream.linear.scatter [tilespmem:s31], [sflag:$0x2], $0x80, $0x38;
	[tilespmem:$0x14600] =	vst v63  }
0x1be: {  	s4 =	simm.s32 $0x12E80;
	s3 =	sadd.s32 $0x40, s21  }
0x1bf: {  	[hbm4b:s3+s2] =	stream.linear.scatter [tilespmem:s4], [sflag:$0x2], $0x80, $0x38;
	[tilespmem:$0x14600] =	vst v63  }
0x1c0: {  	s7 =	simm.s32 $0x13080;
	s6 =	sadd.s32 $0x50, s21  }
0x1c1: {  	[hbm4b:s6+s2] =	stream.linear.scatter [tilespmem:s7], [sflag:$0x2], $0x80, $0x38;
	[tilespmem:$0x14600] =	vst v63  }
0x1c2: {  	s9 =	simm.s32 $0x13280;
	s8 =	sadd.s32 $0x60, s21  }
0x1c3: {  	[hbm4b:s8+s2] =	stream.linear.scatter [tilespmem:s9], [sflag:$0x2], $0x80, $0x38;
	[tilespmem:$0x14600] =	vst v63  }
0x1c4: {  	s11 =	simm.s32 $0x13480;
	s10 =	sadd.s32 $0x70, s21  }
0x1c5: {  	[hbm4b:s10+s2] =	stream.linear.scatter [tilespmem:s11], [sflag:$0x2], $0x80, $0x38;
	[tilespmem:$0x14600] =	vst v63  }
0x1c6: {  	_ =	swait.ge [sflag:s22], $0x400  }
0x1c7: {  	[sflag:s22] =	ssyncset.done $0x0  }
0x1c8: {  	s13 =	simm.s32 $0x12700;
	s12 =	rddreg [dreg:$0xf];
	[sflag:s22] =	ssyncadd.s32 $0xFFFFFC00  }
0x1c9: {  	[hbm4b:s12+s2] =	stream.linear.scatter [tilespmem:s13], [sflag:$0x2], $0x80, $0x38;
	[tilespmem:$0x14600] =	vst v63  }
0x1ca: {  	s15 =	simm.s32 $0x12900;
	s14 =	sadd.s32 $0x10, s12  }
0x1cb: {  	[hbm4b:s14+s2] =	stream.linear.scatter [tilespmem:s15], [sflag:$0x2], $0x80, $0x38;
	[tilespmem:$0x14600] =	vst v63  }
0x1cc: {  	s23 =	simm.s32 $0x12B00;
	s21 =	sadd.s32 $0x20, s12  }
0x1cd: {  	[hbm4b:s21+s2] =	stream.linear.scatter [tilespmem:s23], [sflag:$0x2], $0x80, $0x38;
	[tilespmem:$0x14600] =	vst v63  }
0x1ce: {  	s26 =	simm.s32 $0x12D00;
	s25 =	sadd.s32 $0x30, s12  }
0x1cf: {  	[hbm4b:s25+s2] =	stream.linear.scatter [tilespmem:s26], [sflag:$0x2], $0x80, $0x38;
	[tilespmem:$0x14600] =	vst v63  }
0x1d0: {  	s29 =	simm.s32 $0x12F00;
	s28 =	sadd.s32 $0x40, s12  }
0x1d1: {  	[hbm4b:s28+s2] =	stream.linear.scatter [tilespmem:s29], [sflag:$0x2], $0x80, $0x38;
	[tilespmem:$0x14600] =	vst v63  }
0x1d2: {  	s31 =	simm.s32 $0x13100;
	s30 =	sadd.s32 $0x50, s12  }
0x1d3: {  	[hbm4b:s30+s2] =	stream.linear.scatter [tilespmem:s31], [sflag:$0x2], $0x80, $0x38;
	[tilespmem:$0x14600] =	vst v63  }
0x1d4: {  	s6 =	simm.s32 $0x13300;
	s4 =	sadd.s32 $0x60, s12  }
0x1d5: {  	[hbm4b:s4+s2] =	stream.linear.scatter [tilespmem:s6], [sflag:$0x2], $0x80, $0x38;
	[tilespmem:$0x14600] =	vst v63  }
0x1d6: {  	s8 =	simm.s32 $0x13500;
	s7 =	sadd.s32 $0x70, s12  }
0x1d7: {  	[hbm4b:s7+s2] =	stream.linear.scatter [tilespmem:s8], [sflag:$0x2], $0x80, $0x38;
	[tilespmem:$0x14600] =	vst v63  }
0x1d8: {  	_ =	swait.ge [sflag:s22], $0x400  }
0x1d9: {  	[sflag:s22] =	ssyncset.done $0x0  }
0x1da: {  	s9 =	simm.s32 $0x12780;
	[sflag:s22] =	ssyncadd.s32 $0xFFFFFC00  }
0x1db: {  	[hbm4b:s16+s2] =	stream.linear.scatter [tilespmem:s9], [sflag:$0x2], $0x80, $0x38;
	[tilespmem:$0x14600] =	vst v63  }
0x1dc: {  	s10 =	sadd.s32 $0x10, s16;
	s11 =	simm.s32 $0x12980  }
0x1dd: {  	[hbm4b:s10+s2] =	stream.linear.scatter [tilespmem:s11], [sflag:$0x2], $0x80, $0x38;
	[tilespmem:$0x14600] =	vst v63  }
0x1de: {  	s12 =	sadd.s32 $0x20, s16;
	s13 =	simm.s32 $0x12B80  }
0x1df: {  	[hbm4b:s12+s2] =	stream.linear.scatter [tilespmem:s13], [sflag:$0x2], $0x80, $0x38;
	[tilespmem:$0x14600] =	vst v63  }
0x1e0: {  	s14 =	sadd.s32 $0x30, s16;
	s15 =	simm.s32 $0x12D80  }
0x1e1: {  	[hbm4b:s14+s2] =	stream.linear.scatter [tilespmem:s15], [sflag:$0x2], $0x80, $0x38;
	[tilespmem:$0x14600] =	vst v63  }
0x1e2: {  	s21 =	sadd.s32 $0x40, s16;
	s23 =	simm.s32 $0x12F80  }
0x1e3: {  	[hbm4b:s21+s2] =	stream.linear.scatter [tilespmem:s23], [sflag:$0x2], $0x80, $0x38;
	[tilespmem:$0x14600] =	vst v63  }
0x1e4: {  	s25 =	sadd.s32 $0x50, s16;
	s26 =	simm.s32 $0x13180  }
0x1e5: {  	[hbm4b:s25+s2] =	stream.linear.scatter [tilespmem:s26], [sflag:$0x2], $0x80, $0x38;
	[tilespmem:$0x14600] =	vst v63  }
0x1e6: {  	s28 =	sadd.s32 $0x60, s16;
	s29 =	simm.s32 $0x13380  }
0x1e7: {  	[hbm4b:s28+s2] =	stream.linear.scatter [tilespmem:s29], [sflag:$0x2], $0x80, $0x38;
	[tilespmem:$0x14600] =	vst v63  }
0x1e8: {  	s30 =	sadd.s32 $0x70, s16;
	s31 =	simm.s32 $0x13580  }
0x1e9: {  	[hbm4b:s30+s2] =	stream.linear.scatter [tilespmem:s31], [sflag:$0x2], $0x80, $0x38;
	[tilespmem:$0x14600] =	vst v63  }
0x1ea: {  	_ =	swait.ge [sflag:s22], $0x400  }
0x1eb: {  	[sflag:s22] =	ssyncset.done $0x0  }
0x1ec: {  	s3 =	simm.s32 $0x13600;
	[sflag:s22] =	ssyncadd.s32 $0xFFFFFC00  }
0x1ed: {  	[hbm4b:s17+s2] =	stream.linear.scatter [tilespmem:s3], [sflag:$0x2], $0x80, $0x38;
	[tilespmem:$0x14600] =	vst v63  }
0x1ee: {  	s4 =	sadd.s32 $0x10, s17;
	s6 =	simm.s32 $0x13800  }
0x1ef: {  	[hbm4b:s4+s2] =	stream.linear.scatter [tilespmem:s6], [sflag:$0x2], $0x80, $0x38;
	[tilespmem:$0x14600] =	vst v63  }
0x1f0: {  	s7 =	sadd.s32 $0x20, s17;
	s8 =	simm.s32 $0x13A00  }
0x1f1: {  	[hbm4b:s7+s2] =	stream.linear.scatter [tilespmem:s8], [sflag:$0x2], $0x80, $0x38;
	[tilespmem:$0x14600] =	vst v63  }
0x1f2: {  	s9 =	sadd.s32 $0x30, s17;
	s10 =	simm.s32 $0x13C00  }
0x1f3: {  	[hbm4b:s9+s2] =	stream.linear.scatter [tilespmem:s10], [sflag:$0x2], $0x80, $0x38;
	[tilespmem:$0x14600] =	vst v63  }
0x1f4: {  	s11 =	sadd.s32 $0x40, s17;
	s12 =	simm.s32 $0x13E00  }
0x1f5: {  	[hbm4b:s11+s2] =	stream.linear.scatter [tilespmem:s12], [sflag:$0x2], $0x80, $0x38;
	[tilespmem:$0x14600] =	vst v63  }
0x1f6: {  	s13 =	sadd.s32 $0x50, s17;
	s14 =	simm.s32 $0x14000  }
0x1f7: {  	[hbm4b:s13+s2] =	stream.linear.scatter [tilespmem:s14], [sflag:$0x2], $0x80, $0x38;
	[tilespmem:$0x14600] =	vst v63  }
0x1f8: {  	s15 =	sadd.s32 $0x60, s17;
	s21 =	simm.s32 $0x14200  }
0x1f9: {  	[hbm4b:s15+s2] =	stream.linear.scatter [tilespmem:s21], [sflag:$0x2], $0x80, $0x38;
	[tilespmem:$0x14600] =	vst v63  }
0x1fa: {  	s23 =	sadd.s32 $0x70, s17;
	s25 =	simm.s32 $0x14400  }
0x1fb: {  	[hbm4b:s23+s2] =	stream.linear.scatter [tilespmem:s25], [sflag:$0x2], $0x80, $0x38;
	[tilespmem:$0x14600] =	vst v63  }
0x1fc: {  	_ =	swait.ge [sflag:s22], $0x400  }
0x1fd: {  	[sflag:s22] =	ssyncset.done $0x0  }
0x1fe: {  	s26 =	simm.s32 $0x13680;
	[sflag:s22] =	ssyncadd.s32 $0xFFFFFC00  }
0x1ff: {  	[hbm4b:s18+s2] =	stream.linear.scatter [tilespmem:s26], [sflag:$0x2], $0x80, $0x38;
	[tilespmem:$0x14600] =	vst v63  }
0x200: {  	s28 =	sadd.s32 $0x10, s18;
	s29 =	simm.s32 $0x13880  }
0x201: {  	[hbm4b:s28+s2] =	stream.linear.scatter [tilespmem:s29], [sflag:$0x2], $0x80, $0x38;
	[tilespmem:$0x14600] =	vst v63  }
0x202: {  	s30 =	sadd.s32 $0x20, s18;
	s31 =	simm.s32 $0x13A80  }
0x203: {  	[hbm4b:s30+s2] =	stream.linear.scatter [tilespmem:s31], [sflag:$0x2], $0x80, $0x38;
	[tilespmem:$0x14600] =	vst v63  }
0x204: {  	s1 =	sadd.s32 $0x30, s18;
	s3 =	simm.s32 $0x13C80  }
0x205: {  	[hbm4b:s1+s2] =	stream.linear.scatter [tilespmem:s3], [sflag:$0x2], $0x80, $0x38;
	[tilespmem:$0x14600] =	vst v63  }
0x206: {  	s4 =	sadd.s32 $0x40, s18;
	s6 =	simm.s32 $0x13E80  }
0x207: {  	[hbm4b:s4+s2] =	stream.linear.scatter [tilespmem:s6], [sflag:$0x2], $0x80, $0x38;
	[tilespmem:$0x14600] =	vst v63  }
0x208: {  	s7 =	sadd.s32 $0x50, s18;
	s8 =	simm.s32 $0x14080  }
0x209: {  	[hbm4b:s7+s2] =	stream.linear.scatter [tilespmem:s8], [sflag:$0x2], $0x80, $0x38;
	[tilespmem:$0x14600] =	vst v63  }
0x20a: {  	s9 =	sadd.s32 $0x60, s18;
	s10 =	simm.s32 $0x14280  }
0x20b: {  	[hbm4b:s9+s2] =	stream.linear.scatter [tilespmem:s10], [sflag:$0x2], $0x80, $0x38;
	[tilespmem:$0x14600] =	vst v63  }
0x20c: {  	s11 =	sadd.s32 $0x70, s18;
	s12 =	simm.s32 $0x14480  }
0x20d: {  	[hbm4b:s11+s2] =	stream.linear.scatter [tilespmem:s12], [sflag:$0x2], $0x80, $0x38;
	[tilespmem:$0x14600] =	vst v63  }
0x20e: {  	_ =	swait.ge [sflag:s22], $0x400  }
0x20f: {  	[sflag:s22] =	ssyncset.done $0x0  }
0x210: {  	s13 =	simm.s32 $0x13700;
	[sflag:s22] =	ssyncadd.s32 $0xFFFFFC00  }
0x211: {  	[hbm4b:s19+s2] =	stream.linear.scatter [tilespmem:s13], [sflag:$0x2], $0x80, $0x38;
	[tilespmem:$0x14600] =	vst v63  }
0x212: {  	s14 =	sadd.s32 $0x10, s19;
	s15 =	simm.s32 $0x13900  }
0x213: {  	[hbm4b:s14+s2] =	stream.linear.scatter [tilespmem:s15], [sflag:$0x2], $0x80, $0x38;
	[tilespmem:$0x14600] =	vst v63  }
0x214: {  	s21 =	sadd.s32 $0x20, s19;
	s23 =	simm.s32 $0x13B00  }
0x215: {  	[hbm4b:s21+s2] =	stream.linear.scatter [tilespmem:s23], [sflag:$0x2], $0x80, $0x38;
	[tilespmem:$0x14600] =	vst v63  }
0x216: {  	s25 =	sadd.s32 $0x30, s19;
	s26 =	simm.s32 $0x13D00  }
0x217: {  	[hbm4b:s25+s2] =	stream.linear.scatter [tilespmem:s26], [sflag:$0x2], $0x80, $0x38;
	[tilespmem:$0x14600] =	vst v63  }
0x218: {  	s28 =	sadd.s32 $0x40, s19;
	s29 =	simm.s32 $0x13F00  }
0x219: {  	[hbm4b:s28+s2] =	stream.linear.scatter [tilespmem:s29], [sflag:$0x2], $0x80, $0x38;
	[tilespmem:$0x14600] =	vst v63  }
0x21a: {  	s30 =	sadd.s32 $0x50, s19;
	s31 =	simm.s32 $0x14100  }
0x21b: {  	[hbm4b:s30+s2] =	stream.linear.scatter [tilespmem:s31], [sflag:$0x2], $0x80, $0x38;
	[tilespmem:$0x14600] =	vst v63  }
0x21c: {  	s3 =	sadd.s32 $0x60, s19;
	s4 =	simm.s32 $0x14300  }
0x21d: {  	[hbm4b:s3+s2] =	stream.linear.scatter [tilespmem:s4], [sflag:$0x2], $0x80, $0x38;
	[tilespmem:$0x14600] =	vst v63  }
0x21e: {  	s6 =	sadd.s32 $0x70, s19;
	s7 =	simm.s32 $0x14500  }
0x21f: {  	[hbm4b:s6+s2] =	stream.linear.scatter [tilespmem:s7], [sflag:$0x2], $0x80, $0x38;
	[tilespmem:$0x14600] =	vst v63  }
0x220: {  	_ =	swait.ge [sflag:s22], $0x400  }
0x221: {  	[sflag:s22] =	ssyncset.done $0x0  }
0x222: {  	s8 =	simm.s32 $0x13780;
	[sflag:s22] =	ssyncadd.s32 $0xFFFFFC00  }
0x223: {  	[hbm4b:s20+s2] =	stream.linear.scatter [tilespmem:s8], [sflag:$0x2], $0x80, $0x38;
	[tilespmem:$0x14600] =	vst v63  }
0x224: {  	s9 =	sadd.s32 $0x10, s20;
	s10 =	simm.s32 $0x13980  }
0x225: {  	[hbm4b:s9+s2] =	stream.linear.scatter [tilespmem:s10], [sflag:$0x2], $0x80, $0x38;
	[tilespmem:$0x14600] =	vst v63  }
0x226: {  	s11 =	sadd.s32 $0x20, s20;
	s12 =	simm.s32 $0x13B80  }
0x227: {  	[hbm4b:s11+s2] =	stream.linear.scatter [tilespmem:s12], [sflag:$0x2], $0x80, $0x38;
	[tilespmem:$0x14600] =	vst v63  }
0x228: {  	s13 =	sadd.s32 $0x30, s20;
	s14 =	simm.s32 $0x13D80  }
0x229: {  	[hbm4b:s13+s2] =	stream.linear.scatter [tilespmem:s14], [sflag:$0x2], $0x80, $0x38;
	[tilespmem:$0x14600] =	vst v63  }
0x22a: {  	s15 =	sadd.s32 $0x40, s20;
	s21 =	simm.s32 $0x13F80  }
0x22b: {  	[hbm4b:s15+s2] =	stream.linear.scatter [tilespmem:s21], [sflag:$0x2], $0x80, $0x38;
	[tilespmem:$0x14600] =	vst v63  }
0x22c: {  	s23 =	sadd.s32 $0x50, s20;
	s25 =	simm.s32 $0x14180  }
0x22d: {  	[hbm4b:s23+s2] =	stream.linear.scatter [tilespmem:s25], [sflag:$0x2], $0x80, $0x38;
	[tilespmem:$0x14600] =	vst v63  }
0x22e: {  	s26 =	sadd.s32 $0x60, s20;
	s28 =	simm.s32 $0x14380  }
0x22f: {  	[hbm4b:s26+s2] =	stream.linear.scatter [tilespmem:s28], [sflag:$0x2], $0x80, $0x38;
	[tilespmem:$0x14600] =	vst v63  }
0x230: {  	s29 =	sadd.s32 $0x70, s20;
	s30 =	simm.s32 $0x14580  }
0x231: {  	[hbm4b:s29+s2] =	stream.linear.scatter [tilespmem:s30], [sflag:$0x2], $0x80, $0x38;
	[tilespmem:$0x14600] =	vst v63  }
0x232: {  	_ =	swait.ge [sflag:s22], $0x400  }
0x233: {  	s24 =	sadd.s32 $0x1, s24;
	s31 =	rddreg [dreg:$0x10]  }
0x234: {  	p0 =	sne.s32 s24, s31  }
.Ltmp1:
0x235: {  	_ = 	snop;
	(pc) =	sbr.rel @p0 .LBB2_1-.Ltmp1, $3  }
0x236: {  	_ =	sdelay $0x1  }
0x237: {  	[sflag:s22] =	ssyncset.done $0x0  }
0x238: {  	[sflag:s22] =	ssyncadd.s32 $0xFFFFFC00  }
0x239: {  	_ =	sfence.sel $0x180000  }
0x23a: {  	[bflag:$0x0] =	sbarrier.arrive $0xFFFF  }
0x23b: {  	_ =	strace $0x90000047  }
0x23c: {  	s0 =	stileid.u32;
	[bflag:$0x2] =	sbarrier.arrive $0xFFFF  }
0x23d: {  	p0 =	sne.s32 s0, $0x0;
	s0 =	rddreg [dreg:$0x3]  }
0x23e: {  	s0 =	sadd.s32 @!p0 $0x100000, s0  }
0x23f: {  	[sflag:s0] =	ssyncadd.tile.s32 @!p0 $0x1;
	_ =	shalt  }
.Lfunc_end2:
_tile_overlayer_lowered:
.L_overlay_start_2:
0x240: {  	(tag) =	ssettag $0x2  }
0x241: {  	s0 =	rddreg [dreg:$0x0];
	s2 =	stileid.u32  }
0x242: {  	s1 =	rddreg [dreg:$0x1];
	p0 =	sne.s32 s2, $0x0  }
0x243: {  	s3 =	rddreg [dreg:$0x2];
	[bflag:$0x3] =	sbarrier.arrive $0xFFFF;
	s2 =	simm.s32 @!p0 $0x1C02  }
0x244: {  	[timem:s3], [sflag:s2] =	dma.local @!p0 [hbm:s0], s1  }
0x245: {  	s0 =	simm.s32 @!p0 $0x2  }
0x246: {  	_ =	swait.ge @!p0 [sflag:s0], s1  }
0x247: {  	s1 =	ssub.s32 @!p0 $0x0, s1;
	[sflag:s0] =	ssyncset.done @!p0 $0x0  }
0x248: {  	[sflag:s0] =	ssyncadd.s32 @!p0 s1  }
0x249: {  	[bflag:$0x3] =	sbarrier.arrive $0xFFFF  }
0x24a: {  	_ =	shalt  }

</sc_bundles>
